<compile_context>
chip_gen: v7x
topology: tpu7x:2x2x1
jax: 0.10.2.dev20260603
libtpu: 0.0.44.dev20260713+nightly
codegen_flags: <defaults>
</compile_context>

<pallas_src>
import functools

import jax
import jax.numpy as jnp
from jax.experimental import pallas as pl
from jax.experimental.pallas import tpu as pltpu
from jax.experimental.pallas import tpu_sc as plsc

N = 2048
D = 1024
FF = 1024
E = 8
K = 2
T = 256
_TSH = T.bit_length() - 1
G = (N * K) // T + (E - 1)
GP = 32
P = G * T
RB = 512

_NW = 32
_CH = N // _NW
_HH = _CH // 2



def _router_body(x_ref, gw_ref, logits_ref, mc_ref, w0_ref,
                 off_ref, teo_ref, counts_ref):
    b = pl.program_id(0)

    @pl.when(b == 0)
    def _():
        counts_ref[...] = jnp.zeros_like(counts_ref)

    x = x_ref[...]
    gw = gw_ref[...]
    logits = jax.lax.dot_general(x, gw, (((1,), (1,)), ((), ())),
                                 preferred_element_type=jnp.float32)
    logits_ref[...] = logits

    iota = jax.lax.broadcasted_iota(jnp.int32, (RB, E), 1)
    m0 = jnp.max(logits, axis=1, keepdims=True)
    e0 = jnp.min(jnp.where(logits == m0, iota, E), axis=1, keepdims=True)
    l1 = jnp.where(iota == e0, -jnp.inf, logits)
    m1 = jnp.max(l1, axis=1, keepdims=True)
    e1 = jnp.min(jnp.where(l1 == m1, iota, E), axis=1, keepdims=True)
    w0_ref[...] = 1.0 / (1.0 + jnp.exp(m1 - m0))

    oh0 = (iota == e0).astype(jnp.float32)
    oh1 = (iota == e1).astype(jnp.float32)
    comb = oh0 + oh1
    r = jax.lax.broadcasted_iota(jnp.int32, (RB, RB), 0)
    c = jax.lax.broadcasted_iota(jnp.int32, (RB, RB), 1)
    tril = (r > c).astype(jnp.float32)
    prefix = jax.lax.dot_general(tril, comb, (((1,), (0,)), ((), ())),
                                 preferred_element_type=jnp.float32)
    prefix = prefix + counts_ref[0:1, :]
    r0 = jnp.sum(prefix * oh0, axis=1, keepdims=True).astype(jnp.int32)
    r1 = jnp.sum(prefix * oh1, axis=1, keepdims=True).astype(jnp.int32)
    mc_ref[...] = ((((e0 << 12) + r0) << 15)
                   + (e1 << 12) + r1)
    colsum = jnp.sum(comb, axis=0, keepdims=True)
    newcnt = counts_ref[0:1, :] + colsum
    counts_ref[...] = jnp.broadcast_to(newcnt, (8, E))

    cpad = jnp.floor((newcnt + (T - 1)) * (1.0 / T)) * T
    eiota_r = jax.lax.broadcasted_iota(jnp.int32, (E, E), 0)
    eiota_c = jax.lax.broadcasted_iota(jnp.int32, (E, E), 1)
    sut = (eiota_r < eiota_c).astype(jnp.float32)
    off_row = jax.lax.dot_general(cpad, sut, (((1,), (0,)), ((), ())),
                                  preferred_element_type=jnp.float32)
    lane16 = jax.lax.broadcasted_iota(jnp.int32, (8, 16), 1)
    off16 = jnp.pad(off_row, ((0, 0), (0, 8)))
    off_ref[...] = jnp.where(lane16 < E,
                             jnp.broadcast_to(off16, (8, 16)),
                             0).astype(jnp.int32)
    ct = (off_row + cpad) * (1.0 / T)
    t_iota = jax.lax.broadcasted_iota(jnp.int32, (GP, E), 0).astype(jnp.float32)
    tev = jnp.sum((t_iota >= ct).astype(jnp.float32), axis=1, keepdims=True)
    tev = jnp.minimum(tev, float(E - 1))
    nt_b = jnp.broadcast_to(ct[:, E - 1:E], (GP, 1))
    row_iota = jax.lax.broadcasted_iota(jnp.int32, (GP, 1), 0)
    teo_ref[...] = jnp.where(row_iota == GP - 1, nt_b, tev).astype(jnp.int32)


_router = pl.pallas_call(
    _router_body,
    grid=(N // RB,),
    in_specs=[
        pl.BlockSpec((RB, D), lambda b: (b, 0)),
        pl.BlockSpec((E, D), lambda b: (0, 0)),
    ],
    out_specs=[
        pl.BlockSpec((RB, E), lambda b: (b, 0)),
        pl.BlockSpec((RB, 1), lambda b: (b, 0)),
        pl.BlockSpec((RB, 1), lambda b: (b, 0)),
        pl.BlockSpec((8, 16), lambda b: (0, 0)),
        pl.BlockSpec((GP, 1), lambda b: (0, 0)),
    ],
    out_shape=[
        jax.ShapeDtypeStruct((N, E), jnp.float32),
        jax.ShapeDtypeStruct((N, 1), jnp.int32),
        jax.ShapeDtypeStruct((N, 1), jnp.float32),
        jax.ShapeDtypeStruct((8, 16), jnp.int32),
        jax.ShapeDtypeStruct((GP, 1), jnp.int32),
    ],
    scratch_shapes=[pltpu.VMEM((8, E), jnp.float32)],
)



_sc_mesh = plsc.VectorSubcoreMesh(core_axis_name="c", subcore_axis_name="s",
                                  num_cores=2, num_subcores=16)


@functools.partial(
    pl.kernel,
    out_type=[
        jax.ShapeDtypeStruct((P, D), jnp.float32),
        jax.ShapeDtypeStruct((N,), jnp.int32),
        jax.ShapeDtypeStruct((N,), jnp.int32),
    ],
    mesh=_sc_mesh,
    compiler_params=pltpu.CompilerParams(needs_layout_passes=False),
    scratch_types=[
        pltpu.VMEM((16,), jnp.int32),
        pltpu.VMEM((_CH,), jnp.int32),
        pltpu.VMEM((_CH,), jnp.int32),
        pltpu.VMEM((_CH,), jnp.int32),
        pltpu.VMEM((_CH, D), jnp.float32),
        pltpu.SemaphoreType.DMA,
        pltpu.SemaphoreType.DMA,
        pltpu.SemaphoreType.DMA,
    ],
)
def _dispatch(x_hbm, mc_hbm, off_hbm,
              xs_hbm, pos0_hbm, pos1_hbm,
              off_v, mc_v, p0_v, p1_v, x_v,
              sem0, sem1, semx):
    wid = jax.lax.axis_index("s") * 2 + jax.lax.axis_index("c")
    base = wid * _CH
    cx = pltpu.async_copy(x_hbm.at[pl.ds(base, _CH)], x_v, semx)
    pltpu.sync_copy(off_hbm, off_v)
    pltpu.sync_copy(mc_hbm.at[pl.ds(base, _CH)], mc_v)
    for j in range(_CH // 16):
        sl = pl.ds(j * 16, 16)
        mm0 = mc_v[sl] >> 15
        mm1 = mc_v[sl] & 0x7FFF
        p0_v[sl] = plsc.load_gather(off_v, [mm0 >> 12]) + (mm0 & 0xFFF)
        p1_v[sl] = plsc.load_gather(off_v, [mm1 >> 12]) + (mm1 & 0xFFF)
    cx.wait()
    cp0 = pltpu.async_copy(x_v, xs_hbm.at[p0_v], sem0)
    cp1 = pltpu.async_copy(x_v, xs_hbm.at[p1_v], sem1)
    pltpu.sync_copy(p0_v, pos0_hbm.at[pl.ds(base, _CH)])
    pltpu.sync_copy(p1_v, pos1_hbm.at[pl.ds(base, _CH)])
    cp0.wait()
    cp1.wait()



def _mm_body(teo_ref, xs_ref, w1_ref, w2_ref, ym_ref):
    t = pl.program_id(0)

    @pl.when(t < teo_ref[GP - 1, 0])
    def _():
        xb = xs_ref[...]
        h = jnp.dot(xb, w1_ref[0], preferred_element_type=jnp.float32)
        h = 0.5 * h * (1.0 + jax.lax.erf(h * 0.7071067811865476))
        ym_ref[...] = jnp.dot(h, w2_ref[0], preferred_element_type=jnp.float32)


_grouped_mm = pl.pallas_call(
    _mm_body,
    grid_spec=pltpu.PrefetchScalarGridSpec(
        num_scalar_prefetch=1,
        grid=(G,),
        in_specs=[
            pl.BlockSpec((T, D),
                         lambda t, teo: (jnp.minimum(t, teo[GP - 1, 0] - 1), 0)),
            pl.BlockSpec((1, D, FF), lambda t, teo: (teo[t, 0], 0, 0)),
            pl.BlockSpec((1, FF, D), lambda t, teo: (teo[t, 0], 0, 0)),
        ],
        out_specs=pl.BlockSpec((T, D), lambda t, teo: (t, 0)),
    ),
    out_shape=jax.ShapeDtypeStruct((P, D), jnp.float32),
)



_QH = 16
_NQ = _CH // _QH


@functools.partial(
    pl.kernel,
    out_type=jax.ShapeDtypeStruct((N, D), jnp.float32),
    mesh=_sc_mesh,
    compiler_params=pltpu.CompilerParams(needs_layout_passes=False),
    scratch_types=[
        pltpu.VMEM((_CH,), jnp.int32),
        pltpu.VMEM((_CH,), jnp.int32),
        pltpu.VMEM((_CH,), jnp.float32),
        pltpu.VMEM((_QH, D), jnp.float32),
        pltpu.VMEM((_QH, D), jnp.float32),
        pltpu.VMEM((_QH, D), jnp.float32),
        pltpu.VMEM((_QH, D), jnp.float32),
        pltpu.SemaphoreType.DMA,
        pltpu.SemaphoreType.DMA,
        pltpu.SemaphoreType.DMA,
        pltpu.SemaphoreType.DMA,
    ],
)
def _combine(ym_hbm, pos0_hbm, pos1_hbm, w0_hbm, y_hbm,
             p0_v, p1_v, w0_v, a0_v, a1_v, b0_v, b1_v,
             sa0, sa1, sb0, sb1):
    wid = jax.lax.axis_index("s") * 2 + jax.lax.axis_index("c")
    base = wid * _CH
    pltpu.sync_copy(w0_hbm.at[pl.ds(base, _CH)], w0_v)
    pltpu.sync_copy(pos0_hbm.at[pl.ds(base, _CH)], p0_v)
    pltpu.sync_copy(pos1_hbm.at[pl.ds(base, _CH)], p1_v)
    abufs = (a0_v, a1_v)
    bbufs = (b0_v, b1_v)
    asems = (sa0, sa1)
    bsems = (sb0, sb1)

    def gather(q):
        cur = q % 2
        i0 = p0_v[pl.ds(q * _QH, _QH)]
        i1 = p1_v[pl.ds(q * _QH, _QH)]
        ca = pltpu.async_copy(ym_hbm.at[i0], abufs[cur], asems[cur])
        cb = pltpu.async_copy(ym_hbm.at[i1], bbufs[cur], bsems[cur])
        return ca, cb

    pending = gather(0)
    for q in range(_NQ):
        cur = q % 2
        pending[0].wait()
        pending[1].wait()
        if q + 1 < _NQ:
            pending = gather(q + 1)
        a_v = abufs[cur]
        b_v = bbufs[cur]

        def row_body(r, carry):
            ir = jnp.zeros((16,), jnp.int32) + (q * _QH + r)
            wa = plsc.load_gather(w0_v, [ir])
            wb = 1.0 - wa
            for cc in range(D // 16):
                sl = pl.ds(cc * 16, 16)
                a_v[r, sl] = a_v[r, sl] * wa + b_v[r, sl] * wb
            return carry

        jax.lax.fori_loop(0, _QH, row_body, 0)
        pltpu.sync_copy(a_v, y_hbm.at[pl.ds(base + q * _QH, _QH)])



@jax.jit
def kernel(x, gate_w, w1, w2):
    logits, metac, w0, off16, teo = _router(x, gate_w)
    xs, pos0, pos1 = _dispatch(x, metac[:, 0], off16[0])
    ym = _grouped_mm(teo, xs, w1, w2)
    y = _combine(ym, pos0, pos1, w0[:, 0])
    return y, logits

# --- scband reference (transcript-rebuilt; emitter-appended) ---
"""Pipeline reference for scband-mlpsparse-moe-63660005262031 (READ-ONLY COPY).

The authoritative reference and input builder live on the scoring server;
editing this copy changes nothing except your own understanding.
"""

import jax, jax.numpy as jnp
import numpy as np

N = 2048
D = 1024
FF = 1024
E = 8
K = 2

def setup_inputs(seed: int = 0) -> dict:
    key = jax.random.key(seed)
    k1, k2, k3, k4 = jax.random.split(key, 4)
    x = jax.random.normal(k1, (N, D), dtype=jnp.float32)
    gate_w = jax.random.normal(k2, (E, D), dtype=jnp.float32) * 0.02
    w1 = jax.random.normal(k3, (E, D, FF), dtype=jnp.float32) * 0.02
    w2 = jax.random.normal(k4, (E, FF, D), dtype=jnp.float32) * 0.02
    return {"x": x, "gate_w": gate_w, "w1": w1, "w2": w2}

def reference(x, gate_w, w1, w2):
    # router: gate = Linear(d, E, bias=False)
    router_logits = x @ gate_w.T  # [N, E]
    routing_weights = jax.nn.softmax(router_logits.astype(jnp.float32), axis=1)
    topw, selected_experts = jax.lax.top_k(routing_weights, K)  # [N, K]
    topw = topw / jnp.sum(topw, axis=-1, keepdims=True)
    # dispatch tokens to experts (one-hot over top-k slots)
    oh = jax.nn.one_hot(selected_experts, E, dtype=x.dtype)  # [N, K, E]
    x_e = jnp.einsum('nd,nke->end', x, oh)  # [E, N, D] dispatched tokens
    # expert layer 1: ParallelExperts(E, input_size, hidden_size)
    h = jnp.einsum('end,edf->enf', x_e, w1)
    h = jax.nn.gelu(h, approximate=False)
    # expert layer 2 with gating: ParallelExperts(E, hidden_size, input_size)
    y_e = jnp.einsum('enf,efd->end', h, w2)
    y = jnp.einsum('end,nke,nk->nd', y_e, oh, topw)  # combine with routing weights
    return (y, router_logits)

if __name__ == "__main__":
    import jax
    _d = setup_inputs()
    print(jax.jit(kernel)(*tuple(_d.values())))

</pallas_src>

<mosaic_0001>
#map = affine_map<(d0, d1) -> (0, 0)>
#map1 = affine_map<(d0, d1) -> (0)>
module attributes {stable_mosaic.version = 14 : i64} {
  func.func @_combine(%arg0: i32, %arg1: i32, %arg2: memref<5888x1024xf32, #tpu.memory_space<hbm>>, %arg3: memref<2048xi32, #tpu.memory_space<hbm>>, %arg4: memref<2048xi32, #tpu.memory_space<hbm>>, %arg5: memref<2048xf32, #tpu.memory_space<hbm>>, %arg6: memref<2048x1024xf32, #tpu.memory_space<hbm>>, %arg7: memref<64xi32, #tpu.memory_space<vmem>>, %arg8: memref<64xi32, #tpu.memory_space<vmem>>, %arg9: memref<64xf32, #tpu.memory_space<vmem>>, %arg10: memref<16x1024xf32, #tpu.memory_space<vmem>>, %arg11: memref<16x1024xf32, #tpu.memory_space<vmem>>, %arg12: memref<16x1024xf32, #tpu.memory_space<vmem>>, %arg13: memref<16x1024xf32, #tpu.memory_space<vmem>>, %arg14: memref<!tpu.dma_semaphore, #tpu.memory_space<semaphore_mem>>, %arg15: memref<!tpu.dma_semaphore, #tpu.memory_space<semaphore_mem>>, %arg16: memref<!tpu.dma_semaphore, #tpu.memory_space<semaphore_mem>>, %arg17: memref<!tpu.dma_semaphore, #tpu.memory_space<semaphore_mem>>) attributes {dimension_semantics = [#tpu.dimension_semantics<core_parallel>, #tpu.dimension_semantics<subcore_parallel>], iteration_bounds = array<i64: 2, 16>, scalar_prefetch = 0 : i64, scratch_operands = 11 : i64, tpu.core_type = #tpu.core_type<sc_vector_subcore>, window_params = [{transform_indices = #map}, {transform_indices = #map1}, {transform_indices = #map1}, {transform_indices = #map1}, {transform_indices = #map}]} {
    %mul3A = arith.constant 2 : i32
    %mul3A_0 = arith.muli %arg1, %mul3A : i32
    %add3A = arith.addi %mul3A_0, %arg0 : i32
    %mul3A_1 = arith.constant 64 : i32
    %mul3A_2 = arith.muli %add3A, %mul3A_1 : i32
    "tpu.region"() ({
      %run_scoped3A = tpu.sem_alloc : memref<!tpu.dma_semaphore, #tpu.memory_space<semaphore_mem>>
      %dma_start3A_95 = tpu.memref_slice %arg5[%mul3A_2] : memref<2048xf32, #tpu.memory_space<hbm>> -> memref<64xf32, #tpu.memory_space<hbm>>
      %dma_start3A_96 = tpu.memref_slice %arg5[%mul3A_2] : memref<2048xf32, #tpu.memory_space<hbm>> -> memref<64xf32, #tpu.memory_space<hbm>>
      tpu.enqueue_dma source(%dma_start3A_96 : memref<64xf32, #tpu.memory_space<hbm>>) target(%arg9 : memref<64xf32, #tpu.memory_space<vmem>>) target_semaphore(%run_scoped3A : memref<!tpu.dma_semaphore, #tpu.memory_space<semaphore_mem>>)
      %dma_wait3A_97 = tpu.memref_slice %arg5[%mul3A_2] : memref<2048xf32, #tpu.memory_space<hbm>> -> memref<64xf32, #tpu.memory_space<hbm>>
      %dma_wait3A_98 = tpu.memref_slice %arg5[%mul3A_2] : memref<2048xf32, #tpu.memory_space<hbm>> -> memref<64xf32, #tpu.memory_space<hbm>>
      tpu.wait_dma2 semaphore(%run_scoped3A : memref<!tpu.dma_semaphore, #tpu.memory_space<semaphore_mem>>) src(%dma_wait3A_98 : memref<64xf32, #tpu.memory_space<hbm>>) dst(%arg9 : memref<64xf32, #tpu.memory_space<vmem>>)
      tpu.yield
    }) : () -> ()
    "tpu.region"() ({
      %run_scoped3A = tpu.sem_alloc : memref<!tpu.dma_semaphore, #tpu.memory_space<semaphore_mem>>
      %dma_start3A_95 = tpu.memref_slice %arg3[%mul3A_2] : memref<2048xi32, #tpu.memory_space<hbm>> -> memref<64xi32, #tpu.memory_space<hbm>>
      %dma_start3A_96 = tpu.memref_slice %arg3[%mul3A_2] : memref<2048xi32, #tpu.memory_space<hbm>> -> memref<64xi32, #tpu.memory_space<hbm>>
      tpu.enqueue_dma source(%dma_start3A_96 : memref<64xi32, #tpu.memory_space<hbm>>) target(%arg7 : memref<64xi32, #tpu.memory_space<vmem>>) target_semaphore(%run_scoped3A : memref<!tpu.dma_semaphore, #tpu.memory_space<semaphore_mem>>)
      %dma_wait3A_97 = tpu.memref_slice %arg3[%mul3A_2] : memref<2048xi32, #tpu.memory_space<hbm>> -> memref<64xi32, #tpu.memory_space<hbm>>
      %dma_wait3A_98 = tpu.memref_slice %arg3[%mul3A_2] : memref<2048xi32, #tpu.memory_space<hbm>> -> memref<64xi32, #tpu.memory_space<hbm>>
      tpu.wait_dma2 semaphore(%run_scoped3A : memref<!tpu.dma_semaphore, #tpu.memory_space<semaphore_mem>>) src(%dma_wait3A_98 : memref<64xi32, #tpu.memory_space<hbm>>) dst(%arg7 : memref<64xi32, #tpu.memory_space<vmem>>)
      tpu.yield
    }) : () -> ()
    "tpu.region"() ({
      %run_scoped3A = tpu.sem_alloc : memref<!tpu.dma_semaphore, #tpu.memory_space<semaphore_mem>>
      %dma_start3A_95 = tpu.memref_slice %arg4[%mul3A_2] : memref<2048xi32, #tpu.memory_space<hbm>> -> memref<64xi32, #tpu.memory_space<hbm>>
      %dma_start3A_96 = tpu.memref_slice %arg4[%mul3A_2] : memref<2048xi32, #tpu.memory_space<hbm>> -> memref<64xi32, #tpu.memory_space<hbm>>
      tpu.enqueue_dma source(%dma_start3A_96 : memref<64xi32, #tpu.memory_space<hbm>>) target(%arg8 : memref<64xi32, #tpu.memory_space<vmem>>) target_semaphore(%run_scoped3A : memref<!tpu.dma_semaphore, #tpu.memory_space<semaphore_mem>>)
      %dma_wait3A_97 = tpu.memref_slice %arg4[%mul3A_2] : memref<2048xi32, #tpu.memory_space<hbm>> -> memref<64xi32, #tpu.memory_space<hbm>>
      %dma_wait3A_98 = tpu.memref_slice %arg4[%mul3A_2] : memref<2048xi32, #tpu.memory_space<hbm>> -> memref<64xi32, #tpu.memory_space<hbm>>
      tpu.wait_dma2 semaphore(%run_scoped3A : memref<!tpu.dma_semaphore, #tpu.memory_space<semaphore_mem>>) src(%dma_wait3A_98 : memref<64xi32, #tpu.memory_space<hbm>>) dst(%arg8 : memref<64xi32, #tpu.memory_space<vmem>>)
      tpu.yield
    }) : () -> ()
    %get3A = arith.constant 0 : index
    %get3A_3 = tpu.vector_load %arg7[%get3A] {strides = array<i32>} : memref<64xi32, #tpu.memory_space<vmem>>, vector<16xi32>,
    %get3A_4 = arith.constant 0 : index
    %get3A_5 = tpu.vector_load %arg8[%get3A_4] {strides = array<i32>} : memref<64xi32, #tpu.memory_space<vmem>>, vector<16xi32>,
    %dma_start3A = arith.constant 0 : i32
    %dma_start3A_6 = arith.constant 0 : i32
    %dma_start3A_7 = tpu.memref_slice %arg2[%dma_start3A, %dma_start3A_6] : memref<5888x1024xf32, #tpu.memory_space<hbm>> -> memref<5888x1024xf32, #tpu.memory_space<hbm>>
    tpu.enqueue_indirect_dma source(%dma_start3A_7 : memref<5888x1024xf32, #tpu.memory_space<hbm>>) target(%arg10 : memref<16x1024xf32, #tpu.memory_space<vmem>>) offsets(%get3A_3 : vector<16xi32>) semaphore(%arg14 : memref<!tpu.dma_semaphore, #tpu.memory_space<semaphore_mem>>)
    %dma_start3A_8 = arith.constant 0 : i32
    %dma_start3A_9 = arith.constant 0 : i32
    %dma_start3A_10 = tpu.memref_slice %arg2[%dma_start3A_8, %dma_start3A_9] : memref<5888x1024xf32, #tpu.memory_space<hbm>> -> memref<5888x1024xf32, #tpu.memory_space<hbm>>
    tpu.enqueue_indirect_dma source(%dma_start3A_10 : memref<5888x1024xf32, #tpu.memory_space<hbm>>) target(%arg12 : memref<16x1024xf32, #tpu.memory_space<vmem>>) offsets(%get3A_5 : vector<16xi32>) semaphore(%arg16 : memref<!tpu.dma_semaphore, #tpu.memory_space<semaphore_mem>>)
    %dma_wait3A = arith.constant 0 : i32
    %dma_wait3A_11 = arith.constant 0 : i32
    %dma_wait3A_12 = tpu.memref_slice %arg2[%dma_wait3A, %dma_wait3A_11] : memref<5888x1024xf32, #tpu.memory_space<hbm>> -> memref<5888x1024xf32, #tpu.memory_space<hbm>>
    tpu.wait_indirect_dma semaphore(%arg14 : memref<!tpu.dma_semaphore, #tpu.memory_space<semaphore_mem>>) src(%dma_wait3A_12 : memref<5888x1024xf32, #tpu.memory_space<hbm>>) dst(%arg10 : memref<16x1024xf32, #tpu.memory_space<vmem>>)
    %dma_wait3A_13 = arith.constant 0 : i32
    %dma_wait3A_14 = arith.constant 0 : i32
    %dma_wait3A_15 = tpu.memref_slice %arg2[%dma_wait3A_13, %dma_wait3A_14] : memref<5888x1024xf32, #tpu.memory_space<hbm>> -> memref<5888x1024xf32, #tpu.memory_space<hbm>>
    tpu.wait_indirect_dma semaphore(%arg16 : memref<!tpu.dma_semaphore, #tpu.memory_space<semaphore_mem>>) src(%dma_wait3A_15 : memref<5888x1024xf32, #tpu.memory_space<hbm>>) dst(%arg12 : memref<16x1024xf32, #tpu.memory_space<vmem>>)
    %get3A_16 = arith.constant 16 : index
    %get3A_17 = tpu.vector_load %arg7[%get3A_16] {strides = array<i32>} : memref<64xi32, #tpu.memory_space<vmem>>, vector<16xi32>,
    %get3A_18 = arith.constant 16 : index
    %get3A_19 = tpu.vector_load %arg8[%get3A_18] {strides = array<i32>} : memref<64xi32, #tpu.memory_space<vmem>>, vector<16xi32>,
    %dma_start3A_20 = arith.constant 0 : i32
    %dma_start3A_21 = arith.constant 0 : i32
    %dma_start3A_22 = tpu.memref_slice %arg2[%dma_start3A_20, %dma_start3A_21] : memref<5888x1024xf32, #tpu.memory_space<hbm>> -> memref<5888x1024xf32, #tpu.memory_space<hbm>>
    tpu.enqueue_indirect_dma source(%dma_start3A_22 : memref<5888x1024xf32, #tpu.memory_space<hbm>>) target(%arg11 : memref<16x1024xf32, #tpu.memory_space<vmem>>) offsets(%get3A_17 : vector<16xi32>) semaphore(%arg15 : memref<!tpu.dma_semaphore, #tpu.memory_space<semaphore_mem>>)
    %dma_start3A_23 = arith.constant 0 : i32
    %dma_start3A_24 = arith.constant 0 : i32
    %dma_start3A_25 = tpu.memref_slice %arg2[%dma_start3A_23, %dma_start3A_24] : memref<5888x1024xf32, #tpu.memory_space<hbm>> -> memref<5888x1024xf32, #tpu.memory_space<hbm>>
    tpu.enqueue_indirect_dma source(%dma_start3A_25 : memref<5888x1024xf32, #tpu.memory_space<hbm>>) target(%arg13 : memref<16x1024xf32, #tpu.memory_space<vmem>>) offsets(%get3A_19 : vector<16xi32>) semaphore(%arg17 : memref<!tpu.dma_semaphore, #tpu.memory_space<semaphore_mem>>)
    %scan3A = arith.constant 0 : i32
    %scan3A_26 = arith.constant 0 : i32
    %scan3A_27 = arith.constant 16 : i32
    %scan3A_28 = arith.addi %scan3A_26, %scan3A_27 : i32
    %scan3A_29 = arith.constant 1 : i32
    scf.for %scan3A_95 = %scan3A_26 to %scan3A_28 step %scan3A_29  : i32 {
      %broadcast_in_dim3A = arith.constant 0 : i32
      %broadcast_in_dim3A_96 = vector.broadcast %broadcast_in_dim3A : i32 to vector<16xi32>
      %add3A_97 = arith.constant 0 : i32
      %add3A_98 = arith.addi %add3A_97, %scan3A_95 : i32
      %add3A_99 = vector.broadcast %add3A_98 : i32 to vector<16xi32>
      %add3A_100 = arith.addi %broadcast_in_dim3A_96, %add3A_99 : vector<16xi32>
      %gather3A = tpu.vector_load_idx %arg9[%add3A_100] : memref<64xf32, #tpu.memory_space<vmem>>[vector<16xi32>], vector<16xf32>,
      %sub3A = arith.constant 1.000000e+00 : f32
      %sub3A_101 = vector.broadcast %sub3A : f32 to vector<16xf32>
      %sub3A_102 = arith.subf %sub3A_101, %gather3A : vector<16xf32>
      %get3A_103 = arith.index_cast %scan3A_95 : i32 to index
      %get3A_104 = arith.constant 0 : index
      %get3A_105 = tpu.vector_load %arg10[%get3A_103, %get3A_104] {strides = array<i32>} : memref<16x1024xf32, #tpu.memory_space<vmem>>, vector<16xf32>,
      %mul3A_106 = arith.mulf %get3A_105, %gather3A : vector<16xf32>
      %get3A_107 = arith.index_cast %scan3A_95 : i32 to index
      %get3A_108 = arith.constant 0 : index
      %get3A_109 = tpu.vector_load %arg12[%get3A_107, %get3A_108] {strides = array<i32>} : memref<16x1024xf32, #tpu.memory_space<vmem>>, vector<16xf32>,
      %mul3A_110 = arith.mulf %get3A_109, %sub3A_102 : vector<16xf32>
      %add3A_111 = arith.addf %mul3A_106, %mul3A_110 : vector<16xf32>
      %swap3A = arith.index_cast %scan3A_95 : i32 to index
      %swap3A_112 = arith.constant 0 : index
      %swap3A_113 = tpu.vector_load %arg10[%swap3A, %swap3A_112] {strides = array<i32>} : memref<16x1024xf32, #tpu.memory_space<vmem>>, vector<16xf32>,
      tpu.vector_store %arg10[%swap3A, %swap3A_112], %add3A_111 {strides = array<i32>} : memref<16x1024xf32, #tpu.memory_space<vmem>>, vector<16xf32>,
      %get3A_114 = arith.index_cast %scan3A_95 : i32 to index
      %get3A_115 = arith.constant 16 : index
      %get3A_116 = tpu.vector_load %arg10[%get3A_114, %get3A_115] {strides = array<i32>} : memref<16x1024xf32, #tpu.memory_space<vmem>>, vector<16xf32>,
      %mul3A_117 = arith.mulf %get3A_116, %gather3A : vector<16xf32>
      %get3A_118 = arith.index_cast %scan3A_95 : i32 to index
      %get3A_119 = arith.constant 16 : index
      %get3A_120 = tpu.vector_load %arg12[%get3A_118, %get3A_119] {strides = array<i32>} : memref<16x1024xf32, #tpu.memory_space<vmem>>, vector<16xf32>,
      %mul3A_121 = arith.mulf %get3A_120, %sub3A_102 : vector<16xf32>
      %add3A_122 = arith.addf %mul3A_117, %mul3A_121 : vector<16xf32>
      %swap3A_123 = arith.index_cast %scan3A_95 : i32 to index
      %swap3A_124 = arith.constant 16 : index
      %swap3A_125 = tpu.vector_load %arg10[%swap3A_123, %swap3A_124] {strides = array<i32>} : memref<16x1024xf32, #tpu.memory_space<vmem>>, vector<16xf32>,
      tpu.vector_store %arg10[%swap3A_123, %swap3A_124], %add3A_122 {strides = array<i32>} : memref<16x1024xf32, #tpu.memory_space<vmem>>, vector<16xf32>,
      %get3A_126 = arith.index_cast %scan3A_95 : i32 to index
      %get3A_127 = arith.constant 32 : index
      %get3A_128 = tpu.vector_load %arg10[%get3A_126, %get3A_127] {strides = array<i32>} : memref<16x1024xf32, #tpu.memory_space<vmem>>, vector<16xf32>,
      %mul3A_129 = arith.mulf %get3A_128, %gather3A : vector<16xf32>
      %get3A_130 = arith.index_cast %scan3A_95 : i32 to index
      %get3A_131 = arith.constant 32 : index
      %get3A_132 = tpu.vector_load %arg12[%get3A_130, %get3A_131] {strides = array<i32>} : memref<16x1024xf32, #tpu.memory_space<vmem>>, vector<16xf32>,
      %mul3A_133 = arith.mulf %get3A_132, %sub3A_102 : vector<16xf32>
      %add3A_134 = arith.addf %mul3A_129, %mul3A_133 : vector<16xf32>
      %swap3A_135 = arith.index_cast %scan3A_95 : i32 to index
      %swap3A_136 = arith.constant 32 : index
      %swap3A_137 = tpu.vector_load %arg10[%swap3A_135, %swap3A_136] {strides = array<i32>} : memref<16x1024xf32, #tpu.memory_space<vmem>>, vector<16xf32>,
      tpu.vector_store %arg10[%swap3A_135, %swap3A_136], %add3A_134 {strides = array<i32>} : memref<16x1024xf32, #tpu.memory_space<vmem>>, vector<16xf32>,
      %get3A_138 = arith.index_cast %scan3A_95 : i32 to index
      %get3A_139 = arith.constant 48 : index
      %get3A_140 = tpu.vector_load %arg10[%get3A_138, %get3A_139] {strides = array<i32>} : memref<16x1024xf32, #tpu.memory_space<vmem>>, vector<16xf32>,
      %mul3A_141 = arith.mulf %get3A_140, %gather3A : vector<16xf32>
      %get3A_142 = arith.index_cast %scan3A_95 : i32 to index
      %get3A_143 = arith.constant 48 : index
      %get3A_144 = tpu.vector_load %arg12[%get3A_142, %get3A_143] {strides = array<i32>} : memref<16x1024xf32, #tpu.memory_space<vmem>>, vector<16xf32>,
      %mul3A_145 = arith.mulf %get3A_144, %sub3A_102 : vector<16xf32>
      %add3A_146 = arith.addf %mul3A_141, %mul3A_145 : vector<16xf32>
      %swap3A_147 = arith.index_cast %scan3A_95 : i32 to index
      %swap3A_148 = arith.constant 48 : index
      %swap3A_149 = tpu.vector_load %arg10[%swap3A_147, %swap3A_148] {strides = array<i32>} : memref<16x1024xf32, #tpu.memory_space<vmem>>, vector<16xf32>,
      tpu.vector_store %arg10[%swap3A_147, %swap3A_148], %add3A_146 {strides = array<i32>} : memref<16x1024xf32, #tpu.memory_space<vmem>>, vector<16xf32>,
      %get3A_150 = arith.index_cast %scan3A_95 : i32 to index
      %get3A_151 = arith.constant 64 : index
      %get3A_152 = tpu.vector_load %arg10[%get3A_150, %get3A_151] {strides = array<i32>} : memref<16x1024xf32, #tpu.memory_space<vmem>>, vector<16xf32>,
      %mul3A_153 = arith.mulf %get3A_152, %gather3A : vector<16xf32>
      %get3A_154 = arith.index_cast %scan3A_95 : i32 to index
      %get3A_155 = arith.constant 64 : index
      %get3A_156 = tpu.vector_load %arg12[%get3A_154, %get3A_155] {strides = array<i32>} : memref<16x1024xf32, #tpu.memory_space<vmem>>, vector<16xf32>,
      %mul3A_157 = arith.mulf %get3A_156, %sub3A_102 : vector<16xf32>
      %add3A_158 = arith.addf %mul3A_153, %mul3A_157 : vector<16xf32>
      %swap3A_159 = arith.index_cast %scan3A_95 : i32 to index
      %swap3A_160 = arith.constant 64 : index
      %swap3A_161 = tpu.vector_load %arg10[%swap3A_159, %swap3A_160] {strides = array<i32>} : memref<16x1024xf32, #tpu.memory_space<vmem>>, vector<16xf32>,
      tpu.vector_store %arg10[%swap3A_159, %swap3A_160], %add3A_158 {strides = array<i32>} : memref<16x1024xf32, #tpu.memory_space<vmem>>, vector<16xf32>,
      %get3A_162 = arith.index_cast %scan3A_95 : i32 to index
      %get3A_163 = arith.constant 80 : index
      %get3A_164 = tpu.vector_load %arg10[%get3A_162, %get3A_163] {strides = array<i32>} : memref<16x1024xf32, #tpu.memory_space<vmem>>, vector<16xf32>,
      %mul3A_165 = arith.mulf %get3A_164, %gather3A : vector<16xf32>
      %get3A_166 = arith.index_cast %scan3A_95 : i32 to index
      %get3A_167 = arith.constant 80 : index
      %get3A_168 = tpu.vector_load %arg12[%get3A_166, %get3A_167] {strides = array<i32>} : memref<16x1024xf32, #tpu.memory_space<vmem>>, vector<16xf32>,
      %mul3A_169 = arith.mulf %get3A_168, %sub3A_102 : vector<16xf32>
      %add3A_170 = arith.addf %mul3A_165, %mul3A_169 : vector<16xf32>
      %swap3A_171 = arith.index_cast %scan3A_95 : i32 to index
      %swap3A_172 = arith.constant 80 : index
      %swap3A_173 = tpu.vector_load %arg10[%swap3A_171, %swap3A_172] {strides = array<i32>} : memref<16x1024xf32, #tpu.memory_space<vmem>>, vector<16xf32>,
      tpu.vector_store %arg10[%swap3A_171, %swap3A_172], %add3A_170 {strides = array<i32>} : memref<16x1024xf32, #tpu.memory_space<vmem>>, vector<16xf32>,
      %get3A_174 = arith.index_cast %scan3A_95 : i32 to index
      %get3A_175 = arith.constant 96 : index
      %get3A_176 = tpu.vector_load %arg10[%get3A_174, %get3A_175] {strides = array<i32>} : memref<16x1024xf32, #tpu.memory_space<vmem>>, vector<16xf32>,
      %mul3A_177 = arith.mulf %get3A_176, %gather3A : vector<16xf32>
      %get3A_178 = arith.index_cast %scan3A_95 : i32 to index
      %get3A_179 = arith.constant 96 : index
      %get3A_180 = tpu.vector_load %arg12[%get3A_178, %get3A_179] {strides = array<i32>} : memref<16x1024xf32, #tpu.memory_space<vmem>>, vector<16xf32>,
      %mul3A_181 = arith.mulf %get3A_180, %sub3A_102 : vector<16xf32>
      %add3A_182 = arith.addf %mul3A_177, %mul3A_181 : vector<16xf32>
      %swap3A_183 = arith.index_cast %scan3A_95 : i32 to index
      %swap3A_184 = arith.constant 96 : index
      %swap3A_185 = tpu.vector_load %arg10[%swap3A_183, %swap3A_184] {strides = array<i32>} : memref<16x1024xf32, #tpu.memory_space<vmem>>, vector<16xf32>,
      tpu.vector_store %arg10[%swap3A_183, %swap3A_184], %add3A_182 {strides = array<i32>} : memref<16x1024xf32, #tpu.memory_space<vmem>>, vector<16xf32>,
      %get3A_186 = arith.index_cast %scan3A_95 : i32 to index
      %get3A_187 = arith.constant 112 : index
      %get3A_188 = tpu.vector_load %arg10[%get3A_186, %get3A_187] {strides = array<i32>} : memref<16x1024xf32, #tpu.memory_space<vmem>>, vector<16xf32>,
      %mul3A_189 = arith.mulf %get3A_188, %gather3A : vector<16xf32>
      %get3A_190 = arith.index_cast %scan3A_95 : i32 to index
      %get3A_191 = arith.constant 112 : index
      %get3A_192 = tpu.vector_load %arg12[%get3A_190, %get3A_191] {strides = array<i32>} : memref<16x1024xf32, #tpu.memory_space<vmem>>, vector<16xf32>,
      %mul3A_193 = arith.mulf %get3A_192, %sub3A_102 : vector<16xf32>
      %add3A_194 = arith.addf %mul3A_189, %mul3A_193 : vector<16xf32>
      %swap3A_195 = arith.index_cast %scan3A_95 : i32 to index
      %swap3A_196 = arith.constant 112 : index
      %swap3A_197 = tpu.vector_load %arg10[%swap3A_195, %swap3A_196] {strides = array<i32>} : memref<16x1024xf32, #tpu.memory_space<vmem>>, vector<16xf32>,
      tpu.vector_store %arg10[%swap3A_195, %swap3A_196], %add3A_194 {strides = array<i32>} : memref<16x1024xf32, #tpu.memory_space<vmem>>, vector<16xf32>,
      %get3A_198 = arith.index_cast %scan3A_95 : i32 to index
      %get3A_199 = arith.constant 128 : index
      %get3A_200 = tpu.vector_load %arg10[%get3A_198, %get3A_199] {strides = array<i32>} : memref<16x1024xf32, #tpu.memory_space<vmem>>, vector<16xf32>,
      %mul3A_201 = arith.mulf %get3A_200, %gather3A : vector<16xf32>
      %get3A_202 = arith.index_cast %scan3A_95 : i32 to index
      %get3A_203 = arith.constant 128 : index
      %get3A_204 = tpu.vector_load %arg12[%get3A_202, %get3A_203] {strides = array<i32>} : memref<16x1024xf32, #tpu.memory_space<vmem>>, vector<16xf32>,
      %mul3A_205 = arith.mulf %get3A_204, %sub3A_102 : vector<16xf32>
      %add3A_206 = arith.addf %mul3A_201, %mul3A_205 : vector<16xf32>
      %swap3A_207 = arith.index_cast %scan3A_95 : i32 to index
      %swap3A_208 = arith.constant 128 : index
      %swap3A_209 = tpu.vector_load %arg10[%swap3A_207, %swap3A_208] {strides = array<i32>} : memref<16x1024xf32, #tpu.memory_space<vmem>>, vector<16xf32>,
      tpu.vector_store %arg10[%swap3A_207, %swap3A_208], %add3A_206 {strides = array<i32>} : memref<16x1024xf32, #tpu.memory_space<vmem>>, vector<16xf32>,
      %get3A_210 = arith.index_cast %scan3A_95 : i32 to index
      %get3A_211 = arith.constant 144 : index
      %get3A_212 = tpu.vector_load %arg10[%get3A_210, %get3A_211] {strides = array<i32>} : memref<16x1024xf32, #tpu.memory_space<vmem>>, vector<16xf32>,
      %mul3A_213 = arith.mulf %get3A_212, %gather3A : vector<16xf32>
      %get3A_214 = arith.index_cast %scan3A_95 : i32 to index
      %get3A_215 = arith.constant 144 : index
      %get3A_216 = tpu.vector_load %arg12[%get3A_214, %get3A_215] {strides = array<i32>} : memref<16x1024xf32, #tpu.memory_space<vmem>>, vector<16xf32>,
      %mul3A_217 = arith.mulf %get3A_216, %sub3A_102 : vector<16xf32>
      %add3A_218 = arith.addf %mul3A_213, %mul3A_217 : vector<16xf32>
      %swap3A_219 = arith.index_cast %scan3A_95 : i32 to index
      %swap3A_220 = arith.constant 144 : index
      %swap3A_221 = tpu.vector_load %arg10[%swap3A_219, %swap3A_220] {strides = array<i32>} : memref<16x1024xf32, #tpu.memory_space<vmem>>, vector<16xf32>,
      tpu.vector_store %arg10[%swap3A_219, %swap3A_220], %add3A_218 {strides = array<i32>} : memref<16x1024xf32, #tpu.memory_space<vmem>>, vector<16xf32>,
      %get3A_222 = arith.index_cast %scan3A_95 : i32 to index
      %get3A_223 = arith.constant 160 : index
      %get3A_224 = tpu.vector_load %arg10[%get3A_222, %get3A_223] {strides = array<i32>} : memref<16x1024xf32, #tpu.memory_space<vmem>>, vector<16xf32>,
      %mul3A_225 = arith.mulf %get3A_224, %gather3A : vector<16xf32>
      %get3A_226 = arith.index_cast %scan3A_95 : i32 to index
      %get3A_227 = arith.constant 160 : index
      %get3A_228 = tpu.vector_load %arg12[%get3A_226, %get3A_227] {strides = array<i32>} : memref<16x1024xf32, #tpu.memory_space<vmem>>, vector<16xf32>,
      %mul3A_229 = arith.mulf %get3A_228, %sub3A_102 : vector<16xf32>
      %add3A_230 = arith.addf %mul3A_225, %mul3A_229 : vector<16xf32>
      %swap3A_231 = arith.index_cast %scan3A_95 : i32 to index
      %swap3A_232 = arith.constant 160 : index
      %swap3A_233 = tpu.vector_load %arg10[%swap3A_231, %swap3A_232] {strides = array<i32>} : memref<16x1024xf32, #tpu.memory_space<vmem>>, vector<16xf32>,
      tpu.vector_store %arg10[%swap3A_231, %swap3A_232], %add3A_230 {strides = array<i32>} : memref<16x1024xf32, #tpu.memory_space<vmem>>, vector<16xf32>,
      %get3A_234 = arith.index_cast %scan3A_95 : i32 to index
      %get3A_235 = arith.constant 176 : index
      %get3A_236 = tpu.vector_load %arg10[%get3A_234, %get3A_235] {strides = array<i32>} : memref<16x1024xf32, #tpu.memory_space<vmem>>, vector<16xf32>,
      %mul3A_237 = arith.mulf %get3A_236, %gather3A : vector<16xf32>
      %get3A_238 = arith.index_cast %scan3A_95 : i32 to index
      %get3A_239 = arith.constant 176 : index
      %get3A_240 = tpu.vector_load %arg12[%get3A_238, %get3A_239] {strides = array<i32>} : memref<16x1024xf32, #tpu.memory_space<vmem>>, vector<16xf32>,
      %mul3A_241 = arith.mulf %get3A_240, %sub3A_102 : vector<16xf32>
      %add3A_242 = arith.addf %mul3A_237, %mul3A_241 : vector<16xf32>
      %swap3A_243 = arith.index_cast %scan3A_95 : i32 to index
      %swap3A_244 = arith.constant 176 : index
      %swap3A_245 = tpu.vector_load %arg10[%swap3A_243, %swap3A_244] {strides = array<i32>} : memref<16x1024xf32, #tpu.memory_space<vmem>>, vector<16xf32>,
      tpu.vector_store %arg10[%swap3A_243, %swap3A_244], %add3A_242 {strides = array<i32>} : memref<16x1024xf32, #tpu.memory_space<vmem>>, vector<16xf32>,
      %get3A_246 = arith.index_cast %scan3A_95 : i32 to index
      %get3A_247 = arith.constant 192 : index
      %get3A_248 = tpu.vector_load %arg10[%get3A_246, %get3A_247] {strides = array<i32>} : memref<16x1024xf32, #tpu.memory_space<vmem>>, vector<16xf32>,
      %mul3A_249 = arith.mulf %get3A_248, %gather3A : vector<16xf32>
      %get3A_250 = arith.index_cast %scan3A_95 : i32 to index
      %get3A_251 = arith.constant 192 : index
      %get3A_252 = tpu.vector_load %arg12[%get3A_250, %get3A_251] {strides = array<i32>} : memref<16x1024xf32, #tpu.memory_space<vmem>>, vector<16xf32>,
      %mul3A_253 = arith.mulf %get3A_252, %sub3A_102 : vector<16xf32>
      %add3A_254 = arith.addf %mul3A_249, %mul3A_253 : vector<16xf32>
      %swap3A_255 = arith.index_cast %scan3A_95 : i32 to index
      %swap3A_256 = arith.constant 192 : index
      %swap3A_257 = tpu.vector_load %arg10[%swap3A_255, %swap3A_256] {strides = array<i32>} : memref<16x1024xf32, #tpu.memory_space<vmem>>, vector<16xf32>,
      tpu.vector_store %arg10[%swap3A_255, %swap3A_256], %add3A_254 {strides = array<i32>} : memref<16x1024xf32, #tpu.memory_space<vmem>>, vector<16xf32>,
      %get3A_258 = arith.index_cast %scan3A_95 : i32 to index
      %get3A_259 = arith.constant 208 : index
      %get3A_260 = tpu.vector_load %arg10[%get3A_258, %get3A_259] {strides = array<i32>} : memref<16x1024xf32, #tpu.memory_space<vmem>>, vector<16xf32>,
      %mul3A_261 = arith.mulf %get3A_260, %gather3A : vector<16xf32>
      %get3A_262 = arith.index_cast %scan3A_95 : i32 to index
      %get3A_263 = arith.constant 208 : index
      %get3A_264 = tpu.vector_load %arg12[%get3A_262, %get3A_263] {strides = array<i32>} : memref<16x1024xf32, #tpu.memory_space<vmem>>, vector<16xf32>,
      %mul3A_265 = arith.mulf %get3A_264, %sub3A_102 : vector<16xf32>
      %add3A_266 = arith.addf %mul3A_261, %mul3A_265 : vector<16xf32>
      %swap3A_267 = arith.index_cast %scan3A_95 : i32 to index
      %swap3A_268 = arith.constant 208 : index
      %swap3A_269 = tpu.vector_load %arg10[%swap3A_267, %swap3A_268] {strides = array<i32>} : memref<16x1024xf32, #tpu.memory_space<vmem>>, vector<16xf32>,
      tpu.vector_store %arg10[%swap3A_267, %swap3A_268], %add3A_266 {strides = array<i32>} : memref<16x1024xf32, #tpu.memory_space<vmem>>, vector<16xf32>,
      %get3A_270 = arith.index_cast %scan3A_95 : i32 to index
      %get3A_271 = arith.constant 224 : index
      %get3A_272 = tpu.vector_load %arg10[%get3A_270, %get3A_271] {strides = array<i32>} : memref<16x1024xf32, #tpu.memory_space<vmem>>, vector<16xf32>,
      %mul3A_273 = arith.mulf %get3A_272, %gather3A : vector<16xf32>
      %get3A_274 = arith.index_cast %scan3A_95 : i32 to index
      %get3A_275 = arith.constant 224 : index
      %get3A_276 = tpu.vector_load %arg12[%get3A_274, %get3A_275] {strides = array<i32>} : memref<16x1024xf32, #tpu.memory_space<vmem>>, vector<16xf32>,
      %mul3A_277 = arith.mulf %get3A_276, %sub3A_102 : vector<16xf32>
      %add3A_278 = arith.addf %mul3A_273, %mul3A_277 : vector<16xf32>
      %swap3A_279 = arith.index_cast %scan3A_95 : i32 to index
      %swap3A_280 = arith.constant 224 : index
      %swap3A_281 = tpu.vector_load %arg10[%swap3A_279, %swap3A_280] {strides = array<i32>} : memref<16x1024xf32, #tpu.memory_space<vmem>>, vector<16xf32>,
      tpu.vector_store %arg10[%swap3A_279, %swap3A_280], %add3A_278 {strides = array<i32>} : memref<16x1024xf32, #tpu.memory_space<vmem>>, vector<16xf32>,
      %get3A_282 = arith.index_cast %scan3A_95 : i32 to index
      %get3A_283 = arith.constant 240 : index
      %get3A_284 = tpu.vector_load %arg10[%get3A_282, %get3A_283] {strides = array<i32>} : memref<16x1024xf32, #tpu.memory_space<vmem>>, vector<16xf32>,
      %mul3A_285 = arith.mulf %get3A_284, %gather3A : vector<16xf32>
      %get3A_286 = arith.index_cast %scan3A_95 : i32 to index
      %get3A_287 = arith.constant 240 : index
      %get3A_288 = tpu.vector_load %arg12[%get3A_286, %get3A_287] {strides = array<i32>} : memref<16x1024xf32, #tpu.memory_space<vmem>>, vector<16xf32>,
      %mul3A_289 = arith.mulf %get3A_288, %sub3A_102 : vector<16xf32>
      %add3A_290 = arith.addf %mul3A_285, %mul3A_289 : vector<16xf32>
      %swap3A_291 = arith.index_cast %scan3A_95 : i32 to index
      %swap3A_292 = arith.constant 240 : index
      %swap3A_293 = tpu.vector_load %arg10[%swap3A_291, %swap3A_292] {strides = array<i32>} : memref<16x1024xf32, #tpu.memory_space<vmem>>, vector<16xf32>,
      tpu.vector_store %arg10[%swap3A_291, %swap3A_292], %add3A_290 {strides = array<i32>} : memref<16x1024xf32, #tpu.memory_space<vmem>>, vector<16xf32>,
      %get3A_294 = arith.index_cast %scan3A_95 : i32 to index
      %get3A_295 = arith.constant 256 : index
      %get3A_296 = tpu.vector_load %arg10[%get3A_294, %get3A_295] {strides = array<i32>} : memref<16x1024xf32, #tpu.memory_space<vmem>>, vector<16xf32>,
      %mul3A_297 = arith.mulf %get3A_296, %gather3A : vector<16xf32>
      %get3A_298 = arith.index_cast %scan3A_95 : i32 to index
      %get3A_299 = arith.constant 256 : index
      %get3A_300 = tpu.vector_load %arg12[%get3A_298, %get3A_299] {strides = array<i32>} : memref<16x1024xf32, #tpu.memory_space<vmem>>, vector<16xf32>,
      %mul3A_301 = arith.mulf %get3A_300, %sub3A_102 : vector<16xf32>
      %add3A_302 = arith.addf %mul3A_297, %mul3A_301 : vector<16xf32>
      %swap3A_303 = arith.index_cast %scan3A_95 : i32 to index
      %swap3A_304 = arith.constant 256 : index
      %swap3A_305 = tpu.vector_load %arg10[%swap3A_303, %swap3A_304] {strides = array<i32>} : memref<16x1024xf32, #tpu.memory_space<vmem>>, vector<16xf32>,
      tpu.vector_store %arg10[%swap3A_303, %swap3A_304], %add3A_302 {strides = array<i32>} : memref<16x1024xf32, #tpu.memory_space<vmem>>, vector<16xf32>,
      %get3A_306 = arith.index_cast %scan3A_95 : i32 to index
      %get3A_307 = arith.constant 272 : index
      %get3A_308 = tpu.vector_load %arg10[%get3A_306, %get3A_307] {strides = array<i32>} : memref<16x1024xf32, #tpu.memory_space<vmem>>, vector<16xf32>,
      %mul3A_309 = arith.mulf %get3A_308, %gather3A : vector<16xf32>
      %get3A_310 = arith.index_cast %scan3A_95 : i32 to index
      %get3A_311 = arith.constant 272 : index
      %get3A_312 = tpu.vector_load %arg12[%get3A_310, %get3A_311] {strides = array<i32>} : memref<16x1024xf32, #tpu.memory_space<vmem>>, vector<16xf32>,
      %mul3A_313 = arith.mulf %get3A_312, %sub3A_102 : vector<16xf32>
      %add3A_314 = arith.addf %mul3A_309, %mul3A_313 : vector<16xf32>
      %swap3A_315 = arith.index_cast %scan3A_95 : i32 to index
      %swap3A_316 = arith.constant 272 : index
      %swap3A_317 = tpu.vector_load %arg10[%swap3A_315, %swap3A_316] {strides = array<i32>} : memref<16x1024xf32, #tpu.memory_space<vmem>>, vector<16xf32>,
      tpu.vector_store %arg10[%swap3A_315, %swap3A_316], %add3A_314 {strides = array<i32>} : memref<16x1024xf32, #tpu.memory_space<vmem>>, vector<16xf32>,
      %get3A_318 = arith.index_cast %scan3A_95 : i32 to index
      %get3A_319 = arith.constant 288 : index
      %get3A_320 = tpu.vector_load %arg10[%get3A_318, %get3A_319] {strides = array<i32>} : memref<16x1024xf32, #tpu.memory_space<vmem>>, vector<16xf32>,
      %mul3A_321 = arith.mulf %get3A_320, %gather3A : vector<16xf32>
      %get3A_322 = arith.index_cast %scan3A_95 : i32 to index
      %get3A_323 = arith.constant 288 : index
      %get3A_324 = tpu.vector_load %arg12[%get3A_322, %get3A_323] {strides = array<i32>} : memref<16x1024xf32, #tpu.memory_space<vmem>>, vector<16xf32>,
      %mul3A_325 = arith.mulf %get3A_324, %sub3A_102 : vector<16xf32>
      %add3A_326 = arith.addf %mul3A_321, %mul3A_325 : vector<16xf32>
      %swap3A_327 = arith.index_cast %scan3A_95 : i32 to index
      %swap3A_328 = arith.constant 288 : index
      %swap3A_329 = tpu.vector_load %arg10[%swap3A_327, %swap3A_328] {strides = array<i32>} : memref<16x1024xf32, #tpu.memory_space<vmem>>, vector<16xf32>,
      tpu.vector_store %arg10[%swap3A_327, %swap3A_328], %add3A_326 {strides = array<i32>} : memref<16x1024xf32, #tpu.memory_space<vmem>>, vector<16xf32>,
      %get3A_330 = arith.index_cast %scan3A_95 : i32 to index
      %get3A_331 = arith.constant 304 : index
      %get3A_332 = tpu.vector_load %arg10[%get3A_330, %get3A_331] {strides = array<i32>} : memref<16x1024xf32, #tpu.memory_space<vmem>>, vector<16xf32>,
      %mul3A_333 = arith.mulf %get3A_332, %gather3A : vector<16xf32>
      %get3A_334 = arith.index_cast %scan3A_95 : i32 to index
      %get3A_335 = arith.constant 304 : index
      %get3A_336 = tpu.vector_load %arg12[%get3A_334, %get3A_335] {strides = array<i32>} : memref<16x1024xf32, #tpu.memory_space<vmem>>, vector<16xf32>,
      %mul3A_337 = arith.mulf %get3A_336, %sub3A_102 : vector<16xf32>
      %add3A_338 = arith.addf %mul3A_333, %mul3A_337 : vector<16xf32>
      %swap3A_339 = arith.index_cast %scan3A_95 : i32 to index
      %swap3A_340 = arith.constant 304 : index
      %swap3A_341 = tpu.vector_load %arg10[%swap3A_339, %swap3A_340] {strides = array<i32>} : memref<16x1024xf32, #tpu.memory_space<vmem>>, vector<16xf32>,
      tpu.vector_store %arg10[%swap3A_339, %swap3A_340], %add3A_338 {strides = array<i32>} : memref<16x1024xf32, #tpu.memory_space<vmem>>, vector<16xf32>,
      %get3A_342 = arith.index_cast %scan3A_95 : i32 to index
      %get3A_343 = arith.constant 320 : index
      %get3A_344 = tpu.vector_load %arg10[%get3A_342, %get3A_343] {strides = array<i32>} : memref<16x1024xf32, #tpu.memory_space<vmem>>, vector<16xf32>,
      %mul3A_345 = arith.mulf %get3A_344, %gather3A : vector<16xf32>
      %get3A_346 = arith.index_cast %scan3A_95 : i32 to index
      %get3A_347 = arith.constant 320 : index
      %get3A_348 = tpu.vector_load %arg12[%get3A_346, %get3A_347] {strides = array<i32>} : memref<16x1024xf32, #tpu.memory_space<vmem>>, vector<16xf32>,
      %mul3A_349 = arith.mulf %get3A_348, %sub3A_102 : vector<16xf32>
      %add3A_350 = arith.addf %mul3A_345, %mul3A_349 : vector<16xf32>
      %swap3A_351 = arith.index_cast %scan3A_95 : i32 to index
      %swap3A_352 = arith.constant 320 : index
      %swap3A_353 = tpu.vector_load %arg10[%swap3A_351, %swap3A_352] {strides = array<i32>} : memref<16x1024xf32, #tpu.memory_space<vmem>>, vector<16xf32>,
      tpu.vector_store %arg10[%swap3A_351, %swap3A_352], %add3A_350 {strides = array<i32>} : memref<16x1024xf32, #tpu.memory_space<vmem>>, vector<16xf32>,
      %get3A_354 = arith.index_cast %scan3A_95 : i32 to index
      %get3A_355 = arith.constant 336 : index
      %get3A_356 = tpu.vector_load %arg10[%get3A_354, %get3A_355] {strides = array<i32>} : memref<16x1024xf32, #tpu.memory_space<vmem>>, vector<16xf32>,
      %mul3A_357 = arith.mulf %get3A_356, %gather3A : vector<16xf32>
      %get3A_358 = arith.index_cast %scan3A_95 : i32 to index
      %get3A_359 = arith.constant 336 : index
      %get3A_360 = tpu.vector_load %arg12[%get3A_358, %get3A_359] {strides = array<i32>} : memref<16x1024xf32, #tpu.memory_space<vmem>>, vector<16xf32>,
      %mul3A_361 = arith.mulf %get3A_360, %sub3A_102 : vector<16xf32>
      %add3A_362 = arith.addf %mul3A_357, %mul3A_361 : vector<16xf32>
      %swap3A_363 = arith.index_cast %scan3A_95 : i32 to index
      %swap3A_364 = arith.constant 336 : index
      %swap3A_365 = tpu.vector_load %arg10[%swap3A_363, %swap3A_364] {strides = array<i32>} : memref<16x1024xf32, #tpu.memory_space<vmem>>, vector<16xf32>,
      tpu.vector_store %arg10[%swap3A_363, %swap3A_364], %add3A_362 {strides = array<i32>} : memref<16x1024xf32, #tpu.memory_space<vmem>>, vector<16xf32>,
      %get3A_366 = arith.index_cast %scan3A_95 : i32 to index
      %get3A_367 = arith.constant 352 : index
      %get3A_368 = tpu.vector_load %arg10[%get3A_366, %get3A_367] {strides = array<i32>} : memref<16x1024xf32, #tpu.memory_space<vmem>>, vector<16xf32>,
      %mul3A_369 = arith.mulf %get3A_368, %gather3A : vector<16xf32>
      %get3A_370 = arith.index_cast %scan3A_95 : i32 to index
      %get3A_371 = arith.constant 352 : index
      %get3A_372 = tpu.vector_load %arg12[%get3A_370, %get3A_371] {strides = array<i32>} : memref<16x1024xf32, #tpu.memory_space<vmem>>, vector<16xf32>,
      %mul3A_373 = arith.mulf %get3A_372, %sub3A_102 : vector<16xf32>
      %add3A_374 = arith.addf %mul3A_369, %mul3A_373 : vector<16xf32>
      %swap3A_375 = arith.index_cast %scan3A_95 : i32 to index
      %swap3A_376 = arith.constant 352 : index
      %swap3A_377 = tpu.vector_load %arg10[%swap3A_375, %swap3A_376] {strides = array<i32>} : memref<16x1024xf32, #tpu.memory_space<vmem>>, vector<16xf32>,
      tpu.vector_store %arg10[%swap3A_375, %swap3A_376], %add3A_374 {strides = array<i32>} : memref<16x1024xf32, #tpu.memory_space<vmem>>, vector<16xf32>,
      %get3A_378 = arith.index_cast %scan3A_95 : i32 to index
      %get3A_379 = arith.constant 368 : index
      %get3A_380 = tpu.vector_load %arg10[%get3A_378, %get3A_379] {strides = array<i32>} : memref<16x1024xf32, #tpu.memory_space<vmem>>, vector<16xf32>,
      %mul3A_381 = arith.mulf %get3A_380, %gather3A : vector<16xf32>
      %get3A_382 = arith.index_cast %scan3A_95 : i32 to index
      %get3A_383 = arith.constant 368 : index
      %get3A_384 = tpu.vector_load %arg12[%get3A_382, %get3A_383] {strides = array<i32>} : memref<16x1024xf32, #tpu.memory_space<vmem>>, vector<16xf32>,
      %mul3A_385 = arith.mulf %get3A_384, %sub3A_102 : vector<16xf32>
      %add3A_386 = arith.addf %mul3A_381, %mul3A_385 : vector<16xf32>
      %swap3A_387 = arith.index_cast %scan3A_95 : i32 to index
      %swap3A_388 = arith.constant 368 : index
      %swap3A_389 = tpu.vector_load %arg10[%swap3A_387, %swap3A_388] {strides = array<i32>} : memref<16x1024xf32, #tpu.memory_space<vmem>>, vector<16xf32>,
      tpu.vector_store %arg10[%swap3A_387, %swap3A_388], %add3A_386 {strides = array<i32>} : memref<16x1024xf32, #tpu.memory_space<vmem>>, vector<16xf32>,
      %get3A_390 = arith.index_cast %scan3A_95 : i32 to index
      %get3A_391 = arith.constant 384 : index
      %get3A_392 = tpu.vector_load %arg10[%get3A_390, %get3A_391] {strides = array<i32>} : memref<16x1024xf32, #tpu.memory_space<vmem>>, vector<16xf32>,
      %mul3A_393 = arith.mulf %get3A_392, %gather3A : vector<16xf32>
      %get3A_394 = arith.index_cast %scan3A_95 : i32 to index
      %get3A_395 = arith.constant 384 : index
      %get3A_396 = tpu.vector_load %arg12[%get3A_394, %get3A_395] {strides = array<i32>} : memref<16x1024xf32, #tpu.memory_space<vmem>>, vector<16xf32>,
      %mul3A_397 = arith.mulf %get3A_396, %sub3A_102 : vector<16xf32>
      %add3A_398 = arith.addf %mul3A_393, %mul3A_397 : vector<16xf32>
      %swap3A_399 = arith.index_cast %scan3A_95 : i32 to index
      %swap3A_400 = arith.constant 384 : index
      %swap3A_401 = tpu.vector_load %arg10[%swap3A_399, %swap3A_400] {strides = array<i32>} : memref<16x1024xf32, #tpu.memory_space<vmem>>, vector<16xf32>,
      tpu.vector_store %arg10[%swap3A_399, %swap3A_400], %add3A_398 {strides = array<i32>} : memref<16x1024xf32, #tpu.memory_space<vmem>>, vector<16xf32>,
      %get3A_402 = arith.index_cast %scan3A_95 : i32 to index
      %get3A_403 = arith.constant 400 : index
      %get3A_404 = tpu.vector_load %arg10[%get3A_402, %get3A_403] {strides = array<i32>} : memref<16x1024xf32, #tpu.memory_space<vmem>>, vector<16xf32>,
      %mul3A_405 = arith.mulf %get3A_404, %gather3A : vector<16xf32>
      %get3A_406 = arith.index_cast %scan3A_95 : i32 to index
      %get3A_407 = arith.constant 400 : index
      %get3A_408 = tpu.vector_load %arg12[%get3A_406, %get3A_407] {strides = array<i32>} : memref<16x1024xf32, #tpu.memory_space<vmem>>, vector<16xf32>,
      %mul3A_409 = arith.mulf %get3A_408, %sub3A_102 : vector<16xf32>
      %add3A_410 = arith.addf %mul3A_405, %mul3A_409 : vector<16xf32>
      %swap3A_411 = arith.index_cast %scan3A_95 : i32 to index
      %swap3A_412 = arith.constant 400 : index
      %swap3A_413 = tpu.vector_load %arg10[%swap3A_411, %swap3A_412] {strides = array<i32>} : memref<16x1024xf32, #tpu.memory_space<vmem>>, vector<16xf32>,
      tpu.vector_store %arg10[%swap3A_411, %swap3A_412], %add3A_410 {strides = array<i32>} : memref<16x1024xf32, #tpu.memory_space<vmem>>, vector<16xf32>,
      %get3A_414 = arith.index_cast %scan3A_95 : i32 to index
      %get3A_415 = arith.constant 416 : index
      %get3A_416 = tpu.vector_load %arg10[%get3A_414, %get3A_415] {strides = array<i32>} : memref<16x1024xf32, #tpu.memory_space<vmem>>, vector<16xf32>,
      %mul3A_417 = arith.mulf %get3A_416, %gather3A : vector<16xf32>
      %get3A_418 = arith.index_cast %scan3A_95 : i32 to index
      %get3A_419 = arith.constant 416 : index
      %get3A_420 = tpu.vector_load %arg12[%get3A_418, %get3A_419] {strides = array<i32>} : memref<16x1024xf32, #tpu.memory_space<vmem>>, vector<16xf32>,
      %mul3A_421 = arith.mulf %get3A_420, %sub3A_102 : vector<16xf32>
      %add3A_422 = arith.addf %mul3A_417, %mul3A_421 : vector<16xf32>
      %swap3A_423 = arith.index_cast %scan3A_95 : i32 to index
      %swap3A_424 = arith.constant 416 : index
      %swap3A_425 = tpu.vector_load %arg10[%swap3A_423, %swap3A_424] {strides = array<i32>} : memref<16x1024xf32, #tpu.memory_space<vmem>>, vector<16xf32>,
      tpu.vector_store %arg10[%swap3A_423, %swap3A_424], %add3A_422 {strides = array<i32>} : memref<16x1024xf32, #tpu.memory_space<vmem>>, vector<16xf32>,
      %get3A_426 = arith.index_cast %scan3A_95 : i32 to index
      %get3A_427 = arith.constant 432 : index
      %get3A_428 = tpu.vector_load %arg10[%get3A_426, %get3A_427] {strides = array<i32>} : memref<16x1024xf32, #tpu.memory_space<vmem>>, vector<16xf32>,
      %mul3A_429 = arith.mulf %get3A_428, %gather3A : vector<16xf32>
      %get3A_430 = arith.index_cast %scan3A_95 : i32 to index
      %get3A_431 = arith.constant 432 : index
      %get3A_432 = tpu.vector_load %arg12[%get3A_430, %get3A_431] {strides = array<i32>} : memref<16x1024xf32, #tpu.memory_space<vmem>>, vector<16xf32>,
      %mul3A_433 = arith.mulf %get3A_432, %sub3A_102 : vector<16xf32>
      %add3A_434 = arith.addf %mul3A_429, %mul3A_433 : vector<16xf32>
      %swap3A_435 = arith.index_cast %scan3A_95 : i32 to index
      %swap3A_436 = arith.constant 432 : index
      %swap3A_437 = tpu.vector_load %arg10[%swap3A_435, %swap3A_436] {strides = array<i32>} : memref<16x1024xf32, #tpu.memory_space<vmem>>, vector<16xf32>,
      tpu.vector_store %arg10[%swap3A_435, %swap3A_436], %add3A_434 {strides = array<i32>} : memref<16x1024xf32, #tpu.memory_space<vmem>>, vector<16xf32>,
      %get3A_438 = arith.index_cast %scan3A_95 : i32 to index
      %get3A_439 = arith.constant 448 : index
      %get3A_440 = tpu.vector_load %arg10[%get3A_438, %get3A_439] {strides = array<i32>} : memref<16x1024xf32, #tpu.memory_space<vmem>>, vector<16xf32>,
      %mul3A_441 = arith.mulf %get3A_440, %gather3A : vector<16xf32>
      %get3A_442 = arith.index_cast %scan3A_95 : i32 to index
      %get3A_443 = arith.constant 448 : index
      %get3A_444 = tpu.vector_load %arg12[%get3A_442, %get3A_443] {strides = array<i32>} : memref<16x1024xf32, #tpu.memory_space<vmem>>, vector<16xf32>,
      %mul3A_445 = arith.mulf %get3A_444, %sub3A_102 : vector<16xf32>
      %add3A_446 = arith.addf %mul3A_441, %mul3A_445 : vector<16xf32>
      %swap3A_447 = arith.index_cast %scan3A_95 : i32 to index
      %swap3A_448 = arith.constant 448 : index
      %swap3A_449 = tpu.vector_load %arg10[%swap3A_447, %swap3A_448] {strides = array<i32>} : memref<16x1024xf32, #tpu.memory_space<vmem>>, vector<16xf32>,
      tpu.vector_store %arg10[%swap3A_447, %swap3A_448], %add3A_446 {strides = array<i32>} : memref<16x1024xf32, #tpu.memory_space<vmem>>, vector<16xf32>,
      %get3A_450 = arith.index_cast %scan3A_95 : i32 to index
      %get3A_451 = arith.constant 464 : index
      %get3A_452 = tpu.vector_load %arg10[%get3A_450, %get3A_451] {strides = array<i32>} : memref<16x1024xf32, #tpu.memory_space<vmem>>, vector<16xf32>,
      %mul3A_453 = arith.mulf %get3A_452, %gather3A : vector<16xf32>
      %get3A_454 = arith.index_cast %scan3A_95 : i32 to index
      %get3A_455 = arith.constant 464 : index
      %get3A_456 = tpu.vector_load %arg12[%get3A_454, %get3A_455] {strides = array<i32>} : memref<16x1024xf32, #tpu.memory_space<vmem>>, vector<16xf32>,
      %mul3A_457 = arith.mulf %get3A_456, %sub3A_102 : vector<16xf32>
      %add3A_458 = arith.addf %mul3A_453, %mul3A_457 : vector<16xf32>
      %swap3A_459 = arith.index_cast %scan3A_95 : i32 to index
      %swap3A_460 = arith.constant 464 : index
      %swap3A_461 = tpu.vector_load %arg10[%swap3A_459, %swap3A_460] {strides = array<i32>} : memref<16x1024xf32, #tpu.memory_space<vmem>>, vector<16xf32>,
      tpu.vector_store %arg10[%swap3A_459, %swap3A_460], %add3A_458 {strides = array<i32>} : memref<16x1024xf32, #tpu.memory_space<vmem>>, vector<16xf32>,
      %get3A_462 = arith.index_cast %scan3A_95 : i32 to index
      %get3A_463 = arith.constant 480 : index
      %get3A_464 = tpu.vector_load %arg10[%get3A_462, %get3A_463] {strides = array<i32>} : memref<16x1024xf32, #tpu.memory_space<vmem>>, vector<16xf32>,
      %mul3A_465 = arith.mulf %get3A_464, %gather3A : vector<16xf32>
      %get3A_466 = arith.index_cast %scan3A_95 : i32 to index
      %get3A_467 = arith.constant 480 : index
      %get3A_468 = tpu.vector_load %arg12[%get3A_466, %get3A_467] {strides = array<i32>} : memref<16x1024xf32, #tpu.memory_space<vmem>>, vector<16xf32>,
      %mul3A_469 = arith.mulf %get3A_468, %sub3A_102 : vector<16xf32>
      %add3A_470 = arith.addf %mul3A_465, %mul3A_469 : vector<16xf32>
      %swap3A_471 = arith.index_cast %scan3A_95 : i32 to index
      %swap3A_472 = arith.constant 480 : index
      %swap3A_473 = tpu.vector_load %arg10[%swap3A_471, %swap3A_472] {strides = array<i32>} : memref<16x1024xf32, #tpu.memory_space<vmem>>, vector<16xf32>,
      tpu.vector_store %arg10[%swap3A_471, %swap3A_472], %add3A_470 {strides = array<i32>} : memref<16x1024xf32, #tpu.memory_space<vmem>>, vector<16xf32>,
      %get3A_474 = arith.index_cast %scan3A_95 : i32 to index
      %get3A_475 = arith.constant 496 : index
      %get3A_476 = tpu.vector_load %arg10[%get3A_474, %get3A_475] {strides = array<i32>} : memref<16x1024xf32, #tpu.memory_space<vmem>>, vector<16xf32>,
      %mul3A_477 = arith.mulf %get3A_476, %gather3A : vector<16xf32>
      %get3A_478 = arith.index_cast %scan3A_95 : i32 to index
      %get3A_479 = arith.constant 496 : index
      %get3A_480 = tpu.vector_load %arg12[%get3A_478, %get3A_479] {strides = array<i32>} : memref<16x1024xf32, #tpu.memory_space<vmem>>, vector<16xf32>,
      %mul3A_481 = arith.mulf %get3A_480, %sub3A_102 : vector<16xf32>
      %add3A_482 = arith.addf %mul3A_477, %mul3A_481 : vector<16xf32>
      %swap3A_483 = arith.index_cast %scan3A_95 : i32 to index
      %swap3A_484 = arith.constant 496 : index
      %swap3A_485 = tpu.vector_load %arg10[%swap3A_483, %swap3A_484] {strides = array<i32>} : memref<16x1024xf32, #tpu.memory_space<vmem>>, vector<16xf32>,
      tpu.vector_store %arg10[%swap3A_483, %swap3A_484], %add3A_482 {strides = array<i32>} : memref<16x1024xf32, #tpu.memory_space<vmem>>, vector<16xf32>,
      %get3A_486 = arith.index_cast %scan3A_95 : i32 to index
      %get3A_487 = arith.constant 512 : index
      %get3A_488 = tpu.vector_load %arg10[%get3A_486, %get3A_487] {strides = array<i32>} : memref<16x1024xf32, #tpu.memory_space<vmem>>, vector<16xf32>,
      %mul3A_489 = arith.mulf %get3A_488, %gather3A : vector<16xf32>
      %get3A_490 = arith.index_cast %scan3A_95 : i32 to index
      %get3A_491 = arith.constant 512 : index
      %get3A_492 = tpu.vector_load %arg12[%get3A_490, %get3A_491] {strides = array<i32>} : memref<16x1024xf32, #tpu.memory_space<vmem>>, vector<16xf32>,
      %mul3A_493 = arith.mulf %get3A_492, %sub3A_102 : vector<16xf32>
      %add3A_494 = arith.addf %mul3A_489, %mul3A_493 : vector<16xf32>
      %swap3A_495 = arith.index_cast %scan3A_95 : i32 to index
      %swap3A_496 = arith.constant 512 : index
      %swap3A_497 = tpu.vector_load %arg10[%swap3A_495, %swap3A_496] {strides = array<i32>} : memref<16x1024xf32, #tpu.memory_space<vmem>>, vector<16xf32>,
      tpu.vector_store %arg10[%swap3A_495, %swap3A_496], %add3A_494 {strides = array<i32>} : memref<16x1024xf32, #tpu.memory_space<vmem>>, vector<16xf32>,
      %get3A_498 = arith.index_cast %scan3A_95 : i32 to index
      %get3A_499 = arith.constant 528 : index
      %get3A_500 = tpu.vector_load %arg10[%get3A_498, %get3A_499] {strides = array<i32>} : memref<16x1024xf32, #tpu.memory_space<vmem>>, vector<16xf32>,
      %mul3A_501 = arith.mulf %get3A_500, %gather3A : vector<16xf32>
      %get3A_502 = arith.index_cast %scan3A_95 : i32 to index
      %get3A_503 = arith.constant 528 : index
      %get3A_504 = tpu.vector_load %arg12[%get3A_502, %get3A_503] {strides = array<i32>} : memref<16x1024xf32, #tpu.memory_space<vmem>>, vector<16xf32>,
      %mul3A_505 = arith.mulf %get3A_504, %sub3A_102 : vector<16xf32>
      %add3A_506 = arith.addf %mul3A_501, %mul3A_505 : vector<16xf32>
      %swap3A_507 = arith.index_cast %scan3A_95 : i32 to index
      %swap3A_508 = arith.constant 528 : index
      %swap3A_509 = tpu.vector_load %arg10[%swap3A_507, %swap3A_508] {strides = array<i32>} : memref<16x1024xf32, #tpu.memory_space<vmem>>, vector<16xf32>,
      tpu.vector_store %arg10[%swap3A_507, %swap3A_508], %add3A_506 {strides = array<i32>} : memref<16x1024xf32, #tpu.memory_space<vmem>>, vector<16xf32>,
      %get3A_510 = arith.index_cast %scan3A_95 : i32 to index
      %get3A_511 = arith.constant 544 : index
      %get3A_512 = tpu.vector_load %arg10[%get3A_510, %get3A_511] {strides = array<i32>} : memref<16x1024xf32, #tpu.memory_space<vmem>>, vector<16xf32>,
      %mul3A_513 = arith.mulf %get3A_512, %gather3A : vector<16xf32>
      %get3A_514 = arith.index_cast %scan3A_95 : i32 to index
      %get3A_515 = arith.constant 544 : index
      %get3A_516 = tpu.vector_load %arg12[%get3A_514, %get3A_515] {strides = array<i32>} : memref<16x1024xf32, #tpu.memory_space<vmem>>, vector<16xf32>,
      %mul3A_517 = arith.mulf %get3A_516, %sub3A_102 : vector<16xf32>
      %add3A_518 = arith.addf %mul3A_513, %mul3A_517 : vector<16xf32>
      %swap3A_519 = arith.index_cast %scan3A_95 : i32 to index
      %swap3A_520 = arith.constant 544 : index
      %swap3A_521 = tpu.vector_load %arg10[%swap3A_519, %swap3A_520] {strides = array<i32>} : memref<16x1024xf32, #tpu.memory_space<vmem>>, vector<16xf32>,
      tpu.vector_store %arg10[%swap3A_519, %swap3A_520], %add3A_518 {strides = array<i32>} : memref<16x1024xf32, #tpu.memory_space<vmem>>, vector<16xf32>,
      %get3A_522 = arith.index_cast %scan3A_95 : i32 to index
      %get3A_523 = arith.constant 560 : index
      %get3A_524 = tpu.vector_load %arg10[%get3A_522, %get3A_523] {strides = array<i32>} : memref<16x1024xf32, #tpu.memory_space<vmem>>, vector<16xf32>,
      %mul3A_525 = arith.mulf %get3A_524, %gather3A : vector<16xf32>
      %get3A_526 = arith.index_cast %scan3A_95 : i32 to index
      %get3A_527 = arith.constant 560 : index
      %get3A_528 = tpu.vector_load %arg12[%get3A_526, %get3A_527] {strides = array<i32>} : memref<16x1024xf32, #tpu.memory_space<vmem>>, vector<16xf32>,
      %mul3A_529 = arith.mulf %get3A_528, %sub3A_102 : vector<16xf32>
      %add3A_530 = arith.addf %mul3A_525, %mul3A_529 : vector<16xf32>
      %swap3A_531 = arith.index_cast %scan3A_95 : i32 to index
      %swap3A_532 = arith.constant 560 : index
      %swap3A_533 = tpu.vector_load %arg10[%swap3A_531, %swap3A_532] {strides = array<i32>} : memref<16x1024xf32, #tpu.memory_space<vmem>>, vector<16xf32>,
      tpu.vector_store %arg10[%swap3A_531, %swap3A_532], %add3A_530 {strides = array<i32>} : memref<16x1024xf32, #tpu.memory_space<vmem>>, vector<16xf32>,
      %get3A_534 = arith.index_cast %scan3A_95 : i32 to index
      %get3A_535 = arith.constant 576 : index
      %get3A_536 = tpu.vector_load %arg10[%get3A_534, %get3A_535] {strides = array<i32>} : memref<16x1024xf32, #tpu.memory_space<vmem>>, vector<16xf32>,
      %mul3A_537 = arith.mulf %get3A_536, %gather3A : vector<16xf32>
      %get3A_538 = arith.index_cast %scan3A_95 : i32 to index
      %get3A_539 = arith.constant 576 : index
      %get3A_540 = tpu.vector_load %arg12[%get3A_538, %get3A_539] {strides = array<i32>} : memref<16x1024xf32, #tpu.memory_space<vmem>>, vector<16xf32>,
      %mul3A_541 = arith.mulf %get3A_540, %sub3A_102 : vector<16xf32>
      %add3A_542 = arith.addf %mul3A_537, %mul3A_541 : vector<16xf32>
      %swap3A_543 = arith.index_cast %scan3A_95 : i32 to index
      %swap3A_544 = arith.constant 576 : index
      %swap3A_545 = tpu.vector_load %arg10[%swap3A_543, %swap3A_544] {strides = array<i32>} : memref<16x1024xf32, #tpu.memory_space<vmem>>, vector<16xf32>,
      tpu.vector_store %arg10[%swap3A_543, %swap3A_544], %add3A_542 {strides = array<i32>} : memref<16x1024xf32, #tpu.memory_space<vmem>>, vector<16xf32>,
      %get3A_546 = arith.index_cast %scan3A_95 : i32 to index
      %get3A_547 = arith.constant 592 : index
      %get3A_548 = tpu.vector_load %arg10[%get3A_546, %get3A_547] {strides = array<i32>} : memref<16x1024xf32, #tpu.memory_space<vmem>>, vector<16xf32>,
      %mul3A_549 = arith.mulf %get3A_548, %gather3A : vector<16xf32>
      %get3A_550 = arith.index_cast %scan3A_95 : i32 to index
      %get3A_551 = arith.constant 592 : index
      %get3A_552 = tpu.vector_load %arg12[%get3A_550, %get3A_551] {strides = array<i32>} : memref<16x1024xf32, #tpu.memory_space<vmem>>, vector<16xf32>,
      %mul3A_553 = arith.mulf %get3A_552, %sub3A_102 : vector<16xf32>
      %add3A_554 = arith.addf %mul3A_549, %mul3A_553 : vector<16xf32>
      %swap3A_555 = arith.index_cast %scan3A_95 : i32 to index
      %swap3A_556 = arith.constant 592 : index
      %swap3A_557 = tpu.vector_load %arg10[%swap3A_555, %swap3A_556] {strides = array<i32>} : memref<16x1024xf32, #tpu.memory_space<vmem>>, vector<16xf32>,
      tpu.vector_store %arg10[%swap3A_555, %swap3A_556], %add3A_554 {strides = array<i32>} : memref<16x1024xf32, #tpu.memory_space<vmem>>, vector<16xf32>,
      %get3A_558 = arith.index_cast %scan3A_95 : i32 to index
      %get3A_559 = arith.constant 608 : index
      %get3A_560 = tpu.vector_load %arg10[%get3A_558, %get3A_559] {strides = array<i32>} : memref<16x1024xf32, #tpu.memory_space<vmem>>, vector<16xf32>,
      %mul3A_561 = arith.mulf %get3A_560, %gather3A : vector<16xf32>
      %get3A_562 = arith.index_cast %scan3A_95 : i32 to index
      %get3A_563 = arith.constant 608 : index
      %get3A_564 = tpu.vector_load %arg12[%get3A_562, %get3A_563] {strides = array<i32>} : memref<16x1024xf32, #tpu.memory_space<vmem>>, vector<16xf32>,
      %mul3A_565 = arith.mulf %get3A_564, %sub3A_102 : vector<16xf32>
      %add3A_566 = arith.addf %mul3A_561, %mul3A_565 : vector<16xf32>
      %swap3A_567 = arith.index_cast %scan3A_95 : i32 to index
      %swap3A_568 = arith.constant 608 : index
      %swap3A_569 = tpu.vector_load %arg10[%swap3A_567, %swap3A_568] {strides = array<i32>} : memref<16x1024xf32, #tpu.memory_space<vmem>>, vector<16xf32>,
      tpu.vector_store %arg10[%swap3A_567, %swap3A_568], %add3A_566 {strides = array<i32>} : memref<16x1024xf32, #tpu.memory_space<vmem>>, vector<16xf32>,
      %get3A_570 = arith.index_cast %scan3A_95 : i32 to index
      %get3A_571 = arith.constant 624 : index
      %get3A_572 = tpu.vector_load %arg10[%get3A_570, %get3A_571] {strides = array<i32>} : memref<16x1024xf32, #tpu.memory_space<vmem>>, vector<16xf32>,
      %mul3A_573 = arith.mulf %get3A_572, %gather3A : vector<16xf32>
      %get3A_574 = arith.index_cast %scan3A_95 : i32 to index
      %get3A_575 = arith.constant 624 : index
      %get3A_576 = tpu.vector_load %arg12[%get3A_574, %get3A_575] {strides = array<i32>} : memref<16x1024xf32, #tpu.memory_space<vmem>>, vector<16xf32>,
      %mul3A_577 = arith.mulf %get3A_576, %sub3A_102 : vector<16xf32>
      %add3A_578 = arith.addf %mul3A_573, %mul3A_577 : vector<16xf32>
      %swap3A_579 = arith.index_cast %scan3A_95 : i32 to index
      %swap3A_580 = arith.constant 624 : index
      %swap3A_581 = tpu.vector_load %arg10[%swap3A_579, %swap3A_580] {strides = array<i32>} : memref<16x1024xf32, #tpu.memory_space<vmem>>, vector<16xf32>,
      tpu.vector_store %arg10[%swap3A_579, %swap3A_580], %add3A_578 {strides = array<i32>} : memref<16x1024xf32, #tpu.memory_space<vmem>>, vector<16xf32>,
      %get3A_582 = arith.index_cast %scan3A_95 : i32 to index
      %get3A_583 = arith.constant 640 : index
      %get3A_584 = tpu.vector_load %arg10[%get3A_582, %get3A_583] {strides = array<i32>} : memref<16x1024xf32, #tpu.memory_space<vmem>>, vector<16xf32>,
      %mul3A_585 = arith.mulf %get3A_584, %gather3A : vector<16xf32>
      %get3A_586 = arith.index_cast %scan3A_95 : i32 to index
      %get3A_587 = arith.constant 640 : index
      %get3A_588 = tpu.vector_load %arg12[%get3A_586, %get3A_587] {strides = array<i32>} : memref<16x1024xf32, #tpu.memory_space<vmem>>, vector<16xf32>,
      %mul3A_589 = arith.mulf %get3A_588, %sub3A_102 : vector<16xf32>
      %add3A_590 = arith.addf %mul3A_585, %mul3A_589 : vector<16xf32>
      %swap3A_591 = arith.index_cast %scan3A_95 : i32 to index
      %swap3A_592 = arith.constant 640 : index
      %swap3A_593 = tpu.vector_load %arg10[%swap3A_591, %swap3A_592] {strides = array<i32>} : memref<16x1024xf32, #tpu.memory_space<vmem>>, vector<16xf32>,
      tpu.vector_store %arg10[%swap3A_591, %swap3A_592], %add3A_590 {strides = array<i32>} : memref<16x1024xf32, #tpu.memory_space<vmem>>, vector<16xf32>,
      %get3A_594 = arith.index_cast %scan3A_95 : i32 to index
      %get3A_595 = arith.constant 656 : index
      %get3A_596 = tpu.vector_load %arg10[%get3A_594, %get3A_595] {strides = array<i32>} : memref<16x1024xf32, #tpu.memory_space<vmem>>, vector<16xf32>,
      %mul3A_597 = arith.mulf %get3A_596, %gather3A : vector<16xf32>
      %get3A_598 = arith.index_cast %scan3A_95 : i32 to index
      %get3A_599 = arith.constant 656 : index
      %get3A_600 = tpu.vector_load %arg12[%get3A_598, %get3A_599] {strides = array<i32>} : memref<16x1024xf32, #tpu.memory_space<vmem>>, vector<16xf32>,
      %mul3A_601 = arith.mulf %get3A_600, %sub3A_102 : vector<16xf32>
      %add3A_602 = arith.addf %mul3A_597, %mul3A_601 : vector<16xf32>
      %swap3A_603 = arith.index_cast %scan3A_95 : i32 to index
      %swap3A_604 = arith.constant 656 : index
      %swap3A_605 = tpu.vector_load %arg10[%swap3A_603, %swap3A_604] {strides = array<i32>} : memref<16x1024xf32, #tpu.memory_space<vmem>>, vector<16xf32>,
      tpu.vector_store %arg10[%swap3A_603, %swap3A_604], %add3A_602 {strides = array<i32>} : memref<16x1024xf32, #tpu.memory_space<vmem>>, vector<16xf32>,
      %get3A_606 = arith.index_cast %scan3A_95 : i32 to index
      %get3A_607 = arith.constant 672 : index
      %get3A_608 = tpu.vector_load %arg10[%get3A_606, %get3A_607] {strides = array<i32>} : memref<16x1024xf32, #tpu.memory_space<vmem>>, vector<16xf32>,
      %mul3A_609 = arith.mulf %get3A_608, %gather3A : vector<16xf32>
      %get3A_610 = arith.index_cast %scan3A_95 : i32 to index
      %get3A_611 = arith.constant 672 : index
      %get3A_612 = tpu.vector_load %arg12[%get3A_610, %get3A_611] {strides = array<i32>} : memref<16x1024xf32, #tpu.memory_space<vmem>>, vector<16xf32>,
      %mul3A_613 = arith.mulf %get3A_612, %sub3A_102 : vector<16xf32>
      %add3A_614 = arith.addf %mul3A_609, %mul3A_613 : vector<16xf32>
      %swap3A_615 = arith.index_cast %scan3A_95 : i32 to index
      %swap3A_616 = arith.constant 672 : index
      %swap3A_617 = tpu.vector_load %arg10[%swap3A_615, %swap3A_616] {strides = array<i32>} : memref<16x1024xf32, #tpu.memory_space<vmem>>, vector<16xf32>,
      tpu.vector_store %arg10[%swap3A_615, %swap3A_616], %add3A_614 {strides = array<i32>} : memref<16x1024xf32, #tpu.memory_space<vmem>>, vector<16xf32>,
      %get3A_618 = arith.index_cast %scan3A_95 : i32 to index
      %get3A_619 = arith.constant 688 : index
      %get3A_620 = tpu.vector_load %arg10[%get3A_618, %get3A_619] {strides = array<i32>} : memref<16x1024xf32, #tpu.memory_space<vmem>>, vector<16xf32>,
      %mul3A_621 = arith.mulf %get3A_620, %gather3A : vector<16xf32>
      %get3A_622 = arith.index_cast %scan3A_95 : i32 to index
      %get3A_623 = arith.constant 688 : index
      %get3A_624 = tpu.vector_load %arg12[%get3A_622, %get3A_623] {strides = array<i32>} : memref<16x1024xf32, #tpu.memory_space<vmem>>, vector<16xf32>,
      %mul3A_625 = arith.mulf %get3A_624, %sub3A_102 : vector<16xf32>
      %add3A_626 = arith.addf %mul3A_621, %mul3A_625 : vector<16xf32>
      %swap3A_627 = arith.index_cast %scan3A_95 : i32 to index
      %swap3A_628 = arith.constant 688 : index
      %swap3A_629 = tpu.vector_load %arg10[%swap3A_627, %swap3A_628] {strides = array<i32>} : memref<16x1024xf32, #tpu.memory_space<vmem>>, vector<16xf32>,
      tpu.vector_store %arg10[%swap3A_627, %swap3A_628], %add3A_626 {strides = array<i32>} : memref<16x1024xf32, #tpu.memory_space<vmem>>, vector<16xf32>,
      %get3A_630 = arith.index_cast %scan3A_95 : i32 to index
      %get3A_631 = arith.constant 704 : index
      %get3A_632 = tpu.vector_load %arg10[%get3A_630, %get3A_631] {strides = array<i32>} : memref<16x1024xf32, #tpu.memory_space<vmem>>, vector<16xf32>,
      %mul3A_633 = arith.mulf %get3A_632, %gather3A : vector<16xf32>
      %get3A_634 = arith.index_cast %scan3A_95 : i32 to index
      %get3A_635 = arith.constant 704 : index
      %get3A_636 = tpu.vector_load %arg12[%get3A_634, %get3A_635] {strides = array<i32>} : memref<16x1024xf32, #tpu.memory_space<vmem>>, vector<16xf32>,
      %mul3A_637 = arith.mulf %get3A_636, %sub3A_102 : vector<16xf32>
      %add3A_638 = arith.addf %mul3A_633, %mul3A_637 : vector<16xf32>
      %swap3A_639 = arith.index_cast %scan3A_95 : i32 to index
      %swap3A_640 = arith.constant 704 : index
      %swap3A_641 = tpu.vector_load %arg10[%swap3A_639, %swap3A_640] {strides = array<i32>} : memref<16x1024xf32, #tpu.memory_space<vmem>>, vector<16xf32>,
      tpu.vector_store %arg10[%swap3A_639, %swap3A_640], %add3A_638 {strides = array<i32>} : memref<16x1024xf32, #tpu.memory_space<vmem>>, vector<16xf32>,
      %get3A_642 = arith.index_cast %scan3A_95 : i32 to index
      %get3A_643 = arith.constant 720 : index
      %get3A_644 = tpu.vector_load %arg10[%get3A_642, %get3A_643] {strides = array<i32>} : memref<16x1024xf32, #tpu.memory_space<vmem>>, vector<16xf32>,
      %mul3A_645 = arith.mulf %get3A_644, %gather3A : vector<16xf32>
      %get3A_646 = arith.index_cast %scan3A_95 : i32 to index
      %get3A_647 = arith.constant 720 : index
      %get3A_648 = tpu.vector_load %arg12[%get3A_646, %get3A_647] {strides = array<i32>} : memref<16x1024xf32, #tpu.memory_space<vmem>>, vector<16xf32>,
      %mul3A_649 = arith.mulf %get3A_648, %sub3A_102 : vector<16xf32>
      %add3A_650 = arith.addf %mul3A_645, %mul3A_649 : vector<16xf32>
      %swap3A_651 = arith.index_cast %scan3A_95 : i32 to index
      %swap3A_652 = arith.constant 720 : index
      %swap3A_653 = tpu.vector_load %arg10[%swap3A_651, %swap3A_652] {strides = array<i32>} : memref<16x1024xf32, #tpu.memory_space<vmem>>, vector<16xf32>,
      tpu.vector_store %arg10[%swap3A_651, %swap3A_652], %add3A_650 {strides = array<i32>} : memref<16x1024xf32, #tpu.memory_space<vmem>>, vector<16xf32>,
      %get3A_654 = arith.index_cast %scan3A_95 : i32 to index
      %get3A_655 = arith.constant 736 : index
      %get3A_656 = tpu.vector_load %arg10[%get3A_654, %get3A_655] {strides = array<i32>} : memref<16x1024xf32, #tpu.memory_space<vmem>>, vector<16xf32>,
      %mul3A_657 = arith.mulf %get3A_656, %gather3A : vector<16xf32>
      %get3A_658 = arith.index_cast %scan3A_95 : i32 to index
      %get3A_659 = arith.constant 736 : index
      %get3A_660 = tpu.vector_load %arg12[%get3A_658, %get3A_659] {strides = array<i32>} : memref<16x1024xf32, #tpu.memory_space<vmem>>, vector<16xf32>,
      %mul3A_661 = arith.mulf %get3A_660, %sub3A_102 : vector<16xf32>
      %add3A_662 = arith.addf %mul3A_657, %mul3A_661 : vector<16xf32>
      %swap3A_663 = arith.index_cast %scan3A_95 : i32 to index
      %swap3A_664 = arith.constant 736 : index
      %swap3A_665 = tpu.vector_load %arg10[%swap3A_663, %swap3A_664] {strides = array<i32>} : memref<16x1024xf32, #tpu.memory_space<vmem>>, vector<16xf32>,
      tpu.vector_store %arg10[%swap3A_663, %swap3A_664], %add3A_662 {strides = array<i32>} : memref<16x1024xf32, #tpu.memory_space<vmem>>, vector<16xf32>,
      %get3A_666 = arith.index_cast %scan3A_95 : i32 to index
      %get3A_667 = arith.constant 752 : index
      %get3A_668 = tpu.vector_load %arg10[%get3A_666, %get3A_667] {strides = array<i32>} : memref<16x1024xf32, #tpu.memory_space<vmem>>, vector<16xf32>,
      %mul3A_669 = arith.mulf %get3A_668, %gather3A : vector<16xf32>
      %get3A_670 = arith.index_cast %scan3A_95 : i32 to index
      %get3A_671 = arith.constant 752 : index
      %get3A_672 = tpu.vector_load %arg12[%get3A_670, %get3A_671] {strides = array<i32>} : memref<16x1024xf32, #tpu.memory_space<vmem>>, vector<16xf32>,
      %mul3A_673 = arith.mulf %get3A_672, %sub3A_102 : vector<16xf32>
      %add3A_674 = arith.addf %mul3A_669, %mul3A_673 : vector<16xf32>
      %swap3A_675 = arith.index_cast %scan3A_95 : i32 to index
      %swap3A_676 = arith.constant 752 : index
      %swap3A_677 = tpu.vector_load %arg10[%swap3A_675, %swap3A_676] {strides = array<i32>} : memref<16x1024xf32, #tpu.memory_space<vmem>>, vector<16xf32>,
      tpu.vector_store %arg10[%swap3A_675, %swap3A_676], %add3A_674 {strides = array<i32>} : memref<16x1024xf32, #tpu.memory_space<vmem>>, vector<16xf32>,
      %get3A_678 = arith.index_cast %scan3A_95 : i32 to index
      %get3A_679 = arith.constant 768 : index
      %get3A_680 = tpu.vector_load %arg10[%get3A_678, %get3A_679] {strides = array<i32>} : memref<16x1024xf32, #tpu.memory_space<vmem>>, vector<16xf32>,
      %mul3A_681 = arith.mulf %get3A_680, %gather3A : vector<16xf32>
      %get3A_682 = arith.index_cast %scan3A_95 : i32 to index
      %get3A_683 = arith.constant 768 : index
      %get3A_684 = tpu.vector_load %arg12[%get3A_682, %get3A_683] {strides = array<i32>} : memref<16x1024xf32, #tpu.memory_space<vmem>>, vector<16xf32>,
      %mul3A_685 = arith.mulf %get3A_684, %sub3A_102 : vector<16xf32>
      %add3A_686 = arith.addf %mul3A_681, %mul3A_685 : vector<16xf32>
      %swap3A_687 = arith.index_cast %scan3A_95 : i32 to index
      %swap3A_688 = arith.constant 768 : index
      %swap3A_689 = tpu.vector_load %arg10[%swap3A_687, %swap3A_688] {strides = array<i32>} : memref<16x1024xf32, #tpu.memory_space<vmem>>, vector<16xf32>,
      tpu.vector_store %arg10[%swap3A_687, %swap3A_688], %add3A_686 {strides = array<i32>} : memref<16x1024xf32, #tpu.memory_space<vmem>>, vector<16xf32>,
      %get3A_690 = arith.index_cast %scan3A_95 : i32 to index
      %get3A_691 = arith.constant 784 : index
      %get3A_692 = tpu.vector_load %arg10[%get3A_690, %get3A_691] {strides = array<i32>} : memref<16x1024xf32, #tpu.memory_space<vmem>>, vector<16xf32>,
      %mul3A_693 = arith.mulf %get3A_692, %gather3A : vector<16xf32>
      %get3A_694 = arith.index_cast %scan3A_95 : i32 to index
      %get3A_695 = arith.constant 784 : index
      %get3A_696 = tpu.vector_load %arg12[%get3A_694, %get3A_695] {strides = array<i32>} : memref<16x1024xf32, #tpu.memory_space<vmem>>, vector<16xf32>,
      %mul3A_697 = arith.mulf %get3A_696, %sub3A_102 : vector<16xf32>
      %add3A_698 = arith.addf %mul3A_693, %mul3A_697 : vector<16xf32>
      %swap3A_699 = arith.index_cast %scan3A_95 : i32 to index
      %swap3A_700 = arith.constant 784 : index
      %swap3A_701 = tpu.vector_load %arg10[%swap3A_699, %swap3A_700] {strides = array<i32>} : memref<16x1024xf32, #tpu.memory_space<vmem>>, vector<16xf32>,
      tpu.vector_store %arg10[%swap3A_699, %swap3A_700], %add3A_698 {strides = array<i32>} : memref<16x1024xf32, #tpu.memory_space<vmem>>, vector<16xf32>,
      %get3A_702 = arith.index_cast %scan3A_95 : i32 to index
      %get3A_703 = arith.constant 800 : index
      %get3A_704 = tpu.vector_load %arg10[%get3A_702, %get3A_703] {strides = array<i32>} : memref<16x1024xf32, #tpu.memory_space<vmem>>, vector<16xf32>,
      %mul3A_705 = arith.mulf %get3A_704, %gather3A : vector<16xf32>
      %get3A_706 = arith.index_cast %scan3A_95 : i32 to index
      %get3A_707 = arith.constant 800 : index
      %get3A_708 = tpu.vector_load %arg12[%get3A_706, %get3A_707] {strides = array<i32>} : memref<16x1024xf32, #tpu.memory_space<vmem>>, vector<16xf32>,
      %mul3A_709 = arith.mulf %get3A_708, %sub3A_102 : vector<16xf32>
      %add3A_710 = arith.addf %mul3A_705, %mul3A_709 : vector<16xf32>
      %swap3A_711 = arith.index_cast %scan3A_95 : i32 to index
      %swap3A_712 = arith.constant 800 : index
      %swap3A_713 = tpu.vector_load %arg10[%swap3A_711, %swap3A_712] {strides = array<i32>} : memref<16x1024xf32, #tpu.memory_space<vmem>>, vector<16xf32>,
      tpu.vector_store %arg10[%swap3A_711, %swap3A_712], %add3A_710 {strides = array<i32>} : memref<16x1024xf32, #tpu.memory_space<vmem>>, vector<16xf32>,
      %get3A_714 = arith.index_cast %scan3A_95 : i32 to index
      %get3A_715 = arith.constant 816 : index
      %get3A_716 = tpu.vector_load %arg10[%get3A_714, %get3A_715] {strides = array<i32>} : memref<16x1024xf32, #tpu.memory_space<vmem>>, vector<16xf32>,
      %mul3A_717 = arith.mulf %get3A_716, %gather3A : vector<16xf32>
      %get3A_718 = arith.index_cast %scan3A_95 : i32 to index
      %get3A_719 = arith.constant 816 : index
      %get3A_720 = tpu.vector_load %arg12[%get3A_718, %get3A_719] {strides = array<i32>} : memref<16x1024xf32, #tpu.memory_space<vmem>>, vector<16xf32>,
      %mul3A_721 = arith.mulf %get3A_720, %sub3A_102 : vector<16xf32>
      %add3A_722 = arith.addf %mul3A_717, %mul3A_721 : vector<16xf32>
      %swap3A_723 = arith.index_cast %scan3A_95 : i32 to index
      %swap3A_724 = arith.constant 816 : index
      %swap3A_725 = tpu.vector_load %arg10[%swap3A_723, %swap3A_724] {strides = array<i32>} : memref<16x1024xf32, #tpu.memory_space<vmem>>, vector<16xf32>,
      tpu.vector_store %arg10[%swap3A_723, %swap3A_724], %add3A_722 {strides = array<i32>} : memref<16x1024xf32, #tpu.memory_space<vmem>>, vector<16xf32>,
      %get3A_726 = arith.index_cast %scan3A_95 : i32 to index
      %get3A_727 = arith.constant 832 : index
      %get3A_728 = tpu.vector_load %arg10[%get3A_726, %get3A_727] {strides = array<i32>} : memref<16x1024xf32, #tpu.memory_space<vmem>>, vector<16xf32>,
      %mul3A_729 = arith.mulf %get3A_728, %gather3A : vector<16xf32>
      %get3A_730 = arith.index_cast %scan3A_95 : i32 to index
      %get3A_731 = arith.constant 832 : index
      %get3A_732 = tpu.vector_load %arg12[%get3A_730, %get3A_731] {strides = array<i32>} : memref<16x1024xf32, #tpu.memory_space<vmem>>, vector<16xf32>,
      %mul3A_733 = arith.mulf %get3A_732, %sub3A_102 : vector<16xf32>
      %add3A_734 = arith.addf %mul3A_729, %mul3A_733 : vector<16xf32>
      %swap3A_735 = arith.index_cast %scan3A_95 : i32 to index
      %swap3A_736 = arith.constant 832 : index
      %swap3A_737 = tpu.vector_load %arg10[%swap3A_735, %swap3A_736] {strides = array<i32>} : memref<16x1024xf32, #tpu.memory_space<vmem>>, vector<16xf32>,
      tpu.vector_store %arg10[%swap3A_735, %swap3A_736], %add3A_734 {strides = array<i32>} : memref<16x1024xf32, #tpu.memory_space<vmem>>, vector<16xf32>,
      %get3A_738 = arith.index_cast %scan3A_95 : i32 to index
      %get3A_739 = arith.constant 848 : index
      %get3A_740 = tpu.vector_load %arg10[%get3A_738, %get3A_739] {strides = array<i32>} : memref<16x1024xf32, #tpu.memory_space<vmem>>, vector<16xf32>,
      %mul3A_741 = arith.mulf %get3A_740, %gather3A : vector<16xf32>
      %get3A_742 = arith.index_cast %scan3A_95 : i32 to index
      %get3A_743 = arith.constant 848 : index
      %get3A_744 = tpu.vector_load %arg12[%get3A_742, %get3A_743] {strides = array<i32>} : memref<16x1024xf32, #tpu.memory_space<vmem>>, vector<16xf32>,
      %mul3A_745 = arith.mulf %get3A_744, %sub3A_102 : vector<16xf32>
      %add3A_746 = arith.addf %mul3A_741, %mul3A_745 : vector<16xf32>
      %swap3A_747 = arith.index_cast %scan3A_95 : i32 to index
      %swap3A_748 = arith.constant 848 : index
      %swap3A_749 = tpu.vector_load %arg10[%swap3A_747, %swap3A_748] {strides = array<i32>} : memref<16x1024xf32, #tpu.memory_space<vmem>>, vector<16xf32>,
      tpu.vector_store %arg10[%swap3A_747, %swap3A_748], %add3A_746 {strides = array<i32>} : memref<16x1024xf32, #tpu.memory_space<vmem>>, vector<16xf32>,
      %get3A_750 = arith.index_cast %scan3A_95 : i32 to index
      %get3A_751 = arith.constant 864 : index
      %get3A_752 = tpu.vector_load %arg10[%get3A_750, %get3A_751] {strides = array<i32>} : memref<16x1024xf32, #tpu.memory_space<vmem>>, vector<16xf32>,
      %mul3A_753 = arith.mulf %get3A_752, %gather3A : vector<16xf32>
      %get3A_754 = arith.index_cast %scan3A_95 : i32 to index
      %get3A_755 = arith.constant 864 : index
      %get3A_756 = tpu.vector_load %arg12[%get3A_754, %get3A_755] {strides = array<i32>} : memref<16x1024xf32, #tpu.memory_space<vmem>>, vector<16xf32>,
      %mul3A_757 = arith.mulf %get3A_756, %sub3A_102 : vector<16xf32>
      %add3A_758 = arith.addf %mul3A_753, %mul3A_757 : vector<16xf32>
      %swap3A_759 = arith.index_cast %scan3A_95 : i32 to index
      %swap3A_760 = arith.constant 864 : index
      %swap3A_761 = tpu.vector_load %arg10[%swap3A_759, %swap3A_760] {strides = array<i32>} : memref<16x1024xf32, #tpu.memory_space<vmem>>, vector<16xf32>,
      tpu.vector_store %arg10[%swap3A_759, %swap3A_760], %add3A_758 {strides = array<i32>} : memref<16x1024xf32, #tpu.memory_space<vmem>>, vector<16xf32>,
      %get3A_762 = arith.index_cast %scan3A_95 : i32 to index
      %get3A_763 = arith.constant 880 : index
      %get3A_764 = tpu.vector_load %arg10[%get3A_762, %get3A_763] {strides = array<i32>} : memref<16x1024xf32, #tpu.memory_space<vmem>>, vector<16xf32>,
      %mul3A_765 = arith.mulf %get3A_764, %gather3A : vector<16xf32>
      %get3A_766 = arith.index_cast %scan3A_95 : i32 to index
      %get3A_767 = arith.constant 880 : index
      %get3A_768 = tpu.vector_load %arg12[%get3A_766, %get3A_767] {strides = array<i32>} : memref<16x1024xf32, #tpu.memory_space<vmem>>, vector<16xf32>,
      %mul3A_769 = arith.mulf %get3A_768, %sub3A_102 : vector<16xf32>
      %add3A_770 = arith.addf %mul3A_765, %mul3A_769 : vector<16xf32>
      %swap3A_771 = arith.index_cast %scan3A_95 : i32 to index
      %swap3A_772 = arith.constant 880 : index
      %swap3A_773 = tpu.vector_load %arg10[%swap3A_771, %swap3A_772] {strides = array<i32>} : memref<16x1024xf32, #tpu.memory_space<vmem>>, vector<16xf32>,
      tpu.vector_store %arg10[%swap3A_771, %swap3A_772], %add3A_770 {strides = array<i32>} : memref<16x1024xf32, #tpu.memory_space<vmem>>, vector<16xf32>,
      %get3A_774 = arith.index_cast %scan3A_95 : i32 to index
      %get3A_775 = arith.constant 896 : index
      %get3A_776 = tpu.vector_load %arg10[%get3A_774, %get3A_775] {strides = array<i32>} : memref<16x1024xf32, #tpu.memory_space<vmem>>, vector<16xf32>,
      %mul3A_777 = arith.mulf %get3A_776, %gather3A : vector<16xf32>
      %get3A_778 = arith.index_cast %scan3A_95 : i32 to index
      %get3A_779 = arith.constant 896 : index
      %get3A_780 = tpu.vector_load %arg12[%get3A_778, %get3A_779] {strides = array<i32>} : memref<16x1024xf32, #tpu.memory_space<vmem>>, vector<16xf32>,
      %mul3A_781 = arith.mulf %get3A_780, %sub3A_102 : vector<16xf32>
      %add3A_782 = arith.addf %mul3A_777, %mul3A_781 : vector<16xf32>
      %swap3A_783 = arith.index_cast %scan3A_95 : i32 to index
      %swap3A_784 = arith.constant 896 : index
      %swap3A_785 = tpu.vector_load %arg10[%swap3A_783, %swap3A_784] {strides = array<i32>} : memref<16x1024xf32, #tpu.memory_space<vmem>>, vector<16xf32>,
      tpu.vector_store %arg10[%swap3A_783, %swap3A_784], %add3A_782 {strides = array<i32>} : memref<16x1024xf32, #tpu.memory_space<vmem>>, vector<16xf32>,
      %get3A_786 = arith.index_cast %scan3A_95 : i32 to index
      %get3A_787 = arith.constant 912 : index
      %get3A_788 = tpu.vector_load %arg10[%get3A_786, %get3A_787] {strides = array<i32>} : memref<16x1024xf32, #tpu.memory_space<vmem>>, vector<16xf32>,
      %mul3A_789 = arith.mulf %get3A_788, %gather3A : vector<16xf32>
      %get3A_790 = arith.index_cast %scan3A_95 : i32 to index
      %get3A_791 = arith.constant 912 : index
      %get3A_792 = tpu.vector_load %arg12[%get3A_790, %get3A_791] {strides = array<i32>} : memref<16x1024xf32, #tpu.memory_space<vmem>>, vector<16xf32>,
      %mul3A_793 = arith.mulf %get3A_792, %sub3A_102 : vector<16xf32>
      %add3A_794 = arith.addf %mul3A_789, %mul3A_793 : vector<16xf32>
      %swap3A_795 = arith.index_cast %scan3A_95 : i32 to index
      %swap3A_796 = arith.constant 912 : index
      %swap3A_797 = tpu.vector_load %arg10[%swap3A_795, %swap3A_796] {strides = array<i32>} : memref<16x1024xf32, #tpu.memory_space<vmem>>, vector<16xf32>,
      tpu.vector_store %arg10[%swap3A_795, %swap3A_796], %add3A_794 {strides = array<i32>} : memref<16x1024xf32, #tpu.memory_space<vmem>>, vector<16xf32>,
      %get3A_798 = arith.index_cast %scan3A_95 : i32 to index
      %get3A_799 = arith.constant 928 : index
      %get3A_800 = tpu.vector_load %arg10[%get3A_798, %get3A_799] {strides = array<i32>} : memref<16x1024xf32, #tpu.memory_space<vmem>>, vector<16xf32>,
      %mul3A_801 = arith.mulf %get3A_800, %gather3A : vector<16xf32>
      %get3A_802 = arith.index_cast %scan3A_95 : i32 to index
      %get3A_803 = arith.constant 928 : index
      %get3A_804 = tpu.vector_load %arg12[%get3A_802, %get3A_803] {strides = array<i32>} : memref<16x1024xf32, #tpu.memory_space<vmem>>, vector<16xf32>,
      %mul3A_805 = arith.mulf %get3A_804, %sub3A_102 : vector<16xf32>
      %add3A_806 = arith.addf %mul3A_801, %mul3A_805 : vector<16xf32>
      %swap3A_807 = arith.index_cast %scan3A_95 : i32 to index
      %swap3A_808 = arith.constant 928 : index
      %swap3A_809 = tpu.vector_load %arg10[%swap3A_807, %swap3A_808] {strides = array<i32>} : memref<16x1024xf32, #tpu.memory_space<vmem>>, vector<16xf32>,
      tpu.vector_store %arg10[%swap3A_807, %swap3A_808], %add3A_806 {strides = array<i32>} : memref<16x1024xf32, #tpu.memory_space<vmem>>, vector<16xf32>,
      %get3A_810 = arith.index_cast %scan3A_95 : i32 to index
      %get3A_811 = arith.constant 944 : index
      %get3A_812 = tpu.vector_load %arg10[%get3A_810, %get3A_811] {strides = array<i32>} : memref<16x1024xf32, #tpu.memory_space<vmem>>, vector<16xf32>,
      %mul3A_813 = arith.mulf %get3A_812, %gather3A : vector<16xf32>
      %get3A_814 = arith.index_cast %scan3A_95 : i32 to index
      %get3A_815 = arith.constant 944 : index
      %get3A_816 = tpu.vector_load %arg12[%get3A_814, %get3A_815] {strides = array<i32>} : memref<16x1024xf32, #tpu.memory_space<vmem>>, vector<16xf32>,
      %mul3A_817 = arith.mulf %get3A_816, %sub3A_102 : vector<16xf32>
      %add3A_818 = arith.addf %mul3A_813, %mul3A_817 : vector<16xf32>
      %swap3A_819 = arith.index_cast %scan3A_95 : i32 to index
      %swap3A_820 = arith.constant 944 : index
      %swap3A_821 = tpu.vector_load %arg10[%swap3A_819, %swap3A_820] {strides = array<i32>} : memref<16x1024xf32, #tpu.memory_space<vmem>>, vector<16xf32>,
      tpu.vector_store %arg10[%swap3A_819, %swap3A_820], %add3A_818 {strides = array<i32>} : memref<16x1024xf32, #tpu.memory_space<vmem>>, vector<16xf32>,
      %get3A_822 = arith.index_cast %scan3A_95 : i32 to index
      %get3A_823 = arith.constant 960 : index
      %get3A_824 = tpu.vector_load %arg10[%get3A_822, %get3A_823] {strides = array<i32>} : memref<16x1024xf32, #tpu.memory_space<vmem>>, vector<16xf32>,
      %mul3A_825 = arith.mulf %get3A_824, %gather3A : vector<16xf32>
      %get3A_826 = arith.index_cast %scan3A_95 : i32 to index
      %get3A_827 = arith.constant 960 : index
      %get3A_828 = tpu.vector_load %arg12[%get3A_826, %get3A_827] {strides = array<i32>} : memref<16x1024xf32, #tpu.memory_space<vmem>>, vector<16xf32>,
      %mul3A_829 = arith.mulf %get3A_828, %sub3A_102 : vector<16xf32>
      %add3A_830 = arith.addf %mul3A_825, %mul3A_829 : vector<16xf32>
      %swap3A_831 = arith.index_cast %scan3A_95 : i32 to index
      %swap3A_832 = arith.constant 960 : index
      %swap3A_833 = tpu.vector_load %arg10[%swap3A_831, %swap3A_832] {strides = array<i32>} : memref<16x1024xf32, #tpu.memory_space<vmem>>, vector<16xf32>,
      tpu.vector_store %arg10[%swap3A_831, %swap3A_832], %add3A_830 {strides = array<i32>} : memref<16x1024xf32, #tpu.memory_space<vmem>>, vector<16xf32>,
      %get3A_834 = arith.index_cast %scan3A_95 : i32 to index
      %get3A_835 = arith.constant 976 : index
      %get3A_836 = tpu.vector_load %arg10[%get3A_834, %get3A_835] {strides = array<i32>} : memref<16x1024xf32, #tpu.memory_space<vmem>>, vector<16xf32>,
      %mul3A_837 = arith.mulf %get3A_836, %gather3A : vector<16xf32>
      %get3A_838 = arith.index_cast %scan3A_95 : i32 to index
      %get3A_839 = arith.constant 976 : index
      %get3A_840 = tpu.vector_load %arg12[%get3A_838, %get3A_839] {strides = array<i32>} : memref<16x1024xf32, #tpu.memory_space<vmem>>, vector<16xf32>,
      %mul3A_841 = arith.mulf %get3A_840, %sub3A_102 : vector<16xf32>
      %add3A_842 = arith.addf %mul3A_837, %mul3A_841 : vector<16xf32>
      %swap3A_843 = arith.index_cast %scan3A_95 : i32 to index
      %swap3A_844 = arith.constant 976 : index
      %swap3A_845 = tpu.vector_load %arg10[%swap3A_843, %swap3A_844] {strides = array<i32>} : memref<16x1024xf32, #tpu.memory_space<vmem>>, vector<16xf32>,
      tpu.vector_store %arg10[%swap3A_843, %swap3A_844], %add3A_842 {strides = array<i32>} : memref<16x1024xf32, #tpu.memory_space<vmem>>, vector<16xf32>,
      %get3A_846 = arith.index_cast %scan3A_95 : i32 to index
      %get3A_847 = arith.constant 992 : index
      %get3A_848 = tpu.vector_load %arg10[%get3A_846, %get3A_847] {strides = array<i32>} : memref<16x1024xf32, #tpu.memory_space<vmem>>, vector<16xf32>,
      %mul3A_849 = arith.mulf %get3A_848, %gather3A : vector<16xf32>
      %get3A_850 = arith.index_cast %scan3A_95 : i32 to index
      %get3A_851 = arith.constant 992 : index
      %get3A_852 = tpu.vector_load %arg12[%get3A_850, %get3A_851] {strides = array<i32>} : memref<16x1024xf32, #tpu.memory_space<vmem>>, vector<16xf32>,
      %mul3A_853 = arith.mulf %get3A_852, %sub3A_102 : vector<16xf32>
      %add3A_854 = arith.addf %mul3A_849, %mul3A_853 : vector<16xf32>
      %swap3A_855 = arith.index_cast %scan3A_95 : i32 to index
      %swap3A_856 = arith.constant 992 : index
      %swap3A_857 = tpu.vector_load %arg10[%swap3A_855, %swap3A_856] {strides = array<i32>} : memref<16x1024xf32, #tpu.memory_space<vmem>>, vector<16xf32>,
      tpu.vector_store %arg10[%swap3A_855, %swap3A_856], %add3A_854 {strides = array<i32>} : memref<16x1024xf32, #tpu.memory_space<vmem>>, vector<16xf32>,
      %get3A_858 = arith.index_cast %scan3A_95 : i32 to index
      %get3A_859 = arith.constant 1008 : index
      %get3A_860 = tpu.vector_load %arg10[%get3A_858, %get3A_859] {strides = array<i32>} : memref<16x1024xf32, #tpu.memory_space<vmem>>, vector<16xf32>,
      %mul3A_861 = arith.mulf %get3A_860, %gather3A : vector<16xf32>
      %get3A_862 = arith.index_cast %scan3A_95 : i32 to index
      %get3A_863 = arith.constant 1008 : index
      %get3A_864 = tpu.vector_load %arg12[%get3A_862, %get3A_863] {strides = array<i32>} : memref<16x1024xf32, #tpu.memory_space<vmem>>, vector<16xf32>,
      %mul3A_865 = arith.mulf %get3A_864, %sub3A_102 : vector<16xf32>
      %add3A_866 = arith.addf %mul3A_861, %mul3A_865 : vector<16xf32>
      %swap3A_867 = arith.index_cast %scan3A_95 : i32 to index
      %swap3A_868 = arith.constant 1008 : index
      %swap3A_869 = tpu.vector_load %arg10[%swap3A_867, %swap3A_868] {strides = array<i32>} : memref<16x1024xf32, #tpu.memory_space<vmem>>, vector<16xf32>,
      tpu.vector_store %arg10[%swap3A_867, %swap3A_868], %add3A_866 {strides = array<i32>} : memref<16x1024xf32, #tpu.memory_space<vmem>>, vector<16xf32>,
    }
    %scan3A_30 = arith.constant 16 : i32
    %add3A_31 = arith.constant 0 : i32
    %add3A_32 = arith.addi %mul3A_2, %add3A_31 : i32
    "tpu.region"() ({
      %run_scoped3A = tpu.sem_alloc : memref<!tpu.dma_semaphore, #tpu.memory_space<semaphore_mem>>
      %dma_start3A_95 = arith.constant 0 : i32
      %dma_start3A_96 = tpu.memref_slice %arg6[%add3A_32, %dma_start3A_95] : memref<2048x1024xf32, #tpu.memory_space<hbm>> -> memref<16x1024xf32, #tpu.memory_space<hbm>>
      %dma_start3A_97 = arith.constant 0 : i32
      %dma_start3A_98 = tpu.memref_slice %arg6[%add3A_32, %dma_start3A_97] : memref<2048x1024xf32, #tpu.memory_space<hbm>> -> memref<16x1024xf32, #tpu.memory_space<hbm>>
      tpu.enqueue_dma source(%arg10 : memref<16x1024xf32, #tpu.memory_space<vmem>>) target(%dma_start3A_98 : memref<16x1024xf32, #tpu.memory_space<hbm>>) target_semaphore(%run_scoped3A : memref<!tpu.dma_semaphore, #tpu.memory_space<semaphore_mem>>)
      %dma_wait3A_99 = arith.constant 0 : i32
      %dma_wait3A_100 = tpu.memref_slice %arg6[%add3A_32, %dma_wait3A_99] : memref<2048x1024xf32, #tpu.memory_space<hbm>> -> memref<16x1024xf32, #tpu.memory_space<hbm>>
      %dma_wait3A_101 = arith.constant 0 : i32
      %dma_wait3A_102 = tpu.memref_slice %arg6[%add3A_32, %dma_wait3A_101] : memref<2048x1024xf32, #tpu.memory_space<hbm>> -> memref<16x1024xf32, #tpu.memory_space<hbm>>
      tpu.wait_dma2 semaphore(%run_scoped3A : memref<!tpu.dma_semaphore, #tpu.memory_space<semaphore_mem>>) src(%arg10 : memref<16x1024xf32, #tpu.memory_space<vmem>>) dst(%dma_wait3A_102 : memref<16x1024xf32, #tpu.memory_space<hbm>>)
      tpu.yield
    }) : () -> ()
    %dma_wait3A_33 = arith.constant 0 : i32
    %dma_wait3A_34 = arith.constant 0 : i32
    %dma_wait3A_35 = tpu.memref_slice %arg2[%dma_wait3A_33, %dma_wait3A_34] : memref<5888x1024xf32, #tpu.memory_space<hbm>> -> memref<5888x1024xf32, #tpu.memory_space<hbm>>
    tpu.wait_indirect_dma semaphore(%arg15 : memref<!tpu.dma_semaphore, #tpu.memory_space<semaphore_mem>>) src(%dma_wait3A_35 : memref<5888x1024xf32, #tpu.memory_space<hbm>>) dst(%arg11 : memref<16x1024xf32, #tpu.memory_space<vmem>>)
    %dma_wait3A_36 = arith.constant 0 : i32
    %dma_wait3A_37 = arith.constant 0 : i32
    %dma_wait3A_38 = tpu.memref_slice %arg2[%dma_wait3A_36, %dma_wait3A_37] : memref<5888x1024xf32, #tpu.memory_space<hbm>> -> memref<5888x1024xf32, #tpu.memory_space<hbm>>
    tpu.wait_indirect_dma semaphore(%arg17 : memref<!tpu.dma_semaphore, #tpu.memory_space<semaphore_mem>>) src(%dma_wait3A_38 : memref<5888x1024xf32, #tpu.memory_space<hbm>>) dst(%arg13 : memref<16x1024xf32, #tpu.memory_space<vmem>>)
    %get3A_39 = arith.constant 32 : index
    %get3A_40 = tpu.vector_load %arg7[%get3A_39] {strides = array<i32>} : memref<64xi32, #tpu.memory_space<vmem>>, vector<16xi32>,
    %get3A_41 = arith.constant 32 : index
    %get3A_42 = tpu.vector_load %arg8[%get3A_41] {strides = array<i32>} : memref<64xi32, #tpu.memory_space<vmem>>, vector<16xi32>,
    %dma_start3A_43 = arith.constant 0 : i32
    %dma_start3A_44 = arith.constant 0 : i32
    %dma_start3A_45 = tpu.memref_slice %arg2[%dma_start3A_43, %dma_start3A_44] : memref<5888x1024xf32, #tpu.memory_space<hbm>> -> memref<5888x1024xf32, #tpu.memory_space<hbm>>
    tpu.enqueue_indirect_dma source(%dma_start3A_45 : memref<5888x1024xf32, #tpu.memory_space<hbm>>) target(%arg10 : memref<16x1024xf32, #tpu.memory_space<vmem>>) offsets(%get3A_40 : vector<16xi32>) semaphore(%arg14 : memref<!tpu.dma_semaphore, #tpu.memory_space<semaphore_mem>>)
    %dma_start3A_46 = arith.constant 0 : i32
    %dma_start3A_47 = arith.constant 0 : i32
    %dma_start3A_48 = tpu.memref_slice %arg2[%dma_start3A_46, %dma_start3A_47] : memref<5888x1024xf32, #tpu.memory_space<hbm>> -> memref<5888x1024xf32, #tpu.memory_space<hbm>>
    tpu.enqueue_indirect_dma source(%dma_start3A_48 : memref<5888x1024xf32, #tpu.memory_space<hbm>>) target(%arg12 : memref<16x1024xf32, #tpu.memory_space<vmem>>) offsets(%get3A_42 : vector<16xi32>) semaphore(%arg16 : memref<!tpu.dma_semaphore, #tpu.memory_space<semaphore_mem>>)
    %scan3A_49 = arith.constant 0 : i32
    %scan3A_50 = arith.constant 0 : i32
    %scan3A_51 = arith.constant 16 : i32
    %scan3A_52 = arith.addi %scan3A_50, %scan3A_51 : i32
    %scan3A_53 = arith.constant 1 : i32
    scf.for %scan3A_95 = %scan3A_50 to %scan3A_52 step %scan3A_53  : i32 {
      %broadcast_in_dim3A = arith.constant 0 : i32
      %broadcast_in_dim3A_96 = vector.broadcast %broadcast_in_dim3A : i32 to vector<16xi32>
      %add3A_97 = arith.constant 16 : i32
      %add3A_98 = arith.addi %add3A_97, %scan3A_95 : i32
      %add3A_99 = vector.broadcast %add3A_98 : i32 to vector<16xi32>
      %add3A_100 = arith.addi %broadcast_in_dim3A_96, %add3A_99 : vector<16xi32>
      %gather3A = tpu.vector_load_idx %arg9[%add3A_100] : memref<64xf32, #tpu.memory_space<vmem>>[vector<16xi32>], vector<16xf32>,
      %sub3A = arith.constant 1.000000e+00 : f32
      %sub3A_101 = vector.broadcast %sub3A : f32 to vector<16xf32>
      %sub3A_102 = arith.subf %sub3A_101, %gather3A : vector<16xf32>
      %get3A_103 = arith.index_cast %scan3A_95 : i32 to index
      %get3A_104 = arith.constant 0 : index
      %get3A_105 = tpu.vector_load %arg11[%get3A_103, %get3A_104] {strides = array<i32>} : memref<16x1024xf32, #tpu.memory_space<vmem>>, vector<16xf32>,
      %mul3A_106 = arith.mulf %get3A_105, %gather3A : vector<16xf32>
      %get3A_107 = arith.index_cast %scan3A_95 : i32 to index
      %get3A_108 = arith.constant 0 : index
      %get3A_109 = tpu.vector_load %arg13[%get3A_107, %get3A_108] {strides = array<i32>} : memref<16x1024xf32, #tpu.memory_space<vmem>>, vector<16xf32>,
      %mul3A_110 = arith.mulf %get3A_109, %sub3A_102 : vector<16xf32>
      %add3A_111 = arith.addf %mul3A_106, %mul3A_110 : vector<16xf32>
      %swap3A = arith.index_cast %scan3A_95 : i32 to index
      %swap3A_112 = arith.constant 0 : index
      %swap3A_113 = tpu.vector_load %arg11[%swap3A, %swap3A_112] {strides = array<i32>} : memref<16x1024xf32, #tpu.memory_space<vmem>>, vector<16xf32>,
      tpu.vector_store %arg11[%swap3A, %swap3A_112], %add3A_111 {strides = array<i32>} : memref<16x1024xf32, #tpu.memory_space<vmem>>, vector<16xf32>,
      %get3A_114 = arith.index_cast %scan3A_95 : i32 to index
      %get3A_115 = arith.constant 16 : index
      %get3A_116 = tpu.vector_load %arg11[%get3A_114, %get3A_115] {strides = array<i32>} : memref<16x1024xf32, #tpu.memory_space<vmem>>, vector<16xf32>,
      %mul3A_117 = arith.mulf %get3A_116, %gather3A : vector<16xf32>
      %get3A_118 = arith.index_cast %scan3A_95 : i32 to index
      %get3A_119 = arith.constant 16 : index
      %get3A_120 = tpu.vector_load %arg13[%get3A_118, %get3A_119] {strides = array<i32>} : memref<16x1024xf32, #tpu.memory_space<vmem>>, vector<16xf32>,
      %mul3A_121 = arith.mulf %get3A_120, %sub3A_102 : vector<16xf32>
      %add3A_122 = arith.addf %mul3A_117, %mul3A_121 : vector<16xf32>
      %swap3A_123 = arith.index_cast %scan3A_95 : i32 to index
      %swap3A_124 = arith.constant 16 : index
      %swap3A_125 = tpu.vector_load %arg11[%swap3A_123, %swap3A_124] {strides = array<i32>} : memref<16x1024xf32, #tpu.memory_space<vmem>>, vector<16xf32>,
      tpu.vector_store %arg11[%swap3A_123, %swap3A_124], %add3A_122 {strides = array<i32>} : memref<16x1024xf32, #tpu.memory_space<vmem>>, vector<16xf32>,
      %get3A_126 = arith.index_cast %scan3A_95 : i32 to index
      %get3A_127 = arith.constant 32 : index
      %get3A_128 = tpu.vector_load %arg11[%get3A_126, %get3A_127] {strides = array<i32>} : memref<16x1024xf32, #tpu.memory_space<vmem>>, vector<16xf32>,
      %mul3A_129 = arith.mulf %get3A_128, %gather3A : vector<16xf32>
      %get3A_130 = arith.index_cast %scan3A_95 : i32 to index
      %get3A_131 = arith.constant 32 : index
      %get3A_132 = tpu.vector_load %arg13[%get3A_130, %get3A_131] {strides = array<i32>} : memref<16x1024xf32, #tpu.memory_space<vmem>>, vector<16xf32>,
      %mul3A_133 = arith.mulf %get3A_132, %sub3A_102 : vector<16xf32>
      %add3A_134 = arith.addf %mul3A_129, %mul3A_133 : vector<16xf32>
      %swap3A_135 = arith.index_cast %scan3A_95 : i32 to index
      %swap3A_136 = arith.constant 32 : index
      %swap3A_137 = tpu.vector_load %arg11[%swap3A_135, %swap3A_136] {strides = array<i32>} : memref<16x1024xf32, #tpu.memory_space<vmem>>, vector<16xf32>,
      tpu.vector_store %arg11[%swap3A_135, %swap3A_136], %add3A_134 {strides = array<i32>} : memref<16x1024xf32, #tpu.memory_space<vmem>>, vector<16xf32>,
      %get3A_138 = arith.index_cast %scan3A_95 : i32 to index
      %get3A_139 = arith.constant 48 : index
      %get3A_140 = tpu.vector_load %arg11[%get3A_138, %get3A_139] {strides = array<i32>} : memref<16x1024xf32, #tpu.memory_space<vmem>>, vector<16xf32>,
      %mul3A_141 = arith.mulf %get3A_140, %gather3A : vector<16xf32>
      %get3A_142 = arith.index_cast %scan3A_95 : i32 to index
      %get3A_143 = arith.constant 48 : index
      %get3A_144 = tpu.vector_load %arg13[%get3A_142, %get3A_143] {strides = array<i32>} : memref<16x1024xf32, #tpu.memory_space<vmem>>, vector<16xf32>,
      %mul3A_145 = arith.mulf %get3A_144, %sub3A_102 : vector<16xf32>
      %add3A_146 = arith.addf %mul3A_141, %mul3A_145 : vector<16xf32>
      %swap3A_147 = arith.index_cast %scan3A_95 : i32 to index
      %swap3A_148 = arith.constant 48 : index
      %swap3A_149 = tpu.vector_load %arg11[%swap3A_147, %swap3A_148] {strides = array<i32>} : memref<16x1024xf32, #tpu.memory_space<vmem>>, vector<16xf32>,
      tpu.vector_store %arg11[%swap3A_147, %swap3A_148], %add3A_146 {strides = array<i32>} : memref<16x1024xf32, #tpu.memory_space<vmem>>, vector<16xf32>,
      %get3A_150 = arith.index_cast %scan3A_95 : i32 to index
      %get3A_151 = arith.constant 64 : index
      %get3A_152 = tpu.vector_load %arg11[%get3A_150, %get3A_151] {strides = array<i32>} : memref<16x1024xf32, #tpu.memory_space<vmem>>, vector<16xf32>,
      %mul3A_153 = arith.mulf %get3A_152, %gather3A : vector<16xf32>
      %get3A_154 = arith.index_cast %scan3A_95 : i32 to index
      %get3A_155 = arith.constant 64 : index
      %get3A_156 = tpu.vector_load %arg13[%get3A_154, %get3A_155] {strides = array<i32>} : memref<16x1024xf32, #tpu.memory_space<vmem>>, vector<16xf32>,
      %mul3A_157 = arith.mulf %get3A_156, %sub3A_102 : vector<16xf32>
      %add3A_158 = arith.addf %mul3A_153, %mul3A_157 : vector<16xf32>
      %swap3A_159 = arith.index_cast %scan3A_95 : i32 to index
      %swap3A_160 = arith.constant 64 : index
      %swap3A_161 = tpu.vector_load %arg11[%swap3A_159, %swap3A_160] {strides = array<i32>} : memref<16x1024xf32, #tpu.memory_space<vmem>>, vector<16xf32>,
      tpu.vector_store %arg11[%swap3A_159, %swap3A_160], %add3A_158 {strides = array<i32>} : memref<16x1024xf32, #tpu.memory_space<vmem>>, vector<16xf32>,
      %get3A_162 = arith.index_cast %scan3A_95 : i32 to index
      %get3A_163 = arith.constant 80 : index
      %get3A_164 = tpu.vector_load %arg11[%get3A_162, %get3A_163] {strides = array<i32>} : memref<16x1024xf32, #tpu.memory_space<vmem>>, vector<16xf32>,
      %mul3A_165 = arith.mulf %get3A_164, %gather3A : vector<16xf32>
      %get3A_166 = arith.index_cast %scan3A_95 : i32 to index
      %get3A_167 = arith.constant 80 : index
      %get3A_168 = tpu.vector_load %arg13[%get3A_166, %get3A_167] {strides = array<i32>} : memref<16x1024xf32, #tpu.memory_space<vmem>>, vector<16xf32>,
      %mul3A_169 = arith.mulf %get3A_168, %sub3A_102 : vector<16xf32>
      %add3A_170 = arith.addf %mul3A_165, %mul3A_169 : vector<16xf32>
      %swap3A_171 = arith.index_cast %scan3A_95 : i32 to index
      %swap3A_172 = arith.constant 80 : index
      %swap3A_173 = tpu.vector_load %arg11[%swap3A_171, %swap3A_172] {strides = array<i32>} : memref<16x1024xf32, #tpu.memory_space<vmem>>, vector<16xf32>,
      tpu.vector_store %arg11[%swap3A_171, %swap3A_172], %add3A_170 {strides = array<i32>} : memref<16x1024xf32, #tpu.memory_space<vmem>>, vector<16xf32>,
      %get3A_174 = arith.index_cast %scan3A_95 : i32 to index
      %get3A_175 = arith.constant 96 : index
      %get3A_176 = tpu.vector_load %arg11[%get3A_174, %get3A_175] {strides = array<i32>} : memref<16x1024xf32, #tpu.memory_space<vmem>>, vector<16xf32>,
      %mul3A_177 = arith.mulf %get3A_176, %gather3A : vector<16xf32>
      %get3A_178 = arith.index_cast %scan3A_95 : i32 to index
      %get3A_179 = arith.constant 96 : index
      %get3A_180 = tpu.vector_load %arg13[%get3A_178, %get3A_179] {strides = array<i32>} : memref<16x1024xf32, #tpu.memory_space<vmem>>, vector<16xf32>,
      %mul3A_181 = arith.mulf %get3A_180, %sub3A_102 : vector<16xf32>
      %add3A_182 = arith.addf %mul3A_177, %mul3A_181 : vector<16xf32>
      %swap3A_183 = arith.index_cast %scan3A_95 : i32 to index
      %swap3A_184 = arith.constant 96 : index
      %swap3A_185 = tpu.vector_load %arg11[%swap3A_183, %swap3A_184] {strides = array<i32>} : memref<16x1024xf32, #tpu.memory_space<vmem>>, vector<16xf32>,
      tpu.vector_store %arg11[%swap3A_183, %swap3A_184], %add3A_182 {strides = array<i32>} : memref<16x1024xf32, #tpu.memory_space<vmem>>, vector<16xf32>,
      %get3A_186 = arith.index_cast %scan3A_95 : i32 to index
      %get3A_187 = arith.constant 112 : index
      %get3A_188 = tpu.vector_load %arg11[%get3A_186, %get3A_187] {strides = array<i32>} : memref<16x1024xf32, #tpu.memory_space<vmem>>, vector<16xf32>,
      %mul3A_189 = arith.mulf %get3A_188, %gather3A : vector<16xf32>
      %get3A_190 = arith.index_cast %scan3A_95 : i32 to index
      %get3A_191 = arith.constant 112 : index
      %get3A_192 = tpu.vector_load %arg13[%get3A_190, %get3A_191] {strides = array<i32>} : memref<16x1024xf32, #tpu.memory_space<vmem>>, vector<16xf32>,
      %mul3A_193 = arith.mulf %get3A_192, %sub3A_102 : vector<16xf32>
      %add3A_194 = arith.addf %mul3A_189, %mul3A_193 : vector<16xf32>
      %swap3A_195 = arith.index_cast %scan3A_95 : i32 to index
      %swap3A_196 = arith.constant 112 : index
      %swap3A_197 = tpu.vector_load %arg11[%swap3A_195, %swap3A_196] {strides = array<i32>} : memref<16x1024xf32, #tpu.memory_space<vmem>>, vector<16xf32>,
      tpu.vector_store %arg11[%swap3A_195, %swap3A_196], %add3A_194 {strides = array<i32>} : memref<16x1024xf32, #tpu.memory_space<vmem>>, vector<16xf32>,
      %get3A_198 = arith.index_cast %scan3A_95 : i32 to index
      %get3A_199 = arith.constant 128 : index
      %get3A_200 = tpu.vector_load %arg11[%get3A_198, %get3A_199] {strides = array<i32>} : memref<16x1024xf32, #tpu.memory_space<vmem>>, vector<16xf32>,
      %mul3A_201 = arith.mulf %get3A_200, %gather3A : vector<16xf32>
      %get3A_202 = arith.index_cast %scan3A_95 : i32 to index
      %get3A_203 = arith.constant 128 : index
      %get3A_204 = tpu.vector_load %arg13[%get3A_202, %get3A_203] {strides = array<i32>} : memref<16x1024xf32, #tpu.memory_space<vmem>>, vector<16xf32>,
      %mul3A_205 = arith.mulf %get3A_204, %sub3A_102 : vector<16xf32>
      %add3A_206 = arith.addf %mul3A_201, %mul3A_205 : vector<16xf32>
      %swap3A_207 = arith.index_cast %scan3A_95 : i32 to index
      %swap3A_208 = arith.constant 128 : index
      %swap3A_209 = tpu.vector_load %arg11[%swap3A_207, %swap3A_208] {strides = array<i32>} : memref<16x1024xf32, #tpu.memory_space<vmem>>, vector<16xf32>,
      tpu.vector_store %arg11[%swap3A_207, %swap3A_208], %add3A_206 {strides = array<i32>} : memref<16x1024xf32, #tpu.memory_space<vmem>>, vector<16xf32>,
      %get3A_210 = arith.index_cast %scan3A_95 : i32 to index
      %get3A_211 = arith.constant 144 : index
      %get3A_212 = tpu.vector_load %arg11[%get3A_210, %get3A_211] {strides = array<i32>} : memref<16x1024xf32, #tpu.memory_space<vmem>>, vector<16xf32>,
      %mul3A_213 = arith.mulf %get3A_212, %gather3A : vector<16xf32>
      %get3A_214 = arith.index_cast %scan3A_95 : i32 to index
      %get3A_215 = arith.constant 144 : index
      %get3A_216 = tpu.vector_load %arg13[%get3A_214, %get3A_215] {strides = array<i32>} : memref<16x1024xf32, #tpu.memory_space<vmem>>, vector<16xf32>,
      %mul3A_217 = arith.mulf %get3A_216, %sub3A_102 : vector<16xf32>
      %add3A_218 = arith.addf %mul3A_213, %mul3A_217 : vector<16xf32>
      %swap3A_219 = arith.index_cast %scan3A_95 : i32 to index
      %swap3A_220 = arith.constant 144 : index
      %swap3A_221 = tpu.vector_load %arg11[%swap3A_219, %swap3A_220] {strides = array<i32>} : memref<16x1024xf32, #tpu.memory_space<vmem>>, vector<16xf32>,
      tpu.vector_store %arg11[%swap3A_219, %swap3A_220], %add3A_218 {strides = array<i32>} : memref<16x1024xf32, #tpu.memory_space<vmem>>, vector<16xf32>,
      %get3A_222 = arith.index_cast %scan3A_95 : i32 to index
      %get3A_223 = arith.constant 160 : index
      %get3A_224 = tpu.vector_load %arg11[%get3A_222, %get3A_223] {strides = array<i32>} : memref<16x1024xf32, #tpu.memory_space<vmem>>, vector<16xf32>,
      %mul3A_225 = arith.mulf %get3A_224, %gather3A : vector<16xf32>
      %get3A_226 = arith.index_cast %scan3A_95 : i32 to index
      %get3A_227 = arith.constant 160 : index
      %get3A_228 = tpu.vector_load %arg13[%get3A_226, %get3A_227] {strides = array<i32>} : memref<16x1024xf32, #tpu.memory_space<vmem>>, vector<16xf32>,
      %mul3A_229 = arith.mulf %get3A_228, %sub3A_102 : vector<16xf32>
      %add3A_230 = arith.addf %mul3A_225, %mul3A_229 : vector<16xf32>
      %swap3A_231 = arith.index_cast %scan3A_95 : i32 to index
      %swap3A_232 = arith.constant 160 : index
      %swap3A_233 = tpu.vector_load %arg11[%swap3A_231, %swap3A_232] {strides = array<i32>} : memref<16x1024xf32, #tpu.memory_space<vmem>>, vector<16xf32>,
      tpu.vector_store %arg11[%swap3A_231, %swap3A_232], %add3A_230 {strides = array<i32>} : memref<16x1024xf32, #tpu.memory_space<vmem>>, vector<16xf32>,
      %get3A_234 = arith.index_cast %scan3A_95 : i32 to index
      %get3A_235 = arith.constant 176 : index
      %get3A_236 = tpu.vector_load %arg11[%get3A_234, %get3A_235] {strides = array<i32>} : memref<16x1024xf32, #tpu.memory_space<vmem>>, vector<16xf32>,
      %mul3A_237 = arith.mulf %get3A_236, %gather3A : vector<16xf32>
      %get3A_238 = arith.index_cast %scan3A_95 : i32 to index
      %get3A_239 = arith.constant 176 : index
      %get3A_240 = tpu.vector_load %arg13[%get3A_238, %get3A_239] {strides = array<i32>} : memref<16x1024xf32, #tpu.memory_space<vmem>>, vector<16xf32>,
      %mul3A_241 = arith.mulf %get3A_240, %sub3A_102 : vector<16xf32>
      %add3A_242 = arith.addf %mul3A_237, %mul3A_241 : vector<16xf32>
      %swap3A_243 = arith.index_cast %scan3A_95 : i32 to index
      %swap3A_244 = arith.constant 176 : index
      %swap3A_245 = tpu.vector_load %arg11[%swap3A_243, %swap3A_244] {strides = array<i32>} : memref<16x1024xf32, #tpu.memory_space<vmem>>, vector<16xf32>,
      tpu.vector_store %arg11[%swap3A_243, %swap3A_244], %add3A_242 {strides = array<i32>} : memref<16x1024xf32, #tpu.memory_space<vmem>>, vector<16xf32>,
      %get3A_246 = arith.index_cast %scan3A_95 : i32 to index
      %get3A_247 = arith.constant 192 : index
      %get3A_248 = tpu.vector_load %arg11[%get3A_246, %get3A_247] {strides = array<i32>} : memref<16x1024xf32, #tpu.memory_space<vmem>>, vector<16xf32>,
      %mul3A_249 = arith.mulf %get3A_248, %gather3A : vector<16xf32>
      %get3A_250 = arith.index_cast %scan3A_95 : i32 to index
      %get3A_251 = arith.constant 192 : index
      %get3A_252 = tpu.vector_load %arg13[%get3A_250, %get3A_251] {strides = array<i32>} : memref<16x1024xf32, #tpu.memory_space<vmem>>, vector<16xf32>,
      %mul3A_253 = arith.mulf %get3A_252, %sub3A_102 : vector<16xf32>
      %add3A_254 = arith.addf %mul3A_249, %mul3A_253 : vector<16xf32>
      %swap3A_255 = arith.index_cast %scan3A_95 : i32 to index
      %swap3A_256 = arith.constant 192 : index
      %swap3A_257 = tpu.vector_load %arg11[%swap3A_255, %swap3A_256] {strides = array<i32>} : memref<16x1024xf32, #tpu.memory_space<vmem>>, vector<16xf32>,
      tpu.vector_store %arg11[%swap3A_255, %swap3A_256], %add3A_254 {strides = array<i32>} : memref<16x1024xf32, #tpu.memory_space<vmem>>, vector<16xf32>,
      %get3A_258 = arith.index_cast %scan3A_95 : i32 to index
      %get3A_259 = arith.constant 208 : index
      %get3A_260 = tpu.vector_load %arg11[%get3A_258, %get3A_259] {strides = array<i32>} : memref<16x1024xf32, #tpu.memory_space<vmem>>, vector<16xf32>,
      %mul3A_261 = arith.mulf %get3A_260, %gather3A : vector<16xf32>
      %get3A_262 = arith.index_cast %scan3A_95 : i32 to index
      %get3A_263 = arith.constant 208 : index
      %get3A_264 = tpu.vector_load %arg13[%get3A_262, %get3A_263] {strides = array<i32>} : memref<16x1024xf32, #tpu.memory_space<vmem>>, vector<16xf32>,
      %mul3A_265 = arith.mulf %get3A_264, %sub3A_102 : vector<16xf32>
      %add3A_266 = arith.addf %mul3A_261, %mul3A_265 : vector<16xf32>
      %swap3A_267 = arith.index_cast %scan3A_95 : i32 to index
      %swap3A_268 = arith.constant 208 : index
      %swap3A_269 = tpu.vector_load %arg11[%swap3A_267, %swap3A_268] {strides = array<i32>} : memref<16x1024xf32, #tpu.memory_space<vmem>>, vector<16xf32>,
      tpu.vector_store %arg11[%swap3A_267, %swap3A_268], %add3A_266 {strides = array<i32>} : memref<16x1024xf32, #tpu.memory_space<vmem>>, vector<16xf32>,
      %get3A_270 = arith.index_cast %scan3A_95 : i32 to index
      %get3A_271 = arith.constant 224 : index
      %get3A_272 = tpu.vector_load %arg11[%get3A_270, %get3A_271] {strides = array<i32>} : memref<16x1024xf32, #tpu.memory_space<vmem>>, vector<16xf32>,
      %mul3A_273 = arith.mulf %get3A_272, %gather3A : vector<16xf32>
      %get3A_274 = arith.index_cast %scan3A_95 : i32 to index
      %get3A_275 = arith.constant 224 : index
      %get3A_276 = tpu.vector_load %arg13[%get3A_274, %get3A_275] {strides = array<i32>} : memref<16x1024xf32, #tpu.memory_space<vmem>>, vector<16xf32>,
      %mul3A_277 = arith.mulf %get3A_276, %sub3A_102 : vector<16xf32>
      %add3A_278 = arith.addf %mul3A_273, %mul3A_277 : vector<16xf32>
      %swap3A_279 = arith.index_cast %scan3A_95 : i32 to index
      %swap3A_280 = arith.constant 224 : index
      %swap3A_281 = tpu.vector_load %arg11[%swap3A_279, %swap3A_280] {strides = array<i32>} : memref<16x1024xf32, #tpu.memory_space<vmem>>, vector<16xf32>,
      tpu.vector_store %arg11[%swap3A_279, %swap3A_280], %add3A_278 {strides = array<i32>} : memref<16x1024xf32, #tpu.memory_space<vmem>>, vector<16xf32>,
      %get3A_282 = arith.index_cast %scan3A_95 : i32 to index
      %get3A_283 = arith.constant 240 : index
      %get3A_284 = tpu.vector_load %arg11[%get3A_282, %get3A_283] {strides = array<i32>} : memref<16x1024xf32, #tpu.memory_space<vmem>>, vector<16xf32>,
      %mul3A_285 = arith.mulf %get3A_284, %gather3A : vector<16xf32>
      %get3A_286 = arith.index_cast %scan3A_95 : i32 to index
      %get3A_287 = arith.constant 240 : index
      %get3A_288 = tpu.vector_load %arg13[%get3A_286, %get3A_287] {strides = array<i32>} : memref<16x1024xf32, #tpu.memory_space<vmem>>, vector<16xf32>,
      %mul3A_289 = arith.mulf %get3A_288, %sub3A_102 : vector<16xf32>
      %add3A_290 = arith.addf %mul3A_285, %mul3A_289 : vector<16xf32>
      %swap3A_291 = arith.index_cast %scan3A_95 : i32 to index
      %swap3A_292 = arith.constant 240 : index
      %swap3A_293 = tpu.vector_load %arg11[%swap3A_291, %swap3A_292] {strides = array<i32>} : memref<16x1024xf32, #tpu.memory_space<vmem>>, vector<16xf32>,
      tpu.vector_store %arg11[%swap3A_291, %swap3A_292], %add3A_290 {strides = array<i32>} : memref<16x1024xf32, #tpu.memory_space<vmem>>, vector<16xf32>,
      %get3A_294 = arith.index_cast %scan3A_95 : i32 to index
      %get3A_295 = arith.constant 256 : index
      %get3A_296 = tpu.vector_load %arg11[%get3A_294, %get3A_295] {strides = array<i32>} : memref<16x1024xf32, #tpu.memory_space<vmem>>, vector<16xf32>,
      %mul3A_297 = arith.mulf %get3A_296, %gather3A : vector<16xf32>
      %get3A_298 = arith.index_cast %scan3A_95 : i32 to index
      %get3A_299 = arith.constant 256 : index
      %get3A_300 = tpu.vector_load %arg13[%get3A_298, %get3A_299] {strides = array<i32>} : memref<16x1024xf32, #tpu.memory_space<vmem>>, vector<16xf32>,
      %mul3A_301 = arith.mulf %get3A_300, %sub3A_102 : vector<16xf32>
      %add3A_302 = arith.addf %mul3A_297, %mul3A_301 : vector<16xf32>
      %swap3A_303 = arith.index_cast %scan3A_95 : i32 to index
      %swap3A_304 = arith.constant 256 : index
      %swap3A_305 = tpu.vector_load %arg11[%swap3A_303, %swap3A_304] {strides = array<i32>} : memref<16x1024xf32, #tpu.memory_space<vmem>>, vector<16xf32>,
      tpu.vector_store %arg11[%swap3A_303, %swap3A_304], %add3A_302 {strides = array<i32>} : memref<16x1024xf32, #tpu.memory_space<vmem>>, vector<16xf32>,
      %get3A_306 = arith.index_cast %scan3A_95 : i32 to index
      %get3A_307 = arith.constant 272 : index
      %get3A_308 = tpu.vector_load %arg11[%get3A_306, %get3A_307] {strides = array<i32>} : memref<16x1024xf32, #tpu.memory_space<vmem>>, vector<16xf32>,
      %mul3A_309 = arith.mulf %get3A_308, %gather3A : vector<16xf32>
      %get3A_310 = arith.index_cast %scan3A_95 : i32 to index
      %get3A_311 = arith.constant 272 : index
      %get3A_312 = tpu.vector_load %arg13[%get3A_310, %get3A_311] {strides = array<i32>} : memref<16x1024xf32, #tpu.memory_space<vmem>>, vector<16xf32>,
      %mul3A_313 = arith.mulf %get3A_312, %sub3A_102 : vector<16xf32>
      %add3A_314 = arith.addf %mul3A_309, %mul3A_313 : vector<16xf32>
      %swap3A_315 = arith.index_cast %scan3A_95 : i32 to index
      %swap3A_316 = arith.constant 272 : index
      %swap3A_317 = tpu.vector_load %arg11[%swap3A_315, %swap3A_316] {strides = array<i32>} : memref<16x1024xf32, #tpu.memory_space<vmem>>, vector<16xf32>,
      tpu.vector_store %arg11[%swap3A_315, %swap3A_316], %add3A_314 {strides = array<i32>} : memref<16x1024xf32, #tpu.memory_space<vmem>>, vector<16xf32>,
      %get3A_318 = arith.index_cast %scan3A_95 : i32 to index
      %get3A_319 = arith.constant 288 : index
      %get3A_320 = tpu.vector_load %arg11[%get3A_318, %get3A_319] {strides = array<i32>} : memref<16x1024xf32, #tpu.memory_space<vmem>>, vector<16xf32>,
      %mul3A_321 = arith.mulf %get3A_320, %gather3A : vector<16xf32>
      %get3A_322 = arith.index_cast %scan3A_95 : i32 to index
      %get3A_323 = arith.constant 288 : index
      %get3A_324 = tpu.vector_load %arg13[%get3A_322, %get3A_323] {strides = array<i32>} : memref<16x1024xf32, #tpu.memory_space<vmem>>, vector<16xf32>,
      %mul3A_325 = arith.mulf %get3A_324, %sub3A_102 : vector<16xf32>
      %add3A_326 = arith.addf %mul3A_321, %mul3A_325 : vector<16xf32>
      %swap3A_327 = arith.index_cast %scan3A_95 : i32 to index
      %swap3A_328 = arith.constant 288 : index
      %swap3A_329 = tpu.vector_load %arg11[%swap3A_327, %swap3A_328] {strides = array<i32>} : memref<16x1024xf32, #tpu.memory_space<vmem>>, vector<16xf32>,
      tpu.vector_store %arg11[%swap3A_327, %swap3A_328], %add3A_326 {strides = array<i32>} : memref<16x1024xf32, #tpu.memory_space<vmem>>, vector<16xf32>,
      %get3A_330 = arith.index_cast %scan3A_95 : i32 to index
      %get3A_331 = arith.constant 304 : index
      %get3A_332 = tpu.vector_load %arg11[%get3A_330, %get3A_331] {strides = array<i32>} : memref<16x1024xf32, #tpu.memory_space<vmem>>, vector<16xf32>,
      %mul3A_333 = arith.mulf %get3A_332, %gather3A : vector<16xf32>
      %get3A_334 = arith.index_cast %scan3A_95 : i32 to index
      %get3A_335 = arith.constant 304 : index
      %get3A_336 = tpu.vector_load %arg13[%get3A_334, %get3A_335] {strides = array<i32>} : memref<16x1024xf32, #tpu.memory_space<vmem>>, vector<16xf32>,
      %mul3A_337 = arith.mulf %get3A_336, %sub3A_102 : vector<16xf32>
      %add3A_338 = arith.addf %mul3A_333, %mul3A_337 : vector<16xf32>
      %swap3A_339 = arith.index_cast %scan3A_95 : i32 to index
      %swap3A_340 = arith.constant 304 : index
      %swap3A_341 = tpu.vector_load %arg11[%swap3A_339, %swap3A_340] {strides = array<i32>} : memref<16x1024xf32, #tpu.memory_space<vmem>>, vector<16xf32>,
      tpu.vector_store %arg11[%swap3A_339, %swap3A_340], %add3A_338 {strides = array<i32>} : memref<16x1024xf32, #tpu.memory_space<vmem>>, vector<16xf32>,
      %get3A_342 = arith.index_cast %scan3A_95 : i32 to index
      %get3A_343 = arith.constant 320 : index
      %get3A_344 = tpu.vector_load %arg11[%get3A_342, %get3A_343] {strides = array<i32>} : memref<16x1024xf32, #tpu.memory_space<vmem>>, vector<16xf32>,
      %mul3A_345 = arith.mulf %get3A_344, %gather3A : vector<16xf32>
      %get3A_346 = arith.index_cast %scan3A_95 : i32 to index
      %get3A_347 = arith.constant 320 : index
      %get3A_348 = tpu.vector_load %arg13[%get3A_346, %get3A_347] {strides = array<i32>} : memref<16x1024xf32, #tpu.memory_space<vmem>>, vector<16xf32>,
      %mul3A_349 = arith.mulf %get3A_348, %sub3A_102 : vector<16xf32>
      %add3A_350 = arith.addf %mul3A_345, %mul3A_349 : vector<16xf32>
      %swap3A_351 = arith.index_cast %scan3A_95 : i32 to index
      %swap3A_352 = arith.constant 320 : index
      %swap3A_353 = tpu.vector_load %arg11[%swap3A_351, %swap3A_352] {strides = array<i32>} : memref<16x1024xf32, #tpu.memory_space<vmem>>, vector<16xf32>,
      tpu.vector_store %arg11[%swap3A_351, %swap3A_352], %add3A_350 {strides = array<i32>} : memref<16x1024xf32, #tpu.memory_space<vmem>>, vector<16xf32>,
      %get3A_354 = arith.index_cast %scan3A_95 : i32 to index
      %get3A_355 = arith.constant 336 : index
      %get3A_356 = tpu.vector_load %arg11[%get3A_354, %get3A_355] {strides = array<i32>} : memref<16x1024xf32, #tpu.memory_space<vmem>>, vector<16xf32>,
      %mul3A_357 = arith.mulf %get3A_356, %gather3A : vector<16xf32>
      %get3A_358 = arith.index_cast %scan3A_95 : i32 to index
      %get3A_359 = arith.constant 336 : index
      %get3A_360 = tpu.vector_load %arg13[%get3A_358, %get3A_359] {strides = array<i32>} : memref<16x1024xf32, #tpu.memory_space<vmem>>, vector<16xf32>,
      %mul3A_361 = arith.mulf %get3A_360, %sub3A_102 : vector<16xf32>
      %add3A_362 = arith.addf %mul3A_357, %mul3A_361 : vector<16xf32>
      %swap3A_363 = arith.index_cast %scan3A_95 : i32 to index
      %swap3A_364 = arith.constant 336 : index
      %swap3A_365 = tpu.vector_load %arg11[%swap3A_363, %swap3A_364] {strides = array<i32>} : memref<16x1024xf32, #tpu.memory_space<vmem>>, vector<16xf32>,
      tpu.vector_store %arg11[%swap3A_363, %swap3A_364], %add3A_362 {strides = array<i32>} : memref<16x1024xf32, #tpu.memory_space<vmem>>, vector<16xf32>,
      %get3A_366 = arith.index_cast %scan3A_95 : i32 to index
      %get3A_367 = arith.constant 352 : index
      %get3A_368 = tpu.vector_load %arg11[%get3A_366, %get3A_367] {strides = array<i32>} : memref<16x1024xf32, #tpu.memory_space<vmem>>, vector<16xf32>,
      %mul3A_369 = arith.mulf %get3A_368, %gather3A : vector<16xf32>
      %get3A_370 = arith.index_cast %scan3A_95 : i32 to index
      %get3A_371 = arith.constant 352 : index
      %get3A_372 = tpu.vector_load %arg13[%get3A_370, %get3A_371] {strides = array<i32>} : memref<16x1024xf32, #tpu.memory_space<vmem>>, vector<16xf32>,
      %mul3A_373 = arith.mulf %get3A_372, %sub3A_102 : vector<16xf32>
      %add3A_374 = arith.addf %mul3A_369, %mul3A_373 : vector<16xf32>
      %swap3A_375 = arith.index_cast %scan3A_95 : i32 to index
      %swap3A_376 = arith.constant 352 : index
      %swap3A_377 = tpu.vector_load %arg11[%swap3A_375, %swap3A_376] {strides = array<i32>} : memref<16x1024xf32, #tpu.memory_space<vmem>>, vector<16xf32>,
      tpu.vector_store %arg11[%swap3A_375, %swap3A_376], %add3A_374 {strides = array<i32>} : memref<16x1024xf32, #tpu.memory_space<vmem>>, vector<16xf32>,
      %get3A_378 = arith.index_cast %scan3A_95 : i32 to index
      %get3A_379 = arith.constant 368 : index
      %get3A_380 = tpu.vector_load %arg11[%get3A_378, %get3A_379] {strides = array<i32>} : memref<16x1024xf32, #tpu.memory_space<vmem>>, vector<16xf32>,
      %mul3A_381 = arith.mulf %get3A_380, %gather3A : vector<16xf32>
      %get3A_382 = arith.index_cast %scan3A_95 : i32 to index
      %get3A_383 = arith.constant 368 : index
      %get3A_384 = tpu.vector_load %arg13[%get3A_382, %get3A_383] {strides = array<i32>} : memref<16x1024xf32, #tpu.memory_space<vmem>>, vector<16xf32>,
      %mul3A_385 = arith.mulf %get3A_384, %sub3A_102 : vector<16xf32>
      %add3A_386 = arith.addf %mul3A_381, %mul3A_385 : vector<16xf32>
      %swap3A_387 = arith.index_cast %scan3A_95 : i32 to index
      %swap3A_388 = arith.constant 368 : index
      %swap3A_389 = tpu.vector_load %arg11[%swap3A_387, %swap3A_388] {strides = array<i32>} : memref<16x1024xf32, #tpu.memory_space<vmem>>, vector<16xf32>,
      tpu.vector_store %arg11[%swap3A_387, %swap3A_388], %add3A_386 {strides = array<i32>} : memref<16x1024xf32, #tpu.memory_space<vmem>>, vector<16xf32>,
      %get3A_390 = arith.index_cast %scan3A_95 : i32 to index
      %get3A_391 = arith.constant 384 : index
      %get3A_392 = tpu.vector_load %arg11[%get3A_390, %get3A_391] {strides = array<i32>} : memref<16x1024xf32, #tpu.memory_space<vmem>>, vector<16xf32>,
      %mul3A_393 = arith.mulf %get3A_392, %gather3A : vector<16xf32>
      %get3A_394 = arith.index_cast %scan3A_95 : i32 to index
      %get3A_395 = arith.constant 384 : index
      %get3A_396 = tpu.vector_load %arg13[%get3A_394, %get3A_395] {strides = array<i32>} : memref<16x1024xf32, #tpu.memory_space<vmem>>, vector<16xf32>,
      %mul3A_397 = arith.mulf %get3A_396, %sub3A_102 : vector<16xf32>
      %add3A_398 = arith.addf %mul3A_393, %mul3A_397 : vector<16xf32>
      %swap3A_399 = arith.index_cast %scan3A_95 : i32 to index
      %swap3A_400 = arith.constant 384 : index
      %swap3A_401 = tpu.vector_load %arg11[%swap3A_399, %swap3A_400] {strides = array<i32>} : memref<16x1024xf32, #tpu.memory_space<vmem>>, vector<16xf32>,
      tpu.vector_store %arg11[%swap3A_399, %swap3A_400], %add3A_398 {strides = array<i32>} : memref<16x1024xf32, #tpu.memory_space<vmem>>, vector<16xf32>,
      %get3A_402 = arith.index_cast %scan3A_95 : i32 to index
      %get3A_403 = arith.constant 400 : index
      %get3A_404 = tpu.vector_load %arg11[%get3A_402, %get3A_403] {strides = array<i32>} : memref<16x1024xf32, #tpu.memory_space<vmem>>, vector<16xf32>,
      %mul3A_405 = arith.mulf %get3A_404, %gather3A : vector<16xf32>
      %get3A_406 = arith.index_cast %scan3A_95 : i32 to index
      %get3A_407 = arith.constant 400 : index
      %get3A_408 = tpu.vector_load %arg13[%get3A_406, %get3A_407] {strides = array<i32>} : memref<16x1024xf32, #tpu.memory_space<vmem>>, vector<16xf32>,
      %mul3A_409 = arith.mulf %get3A_408, %sub3A_102 : vector<16xf32>
      %add3A_410 = arith.addf %mul3A_405, %mul3A_409 : vector<16xf32>
      %swap3A_411 = arith.index_cast %scan3A_95 : i32 to index
      %swap3A_412 = arith.constant 400 : index
      %swap3A_413 = tpu.vector_load %arg11[%swap3A_411, %swap3A_412] {strides = array<i32>} : memref<16x1024xf32, #tpu.memory_space<vmem>>, vector<16xf32>,
      tpu.vector_store %arg11[%swap3A_411, %swap3A_412], %add3A_410 {strides = array<i32>} : memref<16x1024xf32, #tpu.memory_space<vmem>>, vector<16xf32>,
      %get3A_414 = arith.index_cast %scan3A_95 : i32 to index
      %get3A_415 = arith.constant 416 : index
      %get3A_416 = tpu.vector_load %arg11[%get3A_414, %get3A_415] {strides = array<i32>} : memref<16x1024xf32, #tpu.memory_space<vmem>>, vector<16xf32>,
      %mul3A_417 = arith.mulf %get3A_416, %gather3A : vector<16xf32>
      %get3A_418 = arith.index_cast %scan3A_95 : i32 to index
      %get3A_419 = arith.constant 416 : index
      %get3A_420 = tpu.vector_load %arg13[%get3A_418, %get3A_419] {strides = array<i32>} : memref<16x1024xf32, #tpu.memory_space<vmem>>, vector<16xf32>,
      %mul3A_421 = arith.mulf %get3A_420, %sub3A_102 : vector<16xf32>
      %add3A_422 = arith.addf %mul3A_417, %mul3A_421 : vector<16xf32>
      %swap3A_423 = arith.index_cast %scan3A_95 : i32 to index
      %swap3A_424 = arith.constant 416 : index
      %swap3A_425 = tpu.vector_load %arg11[%swap3A_423, %swap3A_424] {strides = array<i32>} : memref<16x1024xf32, #tpu.memory_space<vmem>>, vector<16xf32>,
      tpu.vector_store %arg11[%swap3A_423, %swap3A_424], %add3A_422 {strides = array<i32>} : memref<16x1024xf32, #tpu.memory_space<vmem>>, vector<16xf32>,
      %get3A_426 = arith.index_cast %scan3A_95 : i32 to index
      %get3A_427 = arith.constant 432 : index
      %get3A_428 = tpu.vector_load %arg11[%get3A_426, %get3A_427] {strides = array<i32>} : memref<16x1024xf32, #tpu.memory_space<vmem>>, vector<16xf32>,
      %mul3A_429 = arith.mulf %get3A_428, %gather3A : vector<16xf32>
      %get3A_430 = arith.index_cast %scan3A_95 : i32 to index
      %get3A_431 = arith.constant 432 : index
      %get3A_432 = tpu.vector_load %arg13[%get3A_430, %get3A_431] {strides = array<i32>} : memref<16x1024xf32, #tpu.memory_space<vmem>>, vector<16xf32>,
      %mul3A_433 = arith.mulf %get3A_432, %sub3A_102 : vector<16xf32>
      %add3A_434 = arith.addf %mul3A_429, %mul3A_433 : vector<16xf32>
      %swap3A_435 = arith.index_cast %scan3A_95 : i32 to index
      %swap3A_436 = arith.constant 432 : index
      %swap3A_437 = tpu.vector_load %arg11[%swap3A_435, %swap3A_436] {strides = array<i32>} : memref<16x1024xf32, #tpu.memory_space<vmem>>, vector<16xf32>,
      tpu.vector_store %arg11[%swap3A_435, %swap3A_436], %add3A_434 {strides = array<i32>} : memref<16x1024xf32, #tpu.memory_space<vmem>>, vector<16xf32>,
      %get3A_438 = arith.index_cast %scan3A_95 : i32 to index
      %get3A_439 = arith.constant 448 : index
      %get3A_440 = tpu.vector_load %arg11[%get3A_438, %get3A_439] {strides = array<i32>} : memref<16x1024xf32, #tpu.memory_space<vmem>>, vector<16xf32>,
      %mul3A_441 = arith.mulf %get3A_440, %gather3A : vector<16xf32>
      %get3A_442 = arith.index_cast %scan3A_95 : i32 to index
      %get3A_443 = arith.constant 448 : index
      %get3A_444 = tpu.vector_load %arg13[%get3A_442, %get3A_443] {strides = array<i32>} : memref<16x1024xf32, #tpu.memory_space<vmem>>, vector<16xf32>,
      %mul3A_445 = arith.mulf %get3A_444, %sub3A_102 : vector<16xf32>
      %add3A_446 = arith.addf %mul3A_441, %mul3A_445 : vector<16xf32>
      %swap3A_447 = arith.index_cast %scan3A_95 : i32 to index
      %swap3A_448 = arith.constant 448 : index
      %swap3A_449 = tpu.vector_load %arg11[%swap3A_447, %swap3A_448] {strides = array<i32>} : memref<16x1024xf32, #tpu.memory_space<vmem>>, vector<16xf32>,
      tpu.vector_store %arg11[%swap3A_447, %swap3A_448], %add3A_446 {strides = array<i32>} : memref<16x1024xf32, #tpu.memory_space<vmem>>, vector<16xf32>,
      %get3A_450 = arith.index_cast %scan3A_95 : i32 to index
      %get3A_451 = arith.constant 464 : index
      %get3A_452 = tpu.vector_load %arg11[%get3A_450, %get3A_451] {strides = array<i32>} : memref<16x1024xf32, #tpu.memory_space<vmem>>, vector<16xf32>,
      %mul3A_453 = arith.mulf %get3A_452, %gather3A : vector<16xf32>
      %get3A_454 = arith.index_cast %scan3A_95 : i32 to index
      %get3A_455 = arith.constant 464 : index
      %get3A_456 = tpu.vector_load %arg13[%get3A_454, %get3A_455] {strides = array<i32>} : memref<16x1024xf32, #tpu.memory_space<vmem>>, vector<16xf32>,
      %mul3A_457 = arith.mulf %get3A_456, %sub3A_102 : vector<16xf32>
      %add3A_458 = arith.addf %mul3A_453, %mul3A_457 : vector<16xf32>
      %swap3A_459 = arith.index_cast %scan3A_95 : i32 to index
      %swap3A_460 = arith.constant 464 : index
      %swap3A_461 = tpu.vector_load %arg11[%swap3A_459, %swap3A_460] {strides = array<i32>} : memref<16x1024xf32, #tpu.memory_space<vmem>>, vector<16xf32>,
      tpu.vector_store %arg11[%swap3A_459, %swap3A_460], %add3A_458 {strides = array<i32>} : memref<16x1024xf32, #tpu.memory_space<vmem>>, vector<16xf32>,
      %get3A_462 = arith.index_cast %scan3A_95 : i32 to index
      %get3A_463 = arith.constant 480 : index
      %get3A_464 = tpu.vector_load %arg11[%get3A_462, %get3A_463] {strides = array<i32>} : memref<16x1024xf32, #tpu.memory_space<vmem>>, vector<16xf32>,
      %mul3A_465 = arith.mulf %get3A_464, %gather3A : vector<16xf32>
      %get3A_466 = arith.index_cast %scan3A_95 : i32 to index
      %get3A_467 = arith.constant 480 : index
      %get3A_468 = tpu.vector_load %arg13[%get3A_466, %get3A_467] {strides = array<i32>} : memref<16x1024xf32, #tpu.memory_space<vmem>>, vector<16xf32>,
      %mul3A_469 = arith.mulf %get3A_468, %sub3A_102 : vector<16xf32>
      %add3A_470 = arith.addf %mul3A_465, %mul3A_469 : vector<16xf32>
      %swap3A_471 = arith.index_cast %scan3A_95 : i32 to index
      %swap3A_472 = arith.constant 480 : index
      %swap3A_473 = tpu.vector_load %arg11[%swap3A_471, %swap3A_472] {strides = array<i32>} : memref<16x1024xf32, #tpu.memory_space<vmem>>, vector<16xf32>,
      tpu.vector_store %arg11[%swap3A_471, %swap3A_472], %add3A_470 {strides = array<i32>} : memref<16x1024xf32, #tpu.memory_space<vmem>>, vector<16xf32>,
      %get3A_474 = arith.index_cast %scan3A_95 : i32 to index
      %get3A_475 = arith.constant 496 : index
      %get3A_476 = tpu.vector_load %arg11[%get3A_474, %get3A_475] {strides = array<i32>} : memref<16x1024xf32, #tpu.memory_space<vmem>>, vector<16xf32>,
      %mul3A_477 = arith.mulf %get3A_476, %gather3A : vector<16xf32>
      %get3A_478 = arith.index_cast %scan3A_95 : i32 to index
      %get3A_479 = arith.constant 496 : index
      %get3A_480 = tpu.vector_load %arg13[%get3A_478, %get3A_479] {strides = array<i32>} : memref<16x1024xf32, #tpu.memory_space<vmem>>, vector<16xf32>,
      %mul3A_481 = arith.mulf %get3A_480, %sub3A_102 : vector<16xf32>
      %add3A_482 = arith.addf %mul3A_477, %mul3A_481 : vector<16xf32>
      %swap3A_483 = arith.index_cast %scan3A_95 : i32 to index
      %swap3A_484 = arith.constant 496 : index
      %swap3A_485 = tpu.vector_load %arg11[%swap3A_483, %swap3A_484] {strides = array<i32>} : memref<16x1024xf32, #tpu.memory_space<vmem>>, vector<16xf32>,
      tpu.vector_store %arg11[%swap3A_483, %swap3A_484], %add3A_482 {strides = array<i32>} : memref<16x1024xf32, #tpu.memory_space<vmem>>, vector<16xf32>,
      %get3A_486 = arith.index_cast %scan3A_95 : i32 to index
      %get3A_487 = arith.constant 512 : index
      %get3A_488 = tpu.vector_load %arg11[%get3A_486, %get3A_487] {strides = array<i32>} : memref<16x1024xf32, #tpu.memory_space<vmem>>, vector<16xf32>,
      %mul3A_489 = arith.mulf %get3A_488, %gather3A : vector<16xf32>
      %get3A_490 = arith.index_cast %scan3A_95 : i32 to index
      %get3A_491 = arith.constant 512 : index
      %get3A_492 = tpu.vector_load %arg13[%get3A_490, %get3A_491] {strides = array<i32>} : memref<16x1024xf32, #tpu.memory_space<vmem>>, vector<16xf32>,
      %mul3A_493 = arith.mulf %get3A_492, %sub3A_102 : vector<16xf32>
      %add3A_494 = arith.addf %mul3A_489, %mul3A_493 : vector<16xf32>
      %swap3A_495 = arith.index_cast %scan3A_95 : i32 to index
      %swap3A_496 = arith.constant 512 : index
      %swap3A_497 = tpu.vector_load %arg11[%swap3A_495, %swap3A_496] {strides = array<i32>} : memref<16x1024xf32, #tpu.memory_space<vmem>>, vector<16xf32>,
      tpu.vector_store %arg11[%swap3A_495, %swap3A_496], %add3A_494 {strides = array<i32>} : memref<16x1024xf32, #tpu.memory_space<vmem>>, vector<16xf32>,
      %get3A_498 = arith.index_cast %scan3A_95 : i32 to index
      %get3A_499 = arith.constant 528 : index
      %get3A_500 = tpu.vector_load %arg11[%get3A_498, %get3A_499] {strides = array<i32>} : memref<16x1024xf32, #tpu.memory_space<vmem>>, vector<16xf32>,
      %mul3A_501 = arith.mulf %get3A_500, %gather3A : vector<16xf32>
      %get3A_502 = arith.index_cast %scan3A_95 : i32 to index
      %get3A_503 = arith.constant 528 : index
      %get3A_504 = tpu.vector_load %arg13[%get3A_502, %get3A_503] {strides = array<i32>} : memref<16x1024xf32, #tpu.memory_space<vmem>>, vector<16xf32>,
      %mul3A_505 = arith.mulf %get3A_504, %sub3A_102 : vector<16xf32>
      %add3A_506 = arith.addf %mul3A_501, %mul3A_505 : vector<16xf32>
      %swap3A_507 = arith.index_cast %scan3A_95 : i32 to index
      %swap3A_508 = arith.constant 528 : index
      %swap3A_509 = tpu.vector_load %arg11[%swap3A_507, %swap3A_508] {strides = array<i32>} : memref<16x1024xf32, #tpu.memory_space<vmem>>, vector<16xf32>,
      tpu.vector_store %arg11[%swap3A_507, %swap3A_508], %add3A_506 {strides = array<i32>} : memref<16x1024xf32, #tpu.memory_space<vmem>>, vector<16xf32>,
      %get3A_510 = arith.index_cast %scan3A_95 : i32 to index
      %get3A_511 = arith.constant 544 : index
      %get3A_512 = tpu.vector_load %arg11[%get3A_510, %get3A_511] {strides = array<i32>} : memref<16x1024xf32, #tpu.memory_space<vmem>>, vector<16xf32>,
      %mul3A_513 = arith.mulf %get3A_512, %gather3A : vector<16xf32>
      %get3A_514 = arith.index_cast %scan3A_95 : i32 to index
      %get3A_515 = arith.constant 544 : index
      %get3A_516 = tpu.vector_load %arg13[%get3A_514, %get3A_515] {strides = array<i32>} : memref<16x1024xf32, #tpu.memory_space<vmem>>, vector<16xf32>,
      %mul3A_517 = arith.mulf %get3A_516, %sub3A_102 : vector<16xf32>
      %add3A_518 = arith.addf %mul3A_513, %mul3A_517 : vector<16xf32>
      %swap3A_519 = arith.index_cast %scan3A_95 : i32 to index
      %swap3A_520 = arith.constant 544 : index
      %swap3A_521 = tpu.vector_load %arg11[%swap3A_519, %swap3A_520] {strides = array<i32>} : memref<16x1024xf32, #tpu.memory_space<vmem>>, vector<16xf32>,
      tpu.vector_store %arg11[%swap3A_519, %swap3A_520], %add3A_518 {strides = array<i32>} : memref<16x1024xf32, #tpu.memory_space<vmem>>, vector<16xf32>,
      %get3A_522 = arith.index_cast %scan3A_95 : i32 to index
      %get3A_523 = arith.constant 560 : index
      %get3A_524 = tpu.vector_load %arg11[%get3A_522, %get3A_523] {strides = array<i32>} : memref<16x1024xf32, #tpu.memory_space<vmem>>, vector<16xf32>,
      %mul3A_525 = arith.mulf %get3A_524, %gather3A : vector<16xf32>
      %get3A_526 = arith.index_cast %scan3A_95 : i32 to index
      %get3A_527 = arith.constant 560 : index
      %get3A_528 = tpu.vector_load %arg13[%get3A_526, %get3A_527] {strides = array<i32>} : memref<16x1024xf32, #tpu.memory_space<vmem>>, vector<16xf32>,
      %mul3A_529 = arith.mulf %get3A_528, %sub3A_102 : vector<16xf32>
      %add3A_530 = arith.addf %mul3A_525, %mul3A_529 : vector<16xf32>
      %swap3A_531 = arith.index_cast %scan3A_95 : i32 to index
      %swap3A_532 = arith.constant 560 : index
      %swap3A_533 = tpu.vector_load %arg11[%swap3A_531, %swap3A_532] {strides = array<i32>} : memref<16x1024xf32, #tpu.memory_space<vmem>>, vector<16xf32>,
      tpu.vector_store %arg11[%swap3A_531, %swap3A_532], %add3A_530 {strides = array<i32>} : memref<16x1024xf32, #tpu.memory_space<vmem>>, vector<16xf32>,
      %get3A_534 = arith.index_cast %scan3A_95 : i32 to index
      %get3A_535 = arith.constant 576 : index
      %get3A_536 = tpu.vector_load %arg11[%get3A_534, %get3A_535] {strides = array<i32>} : memref<16x1024xf32, #tpu.memory_space<vmem>>, vector<16xf32>,
      %mul3A_537 = arith.mulf %get3A_536, %gather3A : vector<16xf32>
      %get3A_538 = arith.index_cast %scan3A_95 : i32 to index
      %get3A_539 = arith.constant 576 : index
      %get3A_540 = tpu.vector_load %arg13[%get3A_538, %get3A_539] {strides = array<i32>} : memref<16x1024xf32, #tpu.memory_space<vmem>>, vector<16xf32>,
      %mul3A_541 = arith.mulf %get3A_540, %sub3A_102 : vector<16xf32>
      %add3A_542 = arith.addf %mul3A_537, %mul3A_541 : vector<16xf32>
      %swap3A_543 = arith.index_cast %scan3A_95 : i32 to index
      %swap3A_544 = arith.constant 576 : index
      %swap3A_545 = tpu.vector_load %arg11[%swap3A_543, %swap3A_544] {strides = array<i32>} : memref<16x1024xf32, #tpu.memory_space<vmem>>, vector<16xf32>,
      tpu.vector_store %arg11[%swap3A_543, %swap3A_544], %add3A_542 {strides = array<i32>} : memref<16x1024xf32, #tpu.memory_space<vmem>>, vector<16xf32>,
      %get3A_546 = arith.index_cast %scan3A_95 : i32 to index
      %get3A_547 = arith.constant 592 : index
      %get3A_548 = tpu.vector_load %arg11[%get3A_546, %get3A_547] {strides = array<i32>} : memref<16x1024xf32, #tpu.memory_space<vmem>>, vector<16xf32>,
      %mul3A_549 = arith.mulf %get3A_548, %gather3A : vector<16xf32>
      %get3A_550 = arith.index_cast %scan3A_95 : i32 to index
      %get3A_551 = arith.constant 592 : index
      %get3A_552 = tpu.vector_load %arg13[%get3A_550, %get3A_551] {strides = array<i32>} : memref<16x1024xf32, #tpu.memory_space<vmem>>, vector<16xf32>,
      %mul3A_553 = arith.mulf %get3A_552, %sub3A_102 : vector<16xf32>
      %add3A_554 = arith.addf %mul3A_549, %mul3A_553 : vector<16xf32>
      %swap3A_555 = arith.index_cast %scan3A_95 : i32 to index
      %swap3A_556 = arith.constant 592 : index
      %swap3A_557 = tpu.vector_load %arg11[%swap3A_555, %swap3A_556] {strides = array<i32>} : memref<16x1024xf32, #tpu.memory_space<vmem>>, vector<16xf32>,
      tpu.vector_store %arg11[%swap3A_555, %swap3A_556], %add3A_554 {strides = array<i32>} : memref<16x1024xf32, #tpu.memory_space<vmem>>, vector<16xf32>,
      %get3A_558 = arith.index_cast %scan3A_95 : i32 to index
      %get3A_559 = arith.constant 608 : index
      %get3A_560 = tpu.vector_load %arg11[%get3A_558, %get3A_559] {strides = array<i32>} : memref<16x1024xf32, #tpu.memory_space<vmem>>, vector<16xf32>,
      %mul3A_561 = arith.mulf %get3A_560, %gather3A : vector<16xf32>
      %get3A_562 = arith.index_cast %scan3A_95 : i32 to index
      %get3A_563 = arith.constant 608 : index
      %get3A_564 = tpu.vector_load %arg13[%get3A_562, %get3A_563] {strides = array<i32>} : memref<16x1024xf32, #tpu.memory_space<vmem>>, vector<16xf32>,
      %mul3A_565 = arith.mulf %get3A_564, %sub3A_102 : vector<16xf32>
      %add3A_566 = arith.addf %mul3A_561, %mul3A_565 : vector<16xf32>
      %swap3A_567 = arith.index_cast %scan3A_95 : i32 to index
      %swap3A_568 = arith.constant 608 : index
      %swap3A_569 = tpu.vector_load %arg11[%swap3A_567, %swap3A_568] {strides = array<i32>} : memref<16x1024xf32, #tpu.memory_space<vmem>>, vector<16xf32>,
      tpu.vector_store %arg11[%swap3A_567, %swap3A_568], %add3A_566 {strides = array<i32>} : memref<16x1024xf32, #tpu.memory_space<vmem>>, vector<16xf32>,
      %get3A_570 = arith.index_cast %scan3A_95 : i32 to index
      %get3A_571 = arith.constant 624 : index
      %get3A_572 = tpu.vector_load %arg11[%get3A_570, %get3A_571] {strides = array<i32>} : memref<16x1024xf32, #tpu.memory_space<vmem>>, vector<16xf32>,
      %mul3A_573 = arith.mulf %get3A_572, %gather3A : vector<16xf32>
      %get3A_574 = arith.index_cast %scan3A_95 : i32 to index
      %get3A_575 = arith.constant 624 : index
      %get3A_576 = tpu.vector_load %arg13[%get3A_574, %get3A_575] {strides = array<i32>} : memref<16x1024xf32, #tpu.memory_space<vmem>>, vector<16xf32>,
      %mul3A_577 = arith.mulf %get3A_576, %sub3A_102 : vector<16xf32>
      %add3A_578 = arith.addf %mul3A_573, %mul3A_577 : vector<16xf32>
      %swap3A_579 = arith.index_cast %scan3A_95 : i32 to index
      %swap3A_580 = arith.constant 624 : index
      %swap3A_581 = tpu.vector_load %arg11[%swap3A_579, %swap3A_580] {strides = array<i32>} : memref<16x1024xf32, #tpu.memory_space<vmem>>, vector<16xf32>,
      tpu.vector_store %arg11[%swap3A_579, %swap3A_580], %add3A_578 {strides = array<i32>} : memref<16x1024xf32, #tpu.memory_space<vmem>>, vector<16xf32>,
      %get3A_582 = arith.index_cast %scan3A_95 : i32 to index
      %get3A_583 = arith.constant 640 : index
      %get3A_584 = tpu.vector_load %arg11[%get3A_582, %get3A_583] {strides = array<i32>} : memref<16x1024xf32, #tpu.memory_space<vmem>>, vector<16xf32>,
      %mul3A_585 = arith.mulf %get3A_584, %gather3A : vector<16xf32>
      %get3A_586 = arith.index_cast %scan3A_95 : i32 to index
      %get3A_587 = arith.constant 640 : index
      %get3A_588 = tpu.vector_load %arg13[%get3A_586, %get3A_587] {strides = array<i32>} : memref<16x1024xf32, #tpu.memory_space<vmem>>, vector<16xf32>,
      %mul3A_589 = arith.mulf %get3A_588, %sub3A_102 : vector<16xf32>
      %add3A_590 = arith.addf %mul3A_585, %mul3A_589 : vector<16xf32>
      %swap3A_591 = arith.index_cast %scan3A_95 : i32 to index
      %swap3A_592 = arith.constant 640 : index
      %swap3A_593 = tpu.vector_load %arg11[%swap3A_591, %swap3A_592] {strides = array<i32>} : memref<16x1024xf32, #tpu.memory_space<vmem>>, vector<16xf32>,
      tpu.vector_store %arg11[%swap3A_591, %swap3A_592], %add3A_590 {strides = array<i32>} : memref<16x1024xf32, #tpu.memory_space<vmem>>, vector<16xf32>,
      %get3A_594 = arith.index_cast %scan3A_95 : i32 to index
      %get3A_595 = arith.constant 656 : index
      %get3A_596 = tpu.vector_load %arg11[%get3A_594, %get3A_595] {strides = array<i32>} : memref<16x1024xf32, #tpu.memory_space<vmem>>, vector<16xf32>,
      %mul3A_597 = arith.mulf %get3A_596, %gather3A : vector<16xf32>
      %get3A_598 = arith.index_cast %scan3A_95 : i32 to index
      %get3A_599 = arith.constant 656 : index
      %get3A_600 = tpu.vector_load %arg13[%get3A_598, %get3A_599] {strides = array<i32>} : memref<16x1024xf32, #tpu.memory_space<vmem>>, vector<16xf32>,
      %mul3A_601 = arith.mulf %get3A_600, %sub3A_102 : vector<16xf32>
      %add3A_602 = arith.addf %mul3A_597, %mul3A_601 : vector<16xf32>
      %swap3A_603 = arith.index_cast %scan3A_95 : i32 to index
      %swap3A_604 = arith.constant 656 : index
      %swap3A_605 = tpu.vector_load %arg11[%swap3A_603, %swap3A_604] {strides = array<i32>} : memref<16x1024xf32, #tpu.memory_space<vmem>>, vector<16xf32>,
      tpu.vector_store %arg11[%swap3A_603, %swap3A_604], %add3A_602 {strides = array<i32>} : memref<16x1024xf32, #tpu.memory_space<vmem>>, vector<16xf32>,
      %get3A_606 = arith.index_cast %scan3A_95 : i32 to index
      %get3A_607 = arith.constant 672 : index
      %get3A_608 = tpu.vector_load %arg11[%get3A_606, %get3A_607] {strides = array<i32>} : memref<16x1024xf32, #tpu.memory_space<vmem>>, vector<16xf32>,
      %mul3A_609 = arith.mulf %get3A_608, %gather3A : vector<16xf32>
      %get3A_610 = arith.index_cast %scan3A_95 : i32 to index
      %get3A_611 = arith.constant 672 : index
      %get3A_612 = tpu.vector_load %arg13[%get3A_610, %get3A_611] {strides = array<i32>} : memref<16x1024xf32, #tpu.memory_space<vmem>>, vector<16xf32>,
      %mul3A_613 = arith.mulf %get3A_612, %sub3A_102 : vector<16xf32>
      %add3A_614 = arith.addf %mul3A_609, %mul3A_613 : vector<16xf32>
      %swap3A_615 = arith.index_cast %scan3A_95 : i32 to index
      %swap3A_616 = arith.constant 672 : index
      %swap3A_617 = tpu.vector_load %arg11[%swap3A_615, %swap3A_616] {strides = array<i32>} : memref<16x1024xf32, #tpu.memory_space<vmem>>, vector<16xf32>,
      tpu.vector_store %arg11[%swap3A_615, %swap3A_616], %add3A_614 {strides = array<i32>} : memref<16x1024xf32, #tpu.memory_space<vmem>>, vector<16xf32>,
      %get3A_618 = arith.index_cast %scan3A_95 : i32 to index
      %get3A_619 = arith.constant 688 : index
      %get3A_620 = tpu.vector_load %arg11[%get3A_618, %get3A_619] {strides = array<i32>} : memref<16x1024xf32, #tpu.memory_space<vmem>>, vector<16xf32>,
      %mul3A_621 = arith.mulf %get3A_620, %gather3A : vector<16xf32>
      %get3A_622 = arith.index_cast %scan3A_95 : i32 to index
      %get3A_623 = arith.constant 688 : index
      %get3A_624 = tpu.vector_load %arg13[%get3A_622, %get3A_623] {strides = array<i32>} : memref<16x1024xf32, #tpu.memory_space<vmem>>, vector<16xf32>,
      %mul3A_625 = arith.mulf %get3A_624, %sub3A_102 : vector<16xf32>
      %add3A_626 = arith.addf %mul3A_621, %mul3A_625 : vector<16xf32>
      %swap3A_627 = arith.index_cast %scan3A_95 : i32 to index
      %swap3A_628 = arith.constant 688 : index
      %swap3A_629 = tpu.vector_load %arg11[%swap3A_627, %swap3A_628] {strides = array<i32>} : memref<16x1024xf32, #tpu.memory_space<vmem>>, vector<16xf32>,
      tpu.vector_store %arg11[%swap3A_627, %swap3A_628], %add3A_626 {strides = array<i32>} : memref<16x1024xf32, #tpu.memory_space<vmem>>, vector<16xf32>,
      %get3A_630 = arith.index_cast %scan3A_95 : i32 to index
      %get3A_631 = arith.constant 704 : index
      %get3A_632 = tpu.vector_load %arg11[%get3A_630, %get3A_631] {strides = array<i32>} : memref<16x1024xf32, #tpu.memory_space<vmem>>, vector<16xf32>,
      %mul3A_633 = arith.mulf %get3A_632, %gather3A : vector<16xf32>
      %get3A_634 = arith.index_cast %scan3A_95 : i32 to index
      %get3A_635 = arith.constant 704 : index
      %get3A_636 = tpu.vector_load %arg13[%get3A_634, %get3A_635] {strides = array<i32>} : memref<16x1024xf32, #tpu.memory_space<vmem>>, vector<16xf32>,
      %mul3A_637 = arith.mulf %get3A_636, %sub3A_102 : vector<16xf32>
      %add3A_638 = arith.addf %mul3A_633, %mul3A_637 : vector<16xf32>
      %swap3A_639 = arith.index_cast %scan3A_95 : i32 to index
      %swap3A_640 = arith.constant 704 : index
      %swap3A_641 = tpu.vector_load %arg11[%swap3A_639, %swap3A_640] {strides = array<i32>} : memref<16x1024xf32, #tpu.memory_space<vmem>>, vector<16xf32>,
      tpu.vector_store %arg11[%swap3A_639, %swap3A_640], %add3A_638 {strides = array<i32>} : memref<16x1024xf32, #tpu.memory_space<vmem>>, vector<16xf32>,
      %get3A_642 = arith.index_cast %scan3A_95 : i32 to index
      %get3A_643 = arith.constant 720 : index
      %get3A_644 = tpu.vector_load %arg11[%get3A_642, %get3A_643] {strides = array<i32>} : memref<16x1024xf32, #tpu.memory_space<vmem>>, vector<16xf32>,
      %mul3A_645 = arith.mulf %get3A_644, %gather3A : vector<16xf32>
      %get3A_646 = arith.index_cast %scan3A_95 : i32 to index
      %get3A_647 = arith.constant 720 : index
      %get3A_648 = tpu.vector_load %arg13[%get3A_646, %get3A_647] {strides = array<i32>} : memref<16x1024xf32, #tpu.memory_space<vmem>>, vector<16xf32>,
      %mul3A_649 = arith.mulf %get3A_648, %sub3A_102 : vector<16xf32>
      %add3A_650 = arith.addf %mul3A_645, %mul3A_649 : vector<16xf32>
      %swap3A_651 = arith.index_cast %scan3A_95 : i32 to index
      %swap3A_652 = arith.constant 720 : index
      %swap3A_653 = tpu.vector_load %arg11[%swap3A_651, %swap3A_652] {strides = array<i32>} : memref<16x1024xf32, #tpu.memory_space<vmem>>, vector<16xf32>,
      tpu.vector_store %arg11[%swap3A_651, %swap3A_652], %add3A_650 {strides = array<i32>} : memref<16x1024xf32, #tpu.memory_space<vmem>>, vector<16xf32>,
      %get3A_654 = arith.index_cast %scan3A_95 : i32 to index
      %get3A_655 = arith.constant 736 : index
      %get3A_656 = tpu.vector_load %arg11[%get3A_654, %get3A_655] {strides = array<i32>} : memref<16x1024xf32, #tpu.memory_space<vmem>>, vector<16xf32>,
      %mul3A_657 = arith.mulf %get3A_656, %gather3A : vector<16xf32>
      %get3A_658 = arith.index_cast %scan3A_95 : i32 to index
      %get3A_659 = arith.constant 736 : index
      %get3A_660 = tpu.vector_load %arg13[%get3A_658, %get3A_659] {strides = array<i32>} : memref<16x1024xf32, #tpu.memory_space<vmem>>, vector<16xf32>,
      %mul3A_661 = arith.mulf %get3A_660, %sub3A_102 : vector<16xf32>
      %add3A_662 = arith.addf %mul3A_657, %mul3A_661 : vector<16xf32>
      %swap3A_663 = arith.index_cast %scan3A_95 : i32 to index
      %swap3A_664 = arith.constant 736 : index
      %swap3A_665 = tpu.vector_load %arg11[%swap3A_663, %swap3A_664] {strides = array<i32>} : memref<16x1024xf32, #tpu.memory_space<vmem>>, vector<16xf32>,
      tpu.vector_store %arg11[%swap3A_663, %swap3A_664], %add3A_662 {strides = array<i32>} : memref<16x1024xf32, #tpu.memory_space<vmem>>, vector<16xf32>,
      %get3A_666 = arith.index_cast %scan3A_95 : i32 to index
      %get3A_667 = arith.constant 752 : index
      %get3A_668 = tpu.vector_load %arg11[%get3A_666, %get3A_667] {strides = array<i32>} : memref<16x1024xf32, #tpu.memory_space<vmem>>, vector<16xf32>,
      %mul3A_669 = arith.mulf %get3A_668, %gather3A : vector<16xf32>
      %get3A_670 = arith.index_cast %scan3A_95 : i32 to index
      %get3A_671 = arith.constant 752 : index
      %get3A_672 = tpu.vector_load %arg13[%get3A_670, %get3A_671] {strides = array<i32>} : memref<16x1024xf32, #tpu.memory_space<vmem>>, vector<16xf32>,
      %mul3A_673 = arith.mulf %get3A_672, %sub3A_102 : vector<16xf32>
      %add3A_674 = arith.addf %mul3A_669, %mul3A_673 : vector<16xf32>
      %swap3A_675 = arith.index_cast %scan3A_95 : i32 to index
      %swap3A_676 = arith.constant 752 : index
      %swap3A_677 = tpu.vector_load %arg11[%swap3A_675, %swap3A_676] {strides = array<i32>} : memref<16x1024xf32, #tpu.memory_space<vmem>>, vector<16xf32>,
      tpu.vector_store %arg11[%swap3A_675, %swap3A_676], %add3A_674 {strides = array<i32>} : memref<16x1024xf32, #tpu.memory_space<vmem>>, vector<16xf32>,
      %get3A_678 = arith.index_cast %scan3A_95 : i32 to index
      %get3A_679 = arith.constant 768 : index
      %get3A_680 = tpu.vector_load %arg11[%get3A_678, %get3A_679] {strides = array<i32>} : memref<16x1024xf32, #tpu.memory_space<vmem>>, vector<16xf32>,
      %mul3A_681 = arith.mulf %get3A_680, %gather3A : vector<16xf32>
      %get3A_682 = arith.index_cast %scan3A_95 : i32 to index
      %get3A_683 = arith.constant 768 : index
      %get3A_684 = tpu.vector_load %arg13[%get3A_682, %get3A_683] {strides = array<i32>} : memref<16x1024xf32, #tpu.memory_space<vmem>>, vector<16xf32>,
      %mul3A_685 = arith.mulf %get3A_684, %sub3A_102 : vector<16xf32>
      %add3A_686 = arith.addf %mul3A_681, %mul3A_685 : vector<16xf32>
      %swap3A_687 = arith.index_cast %scan3A_95 : i32 to index
      %swap3A_688 = arith.constant 768 : index
      %swap3A_689 = tpu.vector_load %arg11[%swap3A_687, %swap3A_688] {strides = array<i32>} : memref<16x1024xf32, #tpu.memory_space<vmem>>, vector<16xf32>,
      tpu.vector_store %arg11[%swap3A_687, %swap3A_688], %add3A_686 {strides = array<i32>} : memref<16x1024xf32, #tpu.memory_space<vmem>>, vector<16xf32>,
      %get3A_690 = arith.index_cast %scan3A_95 : i32 to index
      %get3A_691 = arith.constant 784 : index
      %get3A_692 = tpu.vector_load %arg11[%get3A_690, %get3A_691] {strides = array<i32>} : memref<16x1024xf32, #tpu.memory_space<vmem>>, vector<16xf32>,
      %mul3A_693 = arith.mulf %get3A_692, %gather3A : vector<16xf32>
      %get3A_694 = arith.index_cast %scan3A_95 : i32 to index
      %get3A_695 = arith.constant 784 : index
      %get3A_696 = tpu.vector_load %arg13[%get3A_694, %get3A_695] {strides = array<i32>} : memref<16x1024xf32, #tpu.memory_space<vmem>>, vector<16xf32>,
      %mul3A_697 = arith.mulf %get3A_696, %sub3A_102 : vector<16xf32>
      %add3A_698 = arith.addf %mul3A_693, %mul3A_697 : vector<16xf32>
      %swap3A_699 = arith.index_cast %scan3A_95 : i32 to index
      %swap3A_700 = arith.constant 784 : index
      %swap3A_701 = tpu.vector_load %arg11[%swap3A_699, %swap3A_700] {strides = array<i32>} : memref<16x1024xf32, #tpu.memory_space<vmem>>, vector<16xf32>,
      tpu.vector_store %arg11[%swap3A_699, %swap3A_700], %add3A_698 {strides = array<i32>} : memref<16x1024xf32, #tpu.memory_space<vmem>>, vector<16xf32>,
      %get3A_702 = arith.index_cast %scan3A_95 : i32 to index
      %get3A_703 = arith.constant 800 : index
      %get3A_704 = tpu.vector_load %arg11[%get3A_702, %get3A_703] {strides = array<i32>} : memref<16x1024xf32, #tpu.memory_space<vmem>>, vector<16xf32>,
      %mul3A_705 = arith.mulf %get3A_704, %gather3A : vector<16xf32>
      %get3A_706 = arith.index_cast %scan3A_95 : i32 to index
      %get3A_707 = arith.constant 800 : index
      %get3A_708 = tpu.vector_load %arg13[%get3A_706, %get3A_707] {strides = array<i32>} : memref<16x1024xf32, #tpu.memory_space<vmem>>, vector<16xf32>,
      %mul3A_709 = arith.mulf %get3A_708, %sub3A_102 : vector<16xf32>
      %add3A_710 = arith.addf %mul3A_705, %mul3A_709 : vector<16xf32>
      %swap3A_711 = arith.index_cast %scan3A_95 : i32 to index
      %swap3A_712 = arith.constant 800 : index
      %swap3A_713 = tpu.vector_load %arg11[%swap3A_711, %swap3A_712] {strides = array<i32>} : memref<16x1024xf32, #tpu.memory_space<vmem>>, vector<16xf32>,
      tpu.vector_store %arg11[%swap3A_711, %swap3A_712], %add3A_710 {strides = array<i32>} : memref<16x1024xf32, #tpu.memory_space<vmem>>, vector<16xf32>,
      %get3A_714 = arith.index_cast %scan3A_95 : i32 to index
      %get3A_715 = arith.constant 816 : index
      %get3A_716 = tpu.vector_load %arg11[%get3A_714, %get3A_715] {strides = array<i32>} : memref<16x1024xf32, #tpu.memory_space<vmem>>, vector<16xf32>,
      %mul3A_717 = arith.mulf %get3A_716, %gather3A : vector<16xf32>
      %get3A_718 = arith.index_cast %scan3A_95 : i32 to index
      %get3A_719 = arith.constant 816 : index
      %get3A_720 = tpu.vector_load %arg13[%get3A_718, %get3A_719] {strides = array<i32>} : memref<16x1024xf32, #tpu.memory_space<vmem>>, vector<16xf32>,
      %mul3A_721 = arith.mulf %get3A_720, %sub3A_102 : vector<16xf32>
      %add3A_722 = arith.addf %mul3A_717, %mul3A_721 : vector<16xf32>
      %swap3A_723 = arith.index_cast %scan3A_95 : i32 to index
      %swap3A_724 = arith.constant 816 : index
      %swap3A_725 = tpu.vector_load %arg11[%swap3A_723, %swap3A_724] {strides = array<i32>} : memref<16x1024xf32, #tpu.memory_space<vmem>>, vector<16xf32>,
      tpu.vector_store %arg11[%swap3A_723, %swap3A_724], %add3A_722 {strides = array<i32>} : memref<16x1024xf32, #tpu.memory_space<vmem>>, vector<16xf32>,
      %get3A_726 = arith.index_cast %scan3A_95 : i32 to index
      %get3A_727 = arith.constant 832 : index
      %get3A_728 = tpu.vector_load %arg11[%get3A_726, %get3A_727] {strides = array<i32>} : memref<16x1024xf32, #tpu.memory_space<vmem>>, vector<16xf32>,
      %mul3A_729 = arith.mulf %get3A_728, %gather3A : vector<16xf32>
      %get3A_730 = arith.index_cast %scan3A_95 : i32 to index
      %get3A_731 = arith.constant 832 : index
      %get3A_732 = tpu.vector_load %arg13[%get3A_730, %get3A_731] {strides = array<i32>} : memref<16x1024xf32, #tpu.memory_space<vmem>>, vector<16xf32>,
      %mul3A_733 = arith.mulf %get3A_732, %sub3A_102 : vector<16xf32>
      %add3A_734 = arith.addf %mul3A_729, %mul3A_733 : vector<16xf32>
      %swap3A_735 = arith.index_cast %scan3A_95 : i32 to index
      %swap3A_736 = arith.constant 832 : index
      %swap3A_737 = tpu.vector_load %arg11[%swap3A_735, %swap3A_736] {strides = array<i32>} : memref<16x1024xf32, #tpu.memory_space<vmem>>, vector<16xf32>,
      tpu.vector_store %arg11[%swap3A_735, %swap3A_736], %add3A_734 {strides = array<i32>} : memref<16x1024xf32, #tpu.memory_space<vmem>>, vector<16xf32>,
      %get3A_738 = arith.index_cast %scan3A_95 : i32 to index
      %get3A_739 = arith.constant 848 : index
      %get3A_740 = tpu.vector_load %arg11[%get3A_738, %get3A_739] {strides = array<i32>} : memref<16x1024xf32, #tpu.memory_space<vmem>>, vector<16xf32>,
      %mul3A_741 = arith.mulf %get3A_740, %gather3A : vector<16xf32>
      %get3A_742 = arith.index_cast %scan3A_95 : i32 to index
      %get3A_743 = arith.constant 848 : index
      %get3A_744 = tpu.vector_load %arg13[%get3A_742, %get3A_743] {strides = array<i32>} : memref<16x1024xf32, #tpu.memory_space<vmem>>, vector<16xf32>,
      %mul3A_745 = arith.mulf %get3A_744, %sub3A_102 : vector<16xf32>
      %add3A_746 = arith.addf %mul3A_741, %mul3A_745 : vector<16xf32>
      %swap3A_747 = arith.index_cast %scan3A_95 : i32 to index
      %swap3A_748 = arith.constant 848 : index
      %swap3A_749 = tpu.vector_load %arg11[%swap3A_747, %swap3A_748] {strides = array<i32>} : memref<16x1024xf32, #tpu.memory_space<vmem>>, vector<16xf32>,
      tpu.vector_store %arg11[%swap3A_747, %swap3A_748], %add3A_746 {strides = array<i32>} : memref<16x1024xf32, #tpu.memory_space<vmem>>, vector<16xf32>,
      %get3A_750 = arith.index_cast %scan3A_95 : i32 to index
      %get3A_751 = arith.constant 864 : index
      %get3A_752 = tpu.vector_load %arg11[%get3A_750, %get3A_751] {strides = array<i32>} : memref<16x1024xf32, #tpu.memory_space<vmem>>, vector<16xf32>,
      %mul3A_753 = arith.mulf %get3A_752, %gather3A : vector<16xf32>
      %get3A_754 = arith.index_cast %scan3A_95 : i32 to index
      %get3A_755 = arith.constant 864 : index
      %get3A_756 = tpu.vector_load %arg13[%get3A_754, %get3A_755] {strides = array<i32>} : memref<16x1024xf32, #tpu.memory_space<vmem>>, vector<16xf32>,
      %mul3A_757 = arith.mulf %get3A_756, %sub3A_102 : vector<16xf32>
      %add3A_758 = arith.addf %mul3A_753, %mul3A_757 : vector<16xf32>
      %swap3A_759 = arith.index_cast %scan3A_95 : i32 to index
      %swap3A_760 = arith.constant 864 : index
      %swap3A_761 = tpu.vector_load %arg11[%swap3A_759, %swap3A_760] {strides = array<i32>} : memref<16x1024xf32, #tpu.memory_space<vmem>>, vector<16xf32>,
      tpu.vector_store %arg11[%swap3A_759, %swap3A_760], %add3A_758 {strides = array<i32>} : memref<16x1024xf32, #tpu.memory_space<vmem>>, vector<16xf32>,
      %get3A_762 = arith.index_cast %scan3A_95 : i32 to index
      %get3A_763 = arith.constant 880 : index
      %get3A_764 = tpu.vector_load %arg11[%get3A_762, %get3A_763] {strides = array<i32>} : memref<16x1024xf32, #tpu.memory_space<vmem>>, vector<16xf32>,
      %mul3A_765 = arith.mulf %get3A_764, %gather3A : vector<16xf32>
      %get3A_766 = arith.index_cast %scan3A_95 : i32 to index
      %get3A_767 = arith.constant 880 : index
      %get3A_768 = tpu.vector_load %arg13[%get3A_766, %get3A_767] {strides = array<i32>} : memref<16x1024xf32, #tpu.memory_space<vmem>>, vector<16xf32>,
      %mul3A_769 = arith.mulf %get3A_768, %sub3A_102 : vector<16xf32>
      %add3A_770 = arith.addf %mul3A_765, %mul3A_769 : vector<16xf32>
      %swap3A_771 = arith.index_cast %scan3A_95 : i32 to index
      %swap3A_772 = arith.constant 880 : index
      %swap3A_773 = tpu.vector_load %arg11[%swap3A_771, %swap3A_772] {strides = array<i32>} : memref<16x1024xf32, #tpu.memory_space<vmem>>, vector<16xf32>,
      tpu.vector_store %arg11[%swap3A_771, %swap3A_772], %add3A_770 {strides = array<i32>} : memref<16x1024xf32, #tpu.memory_space<vmem>>, vector<16xf32>,
      %get3A_774 = arith.index_cast %scan3A_95 : i32 to index
      %get3A_775 = arith.constant 896 : index
      %get3A_776 = tpu.vector_load %arg11[%get3A_774, %get3A_775] {strides = array<i32>} : memref<16x1024xf32, #tpu.memory_space<vmem>>, vector<16xf32>,
      %mul3A_777 = arith.mulf %get3A_776, %gather3A : vector<16xf32>
      %get3A_778 = arith.index_cast %scan3A_95 : i32 to index
      %get3A_779 = arith.constant 896 : index
      %get3A_780 = tpu.vector_load %arg13[%get3A_778, %get3A_779] {strides = array<i32>} : memref<16x1024xf32, #tpu.memory_space<vmem>>, vector<16xf32>,
      %mul3A_781 = arith.mulf %get3A_780, %sub3A_102 : vector<16xf32>
      %add3A_782 = arith.addf %mul3A_777, %mul3A_781 : vector<16xf32>
      %swap3A_783 = arith.index_cast %scan3A_95 : i32 to index
      %swap3A_784 = arith.constant 896 : index
      %swap3A_785 = tpu.vector_load %arg11[%swap3A_783, %swap3A_784] {strides = array<i32>} : memref<16x1024xf32, #tpu.memory_space<vmem>>, vector<16xf32>,
      tpu.vector_store %arg11[%swap3A_783, %swap3A_784], %add3A_782 {strides = array<i32>} : memref<16x1024xf32, #tpu.memory_space<vmem>>, vector<16xf32>,
      %get3A_786 = arith.index_cast %scan3A_95 : i32 to index
      %get3A_787 = arith.constant 912 : index
      %get3A_788 = tpu.vector_load %arg11[%get3A_786, %get3A_787] {strides = array<i32>} : memref<16x1024xf32, #tpu.memory_space<vmem>>, vector<16xf32>,
      %mul3A_789 = arith.mulf %get3A_788, %gather3A : vector<16xf32>
      %get3A_790 = arith.index_cast %scan3A_95 : i32 to index
      %get3A_791 = arith.constant 912 : index
      %get3A_792 = tpu.vector_load %arg13[%get3A_790, %get3A_791] {strides = array<i32>} : memref<16x1024xf32, #tpu.memory_space<vmem>>, vector<16xf32>,
      %mul3A_793 = arith.mulf %get3A_792, %sub3A_102 : vector<16xf32>
      %add3A_794 = arith.addf %mul3A_789, %mul3A_793 : vector<16xf32>
      %swap3A_795 = arith.index_cast %scan3A_95 : i32 to index
      %swap3A_796 = arith.constant 912 : index
      %swap3A_797 = tpu.vector_load %arg11[%swap3A_795, %swap3A_796] {strides = array<i32>} : memref<16x1024xf32, #tpu.memory_space<vmem>>, vector<16xf32>,
      tpu.vector_store %arg11[%swap3A_795, %swap3A_796], %add3A_794 {strides = array<i32>} : memref<16x1024xf32, #tpu.memory_space<vmem>>, vector<16xf32>,
      %get3A_798 = arith.index_cast %scan3A_95 : i32 to index
      %get3A_799 = arith.constant 928 : index
      %get3A_800 = tpu.vector_load %arg11[%get3A_798, %get3A_799] {strides = array<i32>} : memref<16x1024xf32, #tpu.memory_space<vmem>>, vector<16xf32>,
      %mul3A_801 = arith.mulf %get3A_800, %gather3A : vector<16xf32>
      %get3A_802 = arith.index_cast %scan3A_95 : i32 to index
      %get3A_803 = arith.constant 928 : index
      %get3A_804 = tpu.vector_load %arg13[%get3A_802, %get3A_803] {strides = array<i32>} : memref<16x1024xf32, #tpu.memory_space<vmem>>, vector<16xf32>,
      %mul3A_805 = arith.mulf %get3A_804, %sub3A_102 : vector<16xf32>
      %add3A_806 = arith.addf %mul3A_801, %mul3A_805 : vector<16xf32>
      %swap3A_807 = arith.index_cast %scan3A_95 : i32 to index
      %swap3A_808 = arith.constant 928 : index
      %swap3A_809 = tpu.vector_load %arg11[%swap3A_807, %swap3A_808] {strides = array<i32>} : memref<16x1024xf32, #tpu.memory_space<vmem>>, vector<16xf32>,
      tpu.vector_store %arg11[%swap3A_807, %swap3A_808], %add3A_806 {strides = array<i32>} : memref<16x1024xf32, #tpu.memory_space<vmem>>, vector<16xf32>,
      %get3A_810 = arith.index_cast %scan3A_95 : i32 to index
      %get3A_811 = arith.constant 944 : index
      %get3A_812 = tpu.vector_load %arg11[%get3A_810, %get3A_811] {strides = array<i32>} : memref<16x1024xf32, #tpu.memory_space<vmem>>, vector<16xf32>,
      %mul3A_813 = arith.mulf %get3A_812, %gather3A : vector<16xf32>
      %get3A_814 = arith.index_cast %scan3A_95 : i32 to index
      %get3A_815 = arith.constant 944 : index
      %get3A_816 = tpu.vector_load %arg13[%get3A_814, %get3A_815] {strides = array<i32>} : memref<16x1024xf32, #tpu.memory_space<vmem>>, vector<16xf32>,
      %mul3A_817 = arith.mulf %get3A_816, %sub3A_102 : vector<16xf32>
      %add3A_818 = arith.addf %mul3A_813, %mul3A_817 : vector<16xf32>
      %swap3A_819 = arith.index_cast %scan3A_95 : i32 to index
      %swap3A_820 = arith.constant 944 : index
      %swap3A_821 = tpu.vector_load %arg11[%swap3A_819, %swap3A_820] {strides = array<i32>} : memref<16x1024xf32, #tpu.memory_space<vmem>>, vector<16xf32>,
      tpu.vector_store %arg11[%swap3A_819, %swap3A_820], %add3A_818 {strides = array<i32>} : memref<16x1024xf32, #tpu.memory_space<vmem>>, vector<16xf32>,
      %get3A_822 = arith.index_cast %scan3A_95 : i32 to index
      %get3A_823 = arith.constant 960 : index
      %get3A_824 = tpu.vector_load %arg11[%get3A_822, %get3A_823] {strides = array<i32>} : memref<16x1024xf32, #tpu.memory_space<vmem>>, vector<16xf32>,
      %mul3A_825 = arith.mulf %get3A_824, %gather3A : vector<16xf32>
      %get3A_826 = arith.index_cast %scan3A_95 : i32 to index
      %get3A_827 = arith.constant 960 : index
      %get3A_828 = tpu.vector_load %arg13[%get3A_826, %get3A_827] {strides = array<i32>} : memref<16x1024xf32, #tpu.memory_space<vmem>>, vector<16xf32>,
      %mul3A_829 = arith.mulf %get3A_828, %sub3A_102 : vector<16xf32>
      %add3A_830 = arith.addf %mul3A_825, %mul3A_829 : vector<16xf32>
      %swap3A_831 = arith.index_cast %scan3A_95 : i32 to index
      %swap3A_832 = arith.constant 960 : index
      %swap3A_833 = tpu.vector_load %arg11[%swap3A_831, %swap3A_832] {strides = array<i32>} : memref<16x1024xf32, #tpu.memory_space<vmem>>, vector<16xf32>,
      tpu.vector_store %arg11[%swap3A_831, %swap3A_832], %add3A_830 {strides = array<i32>} : memref<16x1024xf32, #tpu.memory_space<vmem>>, vector<16xf32>,
      %get3A_834 = arith.index_cast %scan3A_95 : i32 to index
      %get3A_835 = arith.constant 976 : index
      %get3A_836 = tpu.vector_load %arg11[%get3A_834, %get3A_835] {strides = array<i32>} : memref<16x1024xf32, #tpu.memory_space<vmem>>, vector<16xf32>,
      %mul3A_837 = arith.mulf %get3A_836, %gather3A : vector<16xf32>
      %get3A_838 = arith.index_cast %scan3A_95 : i32 to index
      %get3A_839 = arith.constant 976 : index
      %get3A_840 = tpu.vector_load %arg13[%get3A_838, %get3A_839] {strides = array<i32>} : memref<16x1024xf32, #tpu.memory_space<vmem>>, vector<16xf32>,
      %mul3A_841 = arith.mulf %get3A_840, %sub3A_102 : vector<16xf32>
      %add3A_842 = arith.addf %mul3A_837, %mul3A_841 : vector<16xf32>
      %swap3A_843 = arith.index_cast %scan3A_95 : i32 to index
      %swap3A_844 = arith.constant 976 : index
      %swap3A_845 = tpu.vector_load %arg11[%swap3A_843, %swap3A_844] {strides = array<i32>} : memref<16x1024xf32, #tpu.memory_space<vmem>>, vector<16xf32>,
      tpu.vector_store %arg11[%swap3A_843, %swap3A_844], %add3A_842 {strides = array<i32>} : memref<16x1024xf32, #tpu.memory_space<vmem>>, vector<16xf32>,
      %get3A_846 = arith.index_cast %scan3A_95 : i32 to index
      %get3A_847 = arith.constant 992 : index
      %get3A_848 = tpu.vector_load %arg11[%get3A_846, %get3A_847] {strides = array<i32>} : memref<16x1024xf32, #tpu.memory_space<vmem>>, vector<16xf32>,
      %mul3A_849 = arith.mulf %get3A_848, %gather3A : vector<16xf32>
      %get3A_850 = arith.index_cast %scan3A_95 : i32 to index
      %get3A_851 = arith.constant 992 : index
      %get3A_852 = tpu.vector_load %arg13[%get3A_850, %get3A_851] {strides = array<i32>} : memref<16x1024xf32, #tpu.memory_space<vmem>>, vector<16xf32>,
      %mul3A_853 = arith.mulf %get3A_852, %sub3A_102 : vector<16xf32>
      %add3A_854 = arith.addf %mul3A_849, %mul3A_853 : vector<16xf32>
      %swap3A_855 = arith.index_cast %scan3A_95 : i32 to index
      %swap3A_856 = arith.constant 992 : index
      %swap3A_857 = tpu.vector_load %arg11[%swap3A_855, %swap3A_856] {strides = array<i32>} : memref<16x1024xf32, #tpu.memory_space<vmem>>, vector<16xf32>,
      tpu.vector_store %arg11[%swap3A_855, %swap3A_856], %add3A_854 {strides = array<i32>} : memref<16x1024xf32, #tpu.memory_space<vmem>>, vector<16xf32>,
      %get3A_858 = arith.index_cast %scan3A_95 : i32 to index
      %get3A_859 = arith.constant 1008 : index
      %get3A_860 = tpu.vector_load %arg11[%get3A_858, %get3A_859] {strides = array<i32>} : memref<16x1024xf32, #tpu.memory_space<vmem>>, vector<16xf32>,
      %mul3A_861 = arith.mulf %get3A_860, %gather3A : vector<16xf32>
      %get3A_862 = arith.index_cast %scan3A_95 : i32 to index
      %get3A_863 = arith.constant 1008 : index
      %get3A_864 = tpu.vector_load %arg13[%get3A_862, %get3A_863] {strides = array<i32>} : memref<16x1024xf32, #tpu.memory_space<vmem>>, vector<16xf32>,
      %mul3A_865 = arith.mulf %get3A_864, %sub3A_102 : vector<16xf32>
      %add3A_866 = arith.addf %mul3A_861, %mul3A_865 : vector<16xf32>
      %swap3A_867 = arith.index_cast %scan3A_95 : i32 to index
      %swap3A_868 = arith.constant 1008 : index
      %swap3A_869 = tpu.vector_load %arg11[%swap3A_867, %swap3A_868] {strides = array<i32>} : memref<16x1024xf32, #tpu.memory_space<vmem>>, vector<16xf32>,
      tpu.vector_store %arg11[%swap3A_867, %swap3A_868], %add3A_866 {strides = array<i32>} : memref<16x1024xf32, #tpu.memory_space<vmem>>, vector<16xf32>,
    }
    %scan3A_54 = arith.constant 16 : i32
    %add3A_55 = arith.constant 16 : i32
    %add3A_56 = arith.addi %mul3A_2, %add3A_55 : i32
    "tpu.region"() ({
      %run_scoped3A = tpu.sem_alloc : memref<!tpu.dma_semaphore, #tpu.memory_space<semaphore_mem>>
      %dma_start3A_95 = arith.constant 0 : i32
      %dma_start3A_96 = tpu.memref_slice %arg6[%add3A_56, %dma_start3A_95] : memref<2048x1024xf32, #tpu.memory_space<hbm>> -> memref<16x1024xf32, #tpu.memory_space<hbm>>
      %dma_start3A_97 = arith.constant 0 : i32
      %dma_start3A_98 = tpu.memref_slice %arg6[%add3A_56, %dma_start3A_97] : memref<2048x1024xf32, #tpu.memory_space<hbm>> -> memref<16x1024xf32, #tpu.memory_space<hbm>>
      tpu.enqueue_dma source(%arg11 : memref<16x1024xf32, #tpu.memory_space<vmem>>) target(%dma_start3A_98 : memref<16x1024xf32, #tpu.memory_space<hbm>>) target_semaphore(%run_scoped3A : memref<!tpu.dma_semaphore, #tpu.memory_space<semaphore_mem>>)
      %dma_wait3A_99 = arith.constant 0 : i32
      %dma_wait3A_100 = tpu.memref_slice %arg6[%add3A_56, %dma_wait3A_99] : memref<2048x1024xf32, #tpu.memory_space<hbm>> -> memref<16x1024xf32, #tpu.memory_space<hbm>>
      %dma_wait3A_101 = arith.constant 0 : i32
      %dma_wait3A_102 = tpu.memref_slice %arg6[%add3A_56, %dma_wait3A_101] : memref<2048x1024xf32, #tpu.memory_space<hbm>> -> memref<16x1024xf32, #tpu.memory_space<hbm>>
      tpu.wait_dma2 semaphore(%run_scoped3A : memref<!tpu.dma_semaphore, #tpu.memory_space<semaphore_mem>>) src(%arg11 : memref<16x1024xf32, #tpu.memory_space<vmem>>) dst(%dma_wait3A_102 : memref<16x1024xf32, #tpu.memory_space<hbm>>)
      tpu.yield
    }) : () -> ()
    %dma_wait3A_57 = arith.constant 0 : i32
    %dma_wait3A_58 = arith.constant 0 : i32
    %dma_wait3A_59 = tpu.memref_slice %arg2[%dma_wait3A_57, %dma_wait3A_58] : memref<5888x1024xf32, #tpu.memory_space<hbm>> -> memref<5888x1024xf32, #tpu.memory_space<hbm>>
    tpu.wait_indirect_dma semaphore(%arg14 : memref<!tpu.dma_semaphore, #tpu.memory_space<semaphore_mem>>) src(%dma_wait3A_59 : memref<5888x1024xf32, #tpu.memory_space<hbm>>) dst(%arg10 : memref<16x1024xf32, #tpu.memory_space<vmem>>)
    %dma_wait3A_60 = arith.constant 0 : i32
    %dma_wait3A_61 = arith.constant 0 : i32
    %dma_wait3A_62 = tpu.memref_slice %arg2[%dma_wait3A_60, %dma_wait3A_61] : memref<5888x1024xf32, #tpu.memory_space<hbm>> -> memref<5888x1024xf32, #tpu.memory_space<hbm>>
    tpu.wait_indirect_dma semaphore(%arg16 : memref<!tpu.dma_semaphore, #tpu.memory_space<semaphore_mem>>) src(%dma_wait3A_62 : memref<5888x1024xf32, #tpu.memory_space<hbm>>) dst(%arg12 : memref<16x1024xf32, #tpu.memory_space<vmem>>)
    %get3A_63 = arith.constant 48 : index
    %get3A_64 = tpu.vector_load %arg7[%get3A_63] {strides = array<i32>} : memref<64xi32, #tpu.memory_space<vmem>>, vector<16xi32>,
    %get3A_65 = arith.constant 48 : index
    %get3A_66 = tpu.vector_load %arg8[%get3A_65] {strides = array<i32>} : memref<64xi32, #tpu.memory_space<vmem>>, vector<16xi32>,
    %dma_start3A_67 = arith.constant 0 : i32
    %dma_start3A_68 = arith.constant 0 : i32
    %dma_start3A_69 = tpu.memref_slice %arg2[%dma_start3A_67, %dma_start3A_68] : memref<5888x1024xf32, #tpu.memory_space<hbm>> -> memref<5888x1024xf32, #tpu.memory_space<hbm>>
    tpu.enqueue_indirect_dma source(%dma_start3A_69 : memref<5888x1024xf32, #tpu.memory_space<hbm>>) target(%arg11 : memref<16x1024xf32, #tpu.memory_space<vmem>>) offsets(%get3A_64 : vector<16xi32>) semaphore(%arg15 : memref<!tpu.dma_semaphore, #tpu.memory_space<semaphore_mem>>)
    %dma_start3A_70 = arith.constant 0 : i32
    %dma_start3A_71 = arith.constant 0 : i32
    %dma_start3A_72 = tpu.memref_slice %arg2[%dma_start3A_70, %dma_start3A_71] : memref<5888x1024xf32, #tpu.memory_space<hbm>> -> memref<5888x1024xf32, #tpu.memory_space<hbm>>
    tpu.enqueue_indirect_dma source(%dma_start3A_72 : memref<5888x1024xf32, #tpu.memory_space<hbm>>) target(%arg13 : memref<16x1024xf32, #tpu.memory_space<vmem>>) offsets(%get3A_66 : vector<16xi32>) semaphore(%arg17 : memref<!tpu.dma_semaphore, #tpu.memory_space<semaphore_mem>>)
    %scan3A_73 = arith.constant 0 : i32
    %scan3A_74 = arith.constant 0 : i32
    %scan3A_75 = arith.constant 16 : i32
    %scan3A_76 = arith.addi %scan3A_74, %scan3A_75 : i32
    %scan3A_77 = arith.constant 1 : i32
    scf.for %scan3A_95 = %scan3A_74 to %scan3A_76 step %scan3A_77  : i32 {
      %broadcast_in_dim3A = arith.constant 0 : i32
      %broadcast_in_dim3A_96 = vector.broadcast %broadcast_in_dim3A : i32 to vector<16xi32>
      %add3A_97 = arith.constant 32 : i32
      %add3A_98 = arith.addi %add3A_97, %scan3A_95 : i32
      %add3A_99 = vector.broadcast %add3A_98 : i32 to vector<16xi32>
      %add3A_100 = arith.addi %broadcast_in_dim3A_96, %add3A_99 : vector<16xi32>
      %gather3A = tpu.vector_load_idx %arg9[%add3A_100] : memref<64xf32, #tpu.memory_space<vmem>>[vector<16xi32>], vector<16xf32>,
      %sub3A = arith.constant 1.000000e+00 : f32
      %sub3A_101 = vector.broadcast %sub3A : f32 to vector<16xf32>
      %sub3A_102 = arith.subf %sub3A_101, %gather3A : vector<16xf32>
      %get3A_103 = arith.index_cast %scan3A_95 : i32 to index
      %get3A_104 = arith.constant 0 : index
      %get3A_105 = tpu.vector_load %arg10[%get3A_103, %get3A_104] {strides = array<i32>} : memref<16x1024xf32, #tpu.memory_space<vmem>>, vector<16xf32>,
      %mul3A_106 = arith.mulf %get3A_105, %gather3A : vector<16xf32>
      %get3A_107 = arith.index_cast %scan3A_95 : i32 to index
      %get3A_108 = arith.constant 0 : index
      %get3A_109 = tpu.vector_load %arg12[%get3A_107, %get3A_108] {strides = array<i32>} : memref<16x1024xf32, #tpu.memory_space<vmem>>, vector<16xf32>,
      %mul3A_110 = arith.mulf %get3A_109, %sub3A_102 : vector<16xf32>
      %add3A_111 = arith.addf %mul3A_106, %mul3A_110 : vector<16xf32>
      %swap3A = arith.index_cast %scan3A_95 : i32 to index
      %swap3A_112 = arith.constant 0 : index
      %swap3A_113 = tpu.vector_load %arg10[%swap3A, %swap3A_112] {strides = array<i32>} : memref<16x1024xf32, #tpu.memory_space<vmem>>, vector<16xf32>,
      tpu.vector_store %arg10[%swap3A, %swap3A_112], %add3A_111 {strides = array<i32>} : memref<16x1024xf32, #tpu.memory_space<vmem>>, vector<16xf32>,
      %get3A_114 = arith.index_cast %scan3A_95 : i32 to index
      %get3A_115 = arith.constant 16 : index
      %get3A_116 = tpu.vector_load %arg10[%get3A_114, %get3A_115] {strides = array<i32>} : memref<16x1024xf32, #tpu.memory_space<vmem>>, vector<16xf32>,
      %mul3A_117 = arith.mulf %get3A_116, %gather3A : vector<16xf32>
      %get3A_118 = arith.index_cast %scan3A_95 : i32 to index
      %get3A_119 = arith.constant 16 : index
      %get3A_120 = tpu.vector_load %arg12[%get3A_118, %get3A_119] {strides = array<i32>} : memref<16x1024xf32, #tpu.memory_space<vmem>>, vector<16xf32>,
      %mul3A_121 = arith.mulf %get3A_120, %sub3A_102 : vector<16xf32>
      %add3A_122 = arith.addf %mul3A_117, %mul3A_121 : vector<16xf32>
      %swap3A_123 = arith.index_cast %scan3A_95 : i32 to index
      %swap3A_124 = arith.constant 16 : index
      %swap3A_125 = tpu.vector_load %arg10[%swap3A_123, %swap3A_124] {strides = array<i32>} : memref<16x1024xf32, #tpu.memory_space<vmem>>, vector<16xf32>,
      tpu.vector_store %arg10[%swap3A_123, %swap3A_124], %add3A_122 {strides = array<i32>} : memref<16x1024xf32, #tpu.memory_space<vmem>>, vector<16xf32>,
      %get3A_126 = arith.index_cast %scan3A_95 : i32 to index
      %get3A_127 = arith.constant 32 : index
      %get3A_128 = tpu.vector_load %arg10[%get3A_126, %get3A_127] {strides = array<i32>} : memref<16x1024xf32, #tpu.memory_space<vmem>>, vector<16xf32>,
      %mul3A_129 = arith.mulf %get3A_128, %gather3A : vector<16xf32>
      %get3A_130 = arith.index_cast %scan3A_95 : i32 to index
      %get3A_131 = arith.constant 32 : index
      %get3A_132 = tpu.vector_load %arg12[%get3A_130, %get3A_131] {strides = array<i32>} : memref<16x1024xf32, #tpu.memory_space<vmem>>, vector<16xf32>,
      %mul3A_133 = arith.mulf %get3A_132, %sub3A_102 : vector<16xf32>
      %add3A_134 = arith.addf %mul3A_129, %mul3A_133 : vector<16xf32>
      %swap3A_135 = arith.index_cast %scan3A_95 : i32 to index
      %swap3A_136 = arith.constant 32 : index
      %swap3A_137 = tpu.vector_load %arg10[%swap3A_135, %swap3A_136] {strides = array<i32>} : memref<16x1024xf32, #tpu.memory_space<vmem>>, vector<16xf32>,
      tpu.vector_store %arg10[%swap3A_135, %swap3A_136], %add3A_134 {strides = array<i32>} : memref<16x1024xf32, #tpu.memory_space<vmem>>, vector<16xf32>,
      %get3A_138 = arith.index_cast %scan3A_95 : i32 to index
      %get3A_139 = arith.constant 48 : index
      %get3A_140 = tpu.vector_load %arg10[%get3A_138, %get3A_139] {strides = array<i32>} : memref<16x1024xf32, #tpu.memory_space<vmem>>, vector<16xf32>,
      %mul3A_141 = arith.mulf %get3A_140, %gather3A : vector<16xf32>
      %get3A_142 = arith.index_cast %scan3A_95 : i32 to index
      %get3A_143 = arith.constant 48 : index
      %get3A_144 = tpu.vector_load %arg12[%get3A_142, %get3A_143] {strides = array<i32>} : memref<16x1024xf32, #tpu.memory_space<vmem>>, vector<16xf32>,
      %mul3A_145 = arith.mulf %get3A_144, %sub3A_102 : vector<16xf32>
      %add3A_146 = arith.addf %mul3A_141, %mul3A_145 : vector<16xf32>
      %swap3A_147 = arith.index_cast %scan3A_95 : i32 to index
      %swap3A_148 = arith.constant 48 : index
      %swap3A_149 = tpu.vector_load %arg10[%swap3A_147, %swap3A_148] {strides = array<i32>} : memref<16x1024xf32, #tpu.memory_space<vmem>>, vector<16xf32>,
      tpu.vector_store %arg10[%swap3A_147, %swap3A_148], %add3A_146 {strides = array<i32>} : memref<16x1024xf32, #tpu.memory_space<vmem>>, vector<16xf32>,
      %get3A_150 = arith.index_cast %scan3A_95 : i32 to index
      %get3A_151 = arith.constant 64 : index
      %get3A_152 = tpu.vector_load %arg10[%get3A_150, %get3A_151] {strides = array<i32>} : memref<16x1024xf32, #tpu.memory_space<vmem>>, vector<16xf32>,
      %mul3A_153 = arith.mulf %get3A_152, %gather3A : vector<16xf32>
      %get3A_154 = arith.index_cast %scan3A_95 : i32 to index
      %get3A_155 = arith.constant 64 : index
      %get3A_156 = tpu.vector_load %arg12[%get3A_154, %get3A_155] {strides = array<i32>} : memref<16x1024xf32, #tpu.memory_space<vmem>>, vector<16xf32>,
      %mul3A_157 = arith.mulf %get3A_156, %sub3A_102 : vector<16xf32>
      %add3A_158 = arith.addf %mul3A_153, %mul3A_157 : vector<16xf32>
      %swap3A_159 = arith.index_cast %scan3A_95 : i32 to index
      %swap3A_160 = arith.constant 64 : index
      %swap3A_161 = tpu.vector_load %arg10[%swap3A_159, %swap3A_160] {strides = array<i32>} : memref<16x1024xf32, #tpu.memory_space<vmem>>, vector<16xf32>,
      tpu.vector_store %arg10[%swap3A_159, %swap3A_160], %add3A_158 {strides = array<i32>} : memref<16x1024xf32, #tpu.memory_space<vmem>>, vector<16xf32>,
      %get3A_162 = arith.index_cast %scan3A_95 : i32 to index
      %get3A_163 = arith.constant 80 : index
      %get3A_164 = tpu.vector_load %arg10[%get3A_162, %get3A_163] {strides = array<i32>} : memref<16x1024xf32, #tpu.memory_space<vmem>>, vector<16xf32>,
      %mul3A_165 = arith.mulf %get3A_164, %gather3A : vector<16xf32>
      %get3A_166 = arith.index_cast %scan3A_95 : i32 to index
      %get3A_167 = arith.constant 80 : index
      %get3A_168 = tpu.vector_load %arg12[%get3A_166, %get3A_167] {strides = array<i32>} : memref<16x1024xf32, #tpu.memory_space<vmem>>, vector<16xf32>,
      %mul3A_169 = arith.mulf %get3A_168, %sub3A_102 : vector<16xf32>
      %add3A_170 = arith.addf %mul3A_165, %mul3A_169 : vector<16xf32>
      %swap3A_171 = arith.index_cast %scan3A_95 : i32 to index
      %swap3A_172 = arith.constant 80 : index
      %swap3A_173 = tpu.vector_load %arg10[%swap3A_171, %swap3A_172] {strides = array<i32>} : memref<16x1024xf32, #tpu.memory_space<vmem>>, vector<16xf32>,
      tpu.vector_store %arg10[%swap3A_171, %swap3A_172], %add3A_170 {strides = array<i32>} : memref<16x1024xf32, #tpu.memory_space<vmem>>, vector<16xf32>,
      %get3A_174 = arith.index_cast %scan3A_95 : i32 to index
      %get3A_175 = arith.constant 96 : index
      %get3A_176 = tpu.vector_load %arg10[%get3A_174, %get3A_175] {strides = array<i32>} : memref<16x1024xf32, #tpu.memory_space<vmem>>, vector<16xf32>,
      %mul3A_177 = arith.mulf %get3A_176, %gather3A : vector<16xf32>
      %get3A_178 = arith.index_cast %scan3A_95 : i32 to index
      %get3A_179 = arith.constant 96 : index
      %get3A_180 = tpu.vector_load %arg12[%get3A_178, %get3A_179] {strides = array<i32>} : memref<16x1024xf32, #tpu.memory_space<vmem>>, vector<16xf32>,
      %mul3A_181 = arith.mulf %get3A_180, %sub3A_102 : vector<16xf32>
      %add3A_182 = arith.addf %mul3A_177, %mul3A_181 : vector<16xf32>
      %swap3A_183 = arith.index_cast %scan3A_95 : i32 to index
      %swap3A_184 = arith.constant 96 : index
      %swap3A_185 = tpu.vector_load %arg10[%swap3A_183, %swap3A_184] {strides = array<i32>} : memref<16x1024xf32, #tpu.memory_space<vmem>>, vector<16xf32>,
      tpu.vector_store %arg10[%swap3A_183, %swap3A_184], %add3A_182 {strides = array<i32>} : memref<16x1024xf32, #tpu.memory_space<vmem>>, vector<16xf32>,
      %get3A_186 = arith.index_cast %scan3A_95 : i32 to index
      %get3A_187 = arith.constant 112 : index
      %get3A_188 = tpu.vector_load %arg10[%get3A_186, %get3A_187] {strides = array<i32>} : memref<16x1024xf32, #tpu.memory_space<vmem>>, vector<16xf32>,
      %mul3A_189 = arith.mulf %get3A_188, %gather3A : vector<16xf32>
      %get3A_190 = arith.index_cast %scan3A_95 : i32 to index
      %get3A_191 = arith.constant 112 : index
      %get3A_192 = tpu.vector_load %arg12[%get3A_190, %get3A_191] {strides = array<i32>} : memref<16x1024xf32, #tpu.memory_space<vmem>>, vector<16xf32>,
      %mul3A_193 = arith.mulf %get3A_192, %sub3A_102 : vector<16xf32>
      %add3A_194 = arith.addf %mul3A_189, %mul3A_193 : vector<16xf32>
      %swap3A_195 = arith.index_cast %scan3A_95 : i32 to index
      %swap3A_196 = arith.constant 112 : index
      %swap3A_197 = tpu.vector_load %arg10[%swap3A_195, %swap3A_196] {strides = array<i32>} : memref<16x1024xf32, #tpu.memory_space<vmem>>, vector<16xf32>,
      tpu.vector_store %arg10[%swap3A_195, %swap3A_196], %add3A_194 {strides = array<i32>} : memref<16x1024xf32, #tpu.memory_space<vmem>>, vector<16xf32>,
      %get3A_198 = arith.index_cast %scan3A_95 : i32 to index
      %get3A_199 = arith.constant 128 : index
      %get3A_200 = tpu.vector_load %arg10[%get3A_198, %get3A_199] {strides = array<i32>} : memref<16x1024xf32, #tpu.memory_space<vmem>>, vector<16xf32>,
      %mul3A_201 = arith.mulf %get3A_200, %gather3A : vector<16xf32>
      %get3A_202 = arith.index_cast %scan3A_95 : i32 to index
      %get3A_203 = arith.constant 128 : index
      %get3A_204 = tpu.vector_load %arg12[%get3A_202, %get3A_203] {strides = array<i32>} : memref<16x1024xf32, #tpu.memory_space<vmem>>, vector<16xf32>,
      %mul3A_205 = arith.mulf %get3A_204, %sub3A_102 : vector<16xf32>
      %add3A_206 = arith.addf %mul3A_201, %mul3A_205 : vector<16xf32>
      %swap3A_207 = arith.index_cast %scan3A_95 : i32 to index
      %swap3A_208 = arith.constant 128 : index
      %swap3A_209 = tpu.vector_load %arg10[%swap3A_207, %swap3A_208] {strides = array<i32>} : memref<16x1024xf32, #tpu.memory_space<vmem>>, vector<16xf32>,
      tpu.vector_store %arg10[%swap3A_207, %swap3A_208], %add3A_206 {strides = array<i32>} : memref<16x1024xf32, #tpu.memory_space<vmem>>, vector<16xf32>,
      %get3A_210 = arith.index_cast %scan3A_95 : i32 to index
      %get3A_211 = arith.constant 144 : index
      %get3A_212 = tpu.vector_load %arg10[%get3A_210, %get3A_211] {strides = array<i32>} : memref<16x1024xf32, #tpu.memory_space<vmem>>, vector<16xf32>,
      %mul3A_213 = arith.mulf %get3A_212, %gather3A : vector<16xf32>
      %get3A_214 = arith.index_cast %scan3A_95 : i32 to index
      %get3A_215 = arith.constant 144 : index
      %get3A_216 = tpu.vector_load %arg12[%get3A_214, %get3A_215] {strides = array<i32>} : memref<16x1024xf32, #tpu.memory_space<vmem>>, vector<16xf32>,
      %mul3A_217 = arith.mulf %get3A_216, %sub3A_102 : vector<16xf32>
      %add3A_218 = arith.addf %mul3A_213, %mul3A_217 : vector<16xf32>
      %swap3A_219 = arith.index_cast %scan3A_95 : i32 to index
      %swap3A_220 = arith.constant 144 : index
      %swap3A_221 = tpu.vector_load %arg10[%swap3A_219, %swap3A_220] {strides = array<i32>} : memref<16x1024xf32, #tpu.memory_space<vmem>>, vector<16xf32>,
      tpu.vector_store %arg10[%swap3A_219, %swap3A_220], %add3A_218 {strides = array<i32>} : memref<16x1024xf32, #tpu.memory_space<vmem>>, vector<16xf32>,
      %get3A_222 = arith.index_cast %scan3A_95 : i32 to index
      %get3A_223 = arith.constant 160 : index
      %get3A_224 = tpu.vector_load %arg10[%get3A_222, %get3A_223] {strides = array<i32>} : memref<16x1024xf32, #tpu.memory_space<vmem>>, vector<16xf32>,
      %mul3A_225 = arith.mulf %get3A_224, %gather3A : vector<16xf32>
      %get3A_226 = arith.index_cast %scan3A_95 : i32 to index
      %get3A_227 = arith.constant 160 : index
      %get3A_228 = tpu.vector_load %arg12[%get3A_226, %get3A_227] {strides = array<i32>} : memref<16x1024xf32, #tpu.memory_space<vmem>>, vector<16xf32>,
      %mul3A_229 = arith.mulf %get3A_228, %sub3A_102 : vector<16xf32>
      %add3A_230 = arith.addf %mul3A_225, %mul3A_229 : vector<16xf32>
      %swap3A_231 = arith.index_cast %scan3A_95 : i32 to index
      %swap3A_232 = arith.constant 160 : index
      %swap3A_233 = tpu.vector_load %arg10[%swap3A_231, %swap3A_232] {strides = array<i32>} : memref<16x1024xf32, #tpu.memory_space<vmem>>, vector<16xf32>,
      tpu.vector_store %arg10[%swap3A_231, %swap3A_232], %add3A_230 {strides = array<i32>} : memref<16x1024xf32, #tpu.memory_space<vmem>>, vector<16xf32>,
      %get3A_234 = arith.index_cast %scan3A_95 : i32 to index
      %get3A_235 = arith.constant 176 : index
      %get3A_236 = tpu.vector_load %arg10[%get3A_234, %get3A_235] {strides = array<i32>} : memref<16x1024xf32, #tpu.memory_space<vmem>>, vector<16xf32>,
      %mul3A_237 = arith.mulf %get3A_236, %gather3A : vector<16xf32>
      %get3A_238 = arith.index_cast %scan3A_95 : i32 to index
      %get3A_239 = arith.constant 176 : index
      %get3A_240 = tpu.vector_load %arg12[%get3A_238, %get3A_239] {strides = array<i32>} : memref<16x1024xf32, #tpu.memory_space<vmem>>, vector<16xf32>,
      %mul3A_241 = arith.mulf %get3A_240, %sub3A_102 : vector<16xf32>
      %add3A_242 = arith.addf %mul3A_237, %mul3A_241 : vector<16xf32>
      %swap3A_243 = arith.index_cast %scan3A_95 : i32 to index
      %swap3A_244 = arith.constant 176 : index
      %swap3A_245 = tpu.vector_load %arg10[%swap3A_243, %swap3A_244] {strides = array<i32>} : memref<16x1024xf32, #tpu.memory_space<vmem>>, vector<16xf32>,
      tpu.vector_store %arg10[%swap3A_243, %swap3A_244], %add3A_242 {strides = array<i32>} : memref<16x1024xf32, #tpu.memory_space<vmem>>, vector<16xf32>,
      %get3A_246 = arith.index_cast %scan3A_95 : i32 to index
      %get3A_247 = arith.constant 192 : index
      %get3A_248 = tpu.vector_load %arg10[%get3A_246, %get3A_247] {strides = array<i32>} : memref<16x1024xf32, #tpu.memory_space<vmem>>, vector<16xf32>,
      %mul3A_249 = arith.mulf %get3A_248, %gather3A : vector<16xf32>
      %get3A_250 = arith.index_cast %scan3A_95 : i32 to index
      %get3A_251 = arith.constant 192 : index
      %get3A_252 = tpu.vector_load %arg12[%get3A_250, %get3A_251] {strides = array<i32>} : memref<16x1024xf32, #tpu.memory_space<vmem>>, vector<16xf32>,
      %mul3A_253 = arith.mulf %get3A_252, %sub3A_102 : vector<16xf32>
      %add3A_254 = arith.addf %mul3A_249, %mul3A_253 : vector<16xf32>
      %swap3A_255 = arith.index_cast %scan3A_95 : i32 to index
      %swap3A_256 = arith.constant 192 : index
      %swap3A_257 = tpu.vector_load %arg10[%swap3A_255, %swap3A_256] {strides = array<i32>} : memref<16x1024xf32, #tpu.memory_space<vmem>>, vector<16xf32>,
      tpu.vector_store %arg10[%swap3A_255, %swap3A_256], %add3A_254 {strides = array<i32>} : memref<16x1024xf32, #tpu.memory_space<vmem>>, vector<16xf32>,
      %get3A_258 = arith.index_cast %scan3A_95 : i32 to index
      %get3A_259 = arith.constant 208 : index
      %get3A_260 = tpu.vector_load %arg10[%get3A_258, %get3A_259] {strides = array<i32>} : memref<16x1024xf32, #tpu.memory_space<vmem>>, vector<16xf32>,
      %mul3A_261 = arith.mulf %get3A_260, %gather3A : vector<16xf32>
      %get3A_262 = arith.index_cast %scan3A_95 : i32 to index
      %get3A_263 = arith.constant 208 : index
      %get3A_264 = tpu.vector_load %arg12[%get3A_262, %get3A_263] {strides = array<i32>} : memref<16x1024xf32, #tpu.memory_space<vmem>>, vector<16xf32>,
      %mul3A_265 = arith.mulf %get3A_264, %sub3A_102 : vector<16xf32>
      %add3A_266 = arith.addf %mul3A_261, %mul3A_265 : vector<16xf32>
      %swap3A_267 = arith.index_cast %scan3A_95 : i32 to index
      %swap3A_268 = arith.constant 208 : index
      %swap3A_269 = tpu.vector_load %arg10[%swap3A_267, %swap3A_268] {strides = array<i32>} : memref<16x1024xf32, #tpu.memory_space<vmem>>, vector<16xf32>,
      tpu.vector_store %arg10[%swap3A_267, %swap3A_268], %add3A_266 {strides = array<i32>} : memref<16x1024xf32, #tpu.memory_space<vmem>>, vector<16xf32>,
      %get3A_270 = arith.index_cast %scan3A_95 : i32 to index
      %get3A_271 = arith.constant 224 : index
      %get3A_272 = tpu.vector_load %arg10[%get3A_270, %get3A_271] {strides = array<i32>} : memref<16x1024xf32, #tpu.memory_space<vmem>>, vector<16xf32>,
      %mul3A_273 = arith.mulf %get3A_272, %gather3A : vector<16xf32>
      %get3A_274 = arith.index_cast %scan3A_95 : i32 to index
      %get3A_275 = arith.constant 224 : index
      %get3A_276 = tpu.vector_load %arg12[%get3A_274, %get3A_275] {strides = array<i32>} : memref<16x1024xf32, #tpu.memory_space<vmem>>, vector<16xf32>,
      %mul3A_277 = arith.mulf %get3A_276, %sub3A_102 : vector<16xf32>
      %add3A_278 = arith.addf %mul3A_273, %mul3A_277 : vector<16xf32>
      %swap3A_279 = arith.index_cast %scan3A_95 : i32 to index
      %swap3A_280 = arith.constant 224 : index
      %swap3A_281 = tpu.vector_load %arg10[%swap3A_279, %swap3A_280] {strides = array<i32>} : memref<16x1024xf32, #tpu.memory_space<vmem>>, vector<16xf32>,
      tpu.vector_store %arg10[%swap3A_279, %swap3A_280], %add3A_278 {strides = array<i32>} : memref<16x1024xf32, #tpu.memory_space<vmem>>, vector<16xf32>,
      %get3A_282 = arith.index_cast %scan3A_95 : i32 to index
      %get3A_283 = arith.constant 240 : index
      %get3A_284 = tpu.vector_load %arg10[%get3A_282, %get3A_283] {strides = array<i32>} : memref<16x1024xf32, #tpu.memory_space<vmem>>, vector<16xf32>,
      %mul3A_285 = arith.mulf %get3A_284, %gather3A : vector<16xf32>
      %get3A_286 = arith.index_cast %scan3A_95 : i32 to index
      %get3A_287 = arith.constant 240 : index
      %get3A_288 = tpu.vector_load %arg12[%get3A_286, %get3A_287] {strides = array<i32>} : memref<16x1024xf32, #tpu.memory_space<vmem>>, vector<16xf32>,
      %mul3A_289 = arith.mulf %get3A_288, %sub3A_102 : vector<16xf32>
      %add3A_290 = arith.addf %mul3A_285, %mul3A_289 : vector<16xf32>
      %swap3A_291 = arith.index_cast %scan3A_95 : i32 to index
      %swap3A_292 = arith.constant 240 : index
      %swap3A_293 = tpu.vector_load %arg10[%swap3A_291, %swap3A_292] {strides = array<i32>} : memref<16x1024xf32, #tpu.memory_space<vmem>>, vector<16xf32>,
      tpu.vector_store %arg10[%swap3A_291, %swap3A_292], %add3A_290 {strides = array<i32>} : memref<16x1024xf32, #tpu.memory_space<vmem>>, vector<16xf32>,
      %get3A_294 = arith.index_cast %scan3A_95 : i32 to index
      %get3A_295 = arith.constant 256 : index
      %get3A_296 = tpu.vector_load %arg10[%get3A_294, %get3A_295] {strides = array<i32>} : memref<16x1024xf32, #tpu.memory_space<vmem>>, vector<16xf32>,
      %mul3A_297 = arith.mulf %get3A_296, %gather3A : vector<16xf32>
      %get3A_298 = arith.index_cast %scan3A_95 : i32 to index
      %get3A_299 = arith.constant 256 : index
      %get3A_300 = tpu.vector_load %arg12[%get3A_298, %get3A_299] {strides = array<i32>} : memref<16x1024xf32, #tpu.memory_space<vmem>>, vector<16xf32>,
      %mul3A_301 = arith.mulf %get3A_300, %sub3A_102 : vector<16xf32>
      %add3A_302 = arith.addf %mul3A_297, %mul3A_301 : vector<16xf32>
      %swap3A_303 = arith.index_cast %scan3A_95 : i32 to index
      %swap3A_304 = arith.constant 256 : index
      %swap3A_305 = tpu.vector_load %arg10[%swap3A_303, %swap3A_304] {strides = array<i32>} : memref<16x1024xf32, #tpu.memory_space<vmem>>, vector<16xf32>,
      tpu.vector_store %arg10[%swap3A_303, %swap3A_304], %add3A_302 {strides = array<i32>} : memref<16x1024xf32, #tpu.memory_space<vmem>>, vector<16xf32>,
      %get3A_306 = arith.index_cast %scan3A_95 : i32 to index
      %get3A_307 = arith.constant 272 : index
      %get3A_308 = tpu.vector_load %arg10[%get3A_306, %get3A_307] {strides = array<i32>} : memref<16x1024xf32, #tpu.memory_space<vmem>>, vector<16xf32>,
      %mul3A_309 = arith.mulf %get3A_308, %gather3A : vector<16xf32>
      %get3A_310 = arith.index_cast %scan3A_95 : i32 to index
      %get3A_311 = arith.constant 272 : index
      %get3A_312 = tpu.vector_load %arg12[%get3A_310, %get3A_311] {strides = array<i32>} : memref<16x1024xf32, #tpu.memory_space<vmem>>, vector<16xf32>,
      %mul3A_313 = arith.mulf %get3A_312, %sub3A_102 : vector<16xf32>
      %add3A_314 = arith.addf %mul3A_309, %mul3A_313 : vector<16xf32>
      %swap3A_315 = arith.index_cast %scan3A_95 : i32 to index
      %swap3A_316 = arith.constant 272 : index
      %swap3A_317 = tpu.vector_load %arg10[%swap3A_315, %swap3A_316] {strides = array<i32>} : memref<16x1024xf32, #tpu.memory_space<vmem>>, vector<16xf32>,
      tpu.vector_store %arg10[%swap3A_315, %swap3A_316], %add3A_314 {strides = array<i32>} : memref<16x1024xf32, #tpu.memory_space<vmem>>, vector<16xf32>,
      %get3A_318 = arith.index_cast %scan3A_95 : i32 to index
      %get3A_319 = arith.constant 288 : index
      %get3A_320 = tpu.vector_load %arg10[%get3A_318, %get3A_319] {strides = array<i32>} : memref<16x1024xf32, #tpu.memory_space<vmem>>, vector<16xf32>,
      %mul3A_321 = arith.mulf %get3A_320, %gather3A : vector<16xf32>
      %get3A_322 = arith.index_cast %scan3A_95 : i32 to index
      %get3A_323 = arith.constant 288 : index
      %get3A_324 = tpu.vector_load %arg12[%get3A_322, %get3A_323] {strides = array<i32>} : memref<16x1024xf32, #tpu.memory_space<vmem>>, vector<16xf32>,
      %mul3A_325 = arith.mulf %get3A_324, %sub3A_102 : vector<16xf32>
      %add3A_326 = arith.addf %mul3A_321, %mul3A_325 : vector<16xf32>
      %swap3A_327 = arith.index_cast %scan3A_95 : i32 to index
      %swap3A_328 = arith.constant 288 : index
      %swap3A_329 = tpu.vector_load %arg10[%swap3A_327, %swap3A_328] {strides = array<i32>} : memref<16x1024xf32, #tpu.memory_space<vmem>>, vector<16xf32>,
      tpu.vector_store %arg10[%swap3A_327, %swap3A_328], %add3A_326 {strides = array<i32>} : memref<16x1024xf32, #tpu.memory_space<vmem>>, vector<16xf32>,
      %get3A_330 = arith.index_cast %scan3A_95 : i32 to index
      %get3A_331 = arith.constant 304 : index
      %get3A_332 = tpu.vector_load %arg10[%get3A_330, %get3A_331] {strides = array<i32>} : memref<16x1024xf32, #tpu.memory_space<vmem>>, vector<16xf32>,
      %mul3A_333 = arith.mulf %get3A_332, %gather3A : vector<16xf32>
      %get3A_334 = arith.index_cast %scan3A_95 : i32 to index
      %get3A_335 = arith.constant 304 : index
      %get3A_336 = tpu.vector_load %arg12[%get3A_334, %get3A_335] {strides = array<i32>} : memref<16x1024xf32, #tpu.memory_space<vmem>>, vector<16xf32>,
      %mul3A_337 = arith.mulf %get3A_336, %sub3A_102 : vector<16xf32>
      %add3A_338 = arith.addf %mul3A_333, %mul3A_337 : vector<16xf32>
      %swap3A_339 = arith.index_cast %scan3A_95 : i32 to index
      %swap3A_340 = arith.constant 304 : index
      %swap3A_341 = tpu.vector_load %arg10[%swap3A_339, %swap3A_340] {strides = array<i32>} : memref<16x1024xf32, #tpu.memory_space<vmem>>, vector<16xf32>,
      tpu.vector_store %arg10[%swap3A_339, %swap3A_340], %add3A_338 {strides = array<i32>} : memref<16x1024xf32, #tpu.memory_space<vmem>>, vector<16xf32>,
      %get3A_342 = arith.index_cast %scan3A_95 : i32 to index
      %get3A_343 = arith.constant 320 : index
      %get3A_344 = tpu.vector_load %arg10[%get3A_342, %get3A_343] {strides = array<i32>} : memref<16x1024xf32, #tpu.memory_space<vmem>>, vector<16xf32>,
      %mul3A_345 = arith.mulf %get3A_344, %gather3A : vector<16xf32>
      %get3A_346 = arith.index_cast %scan3A_95 : i32 to index
      %get3A_347 = arith.constant 320 : index
      %get3A_348 = tpu.vector_load %arg12[%get3A_346, %get3A_347] {strides = array<i32>} : memref<16x1024xf32, #tpu.memory_space<vmem>>, vector<16xf32>,
      %mul3A_349 = arith.mulf %get3A_348, %sub3A_102 : vector<16xf32>
      %add3A_350 = arith.addf %mul3A_345, %mul3A_349 : vector<16xf32>
      %swap3A_351 = arith.index_cast %scan3A_95 : i32 to index
      %swap3A_352 = arith.constant 320 : index
      %swap3A_353 = tpu.vector_load %arg10[%swap3A_351, %swap3A_352] {strides = array<i32>} : memref<16x1024xf32, #tpu.memory_space<vmem>>, vector<16xf32>,
      tpu.vector_store %arg10[%swap3A_351, %swap3A_352], %add3A_350 {strides = array<i32>} : memref<16x1024xf32, #tpu.memory_space<vmem>>, vector<16xf32>,
      %get3A_354 = arith.index_cast %scan3A_95 : i32 to index
      %get3A_355 = arith.constant 336 : index
      %get3A_356 = tpu.vector_load %arg10[%get3A_354, %get3A_355] {strides = array<i32>} : memref<16x1024xf32, #tpu.memory_space<vmem>>, vector<16xf32>,
      %mul3A_357 = arith.mulf %get3A_356, %gather3A : vector<16xf32>
      %get3A_358 = arith.index_cast %scan3A_95 : i32 to index
      %get3A_359 = arith.constant 336 : index
      %get3A_360 = tpu.vector_load %arg12[%get3A_358, %get3A_359] {strides = array<i32>} : memref<16x1024xf32, #tpu.memory_space<vmem>>, vector<16xf32>,
      %mul3A_361 = arith.mulf %get3A_360, %sub3A_102 : vector<16xf32>
      %add3A_362 = arith.addf %mul3A_357, %mul3A_361 : vector<16xf32>
      %swap3A_363 = arith.index_cast %scan3A_95 : i32 to index
      %swap3A_364 = arith.constant 336 : index
      %swap3A_365 = tpu.vector_load %arg10[%swap3A_363, %swap3A_364] {strides = array<i32>} : memref<16x1024xf32, #tpu.memory_space<vmem>>, vector<16xf32>,
      tpu.vector_store %arg10[%swap3A_363, %swap3A_364], %add3A_362 {strides = array<i32>} : memref<16x1024xf32, #tpu.memory_space<vmem>>, vector<16xf32>,
      %get3A_366 = arith.index_cast %scan3A_95 : i32 to index
      %get3A_367 = arith.constant 352 : index
      %get3A_368 = tpu.vector_load %arg10[%get3A_366, %get3A_367] {strides = array<i32>} : memref<16x1024xf32, #tpu.memory_space<vmem>>, vector<16xf32>,
      %mul3A_369 = arith.mulf %get3A_368, %gather3A : vector<16xf32>
      %get3A_370 = arith.index_cast %scan3A_95 : i32 to index
      %get3A_371 = arith.constant 352 : index
      %get3A_372 = tpu.vector_load %arg12[%get3A_370, %get3A_371] {strides = array<i32>} : memref<16x1024xf32, #tpu.memory_space<vmem>>, vector<16xf32>,
      %mul3A_373 = arith.mulf %get3A_372, %sub3A_102 : vector<16xf32>
      %add3A_374 = arith.addf %mul3A_369, %mul3A_373 : vector<16xf32>
      %swap3A_375 = arith.index_cast %scan3A_95 : i32 to index
      %swap3A_376 = arith.constant 352 : index
      %swap3A_377 = tpu.vector_load %arg10[%swap3A_375, %swap3A_376] {strides = array<i32>} : memref<16x1024xf32, #tpu.memory_space<vmem>>, vector<16xf32>,
      tpu.vector_store %arg10[%swap3A_375, %swap3A_376], %add3A_374 {strides = array<i32>} : memref<16x1024xf32, #tpu.memory_space<vmem>>, vector<16xf32>,
      %get3A_378 = arith.index_cast %scan3A_95 : i32 to index
      %get3A_379 = arith.constant 368 : index
      %get3A_380 = tpu.vector_load %arg10[%get3A_378, %get3A_379] {strides = array<i32>} : memref<16x1024xf32, #tpu.memory_space<vmem>>, vector<16xf32>,
      %mul3A_381 = arith.mulf %get3A_380, %gather3A : vector<16xf32>
      %get3A_382 = arith.index_cast %scan3A_95 : i32 to index
      %get3A_383 = arith.constant 368 : index
      %get3A_384 = tpu.vector_load %arg12[%get3A_382, %get3A_383] {strides = array<i32>} : memref<16x1024xf32, #tpu.memory_space<vmem>>, vector<16xf32>,
      %mul3A_385 = arith.mulf %get3A_384, %sub3A_102 : vector<16xf32>
      %add3A_386 = arith.addf %mul3A_381, %mul3A_385 : vector<16xf32>
      %swap3A_387 = arith.index_cast %scan3A_95 : i32 to index
      %swap3A_388 = arith.constant 368 : index
      %swap3A_389 = tpu.vector_load %arg10[%swap3A_387, %swap3A_388] {strides = array<i32>} : memref<16x1024xf32, #tpu.memory_space<vmem>>, vector<16xf32>,
      tpu.vector_store %arg10[%swap3A_387, %swap3A_388], %add3A_386 {strides = array<i32>} : memref<16x1024xf32, #tpu.memory_space<vmem>>, vector<16xf32>,
      %get3A_390 = arith.index_cast %scan3A_95 : i32 to index
      %get3A_391 = arith.constant 384 : index
      %get3A_392 = tpu.vector_load %arg10[%get3A_390, %get3A_391] {strides = array<i32>} : memref<16x1024xf32, #tpu.memory_space<vmem>>, vector<16xf32>,
      %mul3A_393 = arith.mulf %get3A_392, %gather3A : vector<16xf32>
      %get3A_394 = arith.index_cast %scan3A_95 : i32 to index
      %get3A_395 = arith.constant 384 : index
      %get3A_396 = tpu.vector_load %arg12[%get3A_394, %get3A_395] {strides = array<i32>} : memref<16x1024xf32, #tpu.memory_space<vmem>>, vector<16xf32>,
      %mul3A_397 = arith.mulf %get3A_396, %sub3A_102 : vector<16xf32>
      %add3A_398 = arith.addf %mul3A_393, %mul3A_397 : vector<16xf32>
      %swap3A_399 = arith.index_cast %scan3A_95 : i32 to index
      %swap3A_400 = arith.constant 384 : index
      %swap3A_401 = tpu.vector_load %arg10[%swap3A_399, %swap3A_400] {strides = array<i32>} : memref<16x1024xf32, #tpu.memory_space<vmem>>, vector<16xf32>,
      tpu.vector_store %arg10[%swap3A_399, %swap3A_400], %add3A_398 {strides = array<i32>} : memref<16x1024xf32, #tpu.memory_space<vmem>>, vector<16xf32>,
      %get3A_402 = arith.index_cast %scan3A_95 : i32 to index
      %get3A_403 = arith.constant 400 : index
      %get3A_404 = tpu.vector_load %arg10[%get3A_402, %get3A_403] {strides = array<i32>} : memref<16x1024xf32, #tpu.memory_space<vmem>>, vector<16xf32>,
      %mul3A_405 = arith.mulf %get3A_404, %gather3A : vector<16xf32>
      %get3A_406 = arith.index_cast %scan3A_95 : i32 to index
      %get3A_407 = arith.constant 400 : index
      %get3A_408 = tpu.vector_load %arg12[%get3A_406, %get3A_407] {strides = array<i32>} : memref<16x1024xf32, #tpu.memory_space<vmem>>, vector<16xf32>,
      %mul3A_409 = arith.mulf %get3A_408, %sub3A_102 : vector<16xf32>
      %add3A_410 = arith.addf %mul3A_405, %mul3A_409 : vector<16xf32>
      %swap3A_411 = arith.index_cast %scan3A_95 : i32 to index
      %swap3A_412 = arith.constant 400 : index
      %swap3A_413 = tpu.vector_load %arg10[%swap3A_411, %swap3A_412] {strides = array<i32>} : memref<16x1024xf32, #tpu.memory_space<vmem>>, vector<16xf32>,
      tpu.vector_store %arg10[%swap3A_411, %swap3A_412], %add3A_410 {strides = array<i32>} : memref<16x1024xf32, #tpu.memory_space<vmem>>, vector<16xf32>,
      %get3A_414 = arith.index_cast %scan3A_95 : i32 to index
      %get3A_415 = arith.constant 416 : index
      %get3A_416 = tpu.vector_load %arg10[%get3A_414, %get3A_415] {strides = array<i32>} : memref<16x1024xf32, #tpu.memory_space<vmem>>, vector<16xf32>,
      %mul3A_417 = arith.mulf %get3A_416, %gather3A : vector<16xf32>
      %get3A_418 = arith.index_cast %scan3A_95 : i32 to index
      %get3A_419 = arith.constant 416 : index
      %get3A_420 = tpu.vector_load %arg12[%get3A_418, %get3A_419] {strides = array<i32>} : memref<16x1024xf32, #tpu.memory_space<vmem>>, vector<16xf32>,
      %mul3A_421 = arith.mulf %get3A_420, %sub3A_102 : vector<16xf32>
      %add3A_422 = arith.addf %mul3A_417, %mul3A_421 : vector<16xf32>
      %swap3A_423 = arith.index_cast %scan3A_95 : i32 to index
      %swap3A_424 = arith.constant 416 : index
      %swap3A_425 = tpu.vector_load %arg10[%swap3A_423, %swap3A_424] {strides = array<i32>} : memref<16x1024xf32, #tpu.memory_space<vmem>>, vector<16xf32>,
      tpu.vector_store %arg10[%swap3A_423, %swap3A_424], %add3A_422 {strides = array<i32>} : memref<16x1024xf32, #tpu.memory_space<vmem>>, vector<16xf32>,
      %get3A_426 = arith.index_cast %scan3A_95 : i32 to index
      %get3A_427 = arith.constant 432 : index
      %get3A_428 = tpu.vector_load %arg10[%get3A_426, %get3A_427] {strides = array<i32>} : memref<16x1024xf32, #tpu.memory_space<vmem>>, vector<16xf32>,
      %mul3A_429 = arith.mulf %get3A_428, %gather3A : vector<16xf32>
      %get3A_430 = arith.index_cast %scan3A_95 : i32 to index
      %get3A_431 = arith.constant 432 : index
      %get3A_432 = tpu.vector_load %arg12[%get3A_430, %get3A_431] {strides = array<i32>} : memref<16x1024xf32, #tpu.memory_space<vmem>>, vector<16xf32>,
      %mul3A_433 = arith.mulf %get3A_432, %sub3A_102 : vector<16xf32>
      %add3A_434 = arith.addf %mul3A_429, %mul3A_433 : vector<16xf32>
      %swap3A_435 = arith.index_cast %scan3A_95 : i32 to index
      %swap3A_436 = arith.constant 432 : index
      %swap3A_437 = tpu.vector_load %arg10[%swap3A_435, %swap3A_436] {strides = array<i32>} : memref<16x1024xf32, #tpu.memory_space<vmem>>, vector<16xf32>,
      tpu.vector_store %arg10[%swap3A_435, %swap3A_436], %add3A_434 {strides = array<i32>} : memref<16x1024xf32, #tpu.memory_space<vmem>>, vector<16xf32>,
      %get3A_438 = arith.index_cast %scan3A_95 : i32 to index
      %get3A_439 = arith.constant 448 : index
      %get3A_440 = tpu.vector_load %arg10[%get3A_438, %get3A_439] {strides = array<i32>} : memref<16x1024xf32, #tpu.memory_space<vmem>>, vector<16xf32>,
      %mul3A_441 = arith.mulf %get3A_440, %gather3A : vector<16xf32>
      %get3A_442 = arith.index_cast %scan3A_95 : i32 to index
      %get3A_443 = arith.constant 448 : index
      %get3A_444 = tpu.vector_load %arg12[%get3A_442, %get3A_443] {strides = array<i32>} : memref<16x1024xf32, #tpu.memory_space<vmem>>, vector<16xf32>,
      %mul3A_445 = arith.mulf %get3A_444, %sub3A_102 : vector<16xf32>
      %add3A_446 = arith.addf %mul3A_441, %mul3A_445 : vector<16xf32>
      %swap3A_447 = arith.index_cast %scan3A_95 : i32 to index
      %swap3A_448 = arith.constant 448 : index
      %swap3A_449 = tpu.vector_load %arg10[%swap3A_447, %swap3A_448] {strides = array<i32>} : memref<16x1024xf32, #tpu.memory_space<vmem>>, vector<16xf32>,
      tpu.vector_store %arg10[%swap3A_447, %swap3A_448], %add3A_446 {strides = array<i32>} : memref<16x1024xf32, #tpu.memory_space<vmem>>, vector<16xf32>,
      %get3A_450 = arith.index_cast %scan3A_95 : i32 to index
      %get3A_451 = arith.constant 464 : index
      %get3A_452 = tpu.vector_load %arg10[%get3A_450, %get3A_451] {strides = array<i32>} : memref<16x1024xf32, #tpu.memory_space<vmem>>, vector<16xf32>,
      %mul3A_453 = arith.mulf %get3A_452, %gather3A : vector<16xf32>
      %get3A_454 = arith.index_cast %scan3A_95 : i32 to index
      %get3A_455 = arith.constant 464 : index
      %get3A_456 = tpu.vector_load %arg12[%get3A_454, %get3A_455] {strides = array<i32>} : memref<16x1024xf32, #tpu.memory_space<vmem>>, vector<16xf32>,
      %mul3A_457 = arith.mulf %get3A_456, %sub3A_102 : vector<16xf32>
      %add3A_458 = arith.addf %mul3A_453, %mul3A_457 : vector<16xf32>
      %swap3A_459 = arith.index_cast %scan3A_95 : i32 to index
      %swap3A_460 = arith.constant 464 : index
      %swap3A_461 = tpu.vector_load %arg10[%swap3A_459, %swap3A_460] {strides = array<i32>} : memref<16x1024xf32, #tpu.memory_space<vmem>>, vector<16xf32>,
      tpu.vector_store %arg10[%swap3A_459, %swap3A_460], %add3A_458 {strides = array<i32>} : memref<16x1024xf32, #tpu.memory_space<vmem>>, vector<16xf32>,
      %get3A_462 = arith.index_cast %scan3A_95 : i32 to index
      %get3A_463 = arith.constant 480 : index
      %get3A_464 = tpu.vector_load %arg10[%get3A_462, %get3A_463] {strides = array<i32>} : memref<16x1024xf32, #tpu.memory_space<vmem>>, vector<16xf32>,
      %mul3A_465 = arith.mulf %get3A_464, %gather3A : vector<16xf32>
      %get3A_466 = arith.index_cast %scan3A_95 : i32 to index
      %get3A_467 = arith.constant 480 : index
      %get3A_468 = tpu.vector_load %arg12[%get3A_466, %get3A_467] {strides = array<i32>} : memref<16x1024xf32, #tpu.memory_space<vmem>>, vector<16xf32>,
      %mul3A_469 = arith.mulf %get3A_468, %sub3A_102 : vector<16xf32>
      %add3A_470 = arith.addf %mul3A_465, %mul3A_469 : vector<16xf32>
      %swap3A_471 = arith.index_cast %scan3A_95 : i32 to index
      %swap3A_472 = arith.constant 480 : index
      %swap3A_473 = tpu.vector_load %arg10[%swap3A_471, %swap3A_472] {strides = array<i32>} : memref<16x1024xf32, #tpu.memory_space<vmem>>, vector<16xf32>,
      tpu.vector_store %arg10[%swap3A_471, %swap3A_472], %add3A_470 {strides = array<i32>} : memref<16x1024xf32, #tpu.memory_space<vmem>>, vector<16xf32>,
      %get3A_474 = arith.index_cast %scan3A_95 : i32 to index
      %get3A_475 = arith.constant 496 : index
      %get3A_476 = tpu.vector_load %arg10[%get3A_474, %get3A_475] {strides = array<i32>} : memref<16x1024xf32, #tpu.memory_space<vmem>>, vector<16xf32>,
      %mul3A_477 = arith.mulf %get3A_476, %gather3A : vector<16xf32>
      %get3A_478 = arith.index_cast %scan3A_95 : i32 to index
      %get3A_479 = arith.constant 496 : index
      %get3A_480 = tpu.vector_load %arg12[%get3A_478, %get3A_479] {strides = array<i32>} : memref<16x1024xf32, #tpu.memory_space<vmem>>, vector<16xf32>,
      %mul3A_481 = arith.mulf %get3A_480, %sub3A_102 : vector<16xf32>
      %add3A_482 = arith.addf %mul3A_477, %mul3A_481 : vector<16xf32>
      %swap3A_483 = arith.index_cast %scan3A_95 : i32 to index
      %swap3A_484 = arith.constant 496 : index
      %swap3A_485 = tpu.vector_load %arg10[%swap3A_483, %swap3A_484] {strides = array<i32>} : memref<16x1024xf32, #tpu.memory_space<vmem>>, vector<16xf32>,
      tpu.vector_store %arg10[%swap3A_483, %swap3A_484], %add3A_482 {strides = array<i32>} : memref<16x1024xf32, #tpu.memory_space<vmem>>, vector<16xf32>,
      %get3A_486 = arith.index_cast %scan3A_95 : i32 to index
      %get3A_487 = arith.constant 512 : index
      %get3A_488 = tpu.vector_load %arg10[%get3A_486, %get3A_487] {strides = array<i32>} : memref<16x1024xf32, #tpu.memory_space<vmem>>, vector<16xf32>,
      %mul3A_489 = arith.mulf %get3A_488, %gather3A : vector<16xf32>
      %get3A_490 = arith.index_cast %scan3A_95 : i32 to index
      %get3A_491 = arith.constant 512 : index
      %get3A_492 = tpu.vector_load %arg12[%get3A_490, %get3A_491] {strides = array<i32>} : memref<16x1024xf32, #tpu.memory_space<vmem>>, vector<16xf32>,
      %mul3A_493 = arith.mulf %get3A_492, %sub3A_102 : vector<16xf32>
      %add3A_494 = arith.addf %mul3A_489, %mul3A_493 : vector<16xf32>
      %swap3A_495 = arith.index_cast %scan3A_95 : i32 to index
      %swap3A_496 = arith.constant 512 : index
      %swap3A_497 = tpu.vector_load %arg10[%swap3A_495, %swap3A_496] {strides = array<i32>} : memref<16x1024xf32, #tpu.memory_space<vmem>>, vector<16xf32>,
      tpu.vector_store %arg10[%swap3A_495, %swap3A_496], %add3A_494 {strides = array<i32>} : memref<16x1024xf32, #tpu.memory_space<vmem>>, vector<16xf32>,
      %get3A_498 = arith.index_cast %scan3A_95 : i32 to index
      %get3A_499 = arith.constant 528 : index
      %get3A_500 = tpu.vector_load %arg10[%get3A_498, %get3A_499] {strides = array<i32>} : memref<16x1024xf32, #tpu.memory_space<vmem>>, vector<16xf32>,
      %mul3A_501 = arith.mulf %get3A_500, %gather3A : vector<16xf32>
      %get3A_502 = arith.index_cast %scan3A_95 : i32 to index
      %get3A_503 = arith.constant 528 : index
      %get3A_504 = tpu.vector_load %arg12[%get3A_502, %get3A_503] {strides = array<i32>} : memref<16x1024xf32, #tpu.memory_space<vmem>>, vector<16xf32>,
      %mul3A_505 = arith.mulf %get3A_504, %sub3A_102 : vector<16xf32>
      %add3A_506 = arith.addf %mul3A_501, %mul3A_505 : vector<16xf32>
      %swap3A_507 = arith.index_cast %scan3A_95 : i32 to index
      %swap3A_508 = arith.constant 528 : index
      %swap3A_509 = tpu.vector_load %arg10[%swap3A_507, %swap3A_508] {strides = array<i32>} : memref<16x1024xf32, #tpu.memory_space<vmem>>, vector<16xf32>,
      tpu.vector_store %arg10[%swap3A_507, %swap3A_508], %add3A_506 {strides = array<i32>} : memref<16x1024xf32, #tpu.memory_space<vmem>>, vector<16xf32>,
      %get3A_510 = arith.index_cast %scan3A_95 : i32 to index
      %get3A_511 = arith.constant 544 : index
      %get3A_512 = tpu.vector_load %arg10[%get3A_510, %get3A_511] {strides = array<i32>} : memref<16x1024xf32, #tpu.memory_space<vmem>>, vector<16xf32>,
      %mul3A_513 = arith.mulf %get3A_512, %gather3A : vector<16xf32>
      %get3A_514 = arith.index_cast %scan3A_95 : i32 to index
      %get3A_515 = arith.constant 544 : index
      %get3A_516 = tpu.vector_load %arg12[%get3A_514, %get3A_515] {strides = array<i32>} : memref<16x1024xf32, #tpu.memory_space<vmem>>, vector<16xf32>,
      %mul3A_517 = arith.mulf %get3A_516, %sub3A_102 : vector<16xf32>
      %add3A_518 = arith.addf %mul3A_513, %mul3A_517 : vector<16xf32>
      %swap3A_519 = arith.index_cast %scan3A_95 : i32 to index
      %swap3A_520 = arith.constant 544 : index
      %swap3A_521 = tpu.vector_load %arg10[%swap3A_519, %swap3A_520] {strides = array<i32>} : memref<16x1024xf32, #tpu.memory_space<vmem>>, vector<16xf32>,
      tpu.vector_store %arg10[%swap3A_519, %swap3A_520], %add3A_518 {strides = array<i32>} : memref<16x1024xf32, #tpu.memory_space<vmem>>, vector<16xf32>,
      %get3A_522 = arith.index_cast %scan3A_95 : i32 to index
      %get3A_523 = arith.constant 560 : index
      %get3A_524 = tpu.vector_load %arg10[%get3A_522, %get3A_523] {strides = array<i32>} : memref<16x1024xf32, #tpu.memory_space<vmem>>, vector<16xf32>,
      %mul3A_525 = arith.mulf %get3A_524, %gather3A : vector<16xf32>
      %get3A_526 = arith.index_cast %scan3A_95 : i32 to index
      %get3A_527 = arith.constant 560 : index
      %get3A_528 = tpu.vector_load %arg12[%get3A_526, %get3A_527] {strides = array<i32>} : memref<16x1024xf32, #tpu.memory_space<vmem>>, vector<16xf32>,
      %mul3A_529 = arith.mulf %get3A_528, %sub3A_102 : vector<16xf32>
      %add3A_530 = arith.addf %mul3A_525, %mul3A_529 : vector<16xf32>
      %swap3A_531 = arith.index_cast %scan3A_95 : i32 to index
      %swap3A_532 = arith.constant 560 : index
      %swap3A_533 = tpu.vector_load %arg10[%swap3A_531, %swap3A_532] {strides = array<i32>} : memref<16x1024xf32, #tpu.memory_space<vmem>>, vector<16xf32>,
      tpu.vector_store %arg10[%swap3A_531, %swap3A_532], %add3A_530 {strides = array<i32>} : memref<16x1024xf32, #tpu.memory_space<vmem>>, vector<16xf32>,
      %get3A_534 = arith.index_cast %scan3A_95 : i32 to index
      %get3A_535 = arith.constant 576 : index
      %get3A_536 = tpu.vector_load %arg10[%get3A_534, %get3A_535] {strides = array<i32>} : memref<16x1024xf32, #tpu.memory_space<vmem>>, vector<16xf32>,
      %mul3A_537 = arith.mulf %get3A_536, %gather3A : vector<16xf32>
      %get3A_538 = arith.index_cast %scan3A_95 : i32 to index
      %get3A_539 = arith.constant 576 : index
      %get3A_540 = tpu.vector_load %arg12[%get3A_538, %get3A_539] {strides = array<i32>} : memref<16x1024xf32, #tpu.memory_space<vmem>>, vector<16xf32>,
      %mul3A_541 = arith.mulf %get3A_540, %sub3A_102 : vector<16xf32>
      %add3A_542 = arith.addf %mul3A_537, %mul3A_541 : vector<16xf32>
      %swap3A_543 = arith.index_cast %scan3A_95 : i32 to index
      %swap3A_544 = arith.constant 576 : index
      %swap3A_545 = tpu.vector_load %arg10[%swap3A_543, %swap3A_544] {strides = array<i32>} : memref<16x1024xf32, #tpu.memory_space<vmem>>, vector<16xf32>,
      tpu.vector_store %arg10[%swap3A_543, %swap3A_544], %add3A_542 {strides = array<i32>} : memref<16x1024xf32, #tpu.memory_space<vmem>>, vector<16xf32>,
      %get3A_546 = arith.index_cast %scan3A_95 : i32 to index
      %get3A_547 = arith.constant 592 : index
      %get3A_548 = tpu.vector_load %arg10[%get3A_546, %get3A_547] {strides = array<i32>} : memref<16x1024xf32, #tpu.memory_space<vmem>>, vector<16xf32>,
      %mul3A_549 = arith.mulf %get3A_548, %gather3A : vector<16xf32>
      %get3A_550 = arith.index_cast %scan3A_95 : i32 to index
      %get3A_551 = arith.constant 592 : index
      %get3A_552 = tpu.vector_load %arg12[%get3A_550, %get3A_551] {strides = array<i32>} : memref<16x1024xf32, #tpu.memory_space<vmem>>, vector<16xf32>,
      %mul3A_553 = arith.mulf %get3A_552, %sub3A_102 : vector<16xf32>
      %add3A_554 = arith.addf %mul3A_549, %mul3A_553 : vector<16xf32>
      %swap3A_555 = arith.index_cast %scan3A_95 : i32 to index
      %swap3A_556 = arith.constant 592 : index
      %swap3A_557 = tpu.vector_load %arg10[%swap3A_555, %swap3A_556] {strides = array<i32>} : memref<16x1024xf32, #tpu.memory_space<vmem>>, vector<16xf32>,
      tpu.vector_store %arg10[%swap3A_555, %swap3A_556], %add3A_554 {strides = array<i32>} : memref<16x1024xf32, #tpu.memory_space<vmem>>, vector<16xf32>,
      %get3A_558 = arith.index_cast %scan3A_95 : i32 to index
      %get3A_559 = arith.constant 608 : index
      %get3A_560 = tpu.vector_load %arg10[%get3A_558, %get3A_559] {strides = array<i32>} : memref<16x1024xf32, #tpu.memory_space<vmem>>, vector<16xf32>,
      %mul3A_561 = arith.mulf %get3A_560, %gather3A : vector<16xf32>
      %get3A_562 = arith.index_cast %scan3A_95 : i32 to index
      %get3A_563 = arith.constant 608 : index
      %get3A_564 = tpu.vector_load %arg12[%get3A_562, %get3A_563] {strides = array<i32>} : memref<16x1024xf32, #tpu.memory_space<vmem>>, vector<16xf32>,
      %mul3A_565 = arith.mulf %get3A_564, %sub3A_102 : vector<16xf32>
      %add3A_566 = arith.addf %mul3A_561, %mul3A_565 : vector<16xf32>
      %swap3A_567 = arith.index_cast %scan3A_95 : i32 to index
      %swap3A_568 = arith.constant 608 : index
      %swap3A_569 = tpu.vector_load %arg10[%swap3A_567, %swap3A_568] {strides = array<i32>} : memref<16x1024xf32, #tpu.memory_space<vmem>>, vector<16xf32>,
      tpu.vector_store %arg10[%swap3A_567, %swap3A_568], %add3A_566 {strides = array<i32>} : memref<16x1024xf32, #tpu.memory_space<vmem>>, vector<16xf32>,
      %get3A_570 = arith.index_cast %scan3A_95 : i32 to index
      %get3A_571 = arith.constant 624 : index
      %get3A_572 = tpu.vector_load %arg10[%get3A_570, %get3A_571] {strides = array<i32>} : memref<16x1024xf32, #tpu.memory_space<vmem>>, vector<16xf32>,
      %mul3A_573 = arith.mulf %get3A_572, %gather3A : vector<16xf32>
      %get3A_574 = arith.index_cast %scan3A_95 : i32 to index
      %get3A_575 = arith.constant 624 : index
      %get3A_576 = tpu.vector_load %arg12[%get3A_574, %get3A_575] {strides = array<i32>} : memref<16x1024xf32, #tpu.memory_space<vmem>>, vector<16xf32>,
      %mul3A_577 = arith.mulf %get3A_576, %sub3A_102 : vector<16xf32>
      %add3A_578 = arith.addf %mul3A_573, %mul3A_577 : vector<16xf32>
      %swap3A_579 = arith.index_cast %scan3A_95 : i32 to index
      %swap3A_580 = arith.constant 624 : index
      %swap3A_581 = tpu.vector_load %arg10[%swap3A_579, %swap3A_580] {strides = array<i32>} : memref<16x1024xf32, #tpu.memory_space<vmem>>, vector<16xf32>,
      tpu.vector_store %arg10[%swap3A_579, %swap3A_580], %add3A_578 {strides = array<i32>} : memref<16x1024xf32, #tpu.memory_space<vmem>>, vector<16xf32>,
      %get3A_582 = arith.index_cast %scan3A_95 : i32 to index
      %get3A_583 = arith.constant 640 : index
      %get3A_584 = tpu.vector_load %arg10[%get3A_582, %get3A_583] {strides = array<i32>} : memref<16x1024xf32, #tpu.memory_space<vmem>>, vector<16xf32>,
      %mul3A_585 = arith.mulf %get3A_584, %gather3A : vector<16xf32>
      %get3A_586 = arith.index_cast %scan3A_95 : i32 to index
      %get3A_587 = arith.constant 640 : index
      %get3A_588 = tpu.vector_load %arg12[%get3A_586, %get3A_587] {strides = array<i32>} : memref<16x1024xf32, #tpu.memory_space<vmem>>, vector<16xf32>,
      %mul3A_589 = arith.mulf %get3A_588, %sub3A_102 : vector<16xf32>
      %add3A_590 = arith.addf %mul3A_585, %mul3A_589 : vector<16xf32>
      %swap3A_591 = arith.index_cast %scan3A_95 : i32 to index
      %swap3A_592 = arith.constant 640 : index
      %swap3A_593 = tpu.vector_load %arg10[%swap3A_591, %swap3A_592] {strides = array<i32>} : memref<16x1024xf32, #tpu.memory_space<vmem>>, vector<16xf32>,
      tpu.vector_store %arg10[%swap3A_591, %swap3A_592], %add3A_590 {strides = array<i32>} : memref<16x1024xf32, #tpu.memory_space<vmem>>, vector<16xf32>,
      %get3A_594 = arith.index_cast %scan3A_95 : i32 to index
      %get3A_595 = arith.constant 656 : index
      %get3A_596 = tpu.vector_load %arg10[%get3A_594, %get3A_595] {strides = array<i32>} : memref<16x1024xf32, #tpu.memory_space<vmem>>, vector<16xf32>,
      %mul3A_597 = arith.mulf %get3A_596, %gather3A : vector<16xf32>
      %get3A_598 = arith.index_cast %scan3A_95 : i32 to index
      %get3A_599 = arith.constant 656 : index
      %get3A_600 = tpu.vector_load %arg12[%get3A_598, %get3A_599] {strides = array<i32>} : memref<16x1024xf32, #tpu.memory_space<vmem>>, vector<16xf32>,
      %mul3A_601 = arith.mulf %get3A_600, %sub3A_102 : vector<16xf32>
      %add3A_602 = arith.addf %mul3A_597, %mul3A_601 : vector<16xf32>
      %swap3A_603 = arith.index_cast %scan3A_95 : i32 to index
      %swap3A_604 = arith.constant 656 : index
      %swap3A_605 = tpu.vector_load %arg10[%swap3A_603, %swap3A_604] {strides = array<i32>} : memref<16x1024xf32, #tpu.memory_space<vmem>>, vector<16xf32>,
      tpu.vector_store %arg10[%swap3A_603, %swap3A_604], %add3A_602 {strides = array<i32>} : memref<16x1024xf32, #tpu.memory_space<vmem>>, vector<16xf32>,
      %get3A_606 = arith.index_cast %scan3A_95 : i32 to index
      %get3A_607 = arith.constant 672 : index
      %get3A_608 = tpu.vector_load %arg10[%get3A_606, %get3A_607] {strides = array<i32>} : memref<16x1024xf32, #tpu.memory_space<vmem>>, vector<16xf32>,
      %mul3A_609 = arith.mulf %get3A_608, %gather3A : vector<16xf32>
      %get3A_610 = arith.index_cast %scan3A_95 : i32 to index
      %get3A_611 = arith.constant 672 : index
      %get3A_612 = tpu.vector_load %arg12[%get3A_610, %get3A_611] {strides = array<i32>} : memref<16x1024xf32, #tpu.memory_space<vmem>>, vector<16xf32>,
      %mul3A_613 = arith.mulf %get3A_612, %sub3A_102 : vector<16xf32>
      %add3A_614 = arith.addf %mul3A_609, %mul3A_613 : vector<16xf32>
      %swap3A_615 = arith.index_cast %scan3A_95 : i32 to index
      %swap3A_616 = arith.constant 672 : index
      %swap3A_617 = tpu.vector_load %arg10[%swap3A_615, %swap3A_616] {strides = array<i32>} : memref<16x1024xf32, #tpu.memory_space<vmem>>, vector<16xf32>,
      tpu.vector_store %arg10[%swap3A_615, %swap3A_616], %add3A_614 {strides = array<i32>} : memref<16x1024xf32, #tpu.memory_space<vmem>>, vector<16xf32>,
      %get3A_618 = arith.index_cast %scan3A_95 : i32 to index
      %get3A_619 = arith.constant 688 : index
      %get3A_620 = tpu.vector_load %arg10[%get3A_618, %get3A_619] {strides = array<i32>} : memref<16x1024xf32, #tpu.memory_space<vmem>>, vector<16xf32>,
      %mul3A_621 = arith.mulf %get3A_620, %gather3A : vector<16xf32>
      %get3A_622 = arith.index_cast %scan3A_95 : i32 to index
      %get3A_623 = arith.constant 688 : index
      %get3A_624 = tpu.vector_load %arg12[%get3A_622, %get3A_623] {strides = array<i32>} : memref<16x1024xf32, #tpu.memory_space<vmem>>, vector<16xf32>,
      %mul3A_625 = arith.mulf %get3A_624, %sub3A_102 : vector<16xf32>
      %add3A_626 = arith.addf %mul3A_621, %mul3A_625 : vector<16xf32>
      %swap3A_627 = arith.index_cast %scan3A_95 : i32 to index
      %swap3A_628 = arith.constant 688 : index
      %swap3A_629 = tpu.vector_load %arg10[%swap3A_627, %swap3A_628] {strides = array<i32>} : memref<16x1024xf32, #tpu.memory_space<vmem>>, vector<16xf32>,
      tpu.vector_store %arg10[%swap3A_627, %swap3A_628], %add3A_626 {strides = array<i32>} : memref<16x1024xf32, #tpu.memory_space<vmem>>, vector<16xf32>,
      %get3A_630 = arith.index_cast %scan3A_95 : i32 to index
      %get3A_631 = arith.constant 704 : index
      %get3A_632 = tpu.vector_load %arg10[%get3A_630, %get3A_631] {strides = array<i32>} : memref<16x1024xf32, #tpu.memory_space<vmem>>, vector<16xf32>,
      %mul3A_633 = arith.mulf %get3A_632, %gather3A : vector<16xf32>
      %get3A_634 = arith.index_cast %scan3A_95 : i32 to index
      %get3A_635 = arith.constant 704 : index
      %get3A_636 = tpu.vector_load %arg12[%get3A_634, %get3A_635] {strides = array<i32>} : memref<16x1024xf32, #tpu.memory_space<vmem>>, vector<16xf32>,
      %mul3A_637 = arith.mulf %get3A_636, %sub3A_102 : vector<16xf32>
      %add3A_638 = arith.addf %mul3A_633, %mul3A_637 : vector<16xf32>
      %swap3A_639 = arith.index_cast %scan3A_95 : i32 to index
      %swap3A_640 = arith.constant 704 : index
      %swap3A_641 = tpu.vector_load %arg10[%swap3A_639, %swap3A_640] {strides = array<i32>} : memref<16x1024xf32, #tpu.memory_space<vmem>>, vector<16xf32>,
      tpu.vector_store %arg10[%swap3A_639, %swap3A_640], %add3A_638 {strides = array<i32>} : memref<16x1024xf32, #tpu.memory_space<vmem>>, vector<16xf32>,
      %get3A_642 = arith.index_cast %scan3A_95 : i32 to index
      %get3A_643 = arith.constant 720 : index
      %get3A_644 = tpu.vector_load %arg10[%get3A_642, %get3A_643] {strides = array<i32>} : memref<16x1024xf32, #tpu.memory_space<vmem>>, vector<16xf32>,
      %mul3A_645 = arith.mulf %get3A_644, %gather3A : vector<16xf32>
      %get3A_646 = arith.index_cast %scan3A_95 : i32 to index
      %get3A_647 = arith.constant 720 : index
      %get3A_648 = tpu.vector_load %arg12[%get3A_646, %get3A_647] {strides = array<i32>} : memref<16x1024xf32, #tpu.memory_space<vmem>>, vector<16xf32>,
      %mul3A_649 = arith.mulf %get3A_648, %sub3A_102 : vector<16xf32>
      %add3A_650 = arith.addf %mul3A_645, %mul3A_649 : vector<16xf32>
      %swap3A_651 = arith.index_cast %scan3A_95 : i32 to index
      %swap3A_652 = arith.constant 720 : index
      %swap3A_653 = tpu.vector_load %arg10[%swap3A_651, %swap3A_652] {strides = array<i32>} : memref<16x1024xf32, #tpu.memory_space<vmem>>, vector<16xf32>,
      tpu.vector_store %arg10[%swap3A_651, %swap3A_652], %add3A_650 {strides = array<i32>} : memref<16x1024xf32, #tpu.memory_space<vmem>>, vector<16xf32>,
      %get3A_654 = arith.index_cast %scan3A_95 : i32 to index
      %get3A_655 = arith.constant 736 : index
      %get3A_656 = tpu.vector_load %arg10[%get3A_654, %get3A_655] {strides = array<i32>} : memref<16x1024xf32, #tpu.memory_space<vmem>>, vector<16xf32>,
      %mul3A_657 = arith.mulf %get3A_656, %gather3A : vector<16xf32>
      %get3A_658 = arith.index_cast %scan3A_95 : i32 to index
      %get3A_659 = arith.constant 736 : index
      %get3A_660 = tpu.vector_load %arg12[%get3A_658, %get3A_659] {strides = array<i32>} : memref<16x1024xf32, #tpu.memory_space<vmem>>, vector<16xf32>,
      %mul3A_661 = arith.mulf %get3A_660, %sub3A_102 : vector<16xf32>
      %add3A_662 = arith.addf %mul3A_657, %mul3A_661 : vector<16xf32>
      %swap3A_663 = arith.index_cast %scan3A_95 : i32 to index
      %swap3A_664 = arith.constant 736 : index
      %swap3A_665 = tpu.vector_load %arg10[%swap3A_663, %swap3A_664] {strides = array<i32>} : memref<16x1024xf32, #tpu.memory_space<vmem>>, vector<16xf32>,
      tpu.vector_store %arg10[%swap3A_663, %swap3A_664], %add3A_662 {strides = array<i32>} : memref<16x1024xf32, #tpu.memory_space<vmem>>, vector<16xf32>,
      %get3A_666 = arith.index_cast %scan3A_95 : i32 to index
      %get3A_667 = arith.constant 752 : index
      %get3A_668 = tpu.vector_load %arg10[%get3A_666, %get3A_667] {strides = array<i32>} : memref<16x1024xf32, #tpu.memory_space<vmem>>, vector<16xf32>,
      %mul3A_669 = arith.mulf %get3A_668, %gather3A : vector<16xf32>
      %get3A_670 = arith.index_cast %scan3A_95 : i32 to index
      %get3A_671 = arith.constant 752 : index
      %get3A_672 = tpu.vector_load %arg12[%get3A_670, %get3A_671] {strides = array<i32>} : memref<16x1024xf32, #tpu.memory_space<vmem>>, vector<16xf32>,
      %mul3A_673 = arith.mulf %get3A_672, %sub3A_102 : vector<16xf32>
      %add3A_674 = arith.addf %mul3A_669, %mul3A_673 : vector<16xf32>
      %swap3A_675 = arith.index_cast %scan3A_95 : i32 to index
      %swap3A_676 = arith.constant 752 : index
      %swap3A_677 = tpu.vector_load %arg10[%swap3A_675, %swap3A_676] {strides = array<i32>} : memref<16x1024xf32, #tpu.memory_space<vmem>>, vector<16xf32>,
      tpu.vector_store %arg10[%swap3A_675, %swap3A_676], %add3A_674 {strides = array<i32>} : memref<16x1024xf32, #tpu.memory_space<vmem>>, vector<16xf32>,
      %get3A_678 = arith.index_cast %scan3A_95 : i32 to index
      %get3A_679 = arith.constant 768 : index
      %get3A_680 = tpu.vector_load %arg10[%get3A_678, %get3A_679] {strides = array<i32>} : memref<16x1024xf32, #tpu.memory_space<vmem>>, vector<16xf32>,
      %mul3A_681 = arith.mulf %get3A_680, %gather3A : vector<16xf32>
      %get3A_682 = arith.index_cast %scan3A_95 : i32 to index
      %get3A_683 = arith.constant 768 : index
      %get3A_684 = tpu.vector_load %arg12[%get3A_682, %get3A_683] {strides = array<i32>} : memref<16x1024xf32, #tpu.memory_space<vmem>>, vector<16xf32>,
      %mul3A_685 = arith.mulf %get3A_684, %sub3A_102 : vector<16xf32>
      %add3A_686 = arith.addf %mul3A_681, %mul3A_685 : vector<16xf32>
      %swap3A_687 = arith.index_cast %scan3A_95 : i32 to index
      %swap3A_688 = arith.constant 768 : index
      %swap3A_689 = tpu.vector_load %arg10[%swap3A_687, %swap3A_688] {strides = array<i32>} : memref<16x1024xf32, #tpu.memory_space<vmem>>, vector<16xf32>,
      tpu.vector_store %arg10[%swap3A_687, %swap3A_688], %add3A_686 {strides = array<i32>} : memref<16x1024xf32, #tpu.memory_space<vmem>>, vector<16xf32>,
      %get3A_690 = arith.index_cast %scan3A_95 : i32 to index
      %get3A_691 = arith.constant 784 : index
      %get3A_692 = tpu.vector_load %arg10[%get3A_690, %get3A_691] {strides = array<i32>} : memref<16x1024xf32, #tpu.memory_space<vmem>>, vector<16xf32>,
      %mul3A_693 = arith.mulf %get3A_692, %gather3A : vector<16xf32>
      %get3A_694 = arith.index_cast %scan3A_95 : i32 to index
      %get3A_695 = arith.constant 784 : index
      %get3A_696 = tpu.vector_load %arg12[%get3A_694, %get3A_695] {strides = array<i32>} : memref<16x1024xf32, #tpu.memory_space<vmem>>, vector<16xf32>,
      %mul3A_697 = arith.mulf %get3A_696, %sub3A_102 : vector<16xf32>
      %add3A_698 = arith.addf %mul3A_693, %mul3A_697 : vector<16xf32>
      %swap3A_699 = arith.index_cast %scan3A_95 : i32 to index
      %swap3A_700 = arith.constant 784 : index
      %swap3A_701 = tpu.vector_load %arg10[%swap3A_699, %swap3A_700] {strides = array<i32>} : memref<16x1024xf32, #tpu.memory_space<vmem>>, vector<16xf32>,
      tpu.vector_store %arg10[%swap3A_699, %swap3A_700], %add3A_698 {strides = array<i32>} : memref<16x1024xf32, #tpu.memory_space<vmem>>, vector<16xf32>,
      %get3A_702 = arith.index_cast %scan3A_95 : i32 to index
      %get3A_703 = arith.constant 800 : index
      %get3A_704 = tpu.vector_load %arg10[%get3A_702, %get3A_703] {strides = array<i32>} : memref<16x1024xf32, #tpu.memory_space<vmem>>, vector<16xf32>,
      %mul3A_705 = arith.mulf %get3A_704, %gather3A : vector<16xf32>
      %get3A_706 = arith.index_cast %scan3A_95 : i32 to index
      %get3A_707 = arith.constant 800 : index
      %get3A_708 = tpu.vector_load %arg12[%get3A_706, %get3A_707] {strides = array<i32>} : memref<16x1024xf32, #tpu.memory_space<vmem>>, vector<16xf32>,
      %mul3A_709 = arith.mulf %get3A_708, %sub3A_102 : vector<16xf32>
      %add3A_710 = arith.addf %mul3A_705, %mul3A_709 : vector<16xf32>
      %swap3A_711 = arith.index_cast %scan3A_95 : i32 to index
      %swap3A_712 = arith.constant 800 : index
      %swap3A_713 = tpu.vector_load %arg10[%swap3A_711, %swap3A_712] {strides = array<i32>} : memref<16x1024xf32, #tpu.memory_space<vmem>>, vector<16xf32>,
      tpu.vector_store %arg10[%swap3A_711, %swap3A_712], %add3A_710 {strides = array<i32>} : memref<16x1024xf32, #tpu.memory_space<vmem>>, vector<16xf32>,
      %get3A_714 = arith.index_cast %scan3A_95 : i32 to index
      %get3A_715 = arith.constant 816 : index
      %get3A_716 = tpu.vector_load %arg10[%get3A_714, %get3A_715] {strides = array<i32>} : memref<16x1024xf32, #tpu.memory_space<vmem>>, vector<16xf32>,
      %mul3A_717 = arith.mulf %get3A_716, %gather3A : vector<16xf32>
      %get3A_718 = arith.index_cast %scan3A_95 : i32 to index
      %get3A_719 = arith.constant 816 : index
      %get3A_720 = tpu.vector_load %arg12[%get3A_718, %get3A_719] {strides = array<i32>} : memref<16x1024xf32, #tpu.memory_space<vmem>>, vector<16xf32>,
      %mul3A_721 = arith.mulf %get3A_720, %sub3A_102 : vector<16xf32>
      %add3A_722 = arith.addf %mul3A_717, %mul3A_721 : vector<16xf32>
      %swap3A_723 = arith.index_cast %scan3A_95 : i32 to index
      %swap3A_724 = arith.constant 816 : index
      %swap3A_725 = tpu.vector_load %arg10[%swap3A_723, %swap3A_724] {strides = array<i32>} : memref<16x1024xf32, #tpu.memory_space<vmem>>, vector<16xf32>,
      tpu.vector_store %arg10[%swap3A_723, %swap3A_724], %add3A_722 {strides = array<i32>} : memref<16x1024xf32, #tpu.memory_space<vmem>>, vector<16xf32>,
      %get3A_726 = arith.index_cast %scan3A_95 : i32 to index
      %get3A_727 = arith.constant 832 : index
      %get3A_728 = tpu.vector_load %arg10[%get3A_726, %get3A_727] {strides = array<i32>} : memref<16x1024xf32, #tpu.memory_space<vmem>>, vector<16xf32>,
      %mul3A_729 = arith.mulf %get3A_728, %gather3A : vector<16xf32>
      %get3A_730 = arith.index_cast %scan3A_95 : i32 to index
      %get3A_731 = arith.constant 832 : index
      %get3A_732 = tpu.vector_load %arg12[%get3A_730, %get3A_731] {strides = array<i32>} : memref<16x1024xf32, #tpu.memory_space<vmem>>, vector<16xf32>,
      %mul3A_733 = arith.mulf %get3A_732, %sub3A_102 : vector<16xf32>
      %add3A_734 = arith.addf %mul3A_729, %mul3A_733 : vector<16xf32>
      %swap3A_735 = arith.index_cast %scan3A_95 : i32 to index
      %swap3A_736 = arith.constant 832 : index
      %swap3A_737 = tpu.vector_load %arg10[%swap3A_735, %swap3A_736] {strides = array<i32>} : memref<16x1024xf32, #tpu.memory_space<vmem>>, vector<16xf32>,
      tpu.vector_store %arg10[%swap3A_735, %swap3A_736], %add3A_734 {strides = array<i32>} : memref<16x1024xf32, #tpu.memory_space<vmem>>, vector<16xf32>,
      %get3A_738 = arith.index_cast %scan3A_95 : i32 to index
      %get3A_739 = arith.constant 848 : index
      %get3A_740 = tpu.vector_load %arg10[%get3A_738, %get3A_739] {strides = array<i32>} : memref<16x1024xf32, #tpu.memory_space<vmem>>, vector<16xf32>,
      %mul3A_741 = arith.mulf %get3A_740, %gather3A : vector<16xf32>
      %get3A_742 = arith.index_cast %scan3A_95 : i32 to index
      %get3A_743 = arith.constant 848 : index
      %get3A_744 = tpu.vector_load %arg12[%get3A_742, %get3A_743] {strides = array<i32>} : memref<16x1024xf32, #tpu.memory_space<vmem>>, vector<16xf32>,
      %mul3A_745 = arith.mulf %get3A_744, %sub3A_102 : vector<16xf32>
      %add3A_746 = arith.addf %mul3A_741, %mul3A_745 : vector<16xf32>
      %swap3A_747 = arith.index_cast %scan3A_95 : i32 to index
      %swap3A_748 = arith.constant 848 : index
      %swap3A_749 = tpu.vector_load %arg10[%swap3A_747, %swap3A_748] {strides = array<i32>} : memref<16x1024xf32, #tpu.memory_space<vmem>>, vector<16xf32>,
      tpu.vector_store %arg10[%swap3A_747, %swap3A_748], %add3A_746 {strides = array<i32>} : memref<16x1024xf32, #tpu.memory_space<vmem>>, vector<16xf32>,
      %get3A_750 = arith.index_cast %scan3A_95 : i32 to index
      %get3A_751 = arith.constant 864 : index
      %get3A_752 = tpu.vector_load %arg10[%get3A_750, %get3A_751] {strides = array<i32>} : memref<16x1024xf32, #tpu.memory_space<vmem>>, vector<16xf32>,
      %mul3A_753 = arith.mulf %get3A_752, %gather3A : vector<16xf32>
      %get3A_754 = arith.index_cast %scan3A_95 : i32 to index
      %get3A_755 = arith.constant 864 : index
      %get3A_756 = tpu.vector_load %arg12[%get3A_754, %get3A_755] {strides = array<i32>} : memref<16x1024xf32, #tpu.memory_space<vmem>>, vector<16xf32>,
      %mul3A_757 = arith.mulf %get3A_756, %sub3A_102 : vector<16xf32>
      %add3A_758 = arith.addf %mul3A_753, %mul3A_757 : vector<16xf32>
      %swap3A_759 = arith.index_cast %scan3A_95 : i32 to index
      %swap3A_760 = arith.constant 864 : index
      %swap3A_761 = tpu.vector_load %arg10[%swap3A_759, %swap3A_760] {strides = array<i32>} : memref<16x1024xf32, #tpu.memory_space<vmem>>, vector<16xf32>,
      tpu.vector_store %arg10[%swap3A_759, %swap3A_760], %add3A_758 {strides = array<i32>} : memref<16x1024xf32, #tpu.memory_space<vmem>>, vector<16xf32>,
      %get3A_762 = arith.index_cast %scan3A_95 : i32 to index
      %get3A_763 = arith.constant 880 : index
      %get3A_764 = tpu.vector_load %arg10[%get3A_762, %get3A_763] {strides = array<i32>} : memref<16x1024xf32, #tpu.memory_space<vmem>>, vector<16xf32>,
      %mul3A_765 = arith.mulf %get3A_764, %gather3A : vector<16xf32>
      %get3A_766 = arith.index_cast %scan3A_95 : i32 to index
      %get3A_767 = arith.constant 880 : index
      %get3A_768 = tpu.vector_load %arg12[%get3A_766, %get3A_767] {strides = array<i32>} : memref<16x1024xf32, #tpu.memory_space<vmem>>, vector<16xf32>,
      %mul3A_769 = arith.mulf %get3A_768, %sub3A_102 : vector<16xf32>
      %add3A_770 = arith.addf %mul3A_765, %mul3A_769 : vector<16xf32>
      %swap3A_771 = arith.index_cast %scan3A_95 : i32 to index
      %swap3A_772 = arith.constant 880 : index
      %swap3A_773 = tpu.vector_load %arg10[%swap3A_771, %swap3A_772] {strides = array<i32>} : memref<16x1024xf32, #tpu.memory_space<vmem>>, vector<16xf32>,
      tpu.vector_store %arg10[%swap3A_771, %swap3A_772], %add3A_770 {strides = array<i32>} : memref<16x1024xf32, #tpu.memory_space<vmem>>, vector<16xf32>,
      %get3A_774 = arith.index_cast %scan3A_95 : i32 to index
      %get3A_775 = arith.constant 896 : index
      %get3A_776 = tpu.vector_load %arg10[%get3A_774, %get3A_775] {strides = array<i32>} : memref<16x1024xf32, #tpu.memory_space<vmem>>, vector<16xf32>,
      %mul3A_777 = arith.mulf %get3A_776, %gather3A : vector<16xf32>
      %get3A_778 = arith.index_cast %scan3A_95 : i32 to index
      %get3A_779 = arith.constant 896 : index
      %get3A_780 = tpu.vector_load %arg12[%get3A_778, %get3A_779] {strides = array<i32>} : memref<16x1024xf32, #tpu.memory_space<vmem>>, vector<16xf32>,
      %mul3A_781 = arith.mulf %get3A_780, %sub3A_102 : vector<16xf32>
      %add3A_782 = arith.addf %mul3A_777, %mul3A_781 : vector<16xf32>
      %swap3A_783 = arith.index_cast %scan3A_95 : i32 to index
      %swap3A_784 = arith.constant 896 : index
      %swap3A_785 = tpu.vector_load %arg10[%swap3A_783, %swap3A_784] {strides = array<i32>} : memref<16x1024xf32, #tpu.memory_space<vmem>>, vector<16xf32>,
      tpu.vector_store %arg10[%swap3A_783, %swap3A_784], %add3A_782 {strides = array<i32>} : memref<16x1024xf32, #tpu.memory_space<vmem>>, vector<16xf32>,
      %get3A_786 = arith.index_cast %scan3A_95 : i32 to index
      %get3A_787 = arith.constant 912 : index
      %get3A_788 = tpu.vector_load %arg10[%get3A_786, %get3A_787] {strides = array<i32>} : memref<16x1024xf32, #tpu.memory_space<vmem>>, vector<16xf32>,
      %mul3A_789 = arith.mulf %get3A_788, %gather3A : vector<16xf32>
      %get3A_790 = arith.index_cast %scan3A_95 : i32 to index
      %get3A_791 = arith.constant 912 : index
      %get3A_792 = tpu.vector_load %arg12[%get3A_790, %get3A_791] {strides = array<i32>} : memref<16x1024xf32, #tpu.memory_space<vmem>>, vector<16xf32>,
      %mul3A_793 = arith.mulf %get3A_792, %sub3A_102 : vector<16xf32>
      %add3A_794 = arith.addf %mul3A_789, %mul3A_793 : vector<16xf32>
      %swap3A_795 = arith.index_cast %scan3A_95 : i32 to index
      %swap3A_796 = arith.constant 912 : index
      %swap3A_797 = tpu.vector_load %arg10[%swap3A_795, %swap3A_796] {strides = array<i32>} : memref<16x1024xf32, #tpu.memory_space<vmem>>, vector<16xf32>,
      tpu.vector_store %arg10[%swap3A_795, %swap3A_796], %add3A_794 {strides = array<i32>} : memref<16x1024xf32, #tpu.memory_space<vmem>>, vector<16xf32>,
      %get3A_798 = arith.index_cast %scan3A_95 : i32 to index
      %get3A_799 = arith.constant 928 : index
      %get3A_800 = tpu.vector_load %arg10[%get3A_798, %get3A_799] {strides = array<i32>} : memref<16x1024xf32, #tpu.memory_space<vmem>>, vector<16xf32>,
      %mul3A_801 = arith.mulf %get3A_800, %gather3A : vector<16xf32>
      %get3A_802 = arith.index_cast %scan3A_95 : i32 to index
      %get3A_803 = arith.constant 928 : index
      %get3A_804 = tpu.vector_load %arg12[%get3A_802, %get3A_803] {strides = array<i32>} : memref<16x1024xf32, #tpu.memory_space<vmem>>, vector<16xf32>,
      %mul3A_805 = arith.mulf %get3A_804, %sub3A_102 : vector<16xf32>
      %add3A_806 = arith.addf %mul3A_801, %mul3A_805 : vector<16xf32>
      %swap3A_807 = arith.index_cast %scan3A_95 : i32 to index
      %swap3A_808 = arith.constant 928 : index
      %swap3A_809 = tpu.vector_load %arg10[%swap3A_807, %swap3A_808] {strides = array<i32>} : memref<16x1024xf32, #tpu.memory_space<vmem>>, vector<16xf32>,
      tpu.vector_store %arg10[%swap3A_807, %swap3A_808], %add3A_806 {strides = array<i32>} : memref<16x1024xf32, #tpu.memory_space<vmem>>, vector<16xf32>,
      %get3A_810 = arith.index_cast %scan3A_95 : i32 to index
      %get3A_811 = arith.constant 944 : index
      %get3A_812 = tpu.vector_load %arg10[%get3A_810, %get3A_811] {strides = array<i32>} : memref<16x1024xf32, #tpu.memory_space<vmem>>, vector<16xf32>,
      %mul3A_813 = arith.mulf %get3A_812, %gather3A : vector<16xf32>
      %get3A_814 = arith.index_cast %scan3A_95 : i32 to index
      %get3A_815 = arith.constant 944 : index
      %get3A_816 = tpu.vector_load %arg12[%get3A_814, %get3A_815] {strides = array<i32>} : memref<16x1024xf32, #tpu.memory_space<vmem>>, vector<16xf32>,
      %mul3A_817 = arith.mulf %get3A_816, %sub3A_102 : vector<16xf32>
      %add3A_818 = arith.addf %mul3A_813, %mul3A_817 : vector<16xf32>
      %swap3A_819 = arith.index_cast %scan3A_95 : i32 to index
      %swap3A_820 = arith.constant 944 : index
      %swap3A_821 = tpu.vector_load %arg10[%swap3A_819, %swap3A_820] {strides = array<i32>} : memref<16x1024xf32, #tpu.memory_space<vmem>>, vector<16xf32>,
      tpu.vector_store %arg10[%swap3A_819, %swap3A_820], %add3A_818 {strides = array<i32>} : memref<16x1024xf32, #tpu.memory_space<vmem>>, vector<16xf32>,
      %get3A_822 = arith.index_cast %scan3A_95 : i32 to index
      %get3A_823 = arith.constant 960 : index
      %get3A_824 = tpu.vector_load %arg10[%get3A_822, %get3A_823] {strides = array<i32>} : memref<16x1024xf32, #tpu.memory_space<vmem>>, vector<16xf32>,
      %mul3A_825 = arith.mulf %get3A_824, %gather3A : vector<16xf32>
      %get3A_826 = arith.index_cast %scan3A_95 : i32 to index
      %get3A_827 = arith.constant 960 : index
      %get3A_828 = tpu.vector_load %arg12[%get3A_826, %get3A_827] {strides = array<i32>} : memref<16x1024xf32, #tpu.memory_space<vmem>>, vector<16xf32>,
      %mul3A_829 = arith.mulf %get3A_828, %sub3A_102 : vector<16xf32>
      %add3A_830 = arith.addf %mul3A_825, %mul3A_829 : vector<16xf32>
      %swap3A_831 = arith.index_cast %scan3A_95 : i32 to index
      %swap3A_832 = arith.constant 960 : index
      %swap3A_833 = tpu.vector_load %arg10[%swap3A_831, %swap3A_832] {strides = array<i32>} : memref<16x1024xf32, #tpu.memory_space<vmem>>, vector<16xf32>,
      tpu.vector_store %arg10[%swap3A_831, %swap3A_832], %add3A_830 {strides = array<i32>} : memref<16x1024xf32, #tpu.memory_space<vmem>>, vector<16xf32>,
      %get3A_834 = arith.index_cast %scan3A_95 : i32 to index
      %get3A_835 = arith.constant 976 : index
      %get3A_836 = tpu.vector_load %arg10[%get3A_834, %get3A_835] {strides = array<i32>} : memref<16x1024xf32, #tpu.memory_space<vmem>>, vector<16xf32>,
      %mul3A_837 = arith.mulf %get3A_836, %gather3A : vector<16xf32>
      %get3A_838 = arith.index_cast %scan3A_95 : i32 to index
      %get3A_839 = arith.constant 976 : index
      %get3A_840 = tpu.vector_load %arg12[%get3A_838, %get3A_839] {strides = array<i32>} : memref<16x1024xf32, #tpu.memory_space<vmem>>, vector<16xf32>,
      %mul3A_841 = arith.mulf %get3A_840, %sub3A_102 : vector<16xf32>
      %add3A_842 = arith.addf %mul3A_837, %mul3A_841 : vector<16xf32>
      %swap3A_843 = arith.index_cast %scan3A_95 : i32 to index
      %swap3A_844 = arith.constant 976 : index
      %swap3A_845 = tpu.vector_load %arg10[%swap3A_843, %swap3A_844] {strides = array<i32>} : memref<16x1024xf32, #tpu.memory_space<vmem>>, vector<16xf32>,
      tpu.vector_store %arg10[%swap3A_843, %swap3A_844], %add3A_842 {strides = array<i32>} : memref<16x1024xf32, #tpu.memory_space<vmem>>, vector<16xf32>,
      %get3A_846 = arith.index_cast %scan3A_95 : i32 to index
      %get3A_847 = arith.constant 992 : index
      %get3A_848 = tpu.vector_load %arg10[%get3A_846, %get3A_847] {strides = array<i32>} : memref<16x1024xf32, #tpu.memory_space<vmem>>, vector<16xf32>,
      %mul3A_849 = arith.mulf %get3A_848, %gather3A : vector<16xf32>
      %get3A_850 = arith.index_cast %scan3A_95 : i32 to index
      %get3A_851 = arith.constant 992 : index
      %get3A_852 = tpu.vector_load %arg12[%get3A_850, %get3A_851] {strides = array<i32>} : memref<16x1024xf32, #tpu.memory_space<vmem>>, vector<16xf32>,
      %mul3A_853 = arith.mulf %get3A_852, %sub3A_102 : vector<16xf32>
      %add3A_854 = arith.addf %mul3A_849, %mul3A_853 : vector<16xf32>
      %swap3A_855 = arith.index_cast %scan3A_95 : i32 to index
      %swap3A_856 = arith.constant 992 : index
      %swap3A_857 = tpu.vector_load %arg10[%swap3A_855, %swap3A_856] {strides = array<i32>} : memref<16x1024xf32, #tpu.memory_space<vmem>>, vector<16xf32>,
      tpu.vector_store %arg10[%swap3A_855, %swap3A_856], %add3A_854 {strides = array<i32>} : memref<16x1024xf32, #tpu.memory_space<vmem>>, vector<16xf32>,
      %get3A_858 = arith.index_cast %scan3A_95 : i32 to index
      %get3A_859 = arith.constant 1008 : index
      %get3A_860 = tpu.vector_load %arg10[%get3A_858, %get3A_859] {strides = array<i32>} : memref<16x1024xf32, #tpu.memory_space<vmem>>, vector<16xf32>,
      %mul3A_861 = arith.mulf %get3A_860, %gather3A : vector<16xf32>
      %get3A_862 = arith.index_cast %scan3A_95 : i32 to index
      %get3A_863 = arith.constant 1008 : index
      %get3A_864 = tpu.vector_load %arg12[%get3A_862, %get3A_863] {strides = array<i32>} : memref<16x1024xf32, #tpu.memory_space<vmem>>, vector<16xf32>,
      %mul3A_865 = arith.mulf %get3A_864, %sub3A_102 : vector<16xf32>
      %add3A_866 = arith.addf %mul3A_861, %mul3A_865 : vector<16xf32>
      %swap3A_867 = arith.index_cast %scan3A_95 : i32 to index
      %swap3A_868 = arith.constant 1008 : index
      %swap3A_869 = tpu.vector_load %arg10[%swap3A_867, %swap3A_868] {strides = array<i32>} : memref<16x1024xf32, #tpu.memory_space<vmem>>, vector<16xf32>,
      tpu.vector_store %arg10[%swap3A_867, %swap3A_868], %add3A_866 {strides = array<i32>} : memref<16x1024xf32, #tpu.memory_space<vmem>>, vector<16xf32>,
    }
    %scan3A_78 = arith.constant 16 : i32
    %add3A_79 = arith.constant 32 : i32
    %add3A_80 = arith.addi %mul3A_2, %add3A_79 : i32
    "tpu.region"() ({
      %run_scoped3A = tpu.sem_alloc : memref<!tpu.dma_semaphore, #tpu.memory_space<semaphore_mem>>
      %dma_start3A_95 = arith.constant 0 : i32
      %dma_start3A_96 = tpu.memref_slice %arg6[%add3A_80, %dma_start3A_95] : memref<2048x1024xf32, #tpu.memory_space<hbm>> -> memref<16x1024xf32, #tpu.memory_space<hbm>>
      %dma_start3A_97 = arith.constant 0 : i32
      %dma_start3A_98 = tpu.memref_slice %arg6[%add3A_80, %dma_start3A_97] : memref<2048x1024xf32, #tpu.memory_space<hbm>> -> memref<16x1024xf32, #tpu.memory_space<hbm>>
      tpu.enqueue_dma source(%arg10 : memref<16x1024xf32, #tpu.memory_space<vmem>>) target(%dma_start3A_98 : memref<16x1024xf32, #tpu.memory_space<hbm>>) target_semaphore(%run_scoped3A : memref<!tpu.dma_semaphore, #tpu.memory_space<semaphore_mem>>)
      %dma_wait3A_99 = arith.constant 0 : i32
      %dma_wait3A_100 = tpu.memref_slice %arg6[%add3A_80, %dma_wait3A_99] : memref<2048x1024xf32, #tpu.memory_space<hbm>> -> memref<16x1024xf32, #tpu.memory_space<hbm>>
      %dma_wait3A_101 = arith.constant 0 : i32
      %dma_wait3A_102 = tpu.memref_slice %arg6[%add3A_80, %dma_wait3A_101] : memref<2048x1024xf32, #tpu.memory_space<hbm>> -> memref<16x1024xf32, #tpu.memory_space<hbm>>
      tpu.wait_dma2 semaphore(%run_scoped3A : memref<!tpu.dma_semaphore, #tpu.memory_space<semaphore_mem>>) src(%arg10 : memref<16x1024xf32, #tpu.memory_space<vmem>>) dst(%dma_wait3A_102 : memref<16x1024xf32, #tpu.memory_space<hbm>>)
      tpu.yield
    }) : () -> ()
    %dma_wait3A_81 = arith.constant 0 : i32
    %dma_wait3A_82 = arith.constant 0 : i32
    %dma_wait3A_83 = tpu.memref_slice %arg2[%dma_wait3A_81, %dma_wait3A_82] : memref<5888x1024xf32, #tpu.memory_space<hbm>> -> memref<5888x1024xf32, #tpu.memory_space<hbm>>
    tpu.wait_indirect_dma semaphore(%arg15 : memref<!tpu.dma_semaphore, #tpu.memory_space<semaphore_mem>>) src(%dma_wait3A_83 : memref<5888x1024xf32, #tpu.memory_space<hbm>>) dst(%arg11 : memref<16x1024xf32, #tpu.memory_space<vmem>>)
    %dma_wait3A_84 = arith.constant 0 : i32
    %dma_wait3A_85 = arith.constant 0 : i32
    %dma_wait3A_86 = tpu.memref_slice %arg2[%dma_wait3A_84, %dma_wait3A_85] : memref<5888x1024xf32, #tpu.memory_space<hbm>> -> memref<5888x1024xf32, #tpu.memory_space<hbm>>
    tpu.wait_indirect_dma semaphore(%arg17 : memref<!tpu.dma_semaphore, #tpu.memory_space<semaphore_mem>>) src(%dma_wait3A_86 : memref<5888x1024xf32, #tpu.memory_space<hbm>>) dst(%arg13 : memref<16x1024xf32, #tpu.memory_space<vmem>>)
    %scan3A_87 = arith.constant 0 : i32
    %scan3A_88 = arith.constant 0 : i32
    %scan3A_89 = arith.constant 16 : i32
    %scan3A_90 = arith.addi %scan3A_88, %scan3A_89 : i32
    %scan3A_91 = arith.constant 1 : i32
    scf.for %scan3A_95 = %scan3A_88 to %scan3A_90 step %scan3A_91  : i32 {
      %broadcast_in_dim3A = arith.constant 0 : i32
      %broadcast_in_dim3A_96 = vector.broadcast %broadcast_in_dim3A : i32 to vector<16xi32>
      %add3A_97 = arith.constant 48 : i32
      %add3A_98 = arith.addi %add3A_97, %scan3A_95 : i32
      %add3A_99 = vector.broadcast %add3A_98 : i32 to vector<16xi32>
      %add3A_100 = arith.addi %broadcast_in_dim3A_96, %add3A_99 : vector<16xi32>
      %gather3A = tpu.vector_load_idx %arg9[%add3A_100] : memref<64xf32, #tpu.memory_space<vmem>>[vector<16xi32>], vector<16xf32>,
      %sub3A = arith.constant 1.000000e+00 : f32
      %sub3A_101 = vector.broadcast %sub3A : f32 to vector<16xf32>
      %sub3A_102 = arith.subf %sub3A_101, %gather3A : vector<16xf32>
      %get3A_103 = arith.index_cast %scan3A_95 : i32 to index
      %get3A_104 = arith.constant 0 : index
      %get3A_105 = tpu.vector_load %arg11[%get3A_103, %get3A_104] {strides = array<i32>} : memref<16x1024xf32, #tpu.memory_space<vmem>>, vector<16xf32>,
      %mul3A_106 = arith.mulf %get3A_105, %gather3A : vector<16xf32>
      %get3A_107 = arith.index_cast %scan3A_95 : i32 to index
      %get3A_108 = arith.constant 0 : index
      %get3A_109 = tpu.vector_load %arg13[%get3A_107, %get3A_108] {strides = array<i32>} : memref<16x1024xf32, #tpu.memory_space<vmem>>, vector<16xf32>,
      %mul3A_110 = arith.mulf %get3A_109, %sub3A_102 : vector<16xf32>
      %add3A_111 = arith.addf %mul3A_106, %mul3A_110 : vector<16xf32>
      %swap3A = arith.index_cast %scan3A_95 : i32 to index
      %swap3A_112 = arith.constant 0 : index
      %swap3A_113 = tpu.vector_load %arg11[%swap3A, %swap3A_112] {strides = array<i32>} : memref<16x1024xf32, #tpu.memory_space<vmem>>, vector<16xf32>,
      tpu.vector_store %arg11[%swap3A, %swap3A_112], %add3A_111 {strides = array<i32>} : memref<16x1024xf32, #tpu.memory_space<vmem>>, vector<16xf32>,
      %get3A_114 = arith.index_cast %scan3A_95 : i32 to index
      %get3A_115 = arith.constant 16 : index
      %get3A_116 = tpu.vector_load %arg11[%get3A_114, %get3A_115] {strides = array<i32>} : memref<16x1024xf32, #tpu.memory_space<vmem>>, vector<16xf32>,
      %mul3A_117 = arith.mulf %get3A_116, %gather3A : vector<16xf32>
      %get3A_118 = arith.index_cast %scan3A_95 : i32 to index
      %get3A_119 = arith.constant 16 : index
      %get3A_120 = tpu.vector_load %arg13[%get3A_118, %get3A_119] {strides = array<i32>} : memref<16x1024xf32, #tpu.memory_space<vmem>>, vector<16xf32>,
      %mul3A_121 = arith.mulf %get3A_120, %sub3A_102 : vector<16xf32>
      %add3A_122 = arith.addf %mul3A_117, %mul3A_121 : vector<16xf32>
      %swap3A_123 = arith.index_cast %scan3A_95 : i32 to index
      %swap3A_124 = arith.constant 16 : index
      %swap3A_125 = tpu.vector_load %arg11[%swap3A_123, %swap3A_124] {strides = array<i32>} : memref<16x1024xf32, #tpu.memory_space<vmem>>, vector<16xf32>,
      tpu.vector_store %arg11[%swap3A_123, %swap3A_124], %add3A_122 {strides = array<i32>} : memref<16x1024xf32, #tpu.memory_space<vmem>>, vector<16xf32>,
      %get3A_126 = arith.index_cast %scan3A_95 : i32 to index
      %get3A_127 = arith.constant 32 : index
      %get3A_128 = tpu.vector_load %arg11[%get3A_126, %get3A_127] {strides = array<i32>} : memref<16x1024xf32, #tpu.memory_space<vmem>>, vector<16xf32>,
      %mul3A_129 = arith.mulf %get3A_128, %gather3A : vector<16xf32>
      %get3A_130 = arith.index_cast %scan3A_95 : i32 to index
      %get3A_131 = arith.constant 32 : index
      %get3A_132 = tpu.vector_load %arg13[%get3A_130, %get3A_131] {strides = array<i32>} : memref<16x1024xf32, #tpu.memory_space<vmem>>, vector<16xf32>,
      %mul3A_133 = arith.mulf %get3A_132, %sub3A_102 : vector<16xf32>
      %add3A_134 = arith.addf %mul3A_129, %mul3A_133 : vector<16xf32>
      %swap3A_135 = arith.index_cast %scan3A_95 : i32 to index
      %swap3A_136 = arith.constant 32 : index
      %swap3A_137 = tpu.vector_load %arg11[%swap3A_135, %swap3A_136] {strides = array<i32>} : memref<16x1024xf32, #tpu.memory_space<vmem>>, vector<16xf32>,
      tpu.vector_store %arg11[%swap3A_135, %swap3A_136], %add3A_134 {strides = array<i32>} : memref<16x1024xf32, #tpu.memory_space<vmem>>, vector<16xf32>,
      %get3A_138 = arith.index_cast %scan3A_95 : i32 to index
      %get3A_139 = arith.constant 48 : index
      %get3A_140 = tpu.vector_load %arg11[%get3A_138, %get3A_139] {strides = array<i32>} : memref<16x1024xf32, #tpu.memory_space<vmem>>, vector<16xf32>,
      %mul3A_141 = arith.mulf %get3A_140, %gather3A : vector<16xf32>
      %get3A_142 = arith.index_cast %scan3A_95 : i32 to index
      %get3A_143 = arith.constant 48 : index
      %get3A_144 = tpu.vector_load %arg13[%get3A_142, %get3A_143] {strides = array<i32>} : memref<16x1024xf32, #tpu.memory_space<vmem>>, vector<16xf32>,
      %mul3A_145 = arith.mulf %get3A_144, %sub3A_102 : vector<16xf32>
      %add3A_146 = arith.addf %mul3A_141, %mul3A_145 : vector<16xf32>
      %swap3A_147 = arith.index_cast %scan3A_95 : i32 to index
      %swap3A_148 = arith.constant 48 : index
      %swap3A_149 = tpu.vector_load %arg11[%swap3A_147, %swap3A_148] {strides = array<i32>} : memref<16x1024xf32, #tpu.memory_space<vmem>>, vector<16xf32>,
      tpu.vector_store %arg11[%swap3A_147, %swap3A_148], %add3A_146 {strides = array<i32>} : memref<16x1024xf32, #tpu.memory_space<vmem>>, vector<16xf32>,
      %get3A_150 = arith.index_cast %scan3A_95 : i32 to index
      %get3A_151 = arith.constant 64 : index
      %get3A_152 = tpu.vector_load %arg11[%get3A_150, %get3A_151] {strides = array<i32>} : memref<16x1024xf32, #tpu.memory_space<vmem>>, vector<16xf32>,
      %mul3A_153 = arith.mulf %get3A_152, %gather3A : vector<16xf32>
      %get3A_154 = arith.index_cast %scan3A_95 : i32 to index
      %get3A_155 = arith.constant 64 : index
      %get3A_156 = tpu.vector_load %arg13[%get3A_154, %get3A_155] {strides = array<i32>} : memref<16x1024xf32, #tpu.memory_space<vmem>>, vector<16xf32>,
      %mul3A_157 = arith.mulf %get3A_156, %sub3A_102 : vector<16xf32>
      %add3A_158 = arith.addf %mul3A_153, %mul3A_157 : vector<16xf32>
      %swap3A_159 = arith.index_cast %scan3A_95 : i32 to index
      %swap3A_160 = arith.constant 64 : index
      %swap3A_161 = tpu.vector_load %arg11[%swap3A_159, %swap3A_160] {strides = array<i32>} : memref<16x1024xf32, #tpu.memory_space<vmem>>, vector<16xf32>,
      tpu.vector_store %arg11[%swap3A_159, %swap3A_160], %add3A_158 {strides = array<i32>} : memref<16x1024xf32, #tpu.memory_space<vmem>>, vector<16xf32>,
      %get3A_162 = arith.index_cast %scan3A_95 : i32 to index
      %get3A_163 = arith.constant 80 : index
      %get3A_164 = tpu.vector_load %arg11[%get3A_162, %get3A_163] {strides = array<i32>} : memref<16x1024xf32, #tpu.memory_space<vmem>>, vector<16xf32>,
      %mul3A_165 = arith.mulf %get3A_164, %gather3A : vector<16xf32>
      %get3A_166 = arith.index_cast %scan3A_95 : i32 to index
      %get3A_167 = arith.constant 80 : index
      %get3A_168 = tpu.vector_load %arg13[%get3A_166, %get3A_167] {strides = array<i32>} : memref<16x1024xf32, #tpu.memory_space<vmem>>, vector<16xf32>,
      %mul3A_169 = arith.mulf %get3A_168, %sub3A_102 : vector<16xf32>
      %add3A_170 = arith.addf %mul3A_165, %mul3A_169 : vector<16xf32>
      %swap3A_171 = arith.index_cast %scan3A_95 : i32 to index
      %swap3A_172 = arith.constant 80 : index
      %swap3A_173 = tpu.vector_load %arg11[%swap3A_171, %swap3A_172] {strides = array<i32>} : memref<16x1024xf32, #tpu.memory_space<vmem>>, vector<16xf32>,
      tpu.vector_store %arg11[%swap3A_171, %swap3A_172], %add3A_170 {strides = array<i32>} : memref<16x1024xf32, #tpu.memory_space<vmem>>, vector<16xf32>,
      %get3A_174 = arith.index_cast %scan3A_95 : i32 to index
      %get3A_175 = arith.constant 96 : index
      %get3A_176 = tpu.vector_load %arg11[%get3A_174, %get3A_175] {strides = array<i32>} : memref<16x1024xf32, #tpu.memory_space<vmem>>, vector<16xf32>,
      %mul3A_177 = arith.mulf %get3A_176, %gather3A : vector<16xf32>
      %get3A_178 = arith.index_cast %scan3A_95 : i32 to index
      %get3A_179 = arith.constant 96 : index
      %get3A_180 = tpu.vector_load %arg13[%get3A_178, %get3A_179] {strides = array<i32>} : memref<16x1024xf32, #tpu.memory_space<vmem>>, vector<16xf32>,
      %mul3A_181 = arith.mulf %get3A_180, %sub3A_102 : vector<16xf32>
      %add3A_182 = arith.addf %mul3A_177, %mul3A_181 : vector<16xf32>
      %swap3A_183 = arith.index_cast %scan3A_95 : i32 to index
      %swap3A_184 = arith.constant 96 : index
      %swap3A_185 = tpu.vector_load %arg11[%swap3A_183, %swap3A_184] {strides = array<i32>} : memref<16x1024xf32, #tpu.memory_space<vmem>>, vector<16xf32>,
      tpu.vector_store %arg11[%swap3A_183, %swap3A_184], %add3A_182 {strides = array<i32>} : memref<16x1024xf32, #tpu.memory_space<vmem>>, vector<16xf32>,
      %get3A_186 = arith.index_cast %scan3A_95 : i32 to index
      %get3A_187 = arith.constant 112 : index
      %get3A_188 = tpu.vector_load %arg11[%get3A_186, %get3A_187] {strides = array<i32>} : memref<16x1024xf32, #tpu.memory_space<vmem>>, vector<16xf32>,
      %mul3A_189 = arith.mulf %get3A_188, %gather3A : vector<16xf32>
      %get3A_190 = arith.index_cast %scan3A_95 : i32 to index
      %get3A_191 = arith.constant 112 : index
      %get3A_192 = tpu.vector_load %arg13[%get3A_190, %get3A_191] {strides = array<i32>} : memref<16x1024xf32, #tpu.memory_space<vmem>>, vector<16xf32>,
      %mul3A_193 = arith.mulf %get3A_192, %sub3A_102 : vector<16xf32>
      %add3A_194 = arith.addf %mul3A_189, %mul3A_193 : vector<16xf32>
      %swap3A_195 = arith.index_cast %scan3A_95 : i32 to index
      %swap3A_196 = arith.constant 112 : index
      %swap3A_197 = tpu.vector_load %arg11[%swap3A_195, %swap3A_196] {strides = array<i32>} : memref<16x1024xf32, #tpu.memory_space<vmem>>, vector<16xf32>,
      tpu.vector_store %arg11[%swap3A_195, %swap3A_196], %add3A_194 {strides = array<i32>} : memref<16x1024xf32, #tpu.memory_space<vmem>>, vector<16xf32>,
      %get3A_198 = arith.index_cast %scan3A_95 : i32 to index
      %get3A_199 = arith.constant 128 : index
      %get3A_200 = tpu.vector_load %arg11[%get3A_198, %get3A_199] {strides = array<i32>} : memref<16x1024xf32, #tpu.memory_space<vmem>>, vector<16xf32>,
      %mul3A_201 = arith.mulf %get3A_200, %gather3A : vector<16xf32>
      %get3A_202 = arith.index_cast %scan3A_95 : i32 to index
      %get3A_203 = arith.constant 128 : index
      %get3A_204 = tpu.vector_load %arg13[%get3A_202, %get3A_203] {strides = array<i32>} : memref<16x1024xf32, #tpu.memory_space<vmem>>, vector<16xf32>,
      %mul3A_205 = arith.mulf %get3A_204, %sub3A_102 : vector<16xf32>
      %add3A_206 = arith.addf %mul3A_201, %mul3A_205 : vector<16xf32>
      %swap3A_207 = arith.index_cast %scan3A_95 : i32 to index
      %swap3A_208 = arith.constant 128 : index
      %swap3A_209 = tpu.vector_load %arg11[%swap3A_207, %swap3A_208] {strides = array<i32>} : memref<16x1024xf32, #tpu.memory_space<vmem>>, vector<16xf32>,
      tpu.vector_store %arg11[%swap3A_207, %swap3A_208], %add3A_206 {strides = array<i32>} : memref<16x1024xf32, #tpu.memory_space<vmem>>, vector<16xf32>,
      %get3A_210 = arith.index_cast %scan3A_95 : i32 to index
      %get3A_211 = arith.constant 144 : index
      %get3A_212 = tpu.vector_load %arg11[%get3A_210, %get3A_211] {strides = array<i32>} : memref<16x1024xf32, #tpu.memory_space<vmem>>, vector<16xf32>,
      %mul3A_213 = arith.mulf %get3A_212, %gather3A : vector<16xf32>
      %get3A_214 = arith.index_cast %scan3A_95 : i32 to index
      %get3A_215 = arith.constant 144 : index
      %get3A_216 = tpu.vector_load %arg13[%get3A_214, %get3A_215] {strides = array<i32>} : memref<16x1024xf32, #tpu.memory_space<vmem>>, vector<16xf32>,
      %mul3A_217 = arith.mulf %get3A_216, %sub3A_102 : vector<16xf32>
      %add3A_218 = arith.addf %mul3A_213, %mul3A_217 : vector<16xf32>
      %swap3A_219 = arith.index_cast %scan3A_95 : i32 to index
      %swap3A_220 = arith.constant 144 : index
      %swap3A_221 = tpu.vector_load %arg11[%swap3A_219, %swap3A_220] {strides = array<i32>} : memref<16x1024xf32, #tpu.memory_space<vmem>>, vector<16xf32>,
      tpu.vector_store %arg11[%swap3A_219, %swap3A_220], %add3A_218 {strides = array<i32>} : memref<16x1024xf32, #tpu.memory_space<vmem>>, vector<16xf32>,
      %get3A_222 = arith.index_cast %scan3A_95 : i32 to index
      %get3A_223 = arith.constant 160 : index
      %get3A_224 = tpu.vector_load %arg11[%get3A_222, %get3A_223] {strides = array<i32>} : memref<16x1024xf32, #tpu.memory_space<vmem>>, vector<16xf32>,
      %mul3A_225 = arith.mulf %get3A_224, %gather3A : vector<16xf32>
      %get3A_226 = arith.index_cast %scan3A_95 : i32 to index
      %get3A_227 = arith.constant 160 : index
      %get3A_228 = tpu.vector_load %arg13[%get3A_226, %get3A_227] {strides = array<i32>} : memref<16x1024xf32, #tpu.memory_space<vmem>>, vector<16xf32>,
      %mul3A_229 = arith.mulf %get3A_228, %sub3A_102 : vector<16xf32>
      %add3A_230 = arith.addf %mul3A_225, %mul3A_229 : vector<16xf32>
      %swap3A_231 = arith.index_cast %scan3A_95 : i32 to index
      %swap3A_232 = arith.constant 160 : index
      %swap3A_233 = tpu.vector_load %arg11[%swap3A_231, %swap3A_232] {strides = array<i32>} : memref<16x1024xf32, #tpu.memory_space<vmem>>, vector<16xf32>,
      tpu.vector_store %arg11[%swap3A_231, %swap3A_232], %add3A_230 {strides = array<i32>} : memref<16x1024xf32, #tpu.memory_space<vmem>>, vector<16xf32>,
      %get3A_234 = arith.index_cast %scan3A_95 : i32 to index
      %get3A_235 = arith.constant 176 : index
      %get3A_236 = tpu.vector_load %arg11[%get3A_234, %get3A_235] {strides = array<i32>} : memref<16x1024xf32, #tpu.memory_space<vmem>>, vector<16xf32>,
      %mul3A_237 = arith.mulf %get3A_236, %gather3A : vector<16xf32>
      %get3A_238 = arith.index_cast %scan3A_95 : i32 to index
      %get3A_239 = arith.constant 176 : index
      %get3A_240 = tpu.vector_load %arg13[%get3A_238, %get3A_239] {strides = array<i32>} : memref<16x1024xf32, #tpu.memory_space<vmem>>, vector<16xf32>,
      %mul3A_241 = arith.mulf %get3A_240, %sub3A_102 : vector<16xf32>
      %add3A_242 = arith.addf %mul3A_237, %mul3A_241 : vector<16xf32>
      %swap3A_243 = arith.index_cast %scan3A_95 : i32 to index
      %swap3A_244 = arith.constant 176 : index
      %swap3A_245 = tpu.vector_load %arg11[%swap3A_243, %swap3A_244] {strides = array<i32>} : memref<16x1024xf32, #tpu.memory_space<vmem>>, vector<16xf32>,
      tpu.vector_store %arg11[%swap3A_243, %swap3A_244], %add3A_242 {strides = array<i32>} : memref<16x1024xf32, #tpu.memory_space<vmem>>, vector<16xf32>,
      %get3A_246 = arith.index_cast %scan3A_95 : i32 to index
      %get3A_247 = arith.constant 192 : index
      %get3A_248 = tpu.vector_load %arg11[%get3A_246, %get3A_247] {strides = array<i32>} : memref<16x1024xf32, #tpu.memory_space<vmem>>, vector<16xf32>,
      %mul3A_249 = arith.mulf %get3A_248, %gather3A : vector<16xf32>
      %get3A_250 = arith.index_cast %scan3A_95 : i32 to index
      %get3A_251 = arith.constant 192 : index
      %get3A_252 = tpu.vector_load %arg13[%get3A_250, %get3A_251] {strides = array<i32>} : memref<16x1024xf32, #tpu.memory_space<vmem>>, vector<16xf32>,
      %mul3A_253 = arith.mulf %get3A_252, %sub3A_102 : vector<16xf32>
      %add3A_254 = arith.addf %mul3A_249, %mul3A_253 : vector<16xf32>
      %swap3A_255 = arith.index_cast %scan3A_95 : i32 to index
      %swap3A_256 = arith.constant 192 : index
      %swap3A_257 = tpu.vector_load %arg11[%swap3A_255, %swap3A_256] {strides = array<i32>} : memref<16x1024xf32, #tpu.memory_space<vmem>>, vector<16xf32>,
      tpu.vector_store %arg11[%swap3A_255, %swap3A_256], %add3A_254 {strides = array<i32>} : memref<16x1024xf32, #tpu.memory_space<vmem>>, vector<16xf32>,
      %get3A_258 = arith.index_cast %scan3A_95 : i32 to index
      %get3A_259 = arith.constant 208 : index
      %get3A_260 = tpu.vector_load %arg11[%get3A_258, %get3A_259] {strides = array<i32>} : memref<16x1024xf32, #tpu.memory_space<vmem>>, vector<16xf32>,
      %mul3A_261 = arith.mulf %get3A_260, %gather3A : vector<16xf32>
      %get3A_262 = arith.index_cast %scan3A_95 : i32 to index
      %get3A_263 = arith.constant 208 : index
      %get3A_264 = tpu.vector_load %arg13[%get3A_262, %get3A_263] {strides = array<i32>} : memref<16x1024xf32, #tpu.memory_space<vmem>>, vector<16xf32>,
      %mul3A_265 = arith.mulf %get3A_264, %sub3A_102 : vector<16xf32>
      %add3A_266 = arith.addf %mul3A_261, %mul3A_265 : vector<16xf32>
      %swap3A_267 = arith.index_cast %scan3A_95 : i32 to index
      %swap3A_268 = arith.constant 208 : index
      %swap3A_269 = tpu.vector_load %arg11[%swap3A_267, %swap3A_268] {strides = array<i32>} : memref<16x1024xf32, #tpu.memory_space<vmem>>, vector<16xf32>,
      tpu.vector_store %arg11[%swap3A_267, %swap3A_268], %add3A_266 {strides = array<i32>} : memref<16x1024xf32, #tpu.memory_space<vmem>>, vector<16xf32>,
      %get3A_270 = arith.index_cast %scan3A_95 : i32 to index
      %get3A_271 = arith.constant 224 : index
      %get3A_272 = tpu.vector_load %arg11[%get3A_270, %get3A_271] {strides = array<i32>} : memref<16x1024xf32, #tpu.memory_space<vmem>>, vector<16xf32>,
      %mul3A_273 = arith.mulf %get3A_272, %gather3A : vector<16xf32>
      %get3A_274 = arith.index_cast %scan3A_95 : i32 to index
      %get3A_275 = arith.constant 224 : index
      %get3A_276 = tpu.vector_load %arg13[%get3A_274, %get3A_275] {strides = array<i32>} : memref<16x1024xf32, #tpu.memory_space<vmem>>, vector<16xf32>,
      %mul3A_277 = arith.mulf %get3A_276, %sub3A_102 : vector<16xf32>
      %add3A_278 = arith.addf %mul3A_273, %mul3A_277 : vector<16xf32>
      %swap3A_279 = arith.index_cast %scan3A_95 : i32 to index
      %swap3A_280 = arith.constant 224 : index
      %swap3A_281 = tpu.vector_load %arg11[%swap3A_279, %swap3A_280] {strides = array<i32>} : memref<16x1024xf32, #tpu.memory_space<vmem>>, vector<16xf32>,
      tpu.vector_store %arg11[%swap3A_279, %swap3A_280], %add3A_278 {strides = array<i32>} : memref<16x1024xf32, #tpu.memory_space<vmem>>, vector<16xf32>,
      %get3A_282 = arith.index_cast %scan3A_95 : i32 to index
      %get3A_283 = arith.constant 240 : index
      %get3A_284 = tpu.vector_load %arg11[%get3A_282, %get3A_283] {strides = array<i32>} : memref<16x1024xf32, #tpu.memory_space<vmem>>, vector<16xf32>,
      %mul3A_285 = arith.mulf %get3A_284, %gather3A : vector<16xf32>
      %get3A_286 = arith.index_cast %scan3A_95 : i32 to index
      %get3A_287 = arith.constant 240 : index
      %get3A_288 = tpu.vector_load %arg13[%get3A_286, %get3A_287] {strides = array<i32>} : memref<16x1024xf32, #tpu.memory_space<vmem>>, vector<16xf32>,
      %mul3A_289 = arith.mulf %get3A_288, %sub3A_102 : vector<16xf32>
      %add3A_290 = arith.addf %mul3A_285, %mul3A_289 : vector<16xf32>
      %swap3A_291 = arith.index_cast %scan3A_95 : i32 to index
      %swap3A_292 = arith.constant 240 : index
      %swap3A_293 = tpu.vector_load %arg11[%swap3A_291, %swap3A_292] {strides = array<i32>} : memref<16x1024xf32, #tpu.memory_space<vmem>>, vector<16xf32>,
      tpu.vector_store %arg11[%swap3A_291, %swap3A_292], %add3A_290 {strides = array<i32>} : memref<16x1024xf32, #tpu.memory_space<vmem>>, vector<16xf32>,
      %get3A_294 = arith.index_cast %scan3A_95 : i32 to index
      %get3A_295 = arith.constant 256 : index
      %get3A_296 = tpu.vector_load %arg11[%get3A_294, %get3A_295] {strides = array<i32>} : memref<16x1024xf32, #tpu.memory_space<vmem>>, vector<16xf32>,
      %mul3A_297 = arith.mulf %get3A_296, %gather3A : vector<16xf32>
      %get3A_298 = arith.index_cast %scan3A_95 : i32 to index
      %get3A_299 = arith.constant 256 : index
      %get3A_300 = tpu.vector_load %arg13[%get3A_298, %get3A_299] {strides = array<i32>} : memref<16x1024xf32, #tpu.memory_space<vmem>>, vector<16xf32>,
      %mul3A_301 = arith.mulf %get3A_300, %sub3A_102 : vector<16xf32>
      %add3A_302 = arith.addf %mul3A_297, %mul3A_301 : vector<16xf32>
      %swap3A_303 = arith.index_cast %scan3A_95 : i32 to index
      %swap3A_304 = arith.constant 256 : index
      %swap3A_305 = tpu.vector_load %arg11[%swap3A_303, %swap3A_304] {strides = array<i32>} : memref<16x1024xf32, #tpu.memory_space<vmem>>, vector<16xf32>,
      tpu.vector_store %arg11[%swap3A_303, %swap3A_304], %add3A_302 {strides = array<i32>} : memref<16x1024xf32, #tpu.memory_space<vmem>>, vector<16xf32>,
      %get3A_306 = arith.index_cast %scan3A_95 : i32 to index
      %get3A_307 = arith.constant 272 : index
      %get3A_308 = tpu.vector_load %arg11[%get3A_306, %get3A_307] {strides = array<i32>} : memref<16x1024xf32, #tpu.memory_space<vmem>>, vector<16xf32>,
      %mul3A_309 = arith.mulf %get3A_308, %gather3A : vector<16xf32>
      %get3A_310 = arith.index_cast %scan3A_95 : i32 to index
      %get3A_311 = arith.constant 272 : index
      %get3A_312 = tpu.vector_load %arg13[%get3A_310, %get3A_311] {strides = array<i32>} : memref<16x1024xf32, #tpu.memory_space<vmem>>, vector<16xf32>,
      %mul3A_313 = arith.mulf %get3A_312, %sub3A_102 : vector<16xf32>
      %add3A_314 = arith.addf %mul3A_309, %mul3A_313 : vector<16xf32>
      %swap3A_315 = arith.index_cast %scan3A_95 : i32 to index
      %swap3A_316 = arith.constant 272 : index
      %swap3A_317 = tpu.vector_load %arg11[%swap3A_315, %swap3A_316] {strides = array<i32>} : memref<16x1024xf32, #tpu.memory_space<vmem>>, vector<16xf32>,
      tpu.vector_store %arg11[%swap3A_315, %swap3A_316], %add3A_314 {strides = array<i32>} : memref<16x1024xf32, #tpu.memory_space<vmem>>, vector<16xf32>,
      %get3A_318 = arith.index_cast %scan3A_95 : i32 to index
      %get3A_319 = arith.constant 288 : index
      %get3A_320 = tpu.vector_load %arg11[%get3A_318, %get3A_319] {strides = array<i32>} : memref<16x1024xf32, #tpu.memory_space<vmem>>, vector<16xf32>,
      %mul3A_321 = arith.mulf %get3A_320, %gather3A : vector<16xf32>
      %get3A_322 = arith.index_cast %scan3A_95 : i32 to index
      %get3A_323 = arith.constant 288 : index
      %get3A_324 = tpu.vector_load %arg13[%get3A_322, %get3A_323] {strides = array<i32>} : memref<16x1024xf32, #tpu.memory_space<vmem>>, vector<16xf32>,
      %mul3A_325 = arith.mulf %get3A_324, %sub3A_102 : vector<16xf32>
      %add3A_326 = arith.addf %mul3A_321, %mul3A_325 : vector<16xf32>
      %swap3A_327 = arith.index_cast %scan3A_95 : i32 to index
      %swap3A_328 = arith.constant 288 : index
      %swap3A_329 = tpu.vector_load %arg11[%swap3A_327, %swap3A_328] {strides = array<i32>} : memref<16x1024xf32, #tpu.memory_space<vmem>>, vector<16xf32>,
      tpu.vector_store %arg11[%swap3A_327, %swap3A_328], %add3A_326 {strides = array<i32>} : memref<16x1024xf32, #tpu.memory_space<vmem>>, vector<16xf32>,
      %get3A_330 = arith.index_cast %scan3A_95 : i32 to index
      %get3A_331 = arith.constant 304 : index
      %get3A_332 = tpu.vector_load %arg11[%get3A_330, %get3A_331] {strides = array<i32>} : memref<16x1024xf32, #tpu.memory_space<vmem>>, vector<16xf32>,
      %mul3A_333 = arith.mulf %get3A_332, %gather3A : vector<16xf32>
      %get3A_334 = arith.index_cast %scan3A_95 : i32 to index
      %get3A_335 = arith.constant 304 : index
      %get3A_336 = tpu.vector_load %arg13[%get3A_334, %get3A_335] {strides = array<i32>} : memref<16x1024xf32, #tpu.memory_space<vmem>>, vector<16xf32>,
      %mul3A_337 = arith.mulf %get3A_336, %sub3A_102 : vector<16xf32>
      %add3A_338 = arith.addf %mul3A_333, %mul3A_337 : vector<16xf32>
      %swap3A_339 = arith.index_cast %scan3A_95 : i32 to index
      %swap3A_340 = arith.constant 304 : index
      %swap3A_341 = tpu.vector_load %arg11[%swap3A_339, %swap3A_340] {strides = array<i32>} : memref<16x1024xf32, #tpu.memory_space<vmem>>, vector<16xf32>,
      tpu.vector_store %arg11[%swap3A_339, %swap3A_340], %add3A_338 {strides = array<i32>} : memref<16x1024xf32, #tpu.memory_space<vmem>>, vector<16xf32>,
      %get3A_342 = arith.index_cast %scan3A_95 : i32 to index
      %get3A_343 = arith.constant 320 : index
      %get3A_344 = tpu.vector_load %arg11[%get3A_342, %get3A_343] {strides = array<i32>} : memref<16x1024xf32, #tpu.memory_space<vmem>>, vector<16xf32>,
      %mul3A_345 = arith.mulf %get3A_344, %gather3A : vector<16xf32>
      %get3A_346 = arith.index_cast %scan3A_95 : i32 to index
      %get3A_347 = arith.constant 320 : index
      %get3A_348 = tpu.vector_load %arg13[%get3A_346, %get3A_347] {strides = array<i32>} : memref<16x1024xf32, #tpu.memory_space<vmem>>, vector<16xf32>,
      %mul3A_349 = arith.mulf %get3A_348, %sub3A_102 : vector<16xf32>
      %add3A_350 = arith.addf %mul3A_345, %mul3A_349 : vector<16xf32>
      %swap3A_351 = arith.index_cast %scan3A_95 : i32 to index
      %swap3A_352 = arith.constant 320 : index
      %swap3A_353 = tpu.vector_load %arg11[%swap3A_351, %swap3A_352] {strides = array<i32>} : memref<16x1024xf32, #tpu.memory_space<vmem>>, vector<16xf32>,
      tpu.vector_store %arg11[%swap3A_351, %swap3A_352], %add3A_350 {strides = array<i32>} : memref<16x1024xf32, #tpu.memory_space<vmem>>, vector<16xf32>,
      %get3A_354 = arith.index_cast %scan3A_95 : i32 to index
      %get3A_355 = arith.constant 336 : index
      %get3A_356 = tpu.vector_load %arg11[%get3A_354, %get3A_355] {strides = array<i32>} : memref<16x1024xf32, #tpu.memory_space<vmem>>, vector<16xf32>,
      %mul3A_357 = arith.mulf %get3A_356, %gather3A : vector<16xf32>
      %get3A_358 = arith.index_cast %scan3A_95 : i32 to index
      %get3A_359 = arith.constant 336 : index
      %get3A_360 = tpu.vector_load %arg13[%get3A_358, %get3A_359] {strides = array<i32>} : memref<16x1024xf32, #tpu.memory_space<vmem>>, vector<16xf32>,
      %mul3A_361 = arith.mulf %get3A_360, %sub3A_102 : vector<16xf32>
      %add3A_362 = arith.addf %mul3A_357, %mul3A_361 : vector<16xf32>
      %swap3A_363 = arith.index_cast %scan3A_95 : i32 to index
      %swap3A_364 = arith.constant 336 : index
      %swap3A_365 = tpu.vector_load %arg11[%swap3A_363, %swap3A_364] {strides = array<i32>} : memref<16x1024xf32, #tpu.memory_space<vmem>>, vector<16xf32>,
      tpu.vector_store %arg11[%swap3A_363, %swap3A_364], %add3A_362 {strides = array<i32>} : memref<16x1024xf32, #tpu.memory_space<vmem>>, vector<16xf32>,
      %get3A_366 = arith.index_cast %scan3A_95 : i32 to index
      %get3A_367 = arith.constant 352 : index
      %get3A_368 = tpu.vector_load %arg11[%get3A_366, %get3A_367] {strides = array<i32>} : memref<16x1024xf32, #tpu.memory_space<vmem>>, vector<16xf32>,
      %mul3A_369 = arith.mulf %get3A_368, %gather3A : vector<16xf32>
      %get3A_370 = arith.index_cast %scan3A_95 : i32 to index
      %get3A_371 = arith.constant 352 : index
      %get3A_372 = tpu.vector_load %arg13[%get3A_370, %get3A_371] {strides = array<i32>} : memref<16x1024xf32, #tpu.memory_space<vmem>>, vector<16xf32>,
      %mul3A_373 = arith.mulf %get3A_372, %sub3A_102 : vector<16xf32>
      %add3A_374 = arith.addf %mul3A_369, %mul3A_373 : vector<16xf32>
      %swap3A_375 = arith.index_cast %scan3A_95 : i32 to index
      %swap3A_376 = arith.constant 352 : index
      %swap3A_377 = tpu.vector_load %arg11[%swap3A_375, %swap3A_376] {strides = array<i32>} : memref<16x1024xf32, #tpu.memory_space<vmem>>, vector<16xf32>,
      tpu.vector_store %arg11[%swap3A_375, %swap3A_376], %add3A_374 {strides = array<i32>} : memref<16x1024xf32, #tpu.memory_space<vmem>>, vector<16xf32>,
      %get3A_378 = arith.index_cast %scan3A_95 : i32 to index
      %get3A_379 = arith.constant 368 : index
      %get3A_380 = tpu.vector_load %arg11[%get3A_378, %get3A_379] {strides = array<i32>} : memref<16x1024xf32, #tpu.memory_space<vmem>>, vector<16xf32>,
      %mul3A_381 = arith.mulf %get3A_380, %gather3A : vector<16xf32>
      %get3A_382 = arith.index_cast %scan3A_95 : i32 to index
      %get3A_383 = arith.constant 368 : index
      %get3A_384 = tpu.vector_load %arg13[%get3A_382, %get3A_383] {strides = array<i32>} : memref<16x1024xf32, #tpu.memory_space<vmem>>, vector<16xf32>,
      %mul3A_385 = arith.mulf %get3A_384, %sub3A_102 : vector<16xf32>
      %add3A_386 = arith.addf %mul3A_381, %mul3A_385 : vector<16xf32>
      %swap3A_387 = arith.index_cast %scan3A_95 : i32 to index
      %swap3A_388 = arith.constant 368 : index
      %swap3A_389 = tpu.vector_load %arg11[%swap3A_387, %swap3A_388] {strides = array<i32>} : memref<16x1024xf32, #tpu.memory_space<vmem>>, vector<16xf32>,
      tpu.vector_store %arg11[%swap3A_387, %swap3A_388], %add3A_386 {strides = array<i32>} : memref<16x1024xf32, #tpu.memory_space<vmem>>, vector<16xf32>,
      %get3A_390 = arith.index_cast %scan3A_95 : i32 to index
      %get3A_391 = arith.constant 384 : index
      %get3A_392 = tpu.vector_load %arg11[%get3A_390, %get3A_391] {strides = array<i32>} : memref<16x1024xf32, #tpu.memory_space<vmem>>, vector<16xf32>,
      %mul3A_393 = arith.mulf %get3A_392, %gather3A : vector<16xf32>
      %get3A_394 = arith.index_cast %scan3A_95 : i32 to index
      %get3A_395 = arith.constant 384 : index
      %get3A_396 = tpu.vector_load %arg13[%get3A_394, %get3A_395] {strides = array<i32>} : memref<16x1024xf32, #tpu.memory_space<vmem>>, vector<16xf32>,
      %mul3A_397 = arith.mulf %get3A_396, %sub3A_102 : vector<16xf32>
      %add3A_398 = arith.addf %mul3A_393, %mul3A_397 : vector<16xf32>
      %swap3A_399 = arith.index_cast %scan3A_95 : i32 to index
      %swap3A_400 = arith.constant 384 : index
      %swap3A_401 = tpu.vector_load %arg11[%swap3A_399, %swap3A_400] {strides = array<i32>} : memref<16x1024xf32, #tpu.memory_space<vmem>>, vector<16xf32>,
      tpu.vector_store %arg11[%swap3A_399, %swap3A_400], %add3A_398 {strides = array<i32>} : memref<16x1024xf32, #tpu.memory_space<vmem>>, vector<16xf32>,
      %get3A_402 = arith.index_cast %scan3A_95 : i32 to index
      %get3A_403 = arith.constant 400 : index
      %get3A_404 = tpu.vector_load %arg11[%get3A_402, %get3A_403] {strides = array<i32>} : memref<16x1024xf32, #tpu.memory_space<vmem>>, vector<16xf32>,
      %mul3A_405 = arith.mulf %get3A_404, %gather3A : vector<16xf32>
      %get3A_406 = arith.index_cast %scan3A_95 : i32 to index
      %get3A_407 = arith.constant 400 : index
      %get3A_408 = tpu.vector_load %arg13[%get3A_406, %get3A_407] {strides = array<i32>} : memref<16x1024xf32, #tpu.memory_space<vmem>>, vector<16xf32>,
      %mul3A_409 = arith.mulf %get3A_408, %sub3A_102 : vector<16xf32>
      %add3A_410 = arith.addf %mul3A_405, %mul3A_409 : vector<16xf32>
      %swap3A_411 = arith.index_cast %scan3A_95 : i32 to index
      %swap3A_412 = arith.constant 400 : index
      %swap3A_413 = tpu.vector_load %arg11[%swap3A_411, %swap3A_412] {strides = array<i32>} : memref<16x1024xf32, #tpu.memory_space<vmem>>, vector<16xf32>,
      tpu.vector_store %arg11[%swap3A_411, %swap3A_412], %add3A_410 {strides = array<i32>} : memref<16x1024xf32, #tpu.memory_space<vmem>>, vector<16xf32>,
      %get3A_414 = arith.index_cast %scan3A_95 : i32 to index
      %get3A_415 = arith.constant 416 : index
      %get3A_416 = tpu.vector_load %arg11[%get3A_414, %get3A_415] {strides = array<i32>} : memref<16x1024xf32, #tpu.memory_space<vmem>>, vector<16xf32>,
      %mul3A_417 = arith.mulf %get3A_416, %gather3A : vector<16xf32>
      %get3A_418 = arith.index_cast %scan3A_95 : i32 to index
      %get3A_419 = arith.constant 416 : index
      %get3A_420 = tpu.vector_load %arg13[%get3A_418, %get3A_419] {strides = array<i32>} : memref<16x1024xf32, #tpu.memory_space<vmem>>, vector<16xf32>,
      %mul3A_421 = arith.mulf %get3A_420, %sub3A_102 : vector<16xf32>
      %add3A_422 = arith.addf %mul3A_417, %mul3A_421 : vector<16xf32>
      %swap3A_423 = arith.index_cast %scan3A_95 : i32 to index
      %swap3A_424 = arith.constant 416 : index
      %swap3A_425 = tpu.vector_load %arg11[%swap3A_423, %swap3A_424] {strides = array<i32>} : memref<16x1024xf32, #tpu.memory_space<vmem>>, vector<16xf32>,
      tpu.vector_store %arg11[%swap3A_423, %swap3A_424], %add3A_422 {strides = array<i32>} : memref<16x1024xf32, #tpu.memory_space<vmem>>, vector<16xf32>,
      %get3A_426 = arith.index_cast %scan3A_95 : i32 to index
      %get3A_427 = arith.constant 432 : index
      %get3A_428 = tpu.vector_load %arg11[%get3A_426, %get3A_427] {strides = array<i32>} : memref<16x1024xf32, #tpu.memory_space<vmem>>, vector<16xf32>,
      %mul3A_429 = arith.mulf %get3A_428, %gather3A : vector<16xf32>
      %get3A_430 = arith.index_cast %scan3A_95 : i32 to index
      %get3A_431 = arith.constant 432 : index
      %get3A_432 = tpu.vector_load %arg13[%get3A_430, %get3A_431] {strides = array<i32>} : memref<16x1024xf32, #tpu.memory_space<vmem>>, vector<16xf32>,
      %mul3A_433 = arith.mulf %get3A_432, %sub3A_102 : vector<16xf32>
      %add3A_434 = arith.addf %mul3A_429, %mul3A_433 : vector<16xf32>
      %swap3A_435 = arith.index_cast %scan3A_95 : i32 to index
      %swap3A_436 = arith.constant 432 : index
      %swap3A_437 = tpu.vector_load %arg11[%swap3A_435, %swap3A_436] {strides = array<i32>} : memref<16x1024xf32, #tpu.memory_space<vmem>>, vector<16xf32>,
      tpu.vector_store %arg11[%swap3A_435, %swap3A_436], %add3A_434 {strides = array<i32>} : memref<16x1024xf32, #tpu.memory_space<vmem>>, vector<16xf32>,
      %get3A_438 = arith.index_cast %scan3A_95 : i32 to index
      %get3A_439 = arith.constant 448 : index
      %get3A_440 = tpu.vector_load %arg11[%get3A_438, %get3A_439] {strides = array<i32>} : memref<16x1024xf32, #tpu.memory_space<vmem>>, vector<16xf32>,
      %mul3A_441 = arith.mulf %get3A_440, %gather3A : vector<16xf32>
      %get3A_442 = arith.index_cast %scan3A_95 : i32 to index
      %get3A_443 = arith.constant 448 : index
      %get3A_444 = tpu.vector_load %arg13[%get3A_442, %get3A_443] {strides = array<i32>} : memref<16x1024xf32, #tpu.memory_space<vmem>>, vector<16xf32>,
      %mul3A_445 = arith.mulf %get3A_444, %sub3A_102 : vector<16xf32>
      %add3A_446 = arith.addf %mul3A_441, %mul3A_445 : vector<16xf32>
      %swap3A_447 = arith.index_cast %scan3A_95 : i32 to index
      %swap3A_448 = arith.constant 448 : index
      %swap3A_449 = tpu.vector_load %arg11[%swap3A_447, %swap3A_448] {strides = array<i32>} : memref<16x1024xf32, #tpu.memory_space<vmem>>, vector<16xf32>,
      tpu.vector_store %arg11[%swap3A_447, %swap3A_448], %add3A_446 {strides = array<i32>} : memref<16x1024xf32, #tpu.memory_space<vmem>>, vector<16xf32>,
      %get3A_450 = arith.index_cast %scan3A_95 : i32 to index
      %get3A_451 = arith.constant 464 : index
      %get3A_452 = tpu.vector_load %arg11[%get3A_450, %get3A_451] {strides = array<i32>} : memref<16x1024xf32, #tpu.memory_space<vmem>>, vector<16xf32>,
      %mul3A_453 = arith.mulf %get3A_452, %gather3A : vector<16xf32>
      %get3A_454 = arith.index_cast %scan3A_95 : i32 to index
      %get3A_455 = arith.constant 464 : index
      %get3A_456 = tpu.vector_load %arg13[%get3A_454, %get3A_455] {strides = array<i32>} : memref<16x1024xf32, #tpu.memory_space<vmem>>, vector<16xf32>,
      %mul3A_457 = arith.mulf %get3A_456, %sub3A_102 : vector<16xf32>
      %add3A_458 = arith.addf %mul3A_453, %mul3A_457 : vector<16xf32>
      %swap3A_459 = arith.index_cast %scan3A_95 : i32 to index
      %swap3A_460 = arith.constant 464 : index
      %swap3A_461 = tpu.vector_load %arg11[%swap3A_459, %swap3A_460] {strides = array<i32>} : memref<16x1024xf32, #tpu.memory_space<vmem>>, vector<16xf32>,
      tpu.vector_store %arg11[%swap3A_459, %swap3A_460], %add3A_458 {strides = array<i32>} : memref<16x1024xf32, #tpu.memory_space<vmem>>, vector<16xf32>,
      %get3A_462 = arith.index_cast %scan3A_95 : i32 to index
      %get3A_463 = arith.constant 480 : index
      %get3A_464 = tpu.vector_load %arg11[%get3A_462, %get3A_463] {strides = array<i32>} : memref<16x1024xf32, #tpu.memory_space<vmem>>, vector<16xf32>,
      %mul3A_465 = arith.mulf %get3A_464, %gather3A : vector<16xf32>
      %get3A_466 = arith.index_cast %scan3A_95 : i32 to index
      %get3A_467 = arith.constant 480 : index
      %get3A_468 = tpu.vector_load %arg13[%get3A_466, %get3A_467] {strides = array<i32>} : memref<16x1024xf32, #tpu.memory_space<vmem>>, vector<16xf32>,
      %mul3A_469 = arith.mulf %get3A_468, %sub3A_102 : vector<16xf32>
      %add3A_470 = arith.addf %mul3A_465, %mul3A_469 : vector<16xf32>
      %swap3A_471 = arith.index_cast %scan3A_95 : i32 to index
      %swap3A_472 = arith.constant 480 : index
      %swap3A_473 = tpu.vector_load %arg11[%swap3A_471, %swap3A_472] {strides = array<i32>} : memref<16x1024xf32, #tpu.memory_space<vmem>>, vector<16xf32>,
      tpu.vector_store %arg11[%swap3A_471, %swap3A_472], %add3A_470 {strides = array<i32>} : memref<16x1024xf32, #tpu.memory_space<vmem>>, vector<16xf32>,
      %get3A_474 = arith.index_cast %scan3A_95 : i32 to index
      %get3A_475 = arith.constant 496 : index
      %get3A_476 = tpu.vector_load %arg11[%get3A_474, %get3A_475] {strides = array<i32>} : memref<16x1024xf32, #tpu.memory_space<vmem>>, vector<16xf32>,
      %mul3A_477 = arith.mulf %get3A_476, %gather3A : vector<16xf32>
      %get3A_478 = arith.index_cast %scan3A_95 : i32 to index
      %get3A_479 = arith.constant 496 : index
      %get3A_480 = tpu.vector_load %arg13[%get3A_478, %get3A_479] {strides = array<i32>} : memref<16x1024xf32, #tpu.memory_space<vmem>>, vector<16xf32>,
      %mul3A_481 = arith.mulf %get3A_480, %sub3A_102 : vector<16xf32>
      %add3A_482 = arith.addf %mul3A_477, %mul3A_481 : vector<16xf32>
      %swap3A_483 = arith.index_cast %scan3A_95 : i32 to index
      %swap3A_484 = arith.constant 496 : index
      %swap3A_485 = tpu.vector_load %arg11[%swap3A_483, %swap3A_484] {strides = array<i32>} : memref<16x1024xf32, #tpu.memory_space<vmem>>, vector<16xf32>,
      tpu.vector_store %arg11[%swap3A_483, %swap3A_484], %add3A_482 {strides = array<i32>} : memref<16x1024xf32, #tpu.memory_space<vmem>>, vector<16xf32>,
      %get3A_486 = arith.index_cast %scan3A_95 : i32 to index
      %get3A_487 = arith.constant 512 : index
      %get3A_488 = tpu.vector_load %arg11[%get3A_486, %get3A_487] {strides = array<i32>} : memref<16x1024xf32, #tpu.memory_space<vmem>>, vector<16xf32>,
      %mul3A_489 = arith.mulf %get3A_488, %gather3A : vector<16xf32>
      %get3A_490 = arith.index_cast %scan3A_95 : i32 to index
      %get3A_491 = arith.constant 512 : index
      %get3A_492 = tpu.vector_load %arg13[%get3A_490, %get3A_491] {strides = array<i32>} : memref<16x1024xf32, #tpu.memory_space<vmem>>, vector<16xf32>,
      %mul3A_493 = arith.mulf %get3A_492, %sub3A_102 : vector<16xf32>
      %add3A_494 = arith.addf %mul3A_489, %mul3A_493 : vector<16xf32>
      %swap3A_495 = arith.index_cast %scan3A_95 : i32 to index
      %swap3A_496 = arith.constant 512 : index
      %swap3A_497 = tpu.vector_load %arg11[%swap3A_495, %swap3A_496] {strides = array<i32>} : memref<16x1024xf32, #tpu.memory_space<vmem>>, vector<16xf32>,
      tpu.vector_store %arg11[%swap3A_495, %swap3A_496], %add3A_494 {strides = array<i32>} : memref<16x1024xf32, #tpu.memory_space<vmem>>, vector<16xf32>,
      %get3A_498 = arith.index_cast %scan3A_95 : i32 to index
      %get3A_499 = arith.constant 528 : index
      %get3A_500 = tpu.vector_load %arg11[%get3A_498, %get3A_499] {strides = array<i32>} : memref<16x1024xf32, #tpu.memory_space<vmem>>, vector<16xf32>,
      %mul3A_501 = arith.mulf %get3A_500, %gather3A : vector<16xf32>
      %get3A_502 = arith.index_cast %scan3A_95 : i32 to index
      %get3A_503 = arith.constant 528 : index
      %get3A_504 = tpu.vector_load %arg13[%get3A_502, %get3A_503] {strides = array<i32>} : memref<16x1024xf32, #tpu.memory_space<vmem>>, vector<16xf32>,
      %mul3A_505 = arith.mulf %get3A_504, %sub3A_102 : vector<16xf32>
      %add3A_506 = arith.addf %mul3A_501, %mul3A_505 : vector<16xf32>
      %swap3A_507 = arith.index_cast %scan3A_95 : i32 to index
      %swap3A_508 = arith.constant 528 : index
      %swap3A_509 = tpu.vector_load %arg11[%swap3A_507, %swap3A_508] {strides = array<i32>} : memref<16x1024xf32, #tpu.memory_space<vmem>>, vector<16xf32>,
      tpu.vector_store %arg11[%swap3A_507, %swap3A_508], %add3A_506 {strides = array<i32>} : memref<16x1024xf32, #tpu.memory_space<vmem>>, vector<16xf32>,
      %get3A_510 = arith.index_cast %scan3A_95 : i32 to index
      %get3A_511 = arith.constant 544 : index
      %get3A_512 = tpu.vector_load %arg11[%get3A_510, %get3A_511] {strides = array<i32>} : memref<16x1024xf32, #tpu.memory_space<vmem>>, vector<16xf32>,
      %mul3A_513 = arith.mulf %get3A_512, %gather3A : vector<16xf32>
      %get3A_514 = arith.index_cast %scan3A_95 : i32 to index
      %get3A_515 = arith.constant 544 : index
      %get3A_516 = tpu.vector_load %arg13[%get3A_514, %get3A_515] {strides = array<i32>} : memref<16x1024xf32, #tpu.memory_space<vmem>>, vector<16xf32>,
      %mul3A_517 = arith.mulf %get3A_516, %sub3A_102 : vector<16xf32>
      %add3A_518 = arith.addf %mul3A_513, %mul3A_517 : vector<16xf32>
      %swap3A_519 = arith.index_cast %scan3A_95 : i32 to index
      %swap3A_520 = arith.constant 544 : index
      %swap3A_521 = tpu.vector_load %arg11[%swap3A_519, %swap3A_520] {strides = array<i32>} : memref<16x1024xf32, #tpu.memory_space<vmem>>, vector<16xf32>,
      tpu.vector_store %arg11[%swap3A_519, %swap3A_520], %add3A_518 {strides = array<i32>} : memref<16x1024xf32, #tpu.memory_space<vmem>>, vector<16xf32>,
      %get3A_522 = arith.index_cast %scan3A_95 : i32 to index
      %get3A_523 = arith.constant 560 : index
      %get3A_524 = tpu.vector_load %arg11[%get3A_522, %get3A_523] {strides = array<i32>} : memref<16x1024xf32, #tpu.memory_space<vmem>>, vector<16xf32>,
      %mul3A_525 = arith.mulf %get3A_524, %gather3A : vector<16xf32>
      %get3A_526 = arith.index_cast %scan3A_95 : i32 to index
      %get3A_527 = arith.constant 560 : index
      %get3A_528 = tpu.vector_load %arg13[%get3A_526, %get3A_527] {strides = array<i32>} : memref<16x1024xf32, #tpu.memory_space<vmem>>, vector<16xf32>,
      %mul3A_529 = arith.mulf %get3A_528, %sub3A_102 : vector<16xf32>
      %add3A_530 = arith.addf %mul3A_525, %mul3A_529 : vector<16xf32>
      %swap3A_531 = arith.index_cast %scan3A_95 : i32 to index
      %swap3A_532 = arith.constant 560 : index
      %swap3A_533 = tpu.vector_load %arg11[%swap3A_531, %swap3A_532] {strides = array<i32>} : memref<16x1024xf32, #tpu.memory_space<vmem>>, vector<16xf32>,
      tpu.vector_store %arg11[%swap3A_531, %swap3A_532], %add3A_530 {strides = array<i32>} : memref<16x1024xf32, #tpu.memory_space<vmem>>, vector<16xf32>,
      %get3A_534 = arith.index_cast %scan3A_95 : i32 to index
      %get3A_535 = arith.constant 576 : index
      %get3A_536 = tpu.vector_load %arg11[%get3A_534, %get3A_535] {strides = array<i32>} : memref<16x1024xf32, #tpu.memory_space<vmem>>, vector<16xf32>,
      %mul3A_537 = arith.mulf %get3A_536, %gather3A : vector<16xf32>
      %get3A_538 = arith.index_cast %scan3A_95 : i32 to index
      %get3A_539 = arith.constant 576 : index
      %get3A_540 = tpu.vector_load %arg13[%get3A_538, %get3A_539] {strides = array<i32>} : memref<16x1024xf32, #tpu.memory_space<vmem>>, vector<16xf32>,
      %mul3A_541 = arith.mulf %get3A_540, %sub3A_102 : vector<16xf32>
      %add3A_542 = arith.addf %mul3A_537, %mul3A_541 : vector<16xf32>
      %swap3A_543 = arith.index_cast %scan3A_95 : i32 to index
      %swap3A_544 = arith.constant 576 : index
      %swap3A_545 = tpu.vector_load %arg11[%swap3A_543, %swap3A_544] {strides = array<i32>} : memref<16x1024xf32, #tpu.memory_space<vmem>>, vector<16xf32>,
      tpu.vector_store %arg11[%swap3A_543, %swap3A_544], %add3A_542 {strides = array<i32>} : memref<16x1024xf32, #tpu.memory_space<vmem>>, vector<16xf32>,
      %get3A_546 = arith.index_cast %scan3A_95 : i32 to index
      %get3A_547 = arith.constant 592 : index
      %get3A_548 = tpu.vector_load %arg11[%get3A_546, %get3A_547] {strides = array<i32>} : memref<16x1024xf32, #tpu.memory_space<vmem>>, vector<16xf32>,
      %mul3A_549 = arith.mulf %get3A_548, %gather3A : vector<16xf32>
      %get3A_550 = arith.index_cast %scan3A_95 : i32 to index
      %get3A_551 = arith.constant 592 : index
      %get3A_552 = tpu.vector_load %arg13[%get3A_550, %get3A_551] {strides = array<i32>} : memref<16x1024xf32, #tpu.memory_space<vmem>>, vector<16xf32>,
      %mul3A_553 = arith.mulf %get3A_552, %sub3A_102 : vector<16xf32>
      %add3A_554 = arith.addf %mul3A_549, %mul3A_553 : vector<16xf32>
      %swap3A_555 = arith.index_cast %scan3A_95 : i32 to index
      %swap3A_556 = arith.constant 592 : index
      %swap3A_557 = tpu.vector_load %arg11[%swap3A_555, %swap3A_556] {strides = array<i32>} : memref<16x1024xf32, #tpu.memory_space<vmem>>, vector<16xf32>,
      tpu.vector_store %arg11[%swap3A_555, %swap3A_556], %add3A_554 {strides = array<i32>} : memref<16x1024xf32, #tpu.memory_space<vmem>>, vector<16xf32>,
      %get3A_558 = arith.index_cast %scan3A_95 : i32 to index
      %get3A_559 = arith.constant 608 : index
      %get3A_560 = tpu.vector_load %arg11[%get3A_558, %get3A_559] {strides = array<i32>} : memref<16x1024xf32, #tpu.memory_space<vmem>>, vector<16xf32>,
      %mul3A_561 = arith.mulf %get3A_560, %gather3A : vector<16xf32>
      %get3A_562 = arith.index_cast %scan3A_95 : i32 to index
      %get3A_563 = arith.constant 608 : index
      %get3A_564 = tpu.vector_load %arg13[%get3A_562, %get3A_563] {strides = array<i32>} : memref<16x1024xf32, #tpu.memory_space<vmem>>, vector<16xf32>,
      %mul3A_565 = arith.mulf %get3A_564, %sub3A_102 : vector<16xf32>
      %add3A_566 = arith.addf %mul3A_561, %mul3A_565 : vector<16xf32>
      %swap3A_567 = arith.index_cast %scan3A_95 : i32 to index
      %swap3A_568 = arith.constant 608 : index
      %swap3A_569 = tpu.vector_load %arg11[%swap3A_567, %swap3A_568] {strides = array<i32>} : memref<16x1024xf32, #tpu.memory_space<vmem>>, vector<16xf32>,
      tpu.vector_store %arg11[%swap3A_567, %swap3A_568], %add3A_566 {strides = array<i32>} : memref<16x1024xf32, #tpu.memory_space<vmem>>, vector<16xf32>,
      %get3A_570 = arith.index_cast %scan3A_95 : i32 to index
      %get3A_571 = arith.constant 624 : index
      %get3A_572 = tpu.vector_load %arg11[%get3A_570, %get3A_571] {strides = array<i32>} : memref<16x1024xf32, #tpu.memory_space<vmem>>, vector<16xf32>,
      %mul3A_573 = arith.mulf %get3A_572, %gather3A : vector<16xf32>
      %get3A_574 = arith.index_cast %scan3A_95 : i32 to index
      %get3A_575 = arith.constant 624 : index
      %get3A_576 = tpu.vector_load %arg13[%get3A_574, %get3A_575] {strides = array<i32>} : memref<16x1024xf32, #tpu.memory_space<vmem>>, vector<16xf32>,
      %mul3A_577 = arith.mulf %get3A_576, %sub3A_102 : vector<16xf32>
      %add3A_578 = arith.addf %mul3A_573, %mul3A_577 : vector<16xf32>
      %swap3A_579 = arith.index_cast %scan3A_95 : i32 to index
      %swap3A_580 = arith.constant 624 : index
      %swap3A_581 = tpu.vector_load %arg11[%swap3A_579, %swap3A_580] {strides = array<i32>} : memref<16x1024xf32, #tpu.memory_space<vmem>>, vector<16xf32>,
      tpu.vector_store %arg11[%swap3A_579, %swap3A_580], %add3A_578 {strides = array<i32>} : memref<16x1024xf32, #tpu.memory_space<vmem>>, vector<16xf32>,
      %get3A_582 = arith.index_cast %scan3A_95 : i32 to index
      %get3A_583 = arith.constant 640 : index
      %get3A_584 = tpu.vector_load %arg11[%get3A_582, %get3A_583] {strides = array<i32>} : memref<16x1024xf32, #tpu.memory_space<vmem>>, vector<16xf32>,
      %mul3A_585 = arith.mulf %get3A_584, %gather3A : vector<16xf32>
      %get3A_586 = arith.index_cast %scan3A_95 : i32 to index
      %get3A_587 = arith.constant 640 : index
      %get3A_588 = tpu.vector_load %arg13[%get3A_586, %get3A_587] {strides = array<i32>} : memref<16x1024xf32, #tpu.memory_space<vmem>>, vector<16xf32>,
      %mul3A_589 = arith.mulf %get3A_588, %sub3A_102 : vector<16xf32>
      %add3A_590 = arith.addf %mul3A_585, %mul3A_589 : vector<16xf32>
      %swap3A_591 = arith.index_cast %scan3A_95 : i32 to index
      %swap3A_592 = arith.constant 640 : index
      %swap3A_593 = tpu.vector_load %arg11[%swap3A_591, %swap3A_592] {strides = array<i32>} : memref<16x1024xf32, #tpu.memory_space<vmem>>, vector<16xf32>,
      tpu.vector_store %arg11[%swap3A_591, %swap3A_592], %add3A_590 {strides = array<i32>} : memref<16x1024xf32, #tpu.memory_space<vmem>>, vector<16xf32>,
      %get3A_594 = arith.index_cast %scan3A_95 : i32 to index
      %get3A_595 = arith.constant 656 : index
      %get3A_596 = tpu.vector_load %arg11[%get3A_594, %get3A_595] {strides = array<i32>} : memref<16x1024xf32, #tpu.memory_space<vmem>>, vector<16xf32>,
      %mul3A_597 = arith.mulf %get3A_596, %gather3A : vector<16xf32>
      %get3A_598 = arith.index_cast %scan3A_95 : i32 to index
      %get3A_599 = arith.constant 656 : index
      %get3A_600 = tpu.vector_load %arg13[%get3A_598, %get3A_599] {strides = array<i32>} : memref<16x1024xf32, #tpu.memory_space<vmem>>, vector<16xf32>,
      %mul3A_601 = arith.mulf %get3A_600, %sub3A_102 : vector<16xf32>
      %add3A_602 = arith.addf %mul3A_597, %mul3A_601 : vector<16xf32>
      %swap3A_603 = arith.index_cast %scan3A_95 : i32 to index
      %swap3A_604 = arith.constant 656 : index
      %swap3A_605 = tpu.vector_load %arg11[%swap3A_603, %swap3A_604] {strides = array<i32>} : memref<16x1024xf32, #tpu.memory_space<vmem>>, vector<16xf32>,
      tpu.vector_store %arg11[%swap3A_603, %swap3A_604], %add3A_602 {strides = array<i32>} : memref<16x1024xf32, #tpu.memory_space<vmem>>, vector<16xf32>,
      %get3A_606 = arith.index_cast %scan3A_95 : i32 to index
      %get3A_607 = arith.constant 672 : index
      %get3A_608 = tpu.vector_load %arg11[%get3A_606, %get3A_607] {strides = array<i32>} : memref<16x1024xf32, #tpu.memory_space<vmem>>, vector<16xf32>,
      %mul3A_609 = arith.mulf %get3A_608, %gather3A : vector<16xf32>
      %get3A_610 = arith.index_cast %scan3A_95 : i32 to index
      %get3A_611 = arith.constant 672 : index
      %get3A_612 = tpu.vector_load %arg13[%get3A_610, %get3A_611] {strides = array<i32>} : memref<16x1024xf32, #tpu.memory_space<vmem>>, vector<16xf32>,
      %mul3A_613 = arith.mulf %get3A_612, %sub3A_102 : vector<16xf32>
      %add3A_614 = arith.addf %mul3A_609, %mul3A_613 : vector<16xf32>
      %swap3A_615 = arith.index_cast %scan3A_95 : i32 to index
      %swap3A_616 = arith.constant 672 : index
      %swap3A_617 = tpu.vector_load %arg11[%swap3A_615, %swap3A_616] {strides = array<i32>} : memref<16x1024xf32, #tpu.memory_space<vmem>>, vector<16xf32>,
      tpu.vector_store %arg11[%swap3A_615, %swap3A_616], %add3A_614 {strides = array<i32>} : memref<16x1024xf32, #tpu.memory_space<vmem>>, vector<16xf32>,
      %get3A_618 = arith.index_cast %scan3A_95 : i32 to index
      %get3A_619 = arith.constant 688 : index
      %get3A_620 = tpu.vector_load %arg11[%get3A_618, %get3A_619] {strides = array<i32>} : memref<16x1024xf32, #tpu.memory_space<vmem>>, vector<16xf32>,
      %mul3A_621 = arith.mulf %get3A_620, %gather3A : vector<16xf32>
      %get3A_622 = arith.index_cast %scan3A_95 : i32 to index
      %get3A_623 = arith.constant 688 : index
      %get3A_624 = tpu.vector_load %arg13[%get3A_622, %get3A_623] {strides = array<i32>} : memref<16x1024xf32, #tpu.memory_space<vmem>>, vector<16xf32>,
      %mul3A_625 = arith.mulf %get3A_624, %sub3A_102 : vector<16xf32>
      %add3A_626 = arith.addf %mul3A_621, %mul3A_625 : vector<16xf32>
      %swap3A_627 = arith.index_cast %scan3A_95 : i32 to index
      %swap3A_628 = arith.constant 688 : index
      %swap3A_629 = tpu.vector_load %arg11[%swap3A_627, %swap3A_628] {strides = array<i32>} : memref<16x1024xf32, #tpu.memory_space<vmem>>, vector<16xf32>,
      tpu.vector_store %arg11[%swap3A_627, %swap3A_628], %add3A_626 {strides = array<i32>} : memref<16x1024xf32, #tpu.memory_space<vmem>>, vector<16xf32>,
      %get3A_630 = arith.index_cast %scan3A_95 : i32 to index
      %get3A_631 = arith.constant 704 : index
      %get3A_632 = tpu.vector_load %arg11[%get3A_630, %get3A_631] {strides = array<i32>} : memref<16x1024xf32, #tpu.memory_space<vmem>>, vector<16xf32>,
      %mul3A_633 = arith.mulf %get3A_632, %gather3A : vector<16xf32>
      %get3A_634 = arith.index_cast %scan3A_95 : i32 to index
      %get3A_635 = arith.constant 704 : index
      %get3A_636 = tpu.vector_load %arg13[%get3A_634, %get3A_635] {strides = array<i32>} : memref<16x1024xf32, #tpu.memory_space<vmem>>, vector<16xf32>,
      %mul3A_637 = arith.mulf %get3A_636, %sub3A_102 : vector<16xf32>
      %add3A_638 = arith.addf %mul3A_633, %mul3A_637 : vector<16xf32>
      %swap3A_639 = arith.index_cast %scan3A_95 : i32 to index
      %swap3A_640 = arith.constant 704 : index
      %swap3A_641 = tpu.vector_load %arg11[%swap3A_639, %swap3A_640] {strides = array<i32>} : memref<16x1024xf32, #tpu.memory_space<vmem>>, vector<16xf32>,
      tpu.vector_store %arg11[%swap3A_639, %swap3A_640], %add3A_638 {strides = array<i32>} : memref<16x1024xf32, #tpu.memory_space<vmem>>, vector<16xf32>,
      %get3A_642 = arith.index_cast %scan3A_95 : i32 to index
      %get3A_643 = arith.constant 720 : index
      %get3A_644 = tpu.vector_load %arg11[%get3A_642, %get3A_643] {strides = array<i32>} : memref<16x1024xf32, #tpu.memory_space<vmem>>, vector<16xf32>,
      %mul3A_645 = arith.mulf %get3A_644, %gather3A : vector<16xf32>
      %get3A_646 = arith.index_cast %scan3A_95 : i32 to index
      %get3A_647 = arith.constant 720 : index
      %get3A_648 = tpu.vector_load %arg13[%get3A_646, %get3A_647] {strides = array<i32>} : memref<16x1024xf32, #tpu.memory_space<vmem>>, vector<16xf32>,
      %mul3A_649 = arith.mulf %get3A_648, %sub3A_102 : vector<16xf32>
      %add3A_650 = arith.addf %mul3A_645, %mul3A_649 : vector<16xf32>
      %swap3A_651 = arith.index_cast %scan3A_95 : i32 to index
      %swap3A_652 = arith.constant 720 : index
      %swap3A_653 = tpu.vector_load %arg11[%swap3A_651, %swap3A_652] {strides = array<i32>} : memref<16x1024xf32, #tpu.memory_space<vmem>>, vector<16xf32>,
      tpu.vector_store %arg11[%swap3A_651, %swap3A_652], %add3A_650 {strides = array<i32>} : memref<16x1024xf32, #tpu.memory_space<vmem>>, vector<16xf32>,
      %get3A_654 = arith.index_cast %scan3A_95 : i32 to index
      %get3A_655 = arith.constant 736 : index
      %get3A_656 = tpu.vector_load %arg11[%get3A_654, %get3A_655] {strides = array<i32>} : memref<16x1024xf32, #tpu.memory_space<vmem>>, vector<16xf32>,
      %mul3A_657 = arith.mulf %get3A_656, %gather3A : vector<16xf32>
      %get3A_658 = arith.index_cast %scan3A_95 : i32 to index
      %get3A_659 = arith.constant 736 : index
      %get3A_660 = tpu.vector_load %arg13[%get3A_658, %get3A_659] {strides = array<i32>} : memref<16x1024xf32, #tpu.memory_space<vmem>>, vector<16xf32>,
      %mul3A_661 = arith.mulf %get3A_660, %sub3A_102 : vector<16xf32>
      %add3A_662 = arith.addf %mul3A_657, %mul3A_661 : vector<16xf32>
      %swap3A_663 = arith.index_cast %scan3A_95 : i32 to index
      %swap3A_664 = arith.constant 736 : index
      %swap3A_665 = tpu.vector_load %arg11[%swap3A_663, %swap3A_664] {strides = array<i32>} : memref<16x1024xf32, #tpu.memory_space<vmem>>, vector<16xf32>,
      tpu.vector_store %arg11[%swap3A_663, %swap3A_664], %add3A_662 {strides = array<i32>} : memref<16x1024xf32, #tpu.memory_space<vmem>>, vector<16xf32>,
      %get3A_666 = arith.index_cast %scan3A_95 : i32 to index
      %get3A_667 = arith.constant 752 : index
      %get3A_668 = tpu.vector_load %arg11[%get3A_666, %get3A_667] {strides = array<i32>} : memref<16x1024xf32, #tpu.memory_space<vmem>>, vector<16xf32>,
      %mul3A_669 = arith.mulf %get3A_668, %gather3A : vector<16xf32>
      %get3A_670 = arith.index_cast %scan3A_95 : i32 to index
      %get3A_671 = arith.constant 752 : index
      %get3A_672 = tpu.vector_load %arg13[%get3A_670, %get3A_671] {strides = array<i32>} : memref<16x1024xf32, #tpu.memory_space<vmem>>, vector<16xf32>,
      %mul3A_673 = arith.mulf %get3A_672, %sub3A_102 : vector<16xf32>
      %add3A_674 = arith.addf %mul3A_669, %mul3A_673 : vector<16xf32>
      %swap3A_675 = arith.index_cast %scan3A_95 : i32 to index
      %swap3A_676 = arith.constant 752 : index
      %swap3A_677 = tpu.vector_load %arg11[%swap3A_675, %swap3A_676] {strides = array<i32>} : memref<16x1024xf32, #tpu.memory_space<vmem>>, vector<16xf32>,
      tpu.vector_store %arg11[%swap3A_675, %swap3A_676], %add3A_674 {strides = array<i32>} : memref<16x1024xf32, #tpu.memory_space<vmem>>, vector<16xf32>,
      %get3A_678 = arith.index_cast %scan3A_95 : i32 to index
      %get3A_679 = arith.constant 768 : index
      %get3A_680 = tpu.vector_load %arg11[%get3A_678, %get3A_679] {strides = array<i32>} : memref<16x1024xf32, #tpu.memory_space<vmem>>, vector<16xf32>,
      %mul3A_681 = arith.mulf %get3A_680, %gather3A : vector<16xf32>
      %get3A_682 = arith.index_cast %scan3A_95 : i32 to index
      %get3A_683 = arith.constant 768 : index
      %get3A_684 = tpu.vector_load %arg13[%get3A_682, %get3A_683] {strides = array<i32>} : memref<16x1024xf32, #tpu.memory_space<vmem>>, vector<16xf32>,
      %mul3A_685 = arith.mulf %get3A_684, %sub3A_102 : vector<16xf32>
      %add3A_686 = arith.addf %mul3A_681, %mul3A_685 : vector<16xf32>
      %swap3A_687 = arith.index_cast %scan3A_95 : i32 to index
      %swap3A_688 = arith.constant 768 : index
      %swap3A_689 = tpu.vector_load %arg11[%swap3A_687, %swap3A_688] {strides = array<i32>} : memref<16x1024xf32, #tpu.memory_space<vmem>>, vector<16xf32>,
      tpu.vector_store %arg11[%swap3A_687, %swap3A_688], %add3A_686 {strides = array<i32>} : memref<16x1024xf32, #tpu.memory_space<vmem>>, vector<16xf32>,
      %get3A_690 = arith.index_cast %scan3A_95 : i32 to index
      %get3A_691 = arith.constant 784 : index
      %get3A_692 = tpu.vector_load %arg11[%get3A_690, %get3A_691] {strides = array<i32>} : memref<16x1024xf32, #tpu.memory_space<vmem>>, vector<16xf32>,
      %mul3A_693 = arith.mulf %get3A_692, %gather3A : vector<16xf32>
      %get3A_694 = arith.index_cast %scan3A_95 : i32 to index
      %get3A_695 = arith.constant 784 : index
      %get3A_696 = tpu.vector_load %arg13[%get3A_694, %get3A_695] {strides = array<i32>} : memref<16x1024xf32, #tpu.memory_space<vmem>>, vector<16xf32>,
      %mul3A_697 = arith.mulf %get3A_696, %sub3A_102 : vector<16xf32>
      %add3A_698 = arith.addf %mul3A_693, %mul3A_697 : vector<16xf32>
      %swap3A_699 = arith.index_cast %scan3A_95 : i32 to index
      %swap3A_700 = arith.constant 784 : index
      %swap3A_701 = tpu.vector_load %arg11[%swap3A_699, %swap3A_700] {strides = array<i32>} : memref<16x1024xf32, #tpu.memory_space<vmem>>, vector<16xf32>,
      tpu.vector_store %arg11[%swap3A_699, %swap3A_700], %add3A_698 {strides = array<i32>} : memref<16x1024xf32, #tpu.memory_space<vmem>>, vector<16xf32>,
      %get3A_702 = arith.index_cast %scan3A_95 : i32 to index
      %get3A_703 = arith.constant 800 : index
      %get3A_704 = tpu.vector_load %arg11[%get3A_702, %get3A_703] {strides = array<i32>} : memref<16x1024xf32, #tpu.memory_space<vmem>>, vector<16xf32>,
      %mul3A_705 = arith.mulf %get3A_704, %gather3A : vector<16xf32>
      %get3A_706 = arith.index_cast %scan3A_95 : i32 to index
      %get3A_707 = arith.constant 800 : index
      %get3A_708 = tpu.vector_load %arg13[%get3A_706, %get3A_707] {strides = array<i32>} : memref<16x1024xf32, #tpu.memory_space<vmem>>, vector<16xf32>,
      %mul3A_709 = arith.mulf %get3A_708, %sub3A_102 : vector<16xf32>
      %add3A_710 = arith.addf %mul3A_705, %mul3A_709 : vector<16xf32>
      %swap3A_711 = arith.index_cast %scan3A_95 : i32 to index
      %swap3A_712 = arith.constant 800 : index
      %swap3A_713 = tpu.vector_load %arg11[%swap3A_711, %swap3A_712] {strides = array<i32>} : memref<16x1024xf32, #tpu.memory_space<vmem>>, vector<16xf32>,
      tpu.vector_store %arg11[%swap3A_711, %swap3A_712], %add3A_710 {strides = array<i32>} : memref<16x1024xf32, #tpu.memory_space<vmem>>, vector<16xf32>,
      %get3A_714 = arith.index_cast %scan3A_95 : i32 to index
      %get3A_715 = arith.constant 816 : index
      %get3A_716 = tpu.vector_load %arg11[%get3A_714, %get3A_715] {strides = array<i32>} : memref<16x1024xf32, #tpu.memory_space<vmem>>, vector<16xf32>,
      %mul3A_717 = arith.mulf %get3A_716, %gather3A : vector<16xf32>
      %get3A_718 = arith.index_cast %scan3A_95 : i32 to index
      %get3A_719 = arith.constant 816 : index
      %get3A_720 = tpu.vector_load %arg13[%get3A_718, %get3A_719] {strides = array<i32>} : memref<16x1024xf32, #tpu.memory_space<vmem>>, vector<16xf32>,
      %mul3A_721 = arith.mulf %get3A_720, %sub3A_102 : vector<16xf32>
      %add3A_722 = arith.addf %mul3A_717, %mul3A_721 : vector<16xf32>
      %swap3A_723 = arith.index_cast %scan3A_95 : i32 to index
      %swap3A_724 = arith.constant 816 : index
      %swap3A_725 = tpu.vector_load %arg11[%swap3A_723, %swap3A_724] {strides = array<i32>} : memref<16x1024xf32, #tpu.memory_space<vmem>>, vector<16xf32>,
      tpu.vector_store %arg11[%swap3A_723, %swap3A_724], %add3A_722 {strides = array<i32>} : memref<16x1024xf32, #tpu.memory_space<vmem>>, vector<16xf32>,
      %get3A_726 = arith.index_cast %scan3A_95 : i32 to index
      %get3A_727 = arith.constant 832 : index
      %get3A_728 = tpu.vector_load %arg11[%get3A_726, %get3A_727] {strides = array<i32>} : memref<16x1024xf32, #tpu.memory_space<vmem>>, vector<16xf32>,
      %mul3A_729 = arith.mulf %get3A_728, %gather3A : vector<16xf32>
      %get3A_730 = arith.index_cast %scan3A_95 : i32 to index
      %get3A_731 = arith.constant 832 : index
      %get3A_732 = tpu.vector_load %arg13[%get3A_730, %get3A_731] {strides = array<i32>} : memref<16x1024xf32, #tpu.memory_space<vmem>>, vector<16xf32>,
      %mul3A_733 = arith.mulf %get3A_732, %sub3A_102 : vector<16xf32>
      %add3A_734 = arith.addf %mul3A_729, %mul3A_733 : vector<16xf32>
      %swap3A_735 = arith.index_cast %scan3A_95 : i32 to index
      %swap3A_736 = arith.constant 832 : index
      %swap3A_737 = tpu.vector_load %arg11[%swap3A_735, %swap3A_736] {strides = array<i32>} : memref<16x1024xf32, #tpu.memory_space<vmem>>, vector<16xf32>,
      tpu.vector_store %arg11[%swap3A_735, %swap3A_736], %add3A_734 {strides = array<i32>} : memref<16x1024xf32, #tpu.memory_space<vmem>>, vector<16xf32>,
      %get3A_738 = arith.index_cast %scan3A_95 : i32 to index
      %get3A_739 = arith.constant 848 : index
      %get3A_740 = tpu.vector_load %arg11[%get3A_738, %get3A_739] {strides = array<i32>} : memref<16x1024xf32, #tpu.memory_space<vmem>>, vector<16xf32>,
      %mul3A_741 = arith.mulf %get3A_740, %gather3A : vector<16xf32>
      %get3A_742 = arith.index_cast %scan3A_95 : i32 to index
      %get3A_743 = arith.constant 848 : index
      %get3A_744 = tpu.vector_load %arg13[%get3A_742, %get3A_743] {strides = array<i32>} : memref<16x1024xf32, #tpu.memory_space<vmem>>, vector<16xf32>,
      %mul3A_745 = arith.mulf %get3A_744, %sub3A_102 : vector<16xf32>
      %add3A_746 = arith.addf %mul3A_741, %mul3A_745 : vector<16xf32>
      %swap3A_747 = arith.index_cast %scan3A_95 : i32 to index
      %swap3A_748 = arith.constant 848 : index
      %swap3A_749 = tpu.vector_load %arg11[%swap3A_747, %swap3A_748] {strides = array<i32>} : memref<16x1024xf32, #tpu.memory_space<vmem>>, vector<16xf32>,
      tpu.vector_store %arg11[%swap3A_747, %swap3A_748], %add3A_746 {strides = array<i32>} : memref<16x1024xf32, #tpu.memory_space<vmem>>, vector<16xf32>,
      %get3A_750 = arith.index_cast %scan3A_95 : i32 to index
      %get3A_751 = arith.constant 864 : index
      %get3A_752 = tpu.vector_load %arg11[%get3A_750, %get3A_751] {strides = array<i32>} : memref<16x1024xf32, #tpu.memory_space<vmem>>, vector<16xf32>,
      %mul3A_753 = arith.mulf %get3A_752, %gather3A : vector<16xf32>
      %get3A_754 = arith.index_cast %scan3A_95 : i32 to index
      %get3A_755 = arith.constant 864 : index
      %get3A_756 = tpu.vector_load %arg13[%get3A_754, %get3A_755] {strides = array<i32>} : memref<16x1024xf32, #tpu.memory_space<vmem>>, vector<16xf32>,
      %mul3A_757 = arith.mulf %get3A_756, %sub3A_102 : vector<16xf32>
      %add3A_758 = arith.addf %mul3A_753, %mul3A_757 : vector<16xf32>
      %swap3A_759 = arith.index_cast %scan3A_95 : i32 to index
      %swap3A_760 = arith.constant 864 : index
      %swap3A_761 = tpu.vector_load %arg11[%swap3A_759, %swap3A_760] {strides = array<i32>} : memref<16x1024xf32, #tpu.memory_space<vmem>>, vector<16xf32>,
      tpu.vector_store %arg11[%swap3A_759, %swap3A_760], %add3A_758 {strides = array<i32>} : memref<16x1024xf32, #tpu.memory_space<vmem>>, vector<16xf32>,
      %get3A_762 = arith.index_cast %scan3A_95 : i32 to index
      %get3A_763 = arith.constant 880 : index
      %get3A_764 = tpu.vector_load %arg11[%get3A_762, %get3A_763] {strides = array<i32>} : memref<16x1024xf32, #tpu.memory_space<vmem>>, vector<16xf32>,
      %mul3A_765 = arith.mulf %get3A_764, %gather3A : vector<16xf32>
      %get3A_766 = arith.index_cast %scan3A_95 : i32 to index
      %get3A_767 = arith.constant 880 : index
      %get3A_768 = tpu.vector_load %arg13[%get3A_766, %get3A_767] {strides = array<i32>} : memref<16x1024xf32, #tpu.memory_space<vmem>>, vector<16xf32>,
      %mul3A_769 = arith.mulf %get3A_768, %sub3A_102 : vector<16xf32>
      %add3A_770 = arith.addf %mul3A_765, %mul3A_769 : vector<16xf32>
      %swap3A_771 = arith.index_cast %scan3A_95 : i32 to index
      %swap3A_772 = arith.constant 880 : index
      %swap3A_773 = tpu.vector_load %arg11[%swap3A_771, %swap3A_772] {strides = array<i32>} : memref<16x1024xf32, #tpu.memory_space<vmem>>, vector<16xf32>,
      tpu.vector_store %arg11[%swap3A_771, %swap3A_772], %add3A_770 {strides = array<i32>} : memref<16x1024xf32, #tpu.memory_space<vmem>>, vector<16xf32>,
      %get3A_774 = arith.index_cast %scan3A_95 : i32 to index
      %get3A_775 = arith.constant 896 : index
      %get3A_776 = tpu.vector_load %arg11[%get3A_774, %get3A_775] {strides = array<i32>} : memref<16x1024xf32, #tpu.memory_space<vmem>>, vector<16xf32>,
      %mul3A_777 = arith.mulf %get3A_776, %gather3A : vector<16xf32>
      %get3A_778 = arith.index_cast %scan3A_95 : i32 to index
      %get3A_779 = arith.constant 896 : index
      %get3A_780 = tpu.vector_load %arg13[%get3A_778, %get3A_779] {strides = array<i32>} : memref<16x1024xf32, #tpu.memory_space<vmem>>, vector<16xf32>,
      %mul3A_781 = arith.mulf %get3A_780, %sub3A_102 : vector<16xf32>
      %add3A_782 = arith.addf %mul3A_777, %mul3A_781 : vector<16xf32>
      %swap3A_783 = arith.index_cast %scan3A_95 : i32 to index
      %swap3A_784 = arith.constant 896 : index
      %swap3A_785 = tpu.vector_load %arg11[%swap3A_783, %swap3A_784] {strides = array<i32>} : memref<16x1024xf32, #tpu.memory_space<vmem>>, vector<16xf32>,
      tpu.vector_store %arg11[%swap3A_783, %swap3A_784], %add3A_782 {strides = array<i32>} : memref<16x1024xf32, #tpu.memory_space<vmem>>, vector<16xf32>,
      %get3A_786 = arith.index_cast %scan3A_95 : i32 to index
      %get3A_787 = arith.constant 912 : index
      %get3A_788 = tpu.vector_load %arg11[%get3A_786, %get3A_787] {strides = array<i32>} : memref<16x1024xf32, #tpu.memory_space<vmem>>, vector<16xf32>,
      %mul3A_789 = arith.mulf %get3A_788, %gather3A : vector<16xf32>
      %get3A_790 = arith.index_cast %scan3A_95 : i32 to index
      %get3A_791 = arith.constant 912 : index
      %get3A_792 = tpu.vector_load %arg13[%get3A_790, %get3A_791] {strides = array<i32>} : memref<16x1024xf32, #tpu.memory_space<vmem>>, vector<16xf32>,
      %mul3A_793 = arith.mulf %get3A_792, %sub3A_102 : vector<16xf32>
      %add3A_794 = arith.addf %mul3A_789, %mul3A_793 : vector<16xf32>
      %swap3A_795 = arith.index_cast %scan3A_95 : i32 to index
      %swap3A_796 = arith.constant 912 : index
      %swap3A_797 = tpu.vector_load %arg11[%swap3A_795, %swap3A_796] {strides = array<i32>} : memref<16x1024xf32, #tpu.memory_space<vmem>>, vector<16xf32>,
      tpu.vector_store %arg11[%swap3A_795, %swap3A_796], %add3A_794 {strides = array<i32>} : memref<16x1024xf32, #tpu.memory_space<vmem>>, vector<16xf32>,
      %get3A_798 = arith.index_cast %scan3A_95 : i32 to index
      %get3A_799 = arith.constant 928 : index
      %get3A_800 = tpu.vector_load %arg11[%get3A_798, %get3A_799] {strides = array<i32>} : memref<16x1024xf32, #tpu.memory_space<vmem>>, vector<16xf32>,
      %mul3A_801 = arith.mulf %get3A_800, %gather3A : vector<16xf32>
      %get3A_802 = arith.index_cast %scan3A_95 : i32 to index
      %get3A_803 = arith.constant 928 : index
      %get3A_804 = tpu.vector_load %arg13[%get3A_802, %get3A_803] {strides = array<i32>} : memref<16x1024xf32, #tpu.memory_space<vmem>>, vector<16xf32>,
      %mul3A_805 = arith.mulf %get3A_804, %sub3A_102 : vector<16xf32>
      %add3A_806 = arith.addf %mul3A_801, %mul3A_805 : vector<16xf32>
      %swap3A_807 = arith.index_cast %scan3A_95 : i32 to index
      %swap3A_808 = arith.constant 928 : index
      %swap3A_809 = tpu.vector_load %arg11[%swap3A_807, %swap3A_808] {strides = array<i32>} : memref<16x1024xf32, #tpu.memory_space<vmem>>, vector<16xf32>,
      tpu.vector_store %arg11[%swap3A_807, %swap3A_808], %add3A_806 {strides = array<i32>} : memref<16x1024xf32, #tpu.memory_space<vmem>>, vector<16xf32>,
      %get3A_810 = arith.index_cast %scan3A_95 : i32 to index
      %get3A_811 = arith.constant 944 : index
      %get3A_812 = tpu.vector_load %arg11[%get3A_810, %get3A_811] {strides = array<i32>} : memref<16x1024xf32, #tpu.memory_space<vmem>>, vector<16xf32>,
      %mul3A_813 = arith.mulf %get3A_812, %gather3A : vector<16xf32>
      %get3A_814 = arith.index_cast %scan3A_95 : i32 to index
      %get3A_815 = arith.constant 944 : index
      %get3A_816 = tpu.vector_load %arg13[%get3A_814, %get3A_815] {strides = array<i32>} : memref<16x1024xf32, #tpu.memory_space<vmem>>, vector<16xf32>,
      %mul3A_817 = arith.mulf %get3A_816, %sub3A_102 : vector<16xf32>
      %add3A_818 = arith.addf %mul3A_813, %mul3A_817 : vector<16xf32>
      %swap3A_819 = arith.index_cast %scan3A_95 : i32 to index
      %swap3A_820 = arith.constant 944 : index
      %swap3A_821 = tpu.vector_load %arg11[%swap3A_819, %swap3A_820] {strides = array<i32>} : memref<16x1024xf32, #tpu.memory_space<vmem>>, vector<16xf32>,
      tpu.vector_store %arg11[%swap3A_819, %swap3A_820], %add3A_818 {strides = array<i32>} : memref<16x1024xf32, #tpu.memory_space<vmem>>, vector<16xf32>,
      %get3A_822 = arith.index_cast %scan3A_95 : i32 to index
      %get3A_823 = arith.constant 960 : index
      %get3A_824 = tpu.vector_load %arg11[%get3A_822, %get3A_823] {strides = array<i32>} : memref<16x1024xf32, #tpu.memory_space<vmem>>, vector<16xf32>,
      %mul3A_825 = arith.mulf %get3A_824, %gather3A : vector<16xf32>
      %get3A_826 = arith.index_cast %scan3A_95 : i32 to index
      %get3A_827 = arith.constant 960 : index
      %get3A_828 = tpu.vector_load %arg13[%get3A_826, %get3A_827] {strides = array<i32>} : memref<16x1024xf32, #tpu.memory_space<vmem>>, vector<16xf32>,
      %mul3A_829 = arith.mulf %get3A_828, %sub3A_102 : vector<16xf32>
      %add3A_830 = arith.addf %mul3A_825, %mul3A_829 : vector<16xf32>
      %swap3A_831 = arith.index_cast %scan3A_95 : i32 to index
      %swap3A_832 = arith.constant 960 : index
      %swap3A_833 = tpu.vector_load %arg11[%swap3A_831, %swap3A_832] {strides = array<i32>} : memref<16x1024xf32, #tpu.memory_space<vmem>>, vector<16xf32>,
      tpu.vector_store %arg11[%swap3A_831, %swap3A_832], %add3A_830 {strides = array<i32>} : memref<16x1024xf32, #tpu.memory_space<vmem>>, vector<16xf32>,
      %get3A_834 = arith.index_cast %scan3A_95 : i32 to index
      %get3A_835 = arith.constant 976 : index
      %get3A_836 = tpu.vector_load %arg11[%get3A_834, %get3A_835] {strides = array<i32>} : memref<16x1024xf32, #tpu.memory_space<vmem>>, vector<16xf32>,
      %mul3A_837 = arith.mulf %get3A_836, %gather3A : vector<16xf32>
      %get3A_838 = arith.index_cast %scan3A_95 : i32 to index
      %get3A_839 = arith.constant 976 : index
      %get3A_840 = tpu.vector_load %arg13[%get3A_838, %get3A_839] {strides = array<i32>} : memref<16x1024xf32, #tpu.memory_space<vmem>>, vector<16xf32>,
      %mul3A_841 = arith.mulf %get3A_840, %sub3A_102 : vector<16xf32>
      %add3A_842 = arith.addf %mul3A_837, %mul3A_841 : vector<16xf32>
      %swap3A_843 = arith.index_cast %scan3A_95 : i32 to index
      %swap3A_844 = arith.constant 976 : index
      %swap3A_845 = tpu.vector_load %arg11[%swap3A_843, %swap3A_844] {strides = array<i32>} : memref<16x1024xf32, #tpu.memory_space<vmem>>, vector<16xf32>,
      tpu.vector_store %arg11[%swap3A_843, %swap3A_844], %add3A_842 {strides = array<i32>} : memref<16x1024xf32, #tpu.memory_space<vmem>>, vector<16xf32>,
      %get3A_846 = arith.index_cast %scan3A_95 : i32 to index
      %get3A_847 = arith.constant 992 : index
      %get3A_848 = tpu.vector_load %arg11[%get3A_846, %get3A_847] {strides = array<i32>} : memref<16x1024xf32, #tpu.memory_space<vmem>>, vector<16xf32>,
      %mul3A_849 = arith.mulf %get3A_848, %gather3A : vector<16xf32>
      %get3A_850 = arith.index_cast %scan3A_95 : i32 to index
      %get3A_851 = arith.constant 992 : index
      %get3A_852 = tpu.vector_load %arg13[%get3A_850, %get3A_851] {strides = array<i32>} : memref<16x1024xf32, #tpu.memory_space<vmem>>, vector<16xf32>,
      %mul3A_853 = arith.mulf %get3A_852, %sub3A_102 : vector<16xf32>
      %add3A_854 = arith.addf %mul3A_849, %mul3A_853 : vector<16xf32>
      %swap3A_855 = arith.index_cast %scan3A_95 : i32 to index
      %swap3A_856 = arith.constant 992 : index
      %swap3A_857 = tpu.vector_load %arg11[%swap3A_855, %swap3A_856] {strides = array<i32>} : memref<16x1024xf32, #tpu.memory_space<vmem>>, vector<16xf32>,
      tpu.vector_store %arg11[%swap3A_855, %swap3A_856], %add3A_854 {strides = array<i32>} : memref<16x1024xf32, #tpu.memory_space<vmem>>, vector<16xf32>,
      %get3A_858 = arith.index_cast %scan3A_95 : i32 to index
      %get3A_859 = arith.constant 1008 : index
      %get3A_860 = tpu.vector_load %arg11[%get3A_858, %get3A_859] {strides = array<i32>} : memref<16x1024xf32, #tpu.memory_space<vmem>>, vector<16xf32>,
      %mul3A_861 = arith.mulf %get3A_860, %gather3A : vector<16xf32>
      %get3A_862 = arith.index_cast %scan3A_95 : i32 to index
      %get3A_863 = arith.constant 1008 : index
      %get3A_864 = tpu.vector_load %arg13[%get3A_862, %get3A_863] {strides = array<i32>} : memref<16x1024xf32, #tpu.memory_space<vmem>>, vector<16xf32>,
      %mul3A_865 = arith.mulf %get3A_864, %sub3A_102 : vector<16xf32>
      %add3A_866 = arith.addf %mul3A_861, %mul3A_865 : vector<16xf32>
      %swap3A_867 = arith.index_cast %scan3A_95 : i32 to index
      %swap3A_868 = arith.constant 1008 : index
      %swap3A_869 = tpu.vector_load %arg11[%swap3A_867, %swap3A_868] {strides = array<i32>} : memref<16x1024xf32, #tpu.memory_space<vmem>>, vector<16xf32>,
      tpu.vector_store %arg11[%swap3A_867, %swap3A_868], %add3A_866 {strides = array<i32>} : memref<16x1024xf32, #tpu.memory_space<vmem>>, vector<16xf32>,
    }
    %scan3A_92 = arith.constant 16 : i32
    %add3A_93 = arith.constant 48 : i32
    %add3A_94 = arith.addi %mul3A_2, %add3A_93 : i32
    "tpu.region"() ({
      %run_scoped3A = tpu.sem_alloc : memref<!tpu.dma_semaphore, #tpu.memory_space<semaphore_mem>>
      %dma_start3A_95 = arith.constant 0 : i32
      %dma_start3A_96 = tpu.memref_slice %arg6[%add3A_94, %dma_start3A_95] : memref<2048x1024xf32, #tpu.memory_space<hbm>> -> memref<16x1024xf32, #tpu.memory_space<hbm>>
      %dma_start3A_97 = arith.constant 0 : i32
      %dma_start3A_98 = tpu.memref_slice %arg6[%add3A_94, %dma_start3A_97] : memref<2048x1024xf32, #tpu.memory_space<hbm>> -> memref<16x1024xf32, #tpu.memory_space<hbm>>
      tpu.enqueue_dma source(%arg11 : memref<16x1024xf32, #tpu.memory_space<vmem>>) target(%dma_start3A_98 : memref<16x1024xf32, #tpu.memory_space<hbm>>) target_semaphore(%run_scoped3A : memref<!tpu.dma_semaphore, #tpu.memory_space<semaphore_mem>>)
      %dma_wait3A_99 = arith.constant 0 : i32
      %dma_wait3A_100 = tpu.memref_slice %arg6[%add3A_94, %dma_wait3A_99] : memref<2048x1024xf32, #tpu.memory_space<hbm>> -> memref<16x1024xf32, #tpu.memory_space<hbm>>
      %dma_wait3A_101 = arith.constant 0 : i32
      %dma_wait3A_102 = tpu.memref_slice %arg6[%add3A_94, %dma_wait3A_101] : memref<2048x1024xf32, #tpu.memory_space<hbm>> -> memref<16x1024xf32, #tpu.memory_space<hbm>>
      tpu.wait_dma2 semaphore(%run_scoped3A : memref<!tpu.dma_semaphore, #tpu.memory_space<semaphore_mem>>) src(%arg11 : memref<16x1024xf32, #tpu.memory_space<vmem>>) dst(%dma_wait3A_102 : memref<16x1024xf32, #tpu.memory_space<hbm>>)
      tpu.yield
    }) : () -> ()
    return
  }
}

#map = affine_map<(d0, d1) -> (0, 0)>
#map1 = affine_map<(d0, d1) -> (0)>
module attributes {stable_mosaic.version = 14 : i64} {
  func.func @_dispatch(%arg0: i32, %arg1: i32, %arg2: memref<2048x1024xf32, #tpu.memory_space<hbm>>, %arg3: memref<2048xi32, #tpu.memory_space<hbm>>, %arg4: memref<16xi32, #tpu.memory_space<hbm>>, %arg5: memref<5888x1024xf32, #tpu.memory_space<hbm>>, %arg6: memref<2048xi32, #tpu.memory_space<hbm>>, %arg7: memref<2048xi32, #tpu.memory_space<hbm>>, %arg8: memref<16xi32, #tpu.memory_space<vmem>>, %arg9: memref<64xi32, #tpu.memory_space<vmem>>, %arg10: memref<64xi32, #tpu.memory_space<vmem>>, %arg11: memref<64xi32, #tpu.memory_space<vmem>>, %arg12: memref<64x1024xf32, #tpu.memory_space<vmem>>, %arg13: memref<!tpu.dma_semaphore, #tpu.memory_space<semaphore_mem>>, %arg14: memref<!tpu.dma_semaphore, #tpu.memory_space<semaphore_mem>>, %arg15: memref<!tpu.dma_semaphore, #tpu.memory_space<semaphore_mem>>) attributes {dimension_semantics = [#tpu.dimension_semantics<core_parallel>, #tpu.dimension_semantics<subcore_parallel>], iteration_bounds = array<i64: 2, 16>, scalar_prefetch = 0 : i64, scratch_operands = 8 : i64, tpu.core_type = #tpu.core_type<sc_vector_subcore>, window_params = [{transform_indices = #map}, {transform_indices = #map1}, {transform_indices = #map1}, {transform_indices = #map}, {transform_indices = #map1}, {transform_indices = #map1}]} {
    %mul3A = arith.constant 2 : i32
    %mul3A_0 = arith.muli %arg1, %mul3A : i32
    %add3A = arith.addi %mul3A_0, %arg0 : i32
    %mul3A_1 = arith.constant 64 : i32
    %mul3A_2 = arith.muli %add3A, %mul3A_1 : i32
    %dma_start3A = arith.constant 0 : i32
    %dma_start3A_3 = tpu.memref_slice %arg2[%mul3A_2, %dma_start3A] : memref<2048x1024xf32, #tpu.memory_space<hbm>> -> memref<64x1024xf32, #tpu.memory_space<hbm>>
    %dma_start3A_4 = arith.constant 0 : i32
    %dma_start3A_5 = tpu.memref_slice %arg2[%mul3A_2, %dma_start3A_4] : memref<2048x1024xf32, #tpu.memory_space<hbm>> -> memref<64x1024xf32, #tpu.memory_space<hbm>>
    tpu.enqueue_dma source(%dma_start3A_5 : memref<64x1024xf32, #tpu.memory_space<hbm>>) target(%arg12 : memref<64x1024xf32, #tpu.memory_space<vmem>>) target_semaphore(%arg15 : memref<!tpu.dma_semaphore, #tpu.memory_space<semaphore_mem>>)
    "tpu.region"() ({
      %run_scoped3A = tpu.sem_alloc : memref<!tpu.dma_semaphore, #tpu.memory_space<semaphore_mem>>
      tpu.enqueue_dma source(%arg4 : memref<16xi32, #tpu.memory_space<hbm>>) target(%arg8 : memref<16xi32, #tpu.memory_space<vmem>>) target_semaphore(%run_scoped3A : memref<!tpu.dma_semaphore, #tpu.memory_space<semaphore_mem>>)
      tpu.wait_dma2 semaphore(%run_scoped3A : memref<!tpu.dma_semaphore, #tpu.memory_space<semaphore_mem>>) src(%arg4 : memref<16xi32, #tpu.memory_space<hbm>>) dst(%arg8 : memref<16xi32, #tpu.memory_space<vmem>>)
      tpu.yield
    }) : () -> ()
    "tpu.region"() ({
      %run_scoped3A = tpu.sem_alloc : memref<!tpu.dma_semaphore, #tpu.memory_space<semaphore_mem>>
      %dma_start3A_136 = tpu.memref_slice %arg3[%mul3A_2] : memref<2048xi32, #tpu.memory_space<hbm>> -> memref<64xi32, #tpu.memory_space<hbm>>
      %dma_start3A_137 = tpu.memref_slice %arg3[%mul3A_2] : memref<2048xi32, #tpu.memory_space<hbm>> -> memref<64xi32, #tpu.memory_space<hbm>>
      tpu.enqueue_dma source(%dma_start3A_137 : memref<64xi32, #tpu.memory_space<hbm>>) target(%arg9 : memref<64xi32, #tpu.memory_space<vmem>>) target_semaphore(%run_scoped3A : memref<!tpu.dma_semaphore, #tpu.memory_space<semaphore_mem>>)
      %dma_wait3A_138 = tpu.memref_slice %arg3[%mul3A_2] : memref<2048xi32, #tpu.memory_space<hbm>> -> memref<64xi32, #tpu.memory_space<hbm>>
      %dma_wait3A_139 = tpu.memref_slice %arg3[%mul3A_2] : memref<2048xi32, #tpu.memory_space<hbm>> -> memref<64xi32, #tpu.memory_space<hbm>>
      tpu.wait_dma2 semaphore(%run_scoped3A : memref<!tpu.dma_semaphore, #tpu.memory_space<semaphore_mem>>) src(%dma_wait3A_139 : memref<64xi32, #tpu.memory_space<hbm>>) dst(%arg9 : memref<64xi32, #tpu.memory_space<vmem>>)
      tpu.yield
    }) : () -> ()
    %get3A = arith.constant 0 : index
    %get3A_6 = tpu.vector_load %arg9[%get3A] {strides = array<i32>} : memref<64xi32, #tpu.memory_space<vmem>>, vector<16xi32>,
    %shift_right_arithmetic3A = arith.constant 15 : i32
    %shift_right_arithmetic3A_7 = vector.broadcast %shift_right_arithmetic3A : i32 to vector<16xi32>
    %shift_right_arithmetic3A_8 = arith.shrsi %get3A_6, %shift_right_arithmetic3A_7 : vector<16xi32>
    %get3A_9 = arith.constant 0 : index
    %get3A_10 = tpu.vector_load %arg9[%get3A_9] {strides = array<i32>} : memref<64xi32, #tpu.memory_space<vmem>>, vector<16xi32>,
    %and3A = arith.constant 32767 : i32
    %and3A_11 = vector.broadcast %and3A : i32 to vector<16xi32>
    %and3A_12 = arith.andi %get3A_10, %and3A_11 : vector<16xi32>
    %shift_right_arithmetic3A_13 = arith.constant 12 : i32
    %shift_right_arithmetic3A_14 = vector.broadcast %shift_right_arithmetic3A_13 : i32 to vector<16xi32>
    %shift_right_arithmetic3A_15 = arith.shrsi %shift_right_arithmetic3A_8, %shift_right_arithmetic3A_14 : vector<16xi32>
    %gather3A = tpu.vector_load_idx %arg8[%shift_right_arithmetic3A_15] : memref<16xi32, #tpu.memory_space<vmem>>[vector<16xi32>], vector<16xi32>,
    %and3A_16 = arith.constant 4095 : i32
    %and3A_17 = vector.broadcast %and3A_16 : i32 to vector<16xi32>
    %and3A_18 = arith.andi %shift_right_arithmetic3A_8, %and3A_17 : vector<16xi32>
    %add3A_19 = arith.addi %gather3A, %and3A_18 : vector<16xi32>
    %swap3A = arith.constant 0 : index
    %swap3A_20 = tpu.vector_load %arg10[%swap3A] {strides = array<i32>} : memref<64xi32, #tpu.memory_space<vmem>>, vector<16xi32>,
    tpu.vector_store %arg10[%swap3A], %add3A_19 {strides = array<i32>} : memref<64xi32, #tpu.memory_space<vmem>>, vector<16xi32>,
    %shift_right_arithmetic3A_21 = arith.constant 12 : i32
    %shift_right_arithmetic3A_22 = vector.broadcast %shift_right_arithmetic3A_21 : i32 to vector<16xi32>
    %shift_right_arithmetic3A_23 = arith.shrsi %and3A_12, %shift_right_arithmetic3A_22 : vector<16xi32>
    %gather3A_24 = tpu.vector_load_idx %arg8[%shift_right_arithmetic3A_23] : memref<16xi32, #tpu.memory_space<vmem>>[vector<16xi32>], vector<16xi32>,
    %and3A_25 = arith.constant 4095 : i32
    %and3A_26 = vector.broadcast %and3A_25 : i32 to vector<16xi32>
    %and3A_27 = arith.andi %and3A_12, %and3A_26 : vector<16xi32>
    %add3A_28 = arith.addi %gather3A_24, %and3A_27 : vector<16xi32>
    %swap3A_29 = arith.constant 0 : index
    %swap3A_30 = tpu.vector_load %arg11[%swap3A_29] {strides = array<i32>} : memref<64xi32, #tpu.memory_space<vmem>>, vector<16xi32>,
    tpu.vector_store %arg11[%swap3A_29], %add3A_28 {strides = array<i32>} : memref<64xi32, #tpu.memory_space<vmem>>, vector<16xi32>,
    %get3A_31 = arith.constant 16 : index
    %get3A_32 = tpu.vector_load %arg9[%get3A_31] {strides = array<i32>} : memref<64xi32, #tpu.memory_space<vmem>>, vector<16xi32>,
    %shift_right_arithmetic3A_33 = arith.constant 15 : i32
    %shift_right_arithmetic3A_34 = vector.broadcast %shift_right_arithmetic3A_33 : i32 to vector<16xi32>
    %shift_right_arithmetic3A_35 = arith.shrsi %get3A_32, %shift_right_arithmetic3A_34 : vector<16xi32>
    %get3A_36 = arith.constant 16 : index
    %get3A_37 = tpu.vector_load %arg9[%get3A_36] {strides = array<i32>} : memref<64xi32, #tpu.memory_space<vmem>>, vector<16xi32>,
    %and3A_38 = arith.constant 32767 : i32
    %and3A_39 = vector.broadcast %and3A_38 : i32 to vector<16xi32>
    %and3A_40 = arith.andi %get3A_37, %and3A_39 : vector<16xi32>
    %shift_right_arithmetic3A_41 = arith.constant 12 : i32
    %shift_right_arithmetic3A_42 = vector.broadcast %shift_right_arithmetic3A_41 : i32 to vector<16xi32>
    %shift_right_arithmetic3A_43 = arith.shrsi %shift_right_arithmetic3A_35, %shift_right_arithmetic3A_42 : vector<16xi32>
    %gather3A_44 = tpu.vector_load_idx %arg8[%shift_right_arithmetic3A_43] : memref<16xi32, #tpu.memory_space<vmem>>[vector<16xi32>], vector<16xi32>,
    %and3A_45 = arith.constant 4095 : i32
    %and3A_46 = vector.broadcast %and3A_45 : i32 to vector<16xi32>
    %and3A_47 = arith.andi %shift_right_arithmetic3A_35, %and3A_46 : vector<16xi32>
    %add3A_48 = arith.addi %gather3A_44, %and3A_47 : vector<16xi32>
    %swap3A_49 = arith.constant 16 : index
    %swap3A_50 = tpu.vector_load %arg10[%swap3A_49] {strides = array<i32>} : memref<64xi32, #tpu.memory_space<vmem>>, vector<16xi32>,
    tpu.vector_store %arg10[%swap3A_49], %add3A_48 {strides = array<i32>} : memref<64xi32, #tpu.memory_space<vmem>>, vector<16xi32>,
    %shift_right_arithmetic3A_51 = arith.constant 12 : i32
    %shift_right_arithmetic3A_52 = vector.broadcast %shift_right_arithmetic3A_51 : i32 to vector<16xi32>
    %shift_right_arithmetic3A_53 = arith.shrsi %and3A_40, %shift_right_arithmetic3A_52 : vector<16xi32>
    %gather3A_54 = tpu.vector_load_idx %arg8[%shift_right_arithmetic3A_53] : memref<16xi32, #tpu.memory_space<vmem>>[vector<16xi32>], vector<16xi32>,
    %and3A_55 = arith.constant 4095 : i32
    %and3A_56 = vector.broadcast %and3A_55 : i32 to vector<16xi32>
    %and3A_57 = arith.andi %and3A_40, %and3A_56 : vector<16xi32>
    %add3A_58 = arith.addi %gather3A_54, %and3A_57 : vector<16xi32>
    %swap3A_59 = arith.constant 16 : index
    %swap3A_60 = tpu.vector_load %arg11[%swap3A_59] {strides = array<i32>} : memref<64xi32, #tpu.memory_space<vmem>>, vector<16xi32>,
    tpu.vector_store %arg11[%swap3A_59], %add3A_58 {strides = array<i32>} : memref<64xi32, #tpu.memory_space<vmem>>, vector<16xi32>,
    %get3A_61 = arith.constant 32 : index
    %get3A_62 = tpu.vector_load %arg9[%get3A_61] {strides = array<i32>} : memref<64xi32, #tpu.memory_space<vmem>>, vector<16xi32>,
    %shift_right_arithmetic3A_63 = arith.constant 15 : i32
    %shift_right_arithmetic3A_64 = vector.broadcast %shift_right_arithmetic3A_63 : i32 to vector<16xi32>
    %shift_right_arithmetic3A_65 = arith.shrsi %get3A_62, %shift_right_arithmetic3A_64 : vector<16xi32>
    %get3A_66 = arith.constant 32 : index
    %get3A_67 = tpu.vector_load %arg9[%get3A_66] {strides = array<i32>} : memref<64xi32, #tpu.memory_space<vmem>>, vector<16xi32>,
    %and3A_68 = arith.constant 32767 : i32
    %and3A_69 = vector.broadcast %and3A_68 : i32 to vector<16xi32>
    %and3A_70 = arith.andi %get3A_67, %and3A_69 : vector<16xi32>
    %shift_right_arithmetic3A_71 = arith.constant 12 : i32
    %shift_right_arithmetic3A_72 = vector.broadcast %shift_right_arithmetic3A_71 : i32 to vector<16xi32>
    %shift_right_arithmetic3A_73 = arith.shrsi %shift_right_arithmetic3A_65, %shift_right_arithmetic3A_72 : vector<16xi32>
    %gather3A_74 = tpu.vector_load_idx %arg8[%shift_right_arithmetic3A_73] : memref<16xi32, #tpu.memory_space<vmem>>[vector<16xi32>], vector<16xi32>,
    %and3A_75 = arith.constant 4095 : i32
    %and3A_76 = vector.broadcast %and3A_75 : i32 to vector<16xi32>
    %and3A_77 = arith.andi %shift_right_arithmetic3A_65, %and3A_76 : vector<16xi32>
    %add3A_78 = arith.addi %gather3A_74, %and3A_77 : vector<16xi32>
    %swap3A_79 = arith.constant 32 : index
    %swap3A_80 = tpu.vector_load %arg10[%swap3A_79] {strides = array<i32>} : memref<64xi32, #tpu.memory_space<vmem>>, vector<16xi32>,
    tpu.vector_store %arg10[%swap3A_79], %add3A_78 {strides = array<i32>} : memref<64xi32, #tpu.memory_space<vmem>>, vector<16xi32>,
    %shift_right_arithmetic3A_81 = arith.constant 12 : i32
    %shift_right_arithmetic3A_82 = vector.broadcast %shift_right_arithmetic3A_81 : i32 to vector<16xi32>
    %shift_right_arithmetic3A_83 = arith.shrsi %and3A_70, %shift_right_arithmetic3A_82 : vector<16xi32>
    %gather3A_84 = tpu.vector_load_idx %arg8[%shift_right_arithmetic3A_83] : memref<16xi32, #tpu.memory_space<vmem>>[vector<16xi32>], vector<16xi32>,
    %and3A_85 = arith.constant 4095 : i32
    %and3A_86 = vector.broadcast %and3A_85 : i32 to vector<16xi32>
    %and3A_87 = arith.andi %and3A_70, %and3A_86 : vector<16xi32>
    %add3A_88 = arith.addi %gather3A_84, %and3A_87 : vector<16xi32>
    %swap3A_89 = arith.constant 32 : index
    %swap3A_90 = tpu.vector_load %arg11[%swap3A_89] {strides = array<i32>} : memref<64xi32, #tpu.memory_space<vmem>>, vector<16xi32>,
    tpu.vector_store %arg11[%swap3A_89], %add3A_88 {strides = array<i32>} : memref<64xi32, #tpu.memory_space<vmem>>, vector<16xi32>,
    %get3A_91 = arith.constant 48 : index
    %get3A_92 = tpu.vector_load %arg9[%get3A_91] {strides = array<i32>} : memref<64xi32, #tpu.memory_space<vmem>>, vector<16xi32>,
    %shift_right_arithmetic3A_93 = arith.constant 15 : i32
    %shift_right_arithmetic3A_94 = vector.broadcast %shift_right_arithmetic3A_93 : i32 to vector<16xi32>
    %shift_right_arithmetic3A_95 = arith.shrsi %get3A_92, %shift_right_arithmetic3A_94 : vector<16xi32>
    %get3A_96 = arith.constant 48 : index
    %get3A_97 = tpu.vector_load %arg9[%get3A_96] {strides = array<i32>} : memref<64xi32, #tpu.memory_space<vmem>>, vector<16xi32>,
    %and3A_98 = arith.constant 32767 : i32
    %and3A_99 = vector.broadcast %and3A_98 : i32 to vector<16xi32>
    %and3A_100 = arith.andi %get3A_97, %and3A_99 : vector<16xi32>
    %shift_right_arithmetic3A_101 = arith.constant 12 : i32
    %shift_right_arithmetic3A_102 = vector.broadcast %shift_right_arithmetic3A_101 : i32 to vector<16xi32>
    %shift_right_arithmetic3A_103 = arith.shrsi %shift_right_arithmetic3A_95, %shift_right_arithmetic3A_102 : vector<16xi32>
    %gather3A_104 = tpu.vector_load_idx %arg8[%shift_right_arithmetic3A_103] : memref<16xi32, #tpu.memory_space<vmem>>[vector<16xi32>], vector<16xi32>,
    %and3A_105 = arith.constant 4095 : i32
    %and3A_106 = vector.broadcast %and3A_105 : i32 to vector<16xi32>
    %and3A_107 = arith.andi %shift_right_arithmetic3A_95, %and3A_106 : vector<16xi32>
    %add3A_108 = arith.addi %gather3A_104, %and3A_107 : vector<16xi32>
    %swap3A_109 = arith.constant 48 : index
    %swap3A_110 = tpu.vector_load %arg10[%swap3A_109] {strides = array<i32>} : memref<64xi32, #tpu.memory_space<vmem>>, vector<16xi32>,
    tpu.vector_store %arg10[%swap3A_109], %add3A_108 {strides = array<i32>} : memref<64xi32, #tpu.memory_space<vmem>>, vector<16xi32>,
    %shift_right_arithmetic3A_111 = arith.constant 12 : i32
    %shift_right_arithmetic3A_112 = vector.broadcast %shift_right_arithmetic3A_111 : i32 to vector<16xi32>
    %shift_right_arithmetic3A_113 = arith.shrsi %and3A_100, %shift_right_arithmetic3A_112 : vector<16xi32>
    %gather3A_114 = tpu.vector_load_idx %arg8[%shift_right_arithmetic3A_113] : memref<16xi32, #tpu.memory_space<vmem>>[vector<16xi32>], vector<16xi32>,
    %and3A_115 = arith.constant 4095 : i32
    %and3A_116 = vector.broadcast %and3A_115 : i32 to vector<16xi32>
    %and3A_117 = arith.andi %and3A_100, %and3A_116 : vector<16xi32>
    %add3A_118 = arith.addi %gather3A_114, %and3A_117 : vector<16xi32>
    %swap3A_119 = arith.constant 48 : index
    %swap3A_120 = tpu.vector_load %arg11[%swap3A_119] {strides = array<i32>} : memref<64xi32, #tpu.memory_space<vmem>>, vector<16xi32>,
    tpu.vector_store %arg11[%swap3A_119], %add3A_118 {strides = array<i32>} : memref<64xi32, #tpu.memory_space<vmem>>, vector<16xi32>,
    %dma_wait3A = arith.constant 0 : i32
    %dma_wait3A_121 = tpu.memref_slice %arg2[%mul3A_2, %dma_wait3A] : memref<2048x1024xf32, #tpu.memory_space<hbm>> -> memref<64x1024xf32, #tpu.memory_space<hbm>>
    %dma_wait3A_122 = arith.constant 0 : i32
    %dma_wait3A_123 = tpu.memref_slice %arg2[%mul3A_2, %dma_wait3A_122] : memref<2048x1024xf32, #tpu.memory_space<hbm>> -> memref<64x1024xf32, #tpu.memory_space<hbm>>
    tpu.wait_dma2 semaphore(%arg15 : memref<!tpu.dma_semaphore, #tpu.memory_space<semaphore_mem>>) src(%dma_wait3A_123 : memref<64x1024xf32, #tpu.memory_space<hbm>>) dst(%arg12 : memref<64x1024xf32, #tpu.memory_space<vmem>>)
    %dma_start3A_124 = arith.constant 0 : i32
    %dma_start3A_125 = arith.constant 0 : i32
    %dma_start3A_126 = tpu.memref_slice %arg5[%dma_start3A_124, %dma_start3A_125] : memref<5888x1024xf32, #tpu.memory_space<hbm>> -> memref<5888x1024xf32, #tpu.memory_space<hbm>>
    tpu.enqueue_indirect_dma source(%arg12 : memref<64x1024xf32, #tpu.memory_space<vmem>>) target(%dma_start3A_126 : memref<5888x1024xf32, #tpu.memory_space<hbm>>) offsets(%arg10 : memref<64xi32, #tpu.memory_space<vmem>>) semaphore(%arg13 : memref<!tpu.dma_semaphore, #tpu.memory_space<semaphore_mem>>)
    %dma_start3A_127 = arith.constant 0 : i32
    %dma_start3A_128 = arith.constant 0 : i32
    %dma_start3A_129 = tpu.memref_slice %arg5[%dma_start3A_127, %dma_start3A_128] : memref<5888x1024xf32, #tpu.memory_space<hbm>> -> memref<5888x1024xf32, #tpu.memory_space<hbm>>
    tpu.enqueue_indirect_dma source(%arg12 : memref<64x1024xf32, #tpu.memory_space<vmem>>) target(%dma_start3A_129 : memref<5888x1024xf32, #tpu.memory_space<hbm>>) offsets(%arg11 : memref<64xi32, #tpu.memory_space<vmem>>) semaphore(%arg14 : memref<!tpu.dma_semaphore, #tpu.memory_space<semaphore_mem>>)
    "tpu.region"() ({
      %run_scoped3A = tpu.sem_alloc : memref<!tpu.dma_semaphore, #tpu.memory_space<semaphore_mem>>
      %dma_start3A_136 = tpu.memref_slice %arg6[%mul3A_2] : memref<2048xi32, #tpu.memory_space<hbm>> -> memref<64xi32, #tpu.memory_space<hbm>>
      %dma_start3A_137 = tpu.memref_slice %arg6[%mul3A_2] : memref<2048xi32, #tpu.memory_space<hbm>> -> memref<64xi32, #tpu.memory_space<hbm>>
      tpu.enqueue_dma source(%arg10 : memref<64xi32, #tpu.memory_space<vmem>>) target(%dma_start3A_137 : memref<64xi32, #tpu.memory_space<hbm>>) target_semaphore(%run_scoped3A : memref<!tpu.dma_semaphore, #tpu.memory_space<semaphore_mem>>)
      %dma_wait3A_138 = tpu.memref_slice %arg6[%mul3A_2] : memref<2048xi32, #tpu.memory_space<hbm>> -> memref<64xi32, #tpu.memory_space<hbm>>
      %dma_wait3A_139 = tpu.memref_slice %arg6[%mul3A_2] : memref<2048xi32, #tpu.memory_space<hbm>> -> memref<64xi32, #tpu.memory_space<hbm>>
      tpu.wait_dma2 semaphore(%run_scoped3A : memref<!tpu.dma_semaphore, #tpu.memory_space<semaphore_mem>>) src(%arg10 : memref<64xi32, #tpu.memory_space<vmem>>) dst(%dma_wait3A_139 : memref<64xi32, #tpu.memory_space<hbm>>)
      tpu.yield
    }) : () -> ()
    "tpu.region"() ({
      %run_scoped3A = tpu.sem_alloc : memref<!tpu.dma_semaphore, #tpu.memory_space<semaphore_mem>>
      %dma_start3A_136 = tpu.memref_slice %arg7[%mul3A_2] : memref<2048xi32, #tpu.memory_space<hbm>> -> memref<64xi32, #tpu.memory_space<hbm>>
      %dma_start3A_137 = tpu.memref_slice %arg7[%mul3A_2] : memref<2048xi32, #tpu.memory_space<hbm>> -> memref<64xi32, #tpu.memory_space<hbm>>
      tpu.enqueue_dma source(%arg11 : memref<64xi32, #tpu.memory_space<vmem>>) target(%dma_start3A_137 : memref<64xi32, #tpu.memory_space<hbm>>) target_semaphore(%run_scoped3A : memref<!tpu.dma_semaphore, #tpu.memory_space<semaphore_mem>>)
      %dma_wait3A_138 = tpu.memref_slice %arg7[%mul3A_2] : memref<2048xi32, #tpu.memory_space<hbm>> -> memref<64xi32, #tpu.memory_space<hbm>>
      %dma_wait3A_139 = tpu.memref_slice %arg7[%mul3A_2] : memref<2048xi32, #tpu.memory_space<hbm>> -> memref<64xi32, #tpu.memory_space<hbm>>
      tpu.wait_dma2 semaphore(%run_scoped3A : memref<!tpu.dma_semaphore, #tpu.memory_space<semaphore_mem>>) src(%arg11 : memref<64xi32, #tpu.memory_space<vmem>>) dst(%dma_wait3A_139 : memref<64xi32, #tpu.memory_space<hbm>>)
      tpu.yield
    }) : () -> ()
    %dma_wait3A_130 = arith.constant 0 : i32
    %dma_wait3A_131 = arith.constant 0 : i32
    %dma_wait3A_132 = tpu.memref_slice %arg5[%dma_wait3A_130, %dma_wait3A_131] : memref<5888x1024xf32, #tpu.memory_space<hbm>> -> memref<5888x1024xf32, #tpu.memory_space<hbm>>
    tpu.wait_indirect_dma semaphore(%arg13 : memref<!tpu.dma_semaphore, #tpu.memory_space<semaphore_mem>>) src(%arg12 : memref<64x1024xf32, #tpu.memory_space<vmem>>) dst(%dma_wait3A_132 : memref<5888x1024xf32, #tpu.memory_space<hbm>>)
    %dma_wait3A_133 = arith.constant 0 : i32
    %dma_wait3A_134 = arith.constant 0 : i32
    %dma_wait3A_135 = tpu.memref_slice %arg5[%dma_wait3A_133, %dma_wait3A_134] : memref<5888x1024xf32, #tpu.memory_space<hbm>> -> memref<5888x1024xf32, #tpu.memory_space<hbm>>
    tpu.wait_indirect_dma semaphore(%arg14 : memref<!tpu.dma_semaphore, #tpu.memory_space<semaphore_mem>>) src(%arg12 : memref<64x1024xf32, #tpu.memory_space<vmem>>) dst(%dma_wait3A_135 : memref<5888x1024xf32, #tpu.memory_space<hbm>>)
    return
  }
}

module attributes {stable_mosaic.version = 14 : i64} {
  func.func @_router_body(%arg0: i32, %arg1: memref<512x1024xf32, #tpu.memory_space<vmem>>, %arg2: memref<8x1024xf32, #tpu.memory_space<vmem>>, %arg3: memref<512x8xf32, #tpu.memory_space<vmem>>, %arg4: memref<512x1xi32, #tpu.memory_space<vmem>>, %arg5: memref<512x1xf32, #tpu.memory_space<vmem>>, %arg6: memref<8x16xi32, #tpu.memory_space<vmem>>, %arg7: memref<32x1xi32, #tpu.memory_space<vmem>>, %arg8: memref<8x8xf32, #tpu.memory_space<vmem>>) attributes {dimension_semantics = [#tpu.dimension_semantics<arbitrary>], iteration_bounds = array<i64: 4>, scalar_prefetch = 0 : i64, scratch_operands = 1 : i64, tpu.core_type = #tpu.core_type<tc>, window_params = [{transform_indices = @transform_0, window_bounds = array<i64: 512, 1024>}, {pipeline_mode = #tpu.pipeline_mode<synchronous>, transform_indices = @transform_1, window_bounds = array<i64: 8, 1024>}, {transform_indices = @transform_2, window_bounds = array<i64: 512, 8>}, {transform_indices = @transform_3, window_bounds = array<i64: 512, 1>}, {transform_indices = @transform_4, window_bounds = array<i64: 512, 1>}, {pipeline_mode = #tpu.pipeline_mode<synchronous>, transform_indices = @transform_5, window_bounds = array<i64: 8, 16>}, {pipeline_mode = #tpu.pipeline_mode<synchronous>, transform_indices = @transform_6, window_bounds = array<i64: 32, 1>}]} {
    %eq3A = arith.constant 0 : i32
    %eq3A_0 = arith.cmpi eq, %arg0, %eq3A : i32
    %convert_element_type3A = arith.extui %eq3A_0 : i1 to i32
    %cond3A = arith.constant 0 : i32
    %cond3A_1 = arith.cmpi ne, %convert_element_type3A, %cond3A : i32
    scf.if %cond3A_1 {
      %broadcast_in_dim3A_150 = arith.constant 0.000000e+00 : f32
      %broadcast_in_dim3A_151 = vector.broadcast %broadcast_in_dim3A_150 : f32 to vector<8x8xf32>
      %swap3A_152 = arith.constant 0 : index
      %swap3A_153 = arith.constant 0 : index
      %swap3A_154 = vector.load %arg8[%swap3A_152, %swap3A_153] : memref<8x8xf32, #tpu.memory_space<vmem>>, vector<8x8xf32>
      tpu.vector_store %arg8[%swap3A_152, %swap3A_153], %broadcast_in_dim3A_151 {strides = array<i32>} : memref<8x8xf32, #tpu.memory_space<vmem>>, vector<8x8xf32>,
    } else {
    }
    %get3A = arith.constant 0 : index
    %get3A_2 = arith.constant 0 : index
    %get3A_3 = vector.load %arg1[%get3A, %get3A_2] : memref<512x1024xf32, #tpu.memory_space<vmem>>, vector<512x1024xf32>
    %get3A_4 = arith.constant 0 : index
    %get3A_5 = arith.constant 0 : index
    %get3A_6 = vector.load %arg2[%get3A_4, %get3A_5] : memref<8x1024xf32, #tpu.memory_space<vmem>>, vector<8x1024xf32>
    %dot_general3A = arith.constant dense<0.000000e+00> : vector<512x8xf32>
    %dot_general3A_7 = tpu.matmul %get3A_3, %get3A_6, %dot_general3A {dimension_numbers = #tpu.dot_dimension_numbers<[1], [1], [0], [0], [0, 0, 1, 0], [], []>, transpose_lhs_hint = false} : vector<512x1024xf32>, vector<8x1024xf32>, vector<512x8xf32> -> vector<512x8xf32>
    %swap3A = arith.constant 0 : index
    %swap3A_8 = arith.constant 0 : index
    %swap3A_9 = vector.load %arg3[%swap3A, %swap3A_8] : memref<512x8xf32, #tpu.memory_space<vmem>>, vector<512x8xf32>
    tpu.vector_store %arg3[%swap3A, %swap3A_8], %dot_general3A_7 {strides = array<i32>} : memref<512x8xf32, #tpu.memory_space<vmem>>, vector<512x8xf32>,
    %iota3A = tpu.iota {dimensions = array<i32: 1>} : vector<512x8xi32>
    %reduce_max3A = arith.constant dense<0xFF800000> : vector<512xf32>
    %reduce_max3A_10 = vector.multi_reduction <maximumf>, %dot_general3A_7, %reduce_max3A [1] : vector<512x8xf32> to vector<512xf32>
    %broadcast_in_dim3A = vector.shape_cast %reduce_max3A_10 : vector<512xf32> to vector<512x1xf32>
    %eq3A_11 = vector.broadcast %broadcast_in_dim3A : vector<512x1xf32> to vector<512x8xf32>
    %eq3A_12 = arith.cmpf oeq, %dot_general3A_7, %eq3A_11 : vector<512x8xf32>
    %jit3A = arith.constant 8 : i32
    %broadcast_in_dim3A_13 = vector.broadcast %jit3A : i32 to vector<512x8xi32>
    %select_n3A = arith.select %eq3A_12, %iota3A, %broadcast_in_dim3A_13 : vector<512x8xi1>, vector<512x8xi32>
    %reduce_min3A = arith.constant dense<2147483647> : vector<512xi32>
    %reduce_min3A_14 = vector.multi_reduction <minsi>, %select_n3A, %reduce_min3A [1] : vector<512x8xi32> to vector<512xi32>
    %broadcast_in_dim3A_15 = vector.shape_cast %reduce_min3A_14 : vector<512xi32> to vector<512x1xi32>
    %eq3A_16 = vector.broadcast %broadcast_in_dim3A_15 : vector<512x1xi32> to vector<512x8xi32>
    %eq3A_17 = arith.cmpi eq, %iota3A, %eq3A_16 : vector<512x8xi32>
    %jit3A_18 = arith.constant 0xFF800000 : f32
    %broadcast_in_dim3A_19 = vector.broadcast %jit3A_18 : f32 to vector<512x8xf32>
    %select_n3A_20 = arith.select %eq3A_17, %broadcast_in_dim3A_19, %dot_general3A_7 : vector<512x8xi1>, vector<512x8xf32>
    %reduce_max3A_21 = arith.constant dense<0xFF800000> : vector<512xf32>
    %reduce_max3A_22 = vector.multi_reduction <maximumf>, %select_n3A_20, %reduce_max3A_21 [1] : vector<512x8xf32> to vector<512xf32>
    %broadcast_in_dim3A_23 = vector.shape_cast %reduce_max3A_22 : vector<512xf32> to vector<512x1xf32>
    %eq3A_24 = vector.broadcast %broadcast_in_dim3A_23 : vector<512x1xf32> to vector<512x8xf32>
    %eq3A_25 = arith.cmpf oeq, %select_n3A_20, %eq3A_24 : vector<512x8xf32>
    %jit3A_26 = arith.constant 8 : i32
    %broadcast_in_dim3A_27 = vector.broadcast %jit3A_26 : i32 to vector<512x8xi32>
    %select_n3A_28 = arith.select %eq3A_25, %iota3A, %broadcast_in_dim3A_27 : vector<512x8xi1>, vector<512x8xi32>
    %reduce_min3A_29 = arith.constant dense<2147483647> : vector<512xi32>
    %reduce_min3A_30 = vector.multi_reduction <minsi>, %select_n3A_28, %reduce_min3A_29 [1] : vector<512x8xi32> to vector<512xi32>
    %broadcast_in_dim3A_31 = vector.shape_cast %reduce_min3A_30 : vector<512xi32> to vector<512x1xi32>
    %sub3A = arith.subf %broadcast_in_dim3A_23, %broadcast_in_dim3A : vector<512x1xf32>
    %exp3A = math.exp %sub3A : vector<512x1xf32>
    %add3A = arith.constant 1.000000e+00 : f32
    %add3A_32 = vector.broadcast %add3A : f32 to vector<512x1xf32>
    %add3A_33 = arith.addf %add3A_32, %exp3A : vector<512x1xf32>
    %div3A = arith.constant 1.000000e+00 : f32
    %div3A_34 = vector.broadcast %div3A : f32 to vector<512x1xf32>
    %div3A_35 = arith.divf %div3A_34, %add3A_33 : vector<512x1xf32>
    %swap3A_36 = arith.constant 0 : index
    %swap3A_37 = arith.constant 0 : index
    %swap3A_38 = vector.load %arg5[%swap3A_36, %swap3A_37] : memref<512x1xf32, #tpu.memory_space<vmem>>, vector<512x1xf32>
    tpu.vector_store %arg5[%swap3A_36, %swap3A_37], %div3A_35 {strides = array<i32>} : memref<512x1xf32, #tpu.memory_space<vmem>>, vector<512x1xf32>,
    %eq3A_39 = vector.broadcast %broadcast_in_dim3A_15 : vector<512x1xi32> to vector<512x8xi32>
    %eq3A_40 = arith.cmpi eq, %iota3A, %eq3A_39 : vector<512x8xi32>
    %convert_element_type3A_41 = arith.extui %eq3A_40 : vector<512x8xi1> to vector<512x8xi32>
    %convert_element_type3A_42 = arith.sitofp %convert_element_type3A_41 : vector<512x8xi32> to vector<512x8xf32>
    %eq3A_43 = vector.broadcast %broadcast_in_dim3A_31 : vector<512x1xi32> to vector<512x8xi32>
    %eq3A_44 = arith.cmpi eq, %iota3A, %eq3A_43 : vector<512x8xi32>
    %convert_element_type3A_45 = arith.extui %eq3A_44 : vector<512x8xi1> to vector<512x8xi32>
    %convert_element_type3A_46 = arith.sitofp %convert_element_type3A_45 : vector<512x8xi32> to vector<512x8xf32>
    %add3A_47 = arith.addf %convert_element_type3A_42, %convert_element_type3A_46 : vector<512x8xf32>
    %iota3A_48 = tpu.iota {dimensions = array<i32: 0>} : vector<512x512xi32>
    %iota3A_49 = tpu.iota {dimensions = array<i32: 1>} : vector<512x512xi32>
    %gt3A = arith.cmpi sgt, %iota3A_48, %iota3A_49 : vector<512x512xi32>
    %convert_element_type3A_50 = arith.extui %gt3A : vector<512x512xi1> to vector<512x512xi32>
    %convert_element_type3A_51 = arith.sitofp %convert_element_type3A_50 : vector<512x512xi32> to vector<512x512xf32>
    %dot_general3A_52 = arith.constant dense<0.000000e+00> : vector<512x8xf32>
    %dot_general3A_53 = tpu.matmul %convert_element_type3A_51, %add3A_47, %dot_general3A_52 {dimension_numbers = #tpu.dot_dimension_numbers<[1], [0], [0], [1], [0, 0, 1, 1], [], []>, transpose_lhs_hint = false} : vector<512x512xf32>, vector<512x8xf32>, vector<512x8xf32> -> vector<512x8xf32>
    %get3A_54 = arith.constant 0 : index
    %get3A_55 = arith.constant 0 : index
    %get3A_56 = vector.load %arg8[%get3A_54, %get3A_55] : memref<8x8xf32, #tpu.memory_space<vmem>>, vector<1x8xf32>
    %add3A_57 = vector.broadcast %get3A_56 : vector<1x8xf32> to vector<512x8xf32>
    %add3A_58 = arith.addf %dot_general3A_53, %add3A_57 : vector<512x8xf32>
    %mul3A = arith.mulf %add3A_58, %convert_element_type3A_42 : vector<512x8xf32>
    %reduce_sum3A = arith.constant dense<0.000000e+00> : vector<512xf32>
    %reduce_sum3A_59 = vector.multi_reduction <add>, %mul3A, %reduce_sum3A [1] : vector<512x8xf32> to vector<512xf32>
    %broadcast_in_dim3A_60 = vector.shape_cast %reduce_sum3A_59 : vector<512xf32> to vector<512x1xf32>
    %convert_element_type3A_61 = arith.fptosi %broadcast_in_dim3A_60 : vector<512x1xf32> to vector<512x1xi32>
    %mul3A_62 = arith.mulf %add3A_58, %convert_element_type3A_46 : vector<512x8xf32>
    %reduce_sum3A_63 = arith.constant dense<0.000000e+00> : vector<512xf32>
    %reduce_sum3A_64 = vector.multi_reduction <add>, %mul3A_62, %reduce_sum3A_63 [1] : vector<512x8xf32> to vector<512xf32>
    %broadcast_in_dim3A_65 = vector.shape_cast %reduce_sum3A_64 : vector<512xf32> to vector<512x1xf32>
    %convert_element_type3A_66 = arith.fptosi %broadcast_in_dim3A_65 : vector<512x1xf32> to vector<512x1xi32>
    %shift_left3A = arith.constant 12 : i32
    %shift_left3A_67 = vector.broadcast %shift_left3A : i32 to vector<512x1xi32>
    %shift_left3A_68 = arith.shli %broadcast_in_dim3A_15, %shift_left3A_67 : vector<512x1xi32>
    %add3A_69 = arith.addi %shift_left3A_68, %convert_element_type3A_61 : vector<512x1xi32>
    %shift_left3A_70 = arith.constant 15 : i32
    %shift_left3A_71 = vector.broadcast %shift_left3A_70 : i32 to vector<512x1xi32>
    %shift_left3A_72 = arith.shli %add3A_69, %shift_left3A_71 : vector<512x1xi32>
    %shift_left3A_73 = arith.constant 12 : i32
    %shift_left3A_74 = vector.broadcast %shift_left3A_73 : i32 to vector<512x1xi32>
    %shift_left3A_75 = arith.shli %broadcast_in_dim3A_31, %shift_left3A_74 : vector<512x1xi32>
    %add3A_76 = arith.addi %shift_left3A_72, %shift_left3A_75 : vector<512x1xi32>
    %add3A_77 = arith.addi %add3A_76, %convert_element_type3A_66 : vector<512x1xi32>
    %swap3A_78 = arith.constant 0 : index
    %swap3A_79 = arith.constant 0 : index
    %swap3A_80 = vector.load %arg4[%swap3A_78, %swap3A_79] : memref<512x1xi32, #tpu.memory_space<vmem>>, vector<512x1xi32>
    tpu.vector_store %arg4[%swap3A_78, %swap3A_79], %add3A_77 {strides = array<i32>} : memref<512x1xi32, #tpu.memory_space<vmem>>, vector<512x1xi32>,
    %reduce_sum3A_81 = arith.constant dense<0.000000e+00> : vector<8xf32>
    %reduce_sum3A_82 = vector.multi_reduction <add>, %add3A_47, %reduce_sum3A_81 [0] : vector<512x8xf32> to vector<8xf32>
    %broadcast_in_dim3A_83 = vector.shape_cast %reduce_sum3A_82 : vector<8xf32> to vector<1x8xf32>
    %get3A_84 = arith.constant 0 : index
    %get3A_85 = arith.constant 0 : index
    %get3A_86 = vector.load %arg8[%get3A_84, %get3A_85] : memref<8x8xf32, #tpu.memory_space<vmem>>, vector<1x8xf32>
    %add3A_87 = arith.addf %get3A_86, %broadcast_in_dim3A_83 : vector<1x8xf32>
    %broadcast_in_dim3A_88 = vector.shape_cast %add3A_87 : vector<1x8xf32> to vector<1x8xf32>
    %broadcast_in_dim3A_89 = vector.broadcast %broadcast_in_dim3A_88 : vector<1x8xf32> to vector<8x8xf32>
    %swap3A_90 = arith.constant 0 : index
    %swap3A_91 = arith.constant 0 : index
    %swap3A_92 = vector.load %arg8[%swap3A_90, %swap3A_91] : memref<8x8xf32, #tpu.memory_space<vmem>>, vector<8x8xf32>
    tpu.vector_store %arg8[%swap3A_90, %swap3A_91], %broadcast_in_dim3A_89 {strides = array<i32>} : memref<8x8xf32, #tpu.memory_space<vmem>>, vector<8x8xf32>,
    %add3A_93 = arith.constant 2.550000e+02 : f32
    %add3A_94 = vector.broadcast %add3A_93 : f32 to vector<1x8xf32>
    %add3A_95 = arith.addf %add3A_87, %add3A_94 : vector<1x8xf32>
    %mul3A_96 = arith.constant 3.906250e-03 : f32
    %mul3A_97 = vector.broadcast %mul3A_96 : f32 to vector<1x8xf32>
    %mul3A_98 = arith.mulf %add3A_95, %mul3A_97 : vector<1x8xf32>
    %floor3A = math.floor %mul3A_98 : vector<1x8xf32>
    %mul3A_99 = arith.constant 2.560000e+02 : f32
    %mul3A_100 = vector.broadcast %mul3A_99 : f32 to vector<1x8xf32>
    %mul3A_101 = arith.mulf %floor3A, %mul3A_100 : vector<1x8xf32>
    %iota3A_102 = tpu.iota {dimensions = array<i32: 0>} : vector<8x8xi32>
    %iota3A_103 = tpu.iota {dimensions = array<i32: 1>} : vector<8x8xi32>
    %lt3A = arith.cmpi slt, %iota3A_102, %iota3A_103 : vector<8x8xi32>
    %convert_element_type3A_104 = arith.extui %lt3A : vector<8x8xi1> to vector<8x8xi32>
    %convert_element_type3A_105 = arith.sitofp %convert_element_type3A_104 : vector<8x8xi32> to vector<8x8xf32>
    %dot_general3A_106 = arith.constant dense<0.000000e+00> : vector<1x8xf32>
    %dot_general3A_107 = tpu.matmul %mul3A_101, %convert_element_type3A_105, %dot_general3A_106 {dimension_numbers = #tpu.dot_dimension_numbers<[1], [0], [0], [1], [0, 0, 1, 1], [], []>, transpose_lhs_hint = false} : vector<1x8xf32>, vector<8x8xf32>, vector<1x8xf32> -> vector<1x8xf32>
    %iota3A_108 = tpu.iota {dimensions = array<i32: 1>} : vector<8x16xi32>
    %jit3A_109 = arith.constant 0 : i32
    %convert_element_type3A_110 = arith.sitofp %jit3A_109 : i32 to f32
    %pad3A = vector.broadcast %convert_element_type3A_110 : f32 to vector<1x8xf32>
    %pad3A_111 = tpu.concatenate %dot_general3A_107, %pad3A in 1 : vector<1x8xf32>, vector<1x8xf32> -> vector<1x16xf32>
    %lt3A_112 = arith.constant 8 : i32
    %lt3A_113 = vector.broadcast %lt3A_112 : i32 to vector<8x16xi32>
    %lt3A_114 = arith.cmpi slt, %iota3A_108, %lt3A_113 : vector<8x16xi32>
    %broadcast_in_dim3A_115 = vector.shape_cast %pad3A_111 : vector<1x16xf32> to vector<1x16xf32>
    %broadcast_in_dim3A_116 = vector.broadcast %broadcast_in_dim3A_115 : vector<1x16xf32> to vector<8x16xf32>
    %jit3A_117 = arith.constant 0 : i32
    %convert_element_type3A_118 = arith.sitofp %jit3A_117 : i32 to f32
    %broadcast_in_dim3A_119 = vector.broadcast %convert_element_type3A_118 : f32 to vector<8x16xf32>
    %select_n3A_120 = arith.select %lt3A_114, %broadcast_in_dim3A_116, %broadcast_in_dim3A_119 : vector<8x16xi1>, vector<8x16xf32>
    %convert_element_type3A_121 = arith.fptosi %select_n3A_120 : vector<8x16xf32> to vector<8x16xi32>
    %swap3A_122 = arith.constant 0 : index
    %swap3A_123 = arith.constant 0 : index
    %swap3A_124 = vector.load %arg6[%swap3A_122, %swap3A_123] : memref<8x16xi32, #tpu.memory_space<vmem>>, vector<8x16xi32>
    tpu.vector_store %arg6[%swap3A_122, %swap3A_123], %convert_element_type3A_121 {strides = array<i32>} : memref<8x16xi32, #tpu.memory_space<vmem>>, vector<8x16xi32>,
    %add3A_125 = arith.addf %dot_general3A_107, %mul3A_101 : vector<1x8xf32>
    %mul3A_126 = arith.constant 3.906250e-03 : f32
    %mul3A_127 = vector.broadcast %mul3A_126 : f32 to vector<1x8xf32>
    %mul3A_128 = arith.mulf %add3A_125, %mul3A_127 : vector<1x8xf32>
    %iota3A_129 = tpu.iota {dimensions = array<i32: 0>} : vector<32x8xi32>
    %convert_element_type3A_130 = arith.sitofp %iota3A_129 : vector<32x8xi32> to vector<32x8xf32>
    %ge3A = vector.broadcast %mul3A_128 : vector<1x8xf32> to vector<32x8xf32>
    %ge3A_131 = arith.cmpf oge, %convert_element_type3A_130, %ge3A : vector<32x8xf32>
    %convert_element_type3A_132 = arith.extui %ge3A_131 : vector<32x8xi1> to vector<32x8xi32>
    %convert_element_type3A_133 = arith.sitofp %convert_element_type3A_132 : vector<32x8xi32> to vector<32x8xf32>
    %reduce_sum3A_134 = arith.constant dense<0.000000e+00> : vector<32xf32>
    %reduce_sum3A_135 = vector.multi_reduction <add>, %convert_element_type3A_133, %reduce_sum3A_134 [1] : vector<32x8xf32> to vector<32xf32>
    %broadcast_in_dim3A_136 = vector.shape_cast %reduce_sum3A_135 : vector<32xf32> to vector<32x1xf32>
    %min3A = arith.constant 7.000000e+00 : f32
    %min3A_137 = vector.broadcast %min3A : f32 to vector<32x1xf32>
    %min3A_138 = arith.minimumf %broadcast_in_dim3A_136, %min3A_137 : vector<32x1xf32>
    %slice3A = vector.extract_strided_slice %mul3A_128 {offsets = [0, 7], sizes = [1, 1], strides = [1, 1]} : vector<1x8xf32> to vector<1x1xf32>
    %broadcast_in_dim3A_139 = vector.shape_cast %slice3A : vector<1x1xf32> to vector<1x1xf32>
    %broadcast_in_dim3A_140 = vector.broadcast %broadcast_in_dim3A_139 : vector<1x1xf32> to vector<32x1xf32>
    %iota3A_141 = tpu.iota {dimensions = array<i32: 0>} : vector<32x1xi32>
    %eq3A_142 = arith.constant 31 : i32
    %eq3A_143 = vector.broadcast %eq3A_142 : i32 to vector<32x1xi32>
    %eq3A_144 = arith.cmpi eq, %iota3A_141, %eq3A_143 : vector<32x1xi32>
    %select_n3A_145 = arith.select %eq3A_144, %broadcast_in_dim3A_140, %min3A_138 : vector<32x1xi1>, vector<32x1xf32>
    %convert_element_type3A_146 = arith.fptosi %select_n3A_145 : vector<32x1xf32> to vector<32x1xi32>
    %swap3A_147 = arith.constant 0 : index
    %swap3A_148 = arith.constant 0 : index
    %swap3A_149 = vector.load %arg7[%swap3A_147, %swap3A_148] : memref<32x1xi32, #tpu.memory_space<vmem>>, vector<32x1xi32>
    tpu.vector_store %arg7[%swap3A_147, %swap3A_148], %convert_element_type3A_146 {strides = array<i32>} : memref<32x1xi32, #tpu.memory_space<vmem>>, vector<32x1xi32>,
    return
  }
  func.func @transform_0(%arg0: i32) -> (i32, i32) {
    %c0_i32 = arith.constant 0 : i32
    %c0_i32_0 = arith.constant 0 : i32
    return %arg0, %c0_i32 : i32, i32
  }
  func.func @transform_1(%arg0: i32) -> (i32, i32) {
    %c0_i32 = arith.constant 0 : i32
    %c0_i32_0 = arith.constant 0 : i32
    %c0_i32_1 = arith.constant 0 : i32
    return %c0_i32, %c0_i32_0 : i32, i32
  }
  func.func @transform_2(%arg0: i32) -> (i32, i32) {
    %c0_i32 = arith.constant 0 : i32
    %c0_i32_0 = arith.constant 0 : i32
    return %arg0, %c0_i32 : i32, i32
  }
  func.func @transform_3(%arg0: i32) -> (i32, i32) {
    %c0_i32 = arith.constant 0 : i32
    %c0_i32_0 = arith.constant 0 : i32
    return %arg0, %c0_i32 : i32, i32
  }
  func.func @transform_4(%arg0: i32) -> (i32, i32) {
    %c0_i32 = arith.constant 0 : i32
    %c0_i32_0 = arith.constant 0 : i32
    return %arg0, %c0_i32 : i32, i32
  }
  func.func @transform_5(%arg0: i32) -> (i32, i32) {
    %c0_i32 = arith.constant 0 : i32
    %c0_i32_0 = arith.constant 0 : i32
    %c0_i32_1 = arith.constant 0 : i32
    return %c0_i32, %c0_i32_0 : i32, i32
  }
  func.func @transform_6(%arg0: i32) -> (i32, i32) {
    %c0_i32 = arith.constant 0 : i32
    %c0_i32_0 = arith.constant 0 : i32
    %c0_i32_1 = arith.constant 0 : i32
    return %c0_i32, %c0_i32_0 : i32, i32
  }
}

module attributes {stable_mosaic.version = 14 : i64} {
  func.func @_mm_body(%arg0: i32, %arg1: memref<32x1xi32, #tpu.memory_space<smem>>, %arg2: memref<256x1024xf32, #tpu.memory_space<vmem>>, %arg3: memref<1x1024x1024xf32, #tpu.memory_space<vmem>>, %arg4: memref<1x1024x1024xf32, #tpu.memory_space<vmem>>, %arg5: memref<256x1024xf32, #tpu.memory_space<vmem>>) attributes {dimension_semantics = [#tpu.dimension_semantics<arbitrary>], iteration_bounds = array<i64: 23>, scalar_prefetch = 1 : i64, scratch_operands = 0 : i64, tpu.core_type = #tpu.core_type<tc>, window_params = [{transform_indices = @transform_0, window_bounds = array<i64: 256, 1024>}, {transform_indices = @transform_1, window_bounds = array<i64: 1, 1024, 1024>}, {transform_indices = @transform_2, window_bounds = array<i64: 1, 1024, 1024>}, {transform_indices = @transform_3, window_bounds = array<i64: 256, 1024>}]} {
    %get3A = arith.constant 31 : index
    %get3A_0 = arith.constant 0 : index
    %get3A_1 = memref.load %arg1[%get3A, %get3A_0] : memref<32x1xi32, #tpu.memory_space<smem>>
    %lt3A = arith.cmpi slt, %arg0, %get3A_1 : i32
    %convert_element_type3A = arith.extui %lt3A : i1 to i32
    %cond3A = arith.constant 0 : i32
    %cond3A_2 = arith.cmpi ne, %convert_element_type3A, %cond3A : i32
    scf.if %cond3A_2 {
      %get3A_3 = arith.constant 0 : index
      %get3A_4 = arith.constant 0 : index
      %get3A_5 = vector.load %arg2[%get3A_3, %get3A_4] : memref<256x1024xf32, #tpu.memory_space<vmem>>, vector<256x1024xf32>
      %get3A_6 = arith.constant 0 : index
      %get3A_7 = arith.constant 0 : index
      %get3A_8 = arith.constant 0 : index
      %get3A_9 = vector.load %arg3[%get3A_6, %get3A_7, %get3A_8] : memref<1x1024x1024xf32, #tpu.memory_space<vmem>>, vector<1x1024x1024xf32>
      %get3A_10 = vector.shape_cast %get3A_9 : vector<1x1024x1024xf32> to vector<1024x1024xf32>
      %dot_general3A = arith.constant dense<0.000000e+00> : vector<256x1024xf32>
      %dot_general3A_11 = tpu.matmul %get3A_5, %get3A_10, %dot_general3A {dimension_numbers = #tpu.dot_dimension_numbers<[1], [0], [0], [1], [0, 0, 1, 1], [], []>, transpose_lhs_hint = false} : vector<256x1024xf32>, vector<1024x1024xf32>, vector<256x1024xf32> -> vector<256x1024xf32>
      %mul3A = arith.constant 5.000000e-01 : f32
      %mul3A_12 = vector.broadcast %mul3A : f32 to vector<256x1024xf32>
      %mul3A_13 = arith.mulf %mul3A_12, %dot_general3A_11 : vector<256x1024xf32>
      %mul3A_14 = arith.constant 0.707106769 : f32
      %mul3A_15 = vector.broadcast %mul3A_14 : f32 to vector<256x1024xf32>
      %mul3A_16 = arith.mulf %dot_general3A_11, %mul3A_15 : vector<256x1024xf32>
      %erf3A = math.erf %mul3A_16 : vector<256x1024xf32>
      %add3A = arith.constant 1.000000e+00 : f32
      %add3A_17 = vector.broadcast %add3A : f32 to vector<256x1024xf32>
      %add3A_18 = arith.addf %add3A_17, %erf3A : vector<256x1024xf32>
      %mul3A_19 = arith.mulf %mul3A_13, %add3A_18 : vector<256x1024xf32>
      %get3A_20 = arith.constant 0 : index
      %get3A_21 = arith.constant 0 : index
      %get3A_22 = arith.constant 0 : index
      %get3A_23 = vector.load %arg4[%get3A_20, %get3A_21, %get3A_22] : memref<1x1024x1024xf32, #tpu.memory_space<vmem>>, vector<1x1024x1024xf32>
      %get3A_24 = vector.shape_cast %get3A_23 : vector<1x1024x1024xf32> to vector<1024x1024xf32>
      %dot_general3A_25 = arith.constant dense<0.000000e+00> : vector<256x1024xf32>
      %dot_general3A_26 = tpu.matmul %mul3A_19, %get3A_24, %dot_general3A_25 {dimension_numbers = #tpu.dot_dimension_numbers<[1], [0], [0], [1], [0, 0, 1, 1], [], []>, transpose_lhs_hint = false} : vector<256x1024xf32>, vector<1024x1024xf32>, vector<256x1024xf32> -> vector<256x1024xf32>
      %swap3A = arith.constant 0 : index
      %swap3A_27 = arith.constant 0 : index
      %swap3A_28 = vector.load %arg5[%swap3A, %swap3A_27] : memref<256x1024xf32, #tpu.memory_space<vmem>>, vector<256x1024xf32>
      tpu.vector_store %arg5[%swap3A, %swap3A_27], %dot_general3A_26 {strides = array<i32>} : memref<256x1024xf32, #tpu.memory_space<vmem>>, vector<256x1024xf32>,
    } else {
    }
    return
  }
  func.func @transform_0(%arg0: i32, %arg1: memref<32x1xi32, #tpu.memory_space<smem>>) -> (i32, i32) {
    %get3A = arith.constant 31 : index
    %get3A_0 = arith.constant 0 : index
    %get3A_1 = memref.load %arg1[%get3A, %get3A_0] : memref<32x1xi32, #tpu.memory_space<smem>>
    %sub3A = arith.constant 1 : i32
    %sub3A_2 = arith.subi %get3A_1, %sub3A : i32
    %min3A = arith.minsi %arg0, %sub3A_2 : i32
    %c0_i32 = arith.constant 0 : i32
    %c0_i32_3 = arith.constant 0 : i32
    return %min3A, %c0_i32 : i32, i32
  }
  func.func @transform_1(%arg0: i32, %arg1: memref<32x1xi32, #tpu.memory_space<smem>>) -> (i32, i32, i32) {
    %get3A = arith.index_cast %arg0 : i32 to index
    %get3A_0 = arith.constant 0 : index
    %get3A_1 = memref.load %arg1[%get3A, %get3A_0] : memref<32x1xi32, #tpu.memory_space<smem>>
    %c0_i32 = arith.constant 0 : i32
    %c0_i32_2 = arith.constant 0 : i32
    %c0_i32_3 = arith.constant 0 : i32
    return %get3A_1, %c0_i32, %c0_i32_2 : i32, i32, i32
  }
  func.func @transform_2(%arg0: i32, %arg1: memref<32x1xi32, #tpu.memory_space<smem>>) -> (i32, i32, i32) {
    %get3A = arith.index_cast %arg0 : i32 to index
    %get3A_0 = arith.constant 0 : index
    %get3A_1 = memref.load %arg1[%get3A, %get3A_0] : memref<32x1xi32, #tpu.memory_space<smem>>
    %c0_i32 = arith.constant 0 : i32
    %c0_i32_2 = arith.constant 0 : i32
    %c0_i32_3 = arith.constant 0 : i32
    return %get3A_1, %c0_i32, %c0_i32_2 : i32, i32, i32
  }
  func.func @transform_3(%arg0: i32, %arg1: memref<32x1xi32, #tpu.memory_space<smem>>) -> (i32, i32) {
    %c0_i32 = arith.constant 0 : i32
    %c0_i32_0 = arith.constant 0 : i32
    return %arg0, %c0_i32 : i32, i32
  }
}

</mosaic_0001>

<sc_bundles>
// kernel: kernel.6.cloned.1.call-start
scs
__scs_entry_jumppad:
0x0: {  	(pc) =	sbr.rel $0x88, $3  }
0x1: {  	(tag) =	ssettag $0x0;
	lr =	simm.s32 $0x1  }
0x2: {  	[smem:$0x3F9D] =	sst lr;
	_ =	strace $0xD0000000  }
0x3: {  	_ = 	snop  }
0x4: {  	_ = 	snop  }
0x5: {  	_ = 	snop  }
0x6: {  	_ = 	snop  }
0x7: {  	_ = 	snop  }
__scs_overlays_trampoline_lowered:
0x8: {  	[smem:$0x3FAC] =	sst s0  }
0x9: {  	[smem:$0x3FAD] =	sst s1  }
0xa: {  	[smem:$0x3FAE] =	sst s2  }
0xb: {  	[smem:$0x3FAF] =	sst s3  }
0xc: {  	[smem:$0x3FB0] =	sst s4  }
0xd: {  	[smem:$0x3FB1] =	sst s5  }
0xe: {  	[smem:$0x3FB2] =	sst s6  }
0xf: {  	[smem:$0x3FB3] =	sst s7  }
0x10: {  	[smem:$0x3FB4] =	sst s8  }
0x11: {  	[smem:$0x3FB5] =	sst s9;
	s0 =	simm.s32 @!p0 $0x0  }
0x12: {  	s1 =	sld [smem:$0x3F9B];
	s0 =	simm.s32 @p0 $0x1  }
0x13: {  	[smem:$0x3FB6] =	sst s0;
	s0 =	simm.s32 @!p1 $0x0  }
0x14: {  	s2 =	sld [smem:$0x3F9A];
	s0 =	simm.s32 @p1 $0x1  }
0x15: {  	[smem:$0x3FB7] =	sst s0;
	s0 =	simm.s32 @!p2 $0x0  }
0x16: {  	s3 =	sld [smem:$0x3FDB];
	s0 =	simm.s32 @p2 $0x1  }
0x17: {  	s4 =	simm.s32 $0x1BF5;
	[smem:$0x3FB9] =	sst s0  }
0x18: {  	s0 =	sld [smem:$0x3F9C];
	_ =	swait.ge [sflag:s4], $0x0  }
0x19: {  	s7 =	sld [smem:$0x3F9D]  }
0x1a: {  	s8 =	sadd.s32 $0xFFFFE003, lr  }
0x1b: {  	s9 =	sadd.s32 $0xFFFFFEF7, lr;
	s5 =	simm.s32 $0xFFFFFFFF;
	p2 =	slt.u32 s8, $0xFFFFF086  }
0x1c: {  	p1 =	slt.u32 s9, $0xF7A;
	s5 =	simm.s32 @!p2 $0x0  }
0x1d: {  	s5 =	simm.s32 @p1 $0x1;
	p0 =	seq.s32 s7, s2  }
0x1e: {  	s7 =	smul.u32 @!p0 $0xF7A, s2;
	p2 =	seq.s32 @!p0 s5, $0x0  }
0x1f: {  	s9 =	smul.u32 $0xF7A, s1;
	s8 =	simm.s32 @!p0 $0x1BF5;
	p2 =	por !p2, p0  }
0x20: {  	[sflag:s8] =	ssyncset.s32 @!p0 $0xFFFFF086;
	s6 =	sadd.s32 @!p0 s3, s7;
	s7 =	simm.s32 @!p0 $0x108  }
0x21: {  	s3 =	sadd.s32 s3, s9;
	s6 =	sadd.s32 @!p0 $0x88, s6;
	s7 =	simm.s32 @p2 $0x1082  }
0x22: {  	[simem:s7], [sflag:s8] =	dma.local @!p0 [hbm:s6], $0xF7A  }
0x23: {  	s9 =	sor.u32 $0xD0000000, s2;
	s6 =	simm.s32 $0x108;
	_ =	swait.ge @!p0 [sflag:s8], $0x0  }
0x24: {  	s3 =	sadd.s32 $0x88, s3;
	s6 =	simm.s32 @!p1 $0x1082;
	[sflag:s4] =	ssyncset.s32 $0xFFFFF086  }
0x25: {  	[simem:s6], [sflag:s4] =	dma.local [hbm:s3], $0xF7A  }
0x26: {  	[smem:$0x3F9D] =	sst s1;
	(tag) =	ssettag s2;
	_ =	strace s9  }
0x27: {  	s1 =	sld [smem:$0x3FAD]  }
0x28: {  	s2 =	sld [smem:$0x3FAE]  }
0x29: {  	s4 =	sld [smem:$0x3FB0]  }
0x2a: {  	p0 =	seq.s32 s5, $0x0;
	s5 =	sld [smem:$0x3FB1]  }
0x2b: {  	s6 =	sld [smem:$0x3FB2]  }
0x2c: {  	s7 =	sld [smem:$0x3FB3]  }
0x2d: {  	s3 =	simm.s32 $0x108;
	s8 =	sld [smem:$0x3FB4]  }
0x2e: {  	s3 =	simm.s32 @!p0 $0x1082;
	s9 =	sld [smem:$0x3FB5]  }
0x2f: {  	lr =	sadd.s32 s0, s3;
	s0 =	sld [smem:$0x3FAC]  }
0x30: {  	s3 =	sld [smem:$0x3FAF]  }
0x31: {  	[smem:$0x3FB8] =	sst s10  }
0x32: {  	s10 =	sld [smem:$0x3FB6];
	_ =	sdelay $0x3  }
0x33: {  	p0 =	seq.s32 s10, $0x1;
	s10 =	sld [smem:$0x3FB8];
	_ =	sdelay $0x3  }
0x34: {  	[smem:$0x3FB8] =	sst s10  }
0x35: {  	s10 =	sld [smem:$0x3FB7];
	_ =	sdelay $0x3  }
0x36: {  	p1 =	seq.s32 s10, $0x1;
	s10 =	sld [smem:$0x3FB8];
	_ =	sdelay $0x3  }
0x37: {  	[smem:$0x3FB8] =	sst s10  }
0x38: {  	s10 =	sld [smem:$0x3FB9]  }
0x39: {  	_ = 	snop;
	(pc) =	sbr.ind lr, $3  }
0x3a: {  	_ = 	snop  }
0x3b: {  	_ = 	snop  }
0x3c: {  	p2 =	seq.s32 s10, $0x1;
	s10 =	sld [smem:$0x3FB8]  }
0x3d: {  	_ =	shalt  }
0x3e: {  	_ =	shalt  }
0x3f: {  	_ =	shalt  }
0x40: {  	_ =	shalt  }
0x41: {  	_ =	shalt  }
0x42: {  	_ =	shalt  }
0x43: {  	_ =	shalt  }
0x44: {  	_ =	shalt  }
0x45: {  	_ =	shalt  }
0x46: {  	_ =	shalt  }
0x47: {  	_ =	shalt  }
0x48: {  	_ =	shalt  }
0x49: {  	_ =	shalt  }
0x4a: {  	_ =	shalt  }
0x4b: {  	_ =	shalt  }
0x4c: {  	_ =	shalt  }
0x4d: {  	_ =	shalt  }
0x4e: {  	_ =	shalt  }
0x4f: {  	_ =	shalt  }
0x50: {  	_ =	shalt  }
0x51: {  	_ =	shalt  }
0x52: {  	_ =	shalt  }
0x53: {  	_ =	shalt  }
0x54: {  	_ =	shalt  }
0x55: {  	_ =	shalt  }
0x56: {  	_ =	shalt  }
0x57: {  	_ =	shalt  }
0x58: {  	_ =	shalt  }
0x59: {  	_ =	shalt  }
0x5a: {  	_ =	shalt  }
0x5b: {  	_ =	shalt  }
0x5c: {  	_ =	shalt  }
0x5d: {  	_ =	shalt  }
0x5e: {  	_ =	shalt  }
0x5f: {  	_ =	shalt  }
0x60: {  	_ =	shalt  }
0x61: {  	_ =	shalt  }
0x62: {  	_ =	shalt  }
0x63: {  	_ =	shalt  }
0x64: {  	_ =	shalt  }
0x65: {  	_ =	shalt  }
0x66: {  	_ =	shalt  }
0x67: {  	_ =	shalt  }
0x68: {  	_ =	shalt  }
0x69: {  	_ =	shalt  }
0x6a: {  	_ =	shalt  }
0x6b: {  	_ =	shalt  }
0x6c: {  	_ =	shalt  }
0x6d: {  	_ =	shalt  }
0x6e: {  	_ =	shalt  }
0x6f: {  	_ =	shalt  }
0x70: {  	_ =	shalt  }
0x71: {  	_ =	shalt  }
0x72: {  	_ =	shalt  }
0x73: {  	_ =	shalt  }
0x74: {  	_ =	shalt  }
0x75: {  	_ =	shalt  }
0x76: {  	_ =	shalt  }
0x77: {  	_ =	shalt  }
0x78: {  	_ =	shalt  }
0x79: {  	_ =	shalt  }
0x7a: {  	_ =	shalt  }
0x7b: {  	_ =	shalt  }
0x7c: {  	_ =	shalt  }
0x7d: {  	_ =	shalt  }
0x7e: {  	_ =	shalt  }
0x7f: {  	_ =	shalt  }
0x80: {  	_ =	shalt  }
0x81: {  	_ =	shalt  }
0x82: {  	_ =	shalt  }
0x83: {  	_ =	shalt  }
0x84: {  	_ =	shalt  }
0x85: {  	_ =	shalt  }
0x86: {  	_ =	shalt  }
0x87: {  	_ =	shalt  }
.Lfunc_end0:
.L_simem_size_0:
called_computation_lowered:
.L_overlay_start_0:
0x88: {  	s2 =	sld [smem:$0x3FD9]  }
0x89: {  	s3 =	sld [smem:$0x3FFE];
	_ =	sdelay $0x1  }
0x8a: {  	s1 =	srdreg.scid  }
0x8b: {  	s0 =	sand.u32 $0x1, s1  }
0x8c: {  	s14 =	sshll.u32 s0, $0xA;
	s2 =	sadd.s32 s3, s2  }
0x8d: {  	s2 =	sadd.s32 s2, s14  }
0x8e: {  	[smem:$0x3FC4] =	sst s2  }
0x8f: {  	_ = 	snop  }
0x90: {  	s2 =	sld [smem:$0x3FD0];
	_ =	sdelay $0x2  }
0x91: {  	s4 =	simm.s32 $0xA;
	s5 =	simm.s32 $0x10;
	s15 =	sld [smem:$0x3FC9]  }
0x92: {  	[smem:s5], [sflag:s4] =	dma.local [hbm:s2], $0x1  }
0x93: {  	_ =	swait.eq [sflag:s4], $0x1  }
0x94: {  	[sflag:s4] =	ssyncset.done $0x0  }
0x95: {  	s16 =	sld [smem:$0x10];
	[sflag:s4] =	ssyncadd.s32 $0xFFFFFFFF  }
0x96: {  	s17 =	sld [smem:$0x11];
	(tm) =	ssettm $0x1  }
0x97: {  	s18 =	sld [smem:$0x3FFB];
	_ =	sdelay $0x3  }
0x98: {  	_ =	strace s18  }
0x99: {  	s5 =	sld [smem:$0x3FFC];
	_ =	sdelay $0x3  }
0x9a: {  	_ =	strace s5  }
0x9b: {  	s5 =	sld [smem:$0x3FFD];
	_ =	sdelay $0x3  }
0x9c: {  	_ =	strace s5  }
0x9d: {  	_ =	strace $0x8FFFFFFF  }
0x9e: {  	s19 =	sld [smem:$0x3FDB];
	_ =	sdelay $0x1  }
0x9f: {  	s6 =	simm.s32 $_scs_section_size  }
0xa0: {  	s7 =	simm.s32 $_size__tile_overlayer_lowered;
	s8 =	simm.s32 $_tile_overlayer_lowered  }
0xa1: {  	s22 =	simm.s32 $0x1BFF;
	s21 =	sshll.u32 s8, $0x1;
	s5 =	sadd.s32 s6, s19  }
0xa2: {  	s9 =	simm.s32 $0x0;
	s20 =	sshll.u32 s7, $0x1;
	s7 =	sadd.s32 s21, s5  }
0xa3: {  	[timem:s9], [sflag:s22] =	dma.local [hbm:s7], s20  }
0xa4: {  	_ =	swait.ge [sflag:s22], s20  }
0xa5: {  	s6 =	ssub.s32 $0x0, s20;
	[sflag:s22] =	ssyncset.done $0x0  }
0xa6: {  	[sflag:s22] =	ssyncadd.s32 s6;
	_ =	sdelay $0x1  }
0xa7: {  	s23 =	simm.s32 $0x1B8B  }
0xa8: {  	_ =	swait.ge [sflag:s23], $0x1  }
0xa9: {  	[sflag:s23] =	ssyncset.done $0x0  }
0xaa: {  	s25 =	simm.s32 $0x1B8E;
	s24 =	sld [smem:$0x3FFE];
	[sflag:s23] =	ssyncadd.s32 $0xFFFFFFFF  }
0xab: {  	s26 =	simm.s32 $execute0_lowered;
	[smem:$0x3FD2] =	sst s25  }
0xac: {  	s7 =	sshll.u32 s26, $0x1;
	_ =	strace $0x80000046;
	[dreg:$0x1] =	wrdreg $0xFFFFFFFF  }
0xad: {  	s28 =	simm.s32 $_size_execute0_lowered;
	s5 =	sadd.s32 s5, s7;
	[dreg:$0x0] =	wrdreg $0x0  }
0xae: {  	s7 =	sshll.u32 s28, $0x1;
	[dreg:$0x2] =	wrdreg s5  }
0xaf: {  	[dreg:$0x3] =	wrdreg s7  }
0xb0: {  	[dreg:$0x4] =	wrdreg $0xC0  }
0xb1: {  	_ =	task [dreg:s9], $0x5FFFF  }
0xb2: {  	[dreg:$0x1] =	wrdreg $0xFFFFFFFF  }
0xb3: {  	[dreg:$0x0] =	wrdreg $0x60  }
0xb4: {  	[dreg:$0x2] =	wrdreg s15  }
0xb5: {  	[dreg:$0x3] =	wrdreg s17  }
0xb6: {  	[dreg:$0x4] =	wrdreg s16  }
0xb7: {  	[dreg:$0x5] =	wrdreg s24  }
0xb8: {  	[dreg:$0x6] =	wrdreg $0x9  }
0xb9: {  	_ =	task.clear_ibuf [dreg:s9], $0x7FFFF;
	_ =	strace $0x90000046  }
0xba: {  	s29 =	simm.s32 $0x9;
	_ =	strace $0x80000048  }
0xbb: {  	_ =	swait.ge [sflag:s29], $0x1  }
0xbc: {  	[sflag:s29] =	ssyncadd.s32 $0xFFFFFFFF  }
0xbd: {  	_ =	strace $0x90000048  }
0xbe: {  	_ =	sfence  }
0xbf: {  	s30 =	sld [smem:$0x0];
	_ =	sdelay $0x2  }
0xc0: {  	s31 =	sshll.u32 s1, $0xD;
	s1 =	sshrl.u32 s1, $0x2  }
0xc1: {  	s3 =	sand.u32 $0x4000, s31;
	s1 =	sadd.s32 s1, s30  }
0xc2: {  	s0 =	sor.u32 s3, s0;
	s1 =	sshll.u32 s1, $0x11  }
0xc3: {  	s0 =	sor.u32 s1, s0  }
0xc4: {  	s0 =	sadd.s32 $0x8F2B, s0  }
0xc5: {  	[sflag:s0] =	ssyncadd.remote.s32 $0x1  }
0xc6: {  	_ =	sfence.sel $0xFFFF  }
0xc7: {  	[dreg:$0x0] =	wrdreg $0xFFFFFFFF;
	(pc) =	sbr.abs _section_cstart, $3  }
0xc8: {  	[dreg:$0x1] =	wrdreg $0xFFFFFFFF  }
0xc9: {  	_ =	task.clear_ibuf [dreg:s9], $0x2FFFF;
	_ =	strace $0x9FFFFFFF  }
0xca: {  	(tm) =	ssettm $0x7FFFFFFF  }
0xcb: {  	_ =	shalt  }
tec
execute0_lowered:
.L_overlay_start_1:
0x0: {  	(tag) =	ssettag $0x1  }
0x1: {  	s0 =	rddreg [dreg:$0x0]  }
0x2: {  	s1 =	rddreg [dreg:$0x1]  }
0x3: {  	s2 =	rddreg [dreg:$0x2]  }
0x4: {  	s6 =	rddreg [dreg:$0x3]  }
0x5: {  	s3 =	srdreg.scid;
	s5 =	stileid.u32  }
0x6: {  	s24 =	simm.s32 $0x80;
	s25 =	simm.s32 $0x100;
	s26 =	simm.s32 $0x180  }
0x7: {  	s28 =	simm.s32 $0x3200;
	s29 =	simm.s32 $0x3A00;
	s30 =	simm.s32 $0x4200  }
0x8: {  	s31 =	simm.s32 $0x4A00;
	s11 =	simm.s32 $0x6200;
	s12 =	simm.s32 $0x6A00  }
0x9: {  	s13 =	simm.s32 $0x7200;
	s14 =	simm.s32 $0x7A00;
	s15 =	simm.s32 $0x8200  }
0xa: {  	s16 =	simm.s32 $0x8A00;
	s17 =	simm.s32 $0x9200;
	s18 =	simm.s32 $0x9A00  }
0xb: {  	s19 =	simm.s32 $0xA200;
	s20 =	simm.s32 $0xB200;
	s10 =	simm.s32 $0xC200  }
0xc: {  	[dreg:$0x5] =	wrdreg s2;
	s2 =	simm.s32 $0x0;
	s4 =	sand.u32 $0x1, s3  }
0xd: {  	s5 =	sshll.u32 s5, $0x7;
	s3 =	sadd.s32 $0x800, s6;
	[smem:$0x7FF] =	sst s2  }
0xe: {  	s7 =	sshll.u32 s4, $0x6;
	_ =	strace $0x80000047;
	[dreg:$0xa] =	wrdreg s24  }
0xf: {  	s4 =	ssub.s32 $0x2, s4;
	s5 =	sor.u32 s7, s5;
	[dreg:$0xb] =	wrdreg s25  }
0x10: {  	s9 =	sshrl.u32 s4, $0x1;
	[dreg:$0xc] =	wrdreg s26;
	s24 =	simm.s32 $0x1A00  }
0x11: {  	s25 =	simm.s32 $0x2200;
	s26 =	simm.s32 $0x2A00;
	s7 =	sshrl.u32 s5, $0x3  }
0x12: {  	s5 =	sshll.u32 s5, $0x7;
	s9 =	ssub.s32 s4, s9;
	s4 =	sadd.s32 $0x900, s6  }
0x13: {  	s8 =	sadd.s32 s7, s6;
	s0 =	sadd.s32 s0, s5;
	s21 =	sadd.s32 s1, s7  }
0x14: {  	s5 =	sadd.s32 $0xA00, s6;
	s6 =	sadd.s32 $0xB00, s6;
	[dreg:$0x6] =	wrdreg s0  }
0x15: {  	v2 =	vlaneseq.u32;
	s7 =	smax.u32 s9, $0x1;
	[dreg:$0x7] =	wrdreg s21;
	s22 =	sadd.s32 $0xB8800, s8  }
0x16: {  	vm0 =	vmmov $0xffff;
	v1 =	vshrl.u32 v2, $0x3;
	s9 =	simm.s32 $0x4;
	s23 =	sadd.s32 $0xB8A00, s8;
	[dreg:$0x8] =	wrdreg s22  }
0x17: {  	v0 =	vand.u32 $0x7, v2;
	v2 =	vor.u32 $0x8, v2;
	v1 =	vmul.u32 $0x8, v1;
	s8 =	simm.s32 $0xAA00;
	s21 =	simm.s32 $0xBA00;
	[dreg:$0x9] =	wrdreg s23  }
.LBB2_1:
0x18: {  	s22 =	rddreg [dreg:$0x6];
	s0 =	simm.s32 $0x200  }
0x19: {  	[tilespmem:s0], [sflag:$0x3] =	stream.linear.gather [hbm4b:s22+s2], $0x10000, $0x38;
	[tilespmem:$0x10200] =	vst v63  }
0x1a: {  	s23 =	rddreg [dreg:$0x5]  }
0x1b: {  	[tilespmem:s2], [sflag:$0x4] =	stream.linear.gather [hbm4b:s23+s2], $0x80, $0x38;
	[tilespmem:$0x10200] =	vst v63  }
0x1c: {  	_ =	swait.ge [sflag:s9], $0x80  }
0x1d: {  	s23 =	rddreg [dreg:$0x7];
	[sflag:s9] =	ssyncset.done $0x0  }
0x1e: {  	s0 =	rddreg [dreg:$0xa];
	[sflag:s9] =	ssyncadd.s32 $0xFFFFFF80  }
0x1f: {  	[tilespmem:s0], [sflag:$0x4] =	stream.linear.gather [hbm4b:s23+s2], $0x40, $0x38;
	[tilespmem:$0x10200] =	vst v63  }
0x20: {  	_ =	swait.ge [sflag:s9], $0x40  }
0x21: {  	[sflag:s9] =	ssyncset.done $0x0  }
0x22: {  	[sflag:s9] =	ssyncadd.s32 $0xFFFFFFC0  }
0x23: {  	v3 =	vld [tilespmem:$0x80];
	_ =	sdelay $0x4  }
0x24: {  	v4 =	vshra.s32 v3, $0x1B;
	_ =	sdelay $0x4  }
0x25: {  	v4 =	vld.idx.msk [tilespmem:v4+s2+$0x0], $0xffff  }
0x26: {  	v5 =	vshrl.u32 v3, $0xC  }
0x27: {  	v5 =	vand.u32 $0x7, v5  }
0x28: {  	v6 =	vshrl.u32 v3, $0xF  }
0x29: {  	v7 =	vld [tilespmem:$0x90];
	v6 =	vand.u32 $0xFFF, v6  }
0x2a: {  	v4 =	vadd.s32 v4, v6  }
0x2b: {  	[tilespmem:$0x100] =	vst v4  }
0x2c: {  	v4 =	vld.idx.msk [tilespmem:v5+s2+$0x0], $0xffff;
	_ =	sdelay $0x1  }
0x2d: {  	v42 =	vshra.s32 v7, $0x1B;
	_ =	sdelay $0x1  }
0x2e: {  	v3 =	vand.u32 $0xFFF, v3  }
0x2f: {  	v3 =	vadd.s32 v3, v4  }
0x30: {  	[tilespmem:$0x180] =	vst v3  }
0x31: {  	v3 =	vld.idx.msk [tilespmem:v42+s2+$0x0], $0xffff  }
0x32: {  	v43 =	vshrl.u32 v7, $0xC  }
0x33: {  	v4 =	vand.u32 $0x7, v43  }
0x34: {  	v44 =	vshrl.u32 v7, $0xF  }
0x35: {  	v45 =	vld [tilespmem:$0xA0];
	v5 =	vand.u32 $0xFFF, v44  }
0x36: {  	v3 =	vadd.s32 v3, v5  }
0x37: {  	[tilespmem:$0x110] =	vst v3  }
0x38: {  	v3 =	vld.idx.msk [tilespmem:v4+s2+$0x0], $0xffff;
	_ =	sdelay $0x1  }
0x39: {  	v46 =	vshra.s32 v45, $0x1B;
	_ =	sdelay $0x1  }
0x3a: {  	v47 =	vand.u32 $0xFFF, v7  }
0x3b: {  	v3 =	vadd.s32 v47, v3  }
0x3c: {  	[tilespmem:$0x190] =	vst v3  }
0x3d: {  	v3 =	vld.idx.msk [tilespmem:v46+s2+$0x0], $0xffff  }
0x3e: {  	v48 =	vshrl.u32 v45, $0xC  }
0x3f: {  	v4 =	vand.u32 $0x7, v48  }
0x40: {  	v49 =	vshrl.u32 v45, $0xF  }
0x41: {  	v50 =	vld [tilespmem:$0xB0];
	v5 =	vand.u32 $0xFFF, v49  }
0x42: {  	v3 =	vadd.s32 v3, v5  }
0x43: {  	[tilespmem:$0x120] =	vst v3  }
0x44: {  	v3 =	vld.idx.msk [tilespmem:v4+s2+$0x0], $0xffff;
	_ =	sdelay $0x1  }
0x45: {  	v51 =	vshra.s32 v50, $0x1B;
	_ =	sdelay $0x1  }
0x46: {  	v52 =	vand.u32 $0xFFF, v45  }
0x47: {  	v3 =	vadd.s32 v52, v3  }
0x48: {  	[tilespmem:$0x1A0] =	vst v3  }
0x49: {  	v3 =	vld.idx.msk [tilespmem:v51+s2+$0x0], $0xffff  }
0x4a: {  	v53 =	vshrl.u32 v50, $0xC  }
0x4b: {  	v4 =	vand.u32 $0x7, v53  }
0x4c: {  	v54 =	vshrl.u32 v50, $0xF  }
0x4d: {  	v5 =	vand.u32 $0xFFF, v54  }
0x4e: {  	v3 =	vadd.s32 v3, v5  }
0x4f: {  	[tilespmem:$0x130] =	vst v3  }
0x50: {  	v3 =	vld.idx.msk [tilespmem:v4+s2+$0x0], $0xffff;
	_ =	sdelay $0x3  }
0x51: {  	v55 =	vand.u32 $0xFFF, v50  }
0x52: {  	v3 =	vadd.s32 v55, v3  }
0x53: {  	s23 =	simm.s32 $0x3;
	[tilespmem:$0x1B0] =	vst v3  }
0x54: {  	_ =	swait.ge [sflag:s23], $0x10000  }
0x55: {  	[sflag:s23] =	ssyncset.done $0x0  }
0x56: {  	[sflag:s23] =	ssyncadd.s32 $0xFFFF0000  }
0x57: {  	v3 =	vld [tilespmem:$0x100];
	_ =	sdelay $0x4  }
0x58: {  	v56 =	vshll.u32 v3, $0x3  }
0x59: {  	v3 =	vand.u32 $0x7, v3;
	v4 =	vand.u32 $0xFFFFFFC0, v56  }
0x5a: {  	v3 =	vor.u32 v3, v4  }
0x5b: {  	v4 =	vperm.xlane v3, v0;
	_ =	sdelay $0x1  }
0x5c: {  	v4 =	vadd.s32 v1, v4;
	_ =	sdelay $0x3  }
0x5d: {  	s1 =	simm.s32 $0x200  }
0x5e: {  	[hbm4b:s3+s2] =	stream.indirect_vreg.scatter [tilespmem:s1], [sflag:$0x1], $0x80, v4, vm0, $0xb8;
	[tilespmem:$0x10200] =	vst v63  }
0x5f: {  	s22 =	simm.s32 $0xA00;
	v3 =	vperm.xlane v3, v2  }
0x60: {  	[hbm4b:s4+s2] =	stream.indirect_vreg.scatter [tilespmem:s22], [sflag:$0x1], $0x80, v4, vm0, $0xb8;
	[tilespmem:$0x10200] =	vst v63  }
0x61: {  	s23 =	simm.s32 $0x1200;
	v3 =	vadd.s32 v1, v3  }
0x62: {  	[hbm4b:s5+s2] =	stream.indirect_vreg.scatter [tilespmem:s23], [sflag:$0x1], $0x80, v4, vm0, $0xb8;
	[tilespmem:$0x10200] =	vst v63  }
0x63: {  	_ = 	snop  }
0x64: {  	[hbm4b:s6+s2] =	stream.indirect_vreg.scatter [tilespmem:s24], [sflag:$0x1], $0x80, v4, vm0, $0xb8;
	[tilespmem:$0x10200] =	vst v63  }
0x65: {  	_ = 	snop  }
0x66: {  	[hbm4b:s3+s2] =	stream.indirect_vreg.scatter [tilespmem:s25], [sflag:$0x1], $0x80, v3, vm0, $0xb8;
	[tilespmem:$0x10200] =	vst v63  }
0x67: {  	_ = 	snop  }
0x68: {  	[hbm4b:s4+s2] =	stream.indirect_vreg.scatter [tilespmem:s26], [sflag:$0x1], $0x80, v3, vm0, $0xb8;
	[tilespmem:$0x10200] =	vst v63  }
0x69: {  	_ = 	snop  }
0x6a: {  	[hbm4b:s5+s2] =	stream.indirect_vreg.scatter [tilespmem:s28], [sflag:$0x1], $0x80, v3, vm0, $0xb8;
	[tilespmem:$0x10200] =	vst v63  }
0x6b: {  	_ = 	snop  }
0x6c: {  	[hbm4b:s6+s2] =	stream.indirect_vreg.scatter [tilespmem:s29], [sflag:$0x1], $0x80, v3, vm0, $0xb8;
	[tilespmem:$0x10200] =	vst v63  }
0x6d: {  	v3 =	vld [tilespmem:$0x110];
	_ =	sdelay $0x4  }
0x6e: {  	v57 =	vshll.u32 v3, $0x3  }
0x6f: {  	v3 =	vand.u32 $0x7, v3;
	v4 =	vand.u32 $0xFFFFFFC0, v57  }
0x70: {  	v3 =	vor.u32 v3, v4  }
0x71: {  	v4 =	vperm.xlane v3, v0;
	_ =	sdelay $0x1  }
0x72: {  	v4 =	vadd.s32 v1, v4;
	_ =	sdelay $0x4  }
0x73: {  	[hbm4b:s3+s2] =	stream.indirect_vreg.scatter [tilespmem:s30], [sflag:$0x1], $0x80, v4, vm0, $0xb8;
	[tilespmem:$0x10200] =	vst v63  }
0x74: {  	v3 =	vperm.xlane v3, v2  }
0x75: {  	[hbm4b:s4+s2] =	stream.indirect_vreg.scatter [tilespmem:s31], [sflag:$0x1], $0x80, v4, vm0, $0xb8;
	[tilespmem:$0x10200] =	vst v63  }
0x76: {  	s1 =	simm.s32 $0x5200;
	v3 =	vadd.s32 v1, v3  }
0x77: {  	[hbm4b:s5+s2] =	stream.indirect_vreg.scatter [tilespmem:s1], [sflag:$0x1], $0x80, v4, vm0, $0xb8;
	[tilespmem:$0x10200] =	vst v63  }
0x78: {  	s1 =	simm.s32 $0x5A00  }
0x79: {  	[hbm4b:s6+s2] =	stream.indirect_vreg.scatter [tilespmem:s1], [sflag:$0x1], $0x80, v4, vm0, $0xb8;
	[tilespmem:$0x10200] =	vst v63  }
0x7a: {  	_ = 	snop  }
0x7b: {  	[hbm4b:s3+s2] =	stream.indirect_vreg.scatter [tilespmem:s11], [sflag:$0x1], $0x80, v3, vm0, $0xb8;
	[tilespmem:$0x10200] =	vst v63  }
0x7c: {  	_ = 	snop  }
0x7d: {  	[hbm4b:s4+s2] =	stream.indirect_vreg.scatter [tilespmem:s12], [sflag:$0x1], $0x80, v3, vm0, $0xb8;
	[tilespmem:$0x10200] =	vst v63  }
0x7e: {  	_ = 	snop  }
0x7f: {  	[hbm4b:s5+s2] =	stream.indirect_vreg.scatter [tilespmem:s13], [sflag:$0x1], $0x80, v3, vm0, $0xb8;
	[tilespmem:$0x10200] =	vst v63  }
0x80: {  	_ = 	snop  }
0x81: {  	[hbm4b:s6+s2] =	stream.indirect_vreg.scatter [tilespmem:s14], [sflag:$0x1], $0x80, v3, vm0, $0xb8;
	[tilespmem:$0x10200] =	vst v63  }
0x82: {  	v3 =	vld [tilespmem:$0x120];
	_ =	sdelay $0x4  }
0x83: {  	v58 =	vshll.u32 v3, $0x3  }
0x84: {  	v3 =	vand.u32 $0x7, v3;
	v4 =	vand.u32 $0xFFFFFFC0, v58  }
0x85: {  	v3 =	vor.u32 v3, v4  }
0x86: {  	v4 =	vperm.xlane v3, v0;
	_ =	sdelay $0x1  }
0x87: {  	v4 =	vadd.s32 v1, v4;
	_ =	sdelay $0x4  }
0x88: {  	[hbm4b:s3+s2] =	stream.indirect_vreg.scatter [tilespmem:s15], [sflag:$0x1], $0x80, v4, vm0, $0xb8;
	[tilespmem:$0x10200] =	vst v63  }
0x89: {  	v3 =	vperm.xlane v3, v2  }
0x8a: {  	[hbm4b:s4+s2] =	stream.indirect_vreg.scatter [tilespmem:s16], [sflag:$0x1], $0x80, v4, vm0, $0xb8;
	[tilespmem:$0x10200] =	vst v63  }
0x8b: {  	v3 =	vadd.s32 v1, v3  }
0x8c: {  	[hbm4b:s5+s2] =	stream.indirect_vreg.scatter [tilespmem:s17], [sflag:$0x1], $0x80, v4, vm0, $0xb8;
	[tilespmem:$0x10200] =	vst v63  }
0x8d: {  	_ = 	snop  }
0x8e: {  	[hbm4b:s6+s2] =	stream.indirect_vreg.scatter [tilespmem:s18], [sflag:$0x1], $0x80, v4, vm0, $0xb8;
	[tilespmem:$0x10200] =	vst v63  }
0x8f: {  	_ = 	snop  }
0x90: {  	[hbm4b:s3+s2] =	stream.indirect_vreg.scatter [tilespmem:s19], [sflag:$0x1], $0x80, v3, vm0, $0xb8;
	[tilespmem:$0x10200] =	vst v63  }
0x91: {  	_ = 	snop  }
0x92: {  	[hbm4b:s4+s2] =	stream.indirect_vreg.scatter [tilespmem:s8], [sflag:$0x1], $0x80, v3, vm0, $0xb8;
	[tilespmem:$0x10200] =	vst v63  }
0x93: {  	_ = 	snop  }
0x94: {  	[hbm4b:s5+s2] =	stream.indirect_vreg.scatter [tilespmem:s20], [sflag:$0x1], $0x80, v3, vm0, $0xb8;
	[tilespmem:$0x10200] =	vst v63  }
0x95: {  	_ = 	snop  }
0x96: {  	[hbm4b:s6+s2] =	stream.indirect_vreg.scatter [tilespmem:s21], [sflag:$0x1], $0x80, v3, vm0, $0xb8;
	[tilespmem:$0x10200] =	vst v63  }
0x97: {  	v3 =	vld [tilespmem:$0x130];
	_ =	sdelay $0x4  }
0x98: {  	v59 =	vshll.u32 v3, $0x3  }
0x99: {  	v3 =	vand.u32 $0x7, v3;
	v4 =	vand.u32 $0xFFFFFFC0, v59  }
0x9a: {  	v3 =	vor.u32 v3, v4  }
0x9b: {  	v4 =	vperm.xlane v3, v0;
	_ =	sdelay $0x1  }
0x9c: {  	v4 =	vadd.s32 v1, v4;
	_ =	sdelay $0x4  }
0x9d: {  	[hbm4b:s3+s2] =	stream.indirect_vreg.scatter [tilespmem:s10], [sflag:$0x1], $0x80, v4, vm0, $0xb8;
	[tilespmem:$0x10200] =	vst v63  }
0x9e: {  	s0 =	simm.s32 $0xCA00;
	v3 =	vperm.xlane v3, v2  }
0x9f: {  	[hbm4b:s4+s2] =	stream.indirect_vreg.scatter [tilespmem:s0], [sflag:$0x1], $0x80, v4, vm0, $0xb8;
	[tilespmem:$0x10200] =	vst v63  }
0xa0: {  	v3 =	vadd.s32 v1, v3;
	s0 =	simm.s32 $0xD200  }
0xa1: {  	[hbm4b:s5+s2] =	stream.indirect_vreg.scatter [tilespmem:s0], [sflag:$0x1], $0x80, v4, vm0, $0xb8;
	[tilespmem:$0x10200] =	vst v63  }
0xa2: {  	s0 =	simm.s32 $0xDA00  }
0xa3: {  	[hbm4b:s6+s2] =	stream.indirect_vreg.scatter [tilespmem:s0], [sflag:$0x1], $0x80, v4, vm0, $0xb8;
	[tilespmem:$0x10200] =	vst v63  }
0xa4: {  	s0 =	simm.s32 $0xE200  }
0xa5: {  	[hbm4b:s3+s2] =	stream.indirect_vreg.scatter [tilespmem:s0], [sflag:$0x1], $0x80, v3, vm0, $0xb8;
	[tilespmem:$0x10200] =	vst v63  }
0xa6: {  	s0 =	simm.s32 $0xEA00  }
0xa7: {  	[hbm4b:s4+s2] =	stream.indirect_vreg.scatter [tilespmem:s0], [sflag:$0x1], $0x80, v3, vm0, $0xb8;
	[tilespmem:$0x10200] =	vst v63  }
0xa8: {  	s0 =	simm.s32 $0xF200  }
0xa9: {  	[hbm4b:s5+s2] =	stream.indirect_vreg.scatter [tilespmem:s0], [sflag:$0x1], $0x80, v3, vm0, $0xb8;
	[tilespmem:$0x10200] =	vst v63  }
0xaa: {  	s0 =	simm.s32 $0xFA00  }
0xab: {  	[hbm4b:s6+s2] =	stream.indirect_vreg.scatter [tilespmem:s0], [sflag:$0x1], $0x80, v3, vm0, $0xb8;
	[tilespmem:$0x10200] =	vst v63  }
0xac: {  	v3 =	vld [tilespmem:$0x180];
	_ =	sdelay $0x4  }
0xad: {  	v60 =	vshll.u32 v3, $0x3  }
0xae: {  	v3 =	vand.u32 $0x7, v3;
	v4 =	vand.u32 $0xFFFFFFC0, v60  }
0xaf: {  	v3 =	vor.u32 v3, v4  }
0xb0: {  	v4 =	vperm.xlane v3, v0;
	_ =	sdelay $0x1  }
0xb1: {  	v4 =	vadd.s32 v1, v4;
	_ =	sdelay $0x3  }
0xb2: {  	s0 =	simm.s32 $0x200  }
0xb3: {  	[hbm4b:s3+s2] =	stream.indirect_vreg.scatter [tilespmem:s0], [sflag:$0x2], $0x80, v4, vm0, $0xb8;
	[tilespmem:$0x10200] =	vst v63  }
0xb4: {  	v3 =	vperm.xlane v3, v2  }
0xb5: {  	[hbm4b:s4+s2] =	stream.indirect_vreg.scatter [tilespmem:s22], [sflag:$0x2], $0x80, v4, vm0, $0xb8;
	[tilespmem:$0x10200] =	vst v63  }
0xb6: {  	v3 =	vadd.s32 v1, v3  }
0xb7: {  	[hbm4b:s5+s2] =	stream.indirect_vreg.scatter [tilespmem:s23], [sflag:$0x2], $0x80, v4, vm0, $0xb8;
	[tilespmem:$0x10200] =	vst v63  }
0xb8: {  	_ = 	snop  }
0xb9: {  	[hbm4b:s6+s2] =	stream.indirect_vreg.scatter [tilespmem:s24], [sflag:$0x2], $0x80, v4, vm0, $0xb8;
	[tilespmem:$0x10200] =	vst v63  }
0xba: {  	_ = 	snop  }
0xbb: {  	[hbm4b:s3+s2] =	stream.indirect_vreg.scatter [tilespmem:s25], [sflag:$0x2], $0x80, v3, vm0, $0xb8;
	[tilespmem:$0x10200] =	vst v63  }
0xbc: {  	_ = 	snop  }
0xbd: {  	[hbm4b:s4+s2] =	stream.indirect_vreg.scatter [tilespmem:s26], [sflag:$0x2], $0x80, v3, vm0, $0xb8;
	[tilespmem:$0x10200] =	vst v63  }
0xbe: {  	_ = 	snop  }
0xbf: {  	[hbm4b:s5+s2] =	stream.indirect_vreg.scatter [tilespmem:s28], [sflag:$0x2], $0x80, v3, vm0, $0xb8;
	[tilespmem:$0x10200] =	vst v63  }
0xc0: {  	_ = 	snop  }
0xc1: {  	[hbm4b:s6+s2] =	stream.indirect_vreg.scatter [tilespmem:s29], [sflag:$0x2], $0x80, v3, vm0, $0xb8;
	[tilespmem:$0x10200] =	vst v63  }
0xc2: {  	v3 =	vld [tilespmem:$0x190];
	_ =	sdelay $0x4  }
0xc3: {  	v61 =	vshll.u32 v3, $0x3  }
0xc4: {  	v3 =	vand.u32 $0x7, v3;
	v4 =	vand.u32 $0xFFFFFFC0, v61  }
0xc5: {  	v3 =	vor.u32 v3, v4  }
0xc6: {  	v4 =	vperm.xlane v3, v0;
	_ =	sdelay $0x1  }
0xc7: {  	v4 =	vadd.s32 v1, v4;
	_ =	sdelay $0x4  }
0xc8: {  	[hbm4b:s3+s2] =	stream.indirect_vreg.scatter [tilespmem:s30], [sflag:$0x2], $0x80, v4, vm0, $0xb8;
	[tilespmem:$0x10200] =	vst v63  }
0xc9: {  	v3 =	vperm.xlane v3, v2  }
0xca: {  	[hbm4b:s4+s2] =	stream.indirect_vreg.scatter [tilespmem:s31], [sflag:$0x2], $0x80, v4, vm0, $0xb8;
	[tilespmem:$0x10200] =	vst v63  }
0xcb: {  	s0 =	simm.s32 $0x5200;
	v3 =	vadd.s32 v1, v3  }
0xcc: {  	[hbm4b:s5+s2] =	stream.indirect_vreg.scatter [tilespmem:s0], [sflag:$0x2], $0x80, v4, vm0, $0xb8;
	[tilespmem:$0x10200] =	vst v63  }
0xcd: {  	_ = 	snop  }
0xce: {  	[hbm4b:s6+s2] =	stream.indirect_vreg.scatter [tilespmem:s1], [sflag:$0x2], $0x80, v4, vm0, $0xb8;
	[tilespmem:$0x10200] =	vst v63  }
0xcf: {  	_ = 	snop  }
0xd0: {  	[hbm4b:s3+s2] =	stream.indirect_vreg.scatter [tilespmem:s11], [sflag:$0x2], $0x80, v3, vm0, $0xb8;
	[tilespmem:$0x10200] =	vst v63  }
0xd1: {  	_ = 	snop  }
0xd2: {  	[hbm4b:s4+s2] =	stream.indirect_vreg.scatter [tilespmem:s12], [sflag:$0x2], $0x80, v3, vm0, $0xb8;
	[tilespmem:$0x10200] =	vst v63  }
0xd3: {  	_ = 	snop  }
0xd4: {  	[hbm4b:s5+s2] =	stream.indirect_vreg.scatter [tilespmem:s13], [sflag:$0x2], $0x80, v3, vm0, $0xb8;
	[tilespmem:$0x10200] =	vst v63  }
0xd5: {  	_ = 	snop  }
0xd6: {  	[hbm4b:s6+s2] =	stream.indirect_vreg.scatter [tilespmem:s14], [sflag:$0x2], $0x80, v3, vm0, $0xb8;
	[tilespmem:$0x10200] =	vst v63  }
0xd7: {  	v3 =	vld [tilespmem:$0x1A0];
	_ =	sdelay $0x4  }
0xd8: {  	v62 =	vshll.u32 v3, $0x3  }
0xd9: {  	v3 =	vand.u32 $0x7, v3;
	v4 =	vand.u32 $0xFFFFFFC0, v62  }
0xda: {  	v3 =	vor.u32 v3, v4  }
0xdb: {  	v4 =	vperm.xlane v3, v0;
	_ =	sdelay $0x1  }
0xdc: {  	v4 =	vadd.s32 v1, v4;
	_ =	sdelay $0x4  }
0xdd: {  	[hbm4b:s3+s2] =	stream.indirect_vreg.scatter [tilespmem:s15], [sflag:$0x2], $0x80, v4, vm0, $0xb8;
	[tilespmem:$0x10200] =	vst v63  }
0xde: {  	v3 =	vperm.xlane v3, v2  }
0xdf: {  	[hbm4b:s4+s2] =	stream.indirect_vreg.scatter [tilespmem:s16], [sflag:$0x2], $0x80, v4, vm0, $0xb8;
	[tilespmem:$0x10200] =	vst v63  }
0xe0: {  	v3 =	vadd.s32 v1, v3  }
0xe1: {  	[hbm4b:s5+s2] =	stream.indirect_vreg.scatter [tilespmem:s17], [sflag:$0x2], $0x80, v4, vm0, $0xb8;
	[tilespmem:$0x10200] =	vst v63  }
0xe2: {  	_ = 	snop  }
0xe3: {  	[hbm4b:s6+s2] =	stream.indirect_vreg.scatter [tilespmem:s18], [sflag:$0x2], $0x80, v4, vm0, $0xb8;
	[tilespmem:$0x10200] =	vst v63  }
0xe4: {  	_ = 	snop  }
0xe5: {  	[hbm4b:s3+s2] =	stream.indirect_vreg.scatter [tilespmem:s19], [sflag:$0x2], $0x80, v3, vm0, $0xb8;
	[tilespmem:$0x10200] =	vst v63  }
0xe6: {  	_ = 	snop  }
0xe7: {  	[hbm4b:s4+s2] =	stream.indirect_vreg.scatter [tilespmem:s8], [sflag:$0x2], $0x80, v3, vm0, $0xb8;
	[tilespmem:$0x10200] =	vst v63  }
0xe8: {  	_ = 	snop  }
0xe9: {  	[hbm4b:s5+s2] =	stream.indirect_vreg.scatter [tilespmem:s20], [sflag:$0x2], $0x80, v3, vm0, $0xb8;
	[tilespmem:$0x10200] =	vst v63  }
0xea: {  	_ = 	snop  }
0xeb: {  	[hbm4b:s6+s2] =	stream.indirect_vreg.scatter [tilespmem:s21], [sflag:$0x2], $0x80, v3, vm0, $0xb8;
	[tilespmem:$0x10200] =	vst v63  }
0xec: {  	v3 =	vld [tilespmem:$0x1B0];
	_ =	sdelay $0x4  }
0xed: {  	v63 =	vshll.u32 v3, $0x3  }
0xee: {  	v3 =	vand.u32 $0x7, v3;
	v4 =	vand.u32 $0xFFFFFFC0, v63  }
0xef: {  	v3 =	vor.u32 v3, v4  }
0xf0: {  	v4 =	vperm.xlane v3, v0;
	_ =	sdelay $0x1  }
0xf1: {  	v4 =	vadd.s32 v1, v4;
	_ =	sdelay $0x4  }
0xf2: {  	[hbm4b:s3+s2] =	stream.indirect_vreg.scatter [tilespmem:s10], [sflag:$0x2], $0x80, v4, vm0, $0xb8;
	[tilespmem:$0x10200] =	vst v63  }
0xf3: {  	s22 =	simm.s32 $0xCA00;
	v3 =	vperm.xlane v3, v2  }
0xf4: {  	[hbm4b:s4+s2] =	stream.indirect_vreg.scatter [tilespmem:s22], [sflag:$0x2], $0x80, v4, vm0, $0xb8;
	[tilespmem:$0x10200] =	vst v63  }
0xf5: {  	s23 =	simm.s32 $0xD200;
	v3 =	vadd.s32 v1, v3  }
0xf6: {  	[hbm4b:s5+s2] =	stream.indirect_vreg.scatter [tilespmem:s23], [sflag:$0x2], $0x80, v4, vm0, $0xb8;
	[tilespmem:$0x10200] =	vst v63  }
0xf7: {  	s0 =	simm.s32 $0xDA00  }
0xf8: {  	[hbm4b:s6+s2] =	stream.indirect_vreg.scatter [tilespmem:s0], [sflag:$0x2], $0x80, v4, vm0, $0xb8;
	[tilespmem:$0x10200] =	vst v63  }
0xf9: {  	s22 =	simm.s32 $0xE200  }
0xfa: {  	[hbm4b:s3+s2] =	stream.indirect_vreg.scatter [tilespmem:s22], [sflag:$0x2], $0x80, v3, vm0, $0xb8;
	[tilespmem:$0x10200] =	vst v63  }
0xfb: {  	s23 =	simm.s32 $0xEA00  }
0xfc: {  	[hbm4b:s4+s2] =	stream.indirect_vreg.scatter [tilespmem:s23], [sflag:$0x2], $0x80, v3, vm0, $0xb8;
	[tilespmem:$0x10200] =	vst v63  }
0xfd: {  	s0 =	simm.s32 $0xF200  }
0xfe: {  	[hbm4b:s5+s2] =	stream.indirect_vreg.scatter [tilespmem:s0], [sflag:$0x2], $0x80, v3, vm0, $0xb8;
	[tilespmem:$0x10200] =	vst v63  }
0xff: {  	s1 =	simm.s32 $0xFA00;
	s22 =	rddreg [dreg:$0x8]  }
0x100: {  	[hbm4b:s6+s2] =	stream.indirect_vreg.scatter [tilespmem:s1], [sflag:$0x2], $0x80, v3, vm0, $0xb8;
	[tilespmem:$0x10200] =	vst v63  }
0x101: {  	s23 =	rddreg [dreg:$0xb]  }
0x102: {  	[hbm4b:s22+s2] =	stream.linear.scatter [tilespmem:s23], [sflag:$0x4], $0x40, $0x38;
	[tilespmem:$0x10200] =	vst v63  }
0x103: {  	_ =	swait.ge [sflag:s9], $0x40  }
0x104: {  	s0 =	rddreg [dreg:$0x9];
	[sflag:s9] =	ssyncset.done $0x0  }
0x105: {  	s1 =	rddreg [dreg:$0xc];
	[sflag:s9] =	ssyncadd.s32 $0xFFFFFFC0  }
0x106: {  	[hbm4b:s0+s2] =	stream.linear.scatter [tilespmem:s1], [sflag:$0x4], $0x40, $0x38;
	[tilespmem:$0x10200] =	vst v63  }
0x107: {  	_ =	swait.ge [sflag:s9], $0x40  }
0x108: {  	[sflag:s9] =	ssyncset.done $0x0  }
0x109: {  	s22 =	simm.s32 $0x1;
	[sflag:s9] =	ssyncadd.s32 $0xFFFFFFC0  }
0x10a: {  	p0 =	sne.s32 s7, $0x1;
	_ =	swait.ge [sflag:s22], $0x10000  }
.Ltmp0:
0x10b: {  	[sflag:s22] =	ssyncset.done $0x0;
	(pc) =	sbr.rel @p0 .LBB2_1-.Ltmp0, $4  }
0x10c: {  	s23 =	simm.s32 $0x2;
	[sflag:s22] =	ssyncadd.s32 $0xFFFF0000  }
0x10d: {  	_ =	swait.ge [sflag:s23], $0x10000  }
0x10e: {  	[sflag:s23] =	ssyncset.done $0x0  }
0x10f: {  	s7 =	sadd.s32 $0xFFFFFFFF, s7;
	[sflag:s23] =	ssyncadd.s32 $0xFFFF0000  }
0x110: {  	_ =	sfence.sel $0x180000  }
0x111: {  	[bflag:$0x0] =	sbarrier.arrive $0xFFFF  }
0x112: {  	_ =	strace $0x90000047  }
0x113: {  	s0 =	stileid.u32;
	[bflag:$0x2] =	sbarrier.arrive $0xFFFF  }
0x114: {  	p0 =	sne.s32 s0, $0x0;
	s0 =	rddreg [dreg:$0x4]  }
0x115: {  	s0 =	sadd.s32 @!p0 $0x100000, s0  }
0x116: {  	[sflag:s0] =	ssyncadd.tile.s32 @!p0 $0x1;
	_ =	shalt  }
.Lfunc_end2:
_tile_overlayer_lowered:
.L_overlay_start_2:
0x117: {  	(tag) =	ssettag $0x2  }
0x118: {  	s0 =	rddreg [dreg:$0x0];
	s2 =	stileid.u32  }
0x119: {  	s1 =	rddreg [dreg:$0x1];
	p0 =	sne.s32 s2, $0x0  }
0x11a: {  	s3 =	rddreg [dreg:$0x2];
	[bflag:$0x3] =	sbarrier.arrive $0xFFFF;
	s2 =	simm.s32 @!p0 $0x1C04  }
0x11b: {  	[timem:s3], [sflag:s2] =	dma.local @!p0 [hbm:s0], s1  }
0x11c: {  	s0 =	simm.s32 @!p0 $0x4  }
0x11d: {  	_ =	swait.ge @!p0 [sflag:s0], s1  }
0x11e: {  	s1 =	ssub.s32 @!p0 $0x0, s1;
	[sflag:s0] =	ssyncset.done @!p0 $0x0  }
0x11f: {  	[sflag:s0] =	ssyncadd.s32 @!p0 s1  }
0x120: {  	[bflag:$0x3] =	sbarrier.arrive $0xFFFF  }
0x121: {  	_ =	shalt  }

// kernel: kernel.9.cloned.1.call-start
scs
__scs_entry_jumppad:
0x0: {  	(pc) =	sbr.rel $0x88, $3  }
0x1: {  	(tag) =	ssettag $0x0;
	lr =	simm.s32 $0x1  }
0x2: {  	[smem:$0x3F9D] =	sst lr;
	_ =	strace $0xD0000000  }
0x3: {  	_ = 	snop  }
0x4: {  	_ = 	snop  }
0x5: {  	_ = 	snop  }
0x6: {  	_ = 	snop  }
0x7: {  	_ = 	snop  }
__scs_overlays_trampoline_lowered:
0x8: {  	[smem:$0x3FAC] =	sst s0  }
0x9: {  	[smem:$0x3FAD] =	sst s1  }
0xa: {  	[smem:$0x3FAE] =	sst s2  }
0xb: {  	[smem:$0x3FAF] =	sst s3  }
0xc: {  	[smem:$0x3FB0] =	sst s4  }
0xd: {  	[smem:$0x3FB1] =	sst s5  }
0xe: {  	[smem:$0x3FB2] =	sst s6  }
0xf: {  	[smem:$0x3FB3] =	sst s7  }
0x10: {  	[smem:$0x3FB4] =	sst s8  }
0x11: {  	[smem:$0x3FB5] =	sst s9;
	s0 =	simm.s32 @!p0 $0x0  }
0x12: {  	s1 =	sld [smem:$0x3F9B];
	s0 =	simm.s32 @p0 $0x1  }
0x13: {  	[smem:$0x3FB6] =	sst s0;
	s0 =	simm.s32 @!p1 $0x0  }
0x14: {  	s2 =	sld [smem:$0x3F9A];
	s0 =	simm.s32 @p1 $0x1  }
0x15: {  	[smem:$0x3FB7] =	sst s0;
	s0 =	simm.s32 @!p2 $0x0  }
0x16: {  	s3 =	sld [smem:$0x3FDB];
	s0 =	simm.s32 @p2 $0x1  }
0x17: {  	s4 =	simm.s32 $0x1BF5;
	[smem:$0x3FB9] =	sst s0  }
0x18: {  	s0 =	sld [smem:$0x3F9C];
	_ =	swait.ge [sflag:s4], $0x0  }
0x19: {  	s7 =	sld [smem:$0x3F9D]  }
0x1a: {  	s8 =	sadd.s32 $0xFFFFE003, lr  }
0x1b: {  	s9 =	sadd.s32 $0xFFFFFEF7, lr;
	s5 =	simm.s32 $0xFFFFFFFF;
	p2 =	slt.u32 s8, $0xFFFFF086  }
0x1c: {  	p1 =	slt.u32 s9, $0xF7A;
	s5 =	simm.s32 @!p2 $0x0  }
0x1d: {  	s5 =	simm.s32 @p1 $0x1;
	p0 =	seq.s32 s7, s2  }
0x1e: {  	s7 =	smul.u32 @!p0 $0xF7A, s2;
	p2 =	seq.s32 @!p0 s5, $0x0  }
0x1f: {  	s9 =	smul.u32 $0xF7A, s1;
	s8 =	simm.s32 @!p0 $0x1BF5;
	p2 =	por !p2, p0  }
0x20: {  	[sflag:s8] =	ssyncset.s32 @!p0 $0xFFFFF086;
	s6 =	sadd.s32 @!p0 s3, s7;
	s7 =	simm.s32 @!p0 $0x108  }
0x21: {  	s3 =	sadd.s32 s3, s9;
	s6 =	sadd.s32 @!p0 $0x88, s6;
	s7 =	simm.s32 @p2 $0x1082  }
0x22: {  	[simem:s7], [sflag:s8] =	dma.local @!p0 [hbm:s6], $0xF7A  }
0x23: {  	s9 =	sor.u32 $0xD0000000, s2;
	s6 =	simm.s32 $0x108;
	_ =	swait.ge @!p0 [sflag:s8], $0x0  }
0x24: {  	s3 =	sadd.s32 $0x88, s3;
	s6 =	simm.s32 @!p1 $0x1082;
	[sflag:s4] =	ssyncset.s32 $0xFFFFF086  }
0x25: {  	[simem:s6], [sflag:s4] =	dma.local [hbm:s3], $0xF7A  }
0x26: {  	[smem:$0x3F9D] =	sst s1;
	(tag) =	ssettag s2;
	_ =	strace s9  }
0x27: {  	s1 =	sld [smem:$0x3FAD]  }
0x28: {  	s2 =	sld [smem:$0x3FAE]  }
0x29: {  	s4 =	sld [smem:$0x3FB0]  }
0x2a: {  	p0 =	seq.s32 s5, $0x0;
	s5 =	sld [smem:$0x3FB1]  }
0x2b: {  	s6 =	sld [smem:$0x3FB2]  }
0x2c: {  	s7 =	sld [smem:$0x3FB3]  }
0x2d: {  	s3 =	simm.s32 $0x108;
	s8 =	sld [smem:$0x3FB4]  }
0x2e: {  	s3 =	simm.s32 @!p0 $0x1082;
	s9 =	sld [smem:$0x3FB5]  }
0x2f: {  	lr =	sadd.s32 s0, s3;
	s0 =	sld [smem:$0x3FAC]  }
0x30: {  	s3 =	sld [smem:$0x3FAF]  }
0x31: {  	[smem:$0x3FB8] =	sst s10  }
0x32: {  	s10 =	sld [smem:$0x3FB6];
	_ =	sdelay $0x3  }
0x33: {  	p0 =	seq.s32 s10, $0x1;
	s10 =	sld [smem:$0x3FB8];
	_ =	sdelay $0x3  }
0x34: {  	[smem:$0x3FB8] =	sst s10  }
0x35: {  	s10 =	sld [smem:$0x3FB7];
	_ =	sdelay $0x3  }
0x36: {  	p1 =	seq.s32 s10, $0x1;
	s10 =	sld [smem:$0x3FB8];
	_ =	sdelay $0x3  }
0x37: {  	[smem:$0x3FB8] =	sst s10  }
0x38: {  	s10 =	sld [smem:$0x3FB9]  }
0x39: {  	_ = 	snop;
	(pc) =	sbr.ind lr, $3  }
0x3a: {  	_ = 	snop  }
0x3b: {  	_ = 	snop  }
0x3c: {  	p2 =	seq.s32 s10, $0x1;
	s10 =	sld [smem:$0x3FB8]  }
0x3d: {  	_ =	shalt  }
0x3e: {  	_ =	shalt  }
0x3f: {  	_ =	shalt  }
0x40: {  	_ =	shalt  }
0x41: {  	_ =	shalt  }
0x42: {  	_ =	shalt  }
0x43: {  	_ =	shalt  }
0x44: {  	_ =	shalt  }
0x45: {  	_ =	shalt  }
0x46: {  	_ =	shalt  }
0x47: {  	_ =	shalt  }
0x48: {  	_ =	shalt  }
0x49: {  	_ =	shalt  }
0x4a: {  	_ =	shalt  }
0x4b: {  	_ =	shalt  }
0x4c: {  	_ =	shalt  }
0x4d: {  	_ =	shalt  }
0x4e: {  	_ =	shalt  }
0x4f: {  	_ =	shalt  }
0x50: {  	_ =	shalt  }
0x51: {  	_ =	shalt  }
0x52: {  	_ =	shalt  }
0x53: {  	_ =	shalt  }
0x54: {  	_ =	shalt  }
0x55: {  	_ =	shalt  }
0x56: {  	_ =	shalt  }
0x57: {  	_ =	shalt  }
0x58: {  	_ =	shalt  }
0x59: {  	_ =	shalt  }
0x5a: {  	_ =	shalt  }
0x5b: {  	_ =	shalt  }
0x5c: {  	_ =	shalt  }
0x5d: {  	_ =	shalt  }
0x5e: {  	_ =	shalt  }
0x5f: {  	_ =	shalt  }
0x60: {  	_ =	shalt  }
0x61: {  	_ =	shalt  }
0x62: {  	_ =	shalt  }
0x63: {  	_ =	shalt  }
0x64: {  	_ =	shalt  }
0x65: {  	_ =	shalt  }
0x66: {  	_ =	shalt  }
0x67: {  	_ =	shalt  }
0x68: {  	_ =	shalt  }
0x69: {  	_ =	shalt  }
0x6a: {  	_ =	shalt  }
0x6b: {  	_ =	shalt  }
0x6c: {  	_ =	shalt  }
0x6d: {  	_ =	shalt  }
0x6e: {  	_ =	shalt  }
0x6f: {  	_ =	shalt  }
0x70: {  	_ =	shalt  }
0x71: {  	_ =	shalt  }
0x72: {  	_ =	shalt  }
0x73: {  	_ =	shalt  }
0x74: {  	_ =	shalt  }
0x75: {  	_ =	shalt  }
0x76: {  	_ =	shalt  }
0x77: {  	_ =	shalt  }
0x78: {  	_ =	shalt  }
0x79: {  	_ =	shalt  }
0x7a: {  	_ =	shalt  }
0x7b: {  	_ =	shalt  }
0x7c: {  	_ =	shalt  }
0x7d: {  	_ =	shalt  }
0x7e: {  	_ =	shalt  }
0x7f: {  	_ =	shalt  }
0x80: {  	_ =	shalt  }
0x81: {  	_ =	shalt  }
0x82: {  	_ =	shalt  }
0x83: {  	_ =	shalt  }
0x84: {  	_ =	shalt  }
0x85: {  	_ =	shalt  }
0x86: {  	_ =	shalt  }
0x87: {  	_ =	shalt  }
.Lfunc_end0:
.L_simem_size_0:
called_computation.1_lowered:
.L_overlay_start_0:
0x88: {  	s2 =	sld [smem:$0x3FD9]  }
0x89: {  	s3 =	sld [smem:$0x3FFE];
	_ =	sdelay $0x1  }
0x8a: {  	s1 =	srdreg.scid  }
0x8b: {  	s0 =	sand.u32 $0x1, s1  }
0x8c: {  	s14 =	sshll.u32 s0, $0xA;
	s2 =	sadd.s32 s3, s2  }
0x8d: {  	s2 =	sadd.s32 s2, s14  }
0x8e: {  	[smem:$0x3FC4] =	sst s2  }
0x8f: {  	_ = 	snop  }
0x90: {  	s2 =	sld [smem:$0x3FD0];
	_ =	sdelay $0x2  }
0x91: {  	s15 =	simm.s32 $0xA;
	s4 =	simm.s32 $0x10  }
0x92: {  	[smem:s4], [sflag:s15] =	dma.local [hbm:s2], $0x1  }
0x93: {  	_ =	swait.eq [sflag:s15], $0x1  }
0x94: {  	[sflag:s15] =	ssyncset.done $0x0  }
0x95: {  	[sflag:s15] =	ssyncadd.s32 $0xFFFFFFFF  }
0x96: {  	s16 =	sld [smem:$0x10];
	(tm) =	ssettm $0x1  }
0x97: {  	s17 =	sld [smem:$0x3FFB];
	_ =	sdelay $0x3  }
0x98: {  	_ =	strace s17  }
0x99: {  	s3 =	sld [smem:$0x3FFC];
	_ =	sdelay $0x3  }
0x9a: {  	_ =	strace s3  }
0x9b: {  	s3 =	sld [smem:$0x3FFD];
	_ =	sdelay $0x3  }
0x9c: {  	_ =	strace s3  }
0x9d: {  	_ =	strace $0x8FFFFFFF  }
0x9e: {  	s18 =	sld [smem:$0x3FDB];
	_ =	sdelay $0x1  }
0x9f: {  	s19 =	simm.s32 $_scs_section_size  }
0xa0: {  	s5 =	simm.s32 $_size__tile_overlayer_lowered;
	s6 =	simm.s32 $_tile_overlayer_lowered  }
0xa1: {  	s22 =	simm.s32 $0x1BFF;
	s21 =	sshll.u32 s6, $0x1;
	s3 =	sadd.s32 s19, s18  }
0xa2: {  	s7 =	simm.s32 $0x0;
	s20 =	sshll.u32 s5, $0x1;
	s5 =	sadd.s32 s21, s3  }
0xa3: {  	[timem:s7], [sflag:s22] =	dma.local [hbm:s5], s20  }
0xa4: {  	_ =	swait.ge [sflag:s22], s20  }
0xa5: {  	s4 =	ssub.s32 $0x0, s20;
	[sflag:s22] =	ssyncset.done $0x0  }
0xa6: {  	[sflag:s22] =	ssyncadd.s32 s4;
	_ =	sdelay $0x1  }
0xa7: {  	s23 =	simm.s32 $0x1B8B  }
0xa8: {  	_ =	swait.ge [sflag:s23], $0x1  }
0xa9: {  	[sflag:s23] =	ssyncset.done $0x0  }
0xaa: {  	s25 =	simm.s32 $0x1B8E;
	s24 =	sld [smem:$0x3FFE];
	[sflag:s23] =	ssyncadd.s32 $0xFFFFFFFF  }
0xab: {  	s26 =	simm.s32 $execute0_lowered;
	[smem:$0x3FD2] =	sst s25  }
0xac: {  	s5 =	sshll.u32 s26, $0x1;
	_ =	strace $0x80000049;
	[dreg:$0x1] =	wrdreg $0xFFFFFFFF  }
0xad: {  	s28 =	simm.s32 $_size_execute0_lowered;
	s3 =	sadd.s32 s3, s5;
	[dreg:$0x0] =	wrdreg $0x0  }
0xae: {  	s5 =	sshll.u32 s28, $0x1;
	[dreg:$0x2] =	wrdreg s3  }
0xaf: {  	[dreg:$0x3] =	wrdreg s5  }
0xb0: {  	[dreg:$0x4] =	wrdreg $0xC0  }
0xb1: {  	_ =	task [dreg:s7], $0x5FFFF  }
0xb2: {  	[dreg:$0x1] =	wrdreg $0xFFFFFFFF  }
0xb3: {  	[dreg:$0x0] =	wrdreg $0x60  }
0xb4: {  	[dreg:$0x2] =	wrdreg s24  }
0xb5: {  	[dreg:$0x3] =	wrdreg s16  }
0xb6: {  	[dreg:$0x4] =	wrdreg $0x9  }
0xb7: {  	_ =	task.clear_ibuf [dreg:s7], $0x5FFFF;
	_ =	strace $0x90000049  }
0xb8: {  	s29 =	simm.s32 $0x9;
	_ =	strace $0x8000004B  }
0xb9: {  	_ =	swait.ge [sflag:s29], $0x1  }
0xba: {  	[sflag:s29] =	ssyncadd.s32 $0xFFFFFFFF  }
0xbb: {  	_ =	strace $0x9000004B  }
0xbc: {  	_ =	sfence  }
0xbd: {  	s30 =	sld [smem:$0x0];
	_ =	sdelay $0x2  }
0xbe: {  	s31 =	sshll.u32 s1, $0xD;
	s1 =	sshrl.u32 s1, $0x2  }
0xbf: {  	s3 =	sand.u32 $0x4000, s31;
	s1 =	sadd.s32 s1, s30  }
0xc0: {  	s0 =	sor.u32 s3, s0;
	s1 =	sshll.u32 s1, $0x11  }
0xc1: {  	s0 =	sor.u32 s1, s0  }
0xc2: {  	s0 =	sadd.s32 $0x8F2B, s0  }
0xc3: {  	[sflag:s0] =	ssyncadd.remote.s32 $0x1  }
0xc4: {  	_ =	sfence.sel $0xFFFF  }
0xc5: {  	[dreg:$0x0] =	wrdreg $0xFFFFFFFF;
	(pc) =	sbr.abs _section_cstart, $3  }
0xc6: {  	[dreg:$0x1] =	wrdreg $0xFFFFFFFF  }
0xc7: {  	_ =	task.clear_ibuf [dreg:s7], $0x2FFFF;
	_ =	strace $0x9FFFFFFF  }
0xc8: {  	(tm) =	ssettm $0x7FFFFFFF  }
0xc9: {  	_ =	shalt  }
tec
execute0_lowered:
.L_overlay_start_1:
0x0: {  	(tag) =	ssettag $0x1  }
0x1: {  	s0 =	srdreg.scid;
	s1 =	rddreg [dreg:$0x0]  }
0x2: {  	s2 =	stileid.u32;
	s4 =	rddreg [dreg:$0x1]  }
0x3: {  	s15 =	simm.s32 $0x100;
	s16 =	simm.s32 $0x5;
	s18 =	simm.s32 $0x180  }
0x4: {  	s19 =	simm.s32 $0x1;
	s20 =	simm.s32 $0x3;
	s21 =	simm.s32 $0x4180  }
0x5: {  	s30 =	simm.s32 $0xC180;
	s31 =	simm.s32 $0xC980;
	s17 =	simm.s32 $0xE980  }
0x6: {  	s22 =	simm.s32 $0x2;
	s23 =	simm.s32 $0x4;
	s0 =	sand.u32 $0x1, s0  }
0x7: {  	s3 =	sshll.u32 s2, $0x7;
	s2 =	simm.s32 $0x0;
	s8 =	sadd.s32 $0xB9000, s1  }
0x8: {  	s10 =	sadd.s32 $0xB9100, s1;
	s5 =	sshll.u32 s0, $0x6;
	s0 =	ssub.s32 $0x2, s0  }
0x9: {  	[smem:$0x7FF] =	sst s2;
	s5 =	sor.u32 s5, s3;
	s7 =	sshrl.u32 s0, $0x1  }
0xa: {  	_ =	strace $0x8000004A;
	s3 =	sshrl.u32 s5, $0x3;
	s0 =	ssub.s32 s0, s7  }
0xb: {  	s5 =	sshll.u32 s5, $0x7;
	s7 =	sadd.s32 $0xB8F00, s1;
	s6 =	sadd.s32 s3, s1  }
0xc: {  	s3 =	sadd.s32 $0xB8E00, s1;
	s9 =	sadd.s32 s4, s5;
	s24 =	sadd.s32 $0xB8C00, s6  }
0xd: {  	s14 =	smax.u32 s0, $0x1;
	s25 =	sadd.s32 $0xB8800, s6;
	[dreg:$0x3] =	wrdreg s24  }
0xe: {  	v2 =	vlaneseq.u32;
	s1 =	simm.s32 $0xD180;
	s6 =	sadd.s32 $0xB8A00, s6;
	[dreg:$0x4] =	wrdreg s25  }
0xf: {  	v0 =	vand.u32 $0x7, v2;
	v1 =	vshrl.u32 v2, $0x3;
	s0 =	simm.s32 $0xD980;
	s26 =	sadd.s32 $0x800, s9;
	[dreg:$0x5] =	wrdreg s6  }
0x10: {  	v63 =	vor.u32 $0x8, v2;
	v62 =	vmul.u32 $0x8, v1;
	[tilespmem:$0x1FFD0] =	vst v0;
	s4 =	simm.s32 $0xE180;
	s28 =	sadd.s32 $0x1000, s9;
	[dreg:$0x6] =	wrdreg s26  }
0x11: {  	[tilespmem:$0x1FFF0] =	vst v63;
	s5 =	simm.s32 $0xF180;
	s29 =	sadd.s32 $0x1800, s9;
	[dreg:$0x7] =	wrdreg s28  }
0x12: {  	vm0 =	vmmov $0xffff;
	[tilespmem:$0x1FFE0] =	vst v62;
	[dreg:$0x8] =	wrdreg s29;
	s6 =	simm.s32 $0xF980;
	s24 =	simm.s32 $0x0  }
.LBB2_1:
0x13: {  	s11 =	rddreg [dreg:$0x3]  }
0x14: {  	[tilespmem:s15], [sflag:$0x5] =	stream.linear.gather [hbm4b:s11+s2], $0x40, $0x38;
	[tilespmem:$0x10180] =	vst v63  }
0x15: {  	_ =	swait.ge [sflag:s16], $0x40  }
0x16: {  	[sflag:s16] =	ssyncset.done $0x0  }
0x17: {  	s12 =	rddreg [dreg:$0x4];
	[sflag:s16] =	ssyncadd.s32 $0xFFFFFFC0  }
0x18: {  	[tilespmem:s2], [sflag:$0x5] =	stream.linear.gather [hbm4b:s12+s2], $0x40, $0x38;
	[tilespmem:$0x10180] =	vst v63  }
0x19: {  	_ =	swait.ge [sflag:s16], $0x40  }
0x1a: {  	[sflag:s16] =	ssyncset.done $0x0  }
0x1b: {  	s12 =	simm.s32 $0x80;
	s13 =	rddreg [dreg:$0x5];
	[sflag:s16] =	ssyncadd.s32 $0xFFFFFFC0  }
0x1c: {  	[tilespmem:s12], [sflag:$0x5] =	stream.linear.gather [hbm4b:s13+s2], $0x40, $0x38;
	[tilespmem:$0x10180] =	vst v63  }
0x1d: {  	_ =	swait.ge [sflag:s16], $0x40  }
0x1e: {  	[sflag:s16] =	ssyncset.done $0x0  }
0x1f: {  	[sflag:s16] =	ssyncadd.s32 $0xFFFFFFC0  }
0x20: {  	v3 =	vld [tilespmem:$0x0];
	_ =	sdelay $0x2  }
0x21: {  	v0 =	vld [tilespmem:$0x1FFD0];
	_ =	sdelay $0x1  }
0x22: {  	v1 =	vld [tilespmem:$0x1FFE0];
	v4 =	vshll.u32 v3, $0x3  }
0x23: {  	v3 =	vand.u32 $0x7, v3;
	v4 =	vand.u32 $0xFFFFFFC0, v4  }
0x24: {  	v3 =	vor.u32 v3, v4  }
0x25: {  	v4 =	vperm.xlane v3, v0;
	_ =	sdelay $0x1  }
0x26: {  	v4 =	vadd.s32 v1, v4  }
0x27: {  	v2 =	vld [tilespmem:$0x1FFF0];
	_ =	sdelay $0x3  }
0x28: {  	v5 =	vld [tilespmem:$0x80];
	[tilespmem:s18], [sflag:$0x1] =	stream.indirect_vreg.gather [hbm4b:s3+s2], $0x80, v4, vm0, $0xb8  }
0x29: {  	s25 =	simm.s32 $0x980;
	v3 =	vperm.xlane v3, v2  }
0x2a: {  	[tilespmem:s25], [sflag:$0x1] =	stream.indirect_vreg.gather [hbm4b:s7+s2], $0x80, v4, vm0, $0xb8;
	[tilespmem:$0x10180] =	vst v63  }
0x2b: {  	s26 =	simm.s32 $0x1180;
	v3 =	vadd.s32 v1, v3  }
0x2c: {  	[tilespmem:s26], [sflag:$0x1] =	stream.indirect_vreg.gather [hbm4b:s8+s2], $0x80, v4, vm0, $0xb8;
	[tilespmem:$0x10180] =	vst v63  }
0x2d: {  	s28 =	simm.s32 $0x1980  }
0x2e: {  	v57 =	vshll.u32 v5, $0x3;
	[tilespmem:s28], [sflag:$0x1] =	stream.indirect_vreg.gather [hbm4b:s10+s2], $0x80, v4, vm0, $0xb8;
	[tilespmem:$0x10180] =	vst v63  }
0x2f: {  	s29 =	simm.s32 $0x2180;
	v5 =	vand.u32 $0x7, v5;
	v4 =	vand.u32 $0xFFFFFFC0, v57  }
0x30: {  	v4 =	vor.u32 v5, v4;
	[tilespmem:s29], [sflag:$0x1] =	stream.indirect_vreg.gather [hbm4b:s3+s2], $0x80, v3, vm0, $0xb8;
	[tilespmem:$0x10180] =	vst v63  }
0x31: {  	s12 =	simm.s32 $0x2980;
	v5 =	vperm.xlane v4, v0  }
0x32: {  	[tilespmem:s12], [sflag:$0x1] =	stream.indirect_vreg.gather [hbm4b:s7+s2], $0x80, v3, vm0, $0xb8;
	[tilespmem:$0x10180] =	vst v63  }
0x33: {  	s13 =	simm.s32 $0x3180;
	v5 =	vadd.s32 v1, v5  }
0x34: {  	[tilespmem:s13], [sflag:$0x1] =	stream.indirect_vreg.gather [hbm4b:s8+s2], $0x80, v3, vm0, $0xb8;
	[tilespmem:$0x10180] =	vst v63  }
0x35: {  	s25 =	simm.s32 $0x3980  }
0x36: {  	[tilespmem:s25], [sflag:$0x1] =	stream.indirect_vreg.gather [hbm4b:s10+s2], $0x80, v3, vm0, $0xb8;
	[tilespmem:$0x10180] =	vst v63  }
0x37: {  	s26 =	simm.s32 $0x8180  }
0x38: {  	[tilespmem:s26], [sflag:$0x3] =	stream.indirect_vreg.gather [hbm4b:s3+s2], $0x80, v5, vm0, $0xb8;
	[tilespmem:$0x10180] =	vst v63  }
0x39: {  	s28 =	simm.s32 $0x8980;
	v58 =	vperm.xlane v4, v2  }
0x3a: {  	[tilespmem:s28], [sflag:$0x3] =	stream.indirect_vreg.gather [hbm4b:s7+s2], $0x80, v5, vm0, $0xb8;
	[tilespmem:$0x10180] =	vst v63  }
0x3b: {  	s29 =	simm.s32 $0x9180;
	v3 =	vadd.s32 v1, v58  }
0x3c: {  	[tilespmem:s29], [sflag:$0x3] =	stream.indirect_vreg.gather [hbm4b:s8+s2], $0x80, v5, vm0, $0xb8;
	[tilespmem:$0x10180] =	vst v63  }
0x3d: {  	s12 =	simm.s32 $0x9980  }
0x3e: {  	[tilespmem:s12], [sflag:$0x3] =	stream.indirect_vreg.gather [hbm4b:s10+s2], $0x80, v5, vm0, $0xb8;
	[tilespmem:$0x10180] =	vst v63  }
0x3f: {  	s13 =	simm.s32 $0xA180  }
0x40: {  	[tilespmem:s13], [sflag:$0x3] =	stream.indirect_vreg.gather [hbm4b:s3+s2], $0x80, v3, vm0, $0xb8;
	[tilespmem:$0x10180] =	vst v63  }
0x41: {  	s25 =	simm.s32 $0xA980  }
0x42: {  	[tilespmem:s25], [sflag:$0x3] =	stream.indirect_vreg.gather [hbm4b:s7+s2], $0x80, v3, vm0, $0xb8;
	[tilespmem:$0x10180] =	vst v63  }
0x43: {  	s26 =	simm.s32 $0xB180  }
0x44: {  	[tilespmem:s26], [sflag:$0x3] =	stream.indirect_vreg.gather [hbm4b:s8+s2], $0x80, v3, vm0, $0xb8;
	[tilespmem:$0x10180] =	vst v63  }
0x45: {  	s28 =	simm.s32 $0xB980  }
0x46: {  	[tilespmem:s28], [sflag:$0x3] =	stream.indirect_vreg.gather [hbm4b:s10+s2], $0x80, v3, vm0, $0xb8;
	[tilespmem:$0x10180] =	vst v63  }
0x47: {  	_ =	swait.ge [sflag:s19], $0x4000  }
0x48: {  	[sflag:s19] =	ssyncset.done $0x0  }
0x49: {  	[sflag:s19] =	ssyncadd.s32 $0xFFFFC000  }
0x4a: {  	_ =	swait.ge [sflag:s20], $0x4000  }
0x4b: {  	[sflag:s20] =	ssyncset.done $0x0  }
0x4c: {  	[sflag:s20] =	ssyncadd.s32 $0xFFFFC000  }
0x4d: {  	v59 =	vld [tilespmem:$0x10];
	_ =	sdelay $0x4  }
0x4e: {  	v60 =	vshll.u32 v59, $0x3  }
0x4f: {  	v3 =	vand.u32 $0x7, v59;
	v4 =	vand.u32 $0xFFFFFFC0, v60  }
0x50: {  	v3 =	vor.u32 v3, v4  }
0x51: {  	v4 =	vperm.xlane v3, v0;
	_ =	sdelay $0x1  }
0x52: {  	v4 =	vadd.s32 v1, v4;
	_ =	sdelay $0x4  }
0x53: {  	v61 =	vld [tilespmem:$0x90];
	[tilespmem:s21], [sflag:$0x2] =	stream.indirect_vreg.gather [hbm4b:s3+s2], $0x80, v4, vm0, $0xb8  }
0x54: {  	s29 =	simm.s32 $0x4980;
	v3 =	vperm.xlane v3, v2  }
0x55: {  	[tilespmem:s29], [sflag:$0x2] =	stream.indirect_vreg.gather [hbm4b:s7+s2], $0x80, v4, vm0, $0xb8;
	[tilespmem:$0x10180] =	vst v63  }
0x56: {  	s12 =	simm.s32 $0x5180;
	v3 =	vadd.s32 v1, v3  }
0x57: {  	[tilespmem:s12], [sflag:$0x2] =	stream.indirect_vreg.gather [hbm4b:s8+s2], $0x80, v4, vm0, $0xb8;
	[tilespmem:$0x10180] =	vst v63  }
0x58: {  	s13 =	simm.s32 $0x5980  }
0x59: {  	v62 =	vshll.u32 v61, $0x3;
	[tilespmem:s13], [sflag:$0x2] =	stream.indirect_vreg.gather [hbm4b:s10+s2], $0x80, v4, vm0, $0xb8;
	[tilespmem:$0x10180] =	vst v63  }
0x5a: {  	s25 =	simm.s32 $0x6180;
	v5 =	vand.u32 $0x7, v61;
	v4 =	vand.u32 $0xFFFFFFC0, v62  }
0x5b: {  	v4 =	vor.u32 v5, v4;
	[tilespmem:s25], [sflag:$0x2] =	stream.indirect_vreg.gather [hbm4b:s3+s2], $0x80, v3, vm0, $0xb8;
	[tilespmem:$0x10180] =	vst v63  }
0x5c: {  	s26 =	simm.s32 $0x6980;
	v5 =	vperm.xlane v4, v0  }
0x5d: {  	[tilespmem:s26], [sflag:$0x2] =	stream.indirect_vreg.gather [hbm4b:s7+s2], $0x80, v3, vm0, $0xb8;
	[tilespmem:$0x10180] =	vst v63  }
0x5e: {  	s28 =	simm.s32 $0x7180;
	v5 =	vadd.s32 v1, v5  }
0x5f: {  	[tilespmem:s28], [sflag:$0x2] =	stream.indirect_vreg.gather [hbm4b:s8+s2], $0x80, v3, vm0, $0xb8;
	[tilespmem:$0x10180] =	vst v63  }
0x60: {  	s29 =	simm.s32 $0x7980  }
0x61: {  	[tilespmem:s29], [sflag:$0x2] =	stream.indirect_vreg.gather [hbm4b:s10+s2], $0x80, v3, vm0, $0xb8;
	[tilespmem:$0x10180] =	vst v63  }
0x62: {  	_ = 	snop  }
0x63: {  	[tilespmem:s30], [sflag:$0x4] =	stream.indirect_vreg.gather [hbm4b:s3+s2], $0x80, v5, vm0, $0xb8;
	[tilespmem:$0x10180] =	vst v63  }
0x64: {  	v63 =	vperm.xlane v4, v2  }
0x65: {  	[tilespmem:s31], [sflag:$0x4] =	stream.indirect_vreg.gather [hbm4b:s7+s2], $0x80, v5, vm0, $0xb8;
	[tilespmem:$0x10180] =	vst v63  }
0x66: {  	v3 =	vadd.s32 v1, v63  }
0x67: {  	[tilespmem:s1], [sflag:$0x4] =	stream.indirect_vreg.gather [hbm4b:s8+s2], $0x80, v5, vm0, $0xb8;
	[tilespmem:$0x10180] =	vst v63  }
0x68: {  	_ = 	snop  }
0x69: {  	[tilespmem:s0], [sflag:$0x4] =	stream.indirect_vreg.gather [hbm4b:s10+s2], $0x80, v5, vm0, $0xb8;
	[tilespmem:$0x10180] =	vst v63  }
0x6a: {  	_ = 	snop  }
0x6b: {  	[tilespmem:s4], [sflag:$0x4] =	stream.indirect_vreg.gather [hbm4b:s3+s2], $0x80, v3, vm0, $0xb8;
	[tilespmem:$0x10180] =	vst v63  }
0x6c: {  	_ = 	snop  }
0x6d: {  	[tilespmem:s17], [sflag:$0x4] =	stream.indirect_vreg.gather [hbm4b:s7+s2], $0x80, v3, vm0, $0xb8;
	[tilespmem:$0x10180] =	vst v63  }
0x6e: {  	s11 =	simm.s32 $0x0  }
0x6f: {  	[tilespmem:s5], [sflag:$0x4] =	stream.indirect_vreg.gather [hbm4b:s8+s2], $0x80, v3, vm0, $0xb8;
	[tilespmem:$0x10180] =	vst v63  }
0x70: {  	s12 =	simm.s32 $0x0;
	s25 =	simm.s32 $0x0;
	s26 =	simm.s32 $0x0  }
0x71: {  	[tilespmem:s6], [sflag:$0x4] =	stream.indirect_vreg.gather [hbm4b:s10+s2], $0x80, v3, vm0, $0xb8;
	[tilespmem:$0x10180] =	vst v63  }
.LBB2_2:
0x72: {  	s28 =	sand.u32 $0x2000, s11;
	s13 =	sand.u32 $0x380, s26  }
0x73: {  	s28 =	sor.u32 s13, s28  }
0x74: {  	v6 =	vld [tilespmem:s28+$0x180]  }
0x75: {  	v8 =	vld [tilespmem:s28+$0x8180]  }
0x76: {  	v10 =	vld [tilespmem:s28+$0x190]  }
0x77: {  	v11 =	vld [tilespmem:s28+$0x8190]  }
0x78: {  	v16 =	vld [tilespmem:s28+$0x1A0]  }
0x79: {  	v17 =	vld [tilespmem:s28+$0x81A0]  }
0x7a: {  	v20 =	vld [tilespmem:s28+$0x1B0]  }
0x7b: {  	v23 =	vld [tilespmem:s28+$0x81B0]  }
0x7c: {  	v26 =	vld [tilespmem:s28+$0x1C0]  }
0x7d: {  	v27 =	vld [tilespmem:s28+$0x81C0]  }
0x7e: {  	v28 =	vld [tilespmem:s28+$0x1D0]  }
0x7f: {  	v29 =	vld [tilespmem:s28+$0x81D0]  }
0x80: {  	v30 =	vld [tilespmem:s28+$0x1E0]  }
0x81: {  	v31 =	vld [tilespmem:s28+$0x81E0]  }
0x82: {  	v32 =	vld [tilespmem:s28+$0x1F0]  }
0x83: {  	v33 =	vld [tilespmem:s28+$0x81F0]  }
0x84: {  	v34 =	vld [tilespmem:s28+$0x580]  }
0x85: {  	v35 =	vld [tilespmem:s28+$0x8580]  }
0x86: {  	v36 =	vld [tilespmem:s28+$0x590]  }
0x87: {  	v37 =	vld [tilespmem:s28+$0x8590]  }
0x88: {  	v38 =	vld [tilespmem:s28+$0x5A0]  }
0x89: {  	v39 =	vld [tilespmem:s28+$0x85A0]  }
0x8a: {  	v40 =	vld [tilespmem:s28+$0x5B0]  }
0x8b: {  	v41 =	vld [tilespmem:s28+$0x85B0]  }
0x8c: {  	v42 =	vld [tilespmem:s28+$0x5C0]  }
0x8d: {  	v43 =	vld [tilespmem:s28+$0x85C0]  }
0x8e: {  	v44 =	vld [tilespmem:s28+$0x5D0]  }
0x8f: {  	v45 =	vld [tilespmem:s28+$0x85D0]  }
0x90: {  	v46 =	vld [tilespmem:s28+$0x5E0]  }
0x91: {  	v47 =	vld [tilespmem:s28+$0x85E0]  }
0x92: {  	v48 =	vld [tilespmem:s28+$0x5F0]  }
0x93: {  	v49 =	vld [tilespmem:s28+$0x85F0]  }
0x94: {  	v50 =	vld [tilespmem:s28+$0x980]  }
0x95: {  	v51 =	vld [tilespmem:s28+$0x8980]  }
0x96: {  	v52 =	vld [tilespmem:s28+$0x990]  }
0x97: {  	v53 =	vld [tilespmem:s28+$0x8990]  }
0x98: {  	v54 =	vld [tilespmem:s28+$0x9A0]  }
0x99: {  	v55 =	vld [tilespmem:s28+$0x89A0]  }
0x9a: {  	v56 =	vld [tilespmem:s28+$0x9B0]  }
0x9b: {  	v57 =	vld [tilespmem:s28+$0x89B0]  }
0x9c: {  	v58 =	vld [tilespmem:s28+$0x9C0]  }
0x9d: {  	v59 =	vld [tilespmem:s28+$0x89C0]  }
0x9e: {  	v60 =	vld [tilespmem:s28+$0x9D0]  }
0x9f: {  	v61 =	vld [tilespmem:s28+$0x89D0]  }
0xa0: {  	v62 =	vld [tilespmem:s28+$0x9E0]  }
0xa1: {  	v63 =	vld [tilespmem:s28+$0x89E0]  }
0xa2: {  	v5 =	vld [tilespmem:s28+$0x9F0]  }
0xa3: {  	v2 =	vld [tilespmem:s28+$0x89F0]  }
0xa4: {  	v3 =	vmov s12;
	v24 =	vld [tilespmem:s28+$0xD80]  }
0xa5: {  	v25 =	vld [tilespmem:s28+$0x8D80]  }
0xa6: {  	v21 =	vld [tilespmem:s28+$0xD90]  }
0xa7: {  	v22 =	vld [tilespmem:s28+$0x8D90]  }
0xa8: {  	v18 =	vld [tilespmem:s28+$0xDA0]  }
0xa9: {  	v3 =	vld.idx.msk [tilespmem:v3+s15+$0x0], $0xffff  }
0xaa: {  	v19 =	vld [tilespmem:s28+$0x8DA0]  }
0xab: {  	v14 =	vld [tilespmem:s28+$0xDB0]  }
0xac: {  	v15 =	vld [tilespmem:s28+$0x8DB0]  }
0xad: {  	v0 =	vld [tilespmem:s28+$0xDE0]  }
0xae: {  	v12 =	vld [tilespmem:s28+$0xDC0];
	v1 =	vmul.f32 v6, v3  }
0xaf: {  	v13 =	vld [tilespmem:s28+$0x8DC0];
	v10 =	vmul.f32 v10, v3;
	v16 =	vmul.f32 v16, v3  }
0xb0: {  	v7 =	vld [tilespmem:s28+$0xDD0];
	v4 =	vsub.f32 $1.000000000e+00, v3;
	v20 =	vmul.f32 v20, v3;
	v26 =	vmul.f32 v26, v3  }
0xb1: {  	v9 =	vld [tilespmem:s28+$0x8DD0];
	v34 =	vmul.f32 v34, v3;
	v38 =	vmul.f32 v38, v3  }
0xb2: {  	[tilespmem:$0x1FFC0] =	vst v0;
	v6 =	vld [tilespmem:s28+$0xDF0];
	v40 =	vmul.f32 v40, v3;
	v0 =	vmul.f32 v8, v4  }
0xb3: {  	v52 =	vmul.f32 v52, v3;
	v8 =	vld [tilespmem:s28+$0x8DE0];
	v11 =	vmul.f32 v11, v4  }
0xb4: {  	v5 =	vmul.f32 v5, v3;
	v17 =	vmul.f32 v17, v4;
	v1 =	vadd.f32 v0, v1;
	v0 =	vld [tilespmem:s28+$0x8DF0]  }
0xb5: {  	v24 =	vmul.f32 v24, v3;
	v23 =	vmul.f32 v23, v4;
	v10 =	vadd.f32 v11, v10;
	v11 =	vld [tilespmem:s28+$0x1180]  }
0xb6: {  	v27 =	vmul.f32 v27, v4;
	v2 =	vmul.f32 v2, v4;
	[tilespmem:s28+$0x180] =	vst v1;
	v1 =	vadd.f32 v17, v16;
	v16 =	vld [tilespmem:s28+$0x9180]  }
0xb7: {  	[tilespmem:s28+$0x190] =	vst v10;
	v10 =	vadd.f32 v23, v20;
	v23 =	vmul.f32 v28, v3;
	v28 =	vmul.f32 v29, v4;
	v17 =	vld [tilespmem:s28+$0x1190]  }
0xb8: {  	v18 =	vmul.f32 v18, v3;
	v2 =	vadd.f32 v2, v5;
	v20 =	vld [tilespmem:s28+$0x9190];
	v29 =	vmul.f32 v33, v4;
	[tilespmem:s28+$0x1A0] =	vst v1  }
0xb9: {  	v1 =	vadd.f32 v27, v26;
	v26 =	vmul.f32 v30, v3;
	[tilespmem:s28+$0x1B0] =	vst v10;
	v10 =	vadd.f32 v28, v23;
	v23 =	vld [tilespmem:s28+$0x11A0]  }
0xba: {  	v27 =	vmul.f32 v31, v4;
	v28 =	vmul.f32 v32, v3;
	v31 =	vld [tilespmem:s28+$0x11B0]  }
0xbb: {  	v12 =	vmul.f32 v12, v3;
	v35 =	vmul.f32 v35, v4;
	[tilespmem:s28+$0x9F0] =	vst v2;
	v32 =	vld [tilespmem:s28+$0x91B0]  }
0xbc: {  	v25 =	vmul.f32 v25, v4;
	v33 =	vadd.f32 v27, v26;
	v26 =	vld [tilespmem:s28+$0x91A0];
	[tilespmem:s28+$0x1D0] =	vst v10;
	v10 =	vadd.f32 v29, v28  }
0xbd: {  	[tilespmem:s28+$0x1C0] =	vst v1;
	v28 =	vmul.f32 v36, v3;
	v36 =	vmul.f32 v37, v4;
	v37 =	vadd.f32 v35, v34;
	v34 =	vld [tilespmem:s28+$0x91C0]  }
0xbe: {  	v39 =	vmul.f32 v39, v4;
	v19 =	vmul.f32 v19, v4;
	v35 =	vld [tilespmem:s28+$0x11D0];
	[tilespmem:s28+$0x1E0] =	vst v33  }
0xbf: {  	v13 =	vmul.f32 v13, v4;
	v27 =	vld [tilespmem:s28+$0x95A0];
	v29 =	vadd.f32 v25, v24;
	[tilespmem:s28+$0x1F0] =	vst v10;
	v10 =	vadd.f32 v36, v28  }
0xc0: {  	v36 =	vmul.f32 v41, v4;
	v33 =	vld [tilespmem:s28+$0x11C0];
	[tilespmem:s28+$0x580] =	vst v37;
	v37 =	vadd.f32 v39, v38;
	v38 =	vmul.f32 v42, v3  }
0xc1: {  	v39 =	vmul.f32 v43, v4;
	v41 =	vmul.f32 v45, v4;
	v28 =	vld [tilespmem:s28+$0x15A0];
	[tilespmem:s28+$0xD80] =	vst v29  }
0xc2: {  	v43 =	vmul.f32 v46, v3;
	[tilespmem:s28+$0x590] =	vst v10;
	v10 =	vadd.f32 v36, v40;
	v40 =	vmul.f32 v44, v3;
	v36 =	vld [tilespmem:s28+$0x91D0]  }
0xc3: {  	v46 =	vmul.f32 v48, v3;
	[tilespmem:s28+$0x5A0] =	vst v37;
	v42 =	vadd.f32 v39, v38;
	v44 =	vmul.f32 v47, v4;
	v37 =	vld [tilespmem:s28+$0x11E0]  }
0xc4: {  	v47 =	vmul.f32 v49, v4;
	v49 =	vmul.f32 v50, v3;
	v38 =	vld [tilespmem:s28+$0x91E0];
	[tilespmem:s28+$0x5B0] =	vst v10;
	v45 =	vadd.f32 v41, v40  }
0xc5: {  	v50 =	vmul.f32 v51, v4;
	v39 =	vld [tilespmem:s28+$0x11F0];
	[tilespmem:s28+$0x5C0] =	vst v42;
	v48 =	vadd.f32 v44, v43;
	v44 =	vmul.f32 v53, v4  }
0xc6: {  	v51 =	vadd.f32 v47, v46;
	v46 =	vmul.f32 v54, v3;
	v47 =	vmul.f32 v55, v4;
	v40 =	vld [tilespmem:s28+$0x91F0];
	[tilespmem:s28+$0x5D0] =	vst v45  }
0xc7: {  	v41 =	vld [tilespmem:s28+$0x1580];
	v53 =	vmul.f32 v59, v4;
	v55 =	vmul.f32 v60, v3;
	[tilespmem:s28+$0x5E0] =	vst v48;
	v45 =	vadd.f32 v50, v49  }
0xc8: {  	v42 =	vld [tilespmem:s28+$0x9580];
	v59 =	vmul.f32 v63, v4;
	v63 =	vmul.f32 v22, v4;
	[tilespmem:s28+$0x5F0] =	vst v51;
	v48 =	vadd.f32 v44, v52  }
0xc9: {  	v43 =	vld [tilespmem:s28+$0x1590];
	v49 =	vmul.f32 v56, v3;
	v50 =	vmul.f32 v57, v4;
	v51 =	vadd.f32 v47, v46;
	[tilespmem:s28+$0x980] =	vst v45  }
0xca: {  	v22 =	vld [tilespmem:s28+$0x95B0];
	v25 =	vmul.f32 v33, v3;
	v52 =	vmul.f32 v58, v3;
	v47 =	vadd.f32 v19, v18;
	[tilespmem:s28+$0x990] =	vst v48  }
0xcb: {  	v56 =	vmul.f32 v61, v4;
	v58 =	vmul.f32 v62, v3;
	v44 =	vld [tilespmem:s28+$0x9590];
	v54 =	vadd.f32 v50, v49;
	[tilespmem:s28+$0x9A0] =	vst v51  }
0xcc: {  	v62 =	vmul.f32 v21, v3;
	v21 =	vld [tilespmem:s28+$0x15B0];
	v46 =	vmul.f32 v15, v4;
	v57 =	vadd.f32 v53, v52;
	[tilespmem:s28+$0xDA0] =	vst v47  }
0xcd: {  	v15 =	vld [tilespmem:s28+$0x95C0];
	v33 =	vmul.f32 v37, v3;
	v60 =	vadd.f32 v56, v55;
	v45 =	vmul.f32 v14, v3;
	[tilespmem:s28+$0x9B0] =	vst v54  }
0xce: {  	v18 =	vld [tilespmem:s28+$0x1990];
	v61 =	vadd.f32 v59, v58;
	v49 =	vmul.f32 v7, v3;
	v50 =	vmul.f32 v9, v4;
	[tilespmem:s28+$0x9C0] =	vst v57  }
0xcf: {  	v19 =	vld [tilespmem:s28+$0x9990];
	v30 =	vadd.f32 v63, v62;
	v56 =	vmul.f32 v11, v3;
	v58 =	vmul.f32 v17, v3;
	[tilespmem:s28+$0x9D0] =	vst v60  }
0xd0: {  	v14 =	vld [tilespmem:s28+$0x15C0];
	v51 =	vadd.f32 v13, v12;
	v59 =	vmul.f32 v20, v4;
	v62 =	vmul.f32 v26, v4;
	[tilespmem:s28+$0x9E0] =	vst v61  }
0xd1: {  	v9 =	vld [tilespmem:s28+$0x15D0];
	v20 =	vmul.f32 v31, v3;
	v26 =	vmul.f32 v34, v4;
	[tilespmem:s28+$0xD90] =	vst v30;
	v48 =	vadd.f32 v46, v45  }
0xd2: {  	v52 =	vld [tilespmem:$0x1FFC0];
	v31 =	vmul.f32 v36, v4;
	v34 =	vmul.f32 v38, v4;
	v53 =	vadd.f32 v50, v49;
	[tilespmem:s28+$0xDC0] =	vst v51  }
0xd3: {  	v12 =	vld [tilespmem:s28+$0x95D0];
	v36 =	vmul.f32 v39, v3;
	v37 =	vmul.f32 v40, v4;
	v63 =	vadd.f32 v59, v58;
	[tilespmem:s28+$0xDB0] =	vst v48  }
0xd4: {  	v11 =	vld [tilespmem:s28+$0x15F0];
	v61 =	vmul.f32 v23, v3;
	v23 =	vmul.f32 v32, v4;
	v32 =	vadd.f32 v26, v25;
	[tilespmem:s28+$0xDD0] =	vst v53  }
0xd5: {  	v13 =	vld [tilespmem:s28+$0x95F0];
	v39 =	vmul.f32 v41, v3;
	v40 =	vmul.f32 v42, v4;
	v38 =	vadd.f32 v34, v33;
	[tilespmem:s28+$0x1190] =	vst v63  }
0xd6: {  	v0 =	vmul.f32 v0, v4;
	v17 =	vld [tilespmem:s28+$0x9980];
	v54 =	vmul.f32 v6, v3;
	v42 =	vadd.f32 v37, v36;
	[tilespmem:s28+$0x11C0] =	vst v32  }
0xd7: {  	v47 =	vmul.f32 v28, v3;
	v28 =	vld [tilespmem:s28+$0x99E0];
	v57 =	vmul.f32 v16, v4;
	v46 =	vadd.f32 v40, v39;
	[tilespmem:s28+$0x11E0] =	vst v38  }
0xd8: {  	v41 =	vld [tilespmem:s28+$0x99A0];
	v0 =	vadd.f32 v0, v54;
	[tilespmem:s28+$0x11F0] =	vst v42  }
0xd9: {  	v6 =	vld [tilespmem:s28+$0x15E0];
	v60 =	vadd.f32 v57, v56;
	[tilespmem:s28+$0x1580] =	vst v46  }
0xda: {  	v16 =	vld [tilespmem:s28+$0x1980];
	v30 =	vmul.f32 v35, v3;
	v24 =	vadd.f32 v62, v61;
	[tilespmem:s28+$0xDF0] =	vst v0  }
0xdb: {  	v43 =	vmul.f32 v43, v3;
	v45 =	vld [tilespmem:s28+$0x19B0];
	v44 =	vmul.f32 v44, v4;
	v29 =	vadd.f32 v23, v20;
	[tilespmem:s28+$0x1180] =	vst v60  }
0xdc: {  	v8 =	vmul.f32 v8, v4;
	v49 =	vld [tilespmem:s28+$0x99B0];
	v35 =	vadd.f32 v31, v30;
	v48 =	vmul.f32 v27, v4;
	[tilespmem:s28+$0x11A0] =	vst v24  }
0xdd: {  	v51 =	vmul.f32 v21, v3;
	v21 =	vld [tilespmem:s28+$0x19C0];
	v10 =	vmul.f32 v52, v3;
	v50 =	vadd.f32 v44, v43;
	[tilespmem:s28+$0x11B0] =	vst v29  }
0xde: {  	v34 =	vmul.f32 v18, v3;
	v36 =	vld [tilespmem:s28+$0x99F0];
	v52 =	vmul.f32 v22, v4;
	[tilespmem:s28+$0x11D0] =	vst v35;
	v53 =	vadd.f32 v48, v47  }
0xdf: {  	v20 =	vld [tilespmem:s28+$0x19A0];
	v58 =	vmul.f32 v9, v3;
	v59 =	vmul.f32 v12, v4;
	v55 =	vadd.f32 v8, v10;
	[tilespmem:s28+$0x1590] =	vst v50  }
0xe0: {  	v56 =	vld [tilespmem:s28+$0x19D0];
	v26 =	vmul.f32 v11, v3;
	v27 =	vmul.f32 v13, v4;
	v57 =	vadd.f32 v52, v51;
	[tilespmem:s28+$0x15A0] =	vst v53  }
0xe1: {  	v63 =	vld [tilespmem:s28+$0x19E0];
	v31 =	vmul.f32 v17, v4;
	v35 =	vmul.f32 v19, v4;
	v22 =	vadd.f32 v59, v58;
	[tilespmem:s28+$0xDE0] =	vst v55  }
0xe2: {  	v32 =	vld [tilespmem:s28+$0x19F0];
	v39 =	vmul.f32 v41, v4;
	v30 =	vmul.f32 v16, v3;
	v33 =	vadd.f32 v27, v26;
	[tilespmem:s28+$0x15B0] =	vst v57  }
0xe3: {  	v60 =	vld [tilespmem:s28+$0x99D0];
	v42 =	vmul.f32 v45, v3;
	v43 =	vmul.f32 v49, v4;
	v41 =	vadd.f32 v35, v34;
	[tilespmem:s28+$0x15D0] =	vst v22  }
0xe4: {  	v54 =	vmul.f32 v14, v3;
	v10 =	vld [tilespmem:s28+$0x95E0];
	v55 =	vmul.f32 v15, v4;
	v37 =	vadd.f32 v31, v30;
	[tilespmem:s28+$0x15F0] =	vst v33  }
0xe5: {  	v40 =	vld [tilespmem:s28+$0x99C0];
	v38 =	vmul.f32 v20, v3;
	v47 =	vadd.f32 v43, v42;
	[tilespmem:s28+$0x1990] =	vst v41  }
0xe6: {  	v49 =	vmul.f32 v28, v4;
	v48 =	vmul.f32 v63, v3;
	v61 =	vadd.f32 v55, v54;
	[tilespmem:s28+$0x1980] =	vst v37  }
0xe7: {  	v52 =	vmul.f32 v36, v4;
	v51 =	vmul.f32 v32, v3;
	v44 =	vadd.f32 v39, v38;
	[tilespmem:s28+$0x19B0] =	vst v47  }
0xe8: {  	v45 =	vmul.f32 v56, v3;
	v46 =	vmul.f32 v60, v4;
	v53 =	vadd.f32 v49, v48;
	[tilespmem:s28+$0x15C0] =	vst v61  }
0xe9: {  	v6 =	vmul.f32 v6, v3;
	v56 =	vadd.f32 v52, v51;
	v62 =	vmul.f32 v10, v4;
	[tilespmem:s28+$0x19A0] =	vst v44  }
0xea: {  	s29 =	sand.u32 $0x7, s25;
	v54 =	vmul.f32 v21, v3;
	v55 =	vmul.f32 v40, v4;
	v50 =	vadd.f32 v46, v45;
	[tilespmem:s28+$0x19E0] =	vst v53  }
0xeb: {  	s13 =	sshll.u32 s29, $0x7;
	[tilespmem:s28+$0x19F0] =	vst v56;
	v29 =	vadd.f32 v62, v6  }
0xec: {  	s13 =	sadd.s32 s13, s11;
	v2 =	vadd.f32 v55, v54;
	[tilespmem:s28+$0x19D0] =	vst v50  }
0xed: {  	s29 =	sor.u32 $0x1C00, s13;
	[tilespmem:s28+$0x15E0] =	vst v29  }
0xee: {  	[tilespmem:s28+$0x19C0] =	vst v2;
	v0 =	vld [tilespmem:s29+$0x180]  }
0xef: {  	v1 =	vld [tilespmem:s29+$0x8180];
	_ =	sdelay $0x4  }
0xf0: {  	v0 =	vmul.f32 v0, v3;
	v1 =	vmul.f32 v1, v4;
	_ =	sdelay $0x1  }
0xf1: {  	v0 =	vadd.f32 v1, v0;
	_ =	sdelay $0x1  }
0xf2: {  	[tilespmem:s29+$0x180] =	vst v0;
	s29 =	sor.u32 $0x1C10, s13  }
0xf3: {  	v0 =	vld [tilespmem:s29+$0x180]  }
0xf4: {  	v57 =	vld [tilespmem:s29+$0x8180];
	_ =	sdelay $0x4  }
0xf5: {  	v0 =	vmul.f32 v0, v3;
	v1 =	vmul.f32 v57, v4;
	_ =	sdelay $0x1  }
0xf6: {  	v0 =	vadd.f32 v1, v0;
	_ =	sdelay $0x1  }
0xf7: {  	[tilespmem:s29+$0x180] =	vst v0;
	s29 =	sor.u32 $0x1C20, s13  }
0xf8: {  	v0 =	vld [tilespmem:s29+$0x180]  }
0xf9: {  	v58 =	vld [tilespmem:s29+$0x8180];
	_ =	sdelay $0x4  }
0xfa: {  	v0 =	vmul.f32 v0, v3;
	v1 =	vmul.f32 v58, v4;
	_ =	sdelay $0x1  }
0xfb: {  	v0 =	vadd.f32 v1, v0;
	_ =	sdelay $0x1  }
0xfc: {  	[tilespmem:s29+$0x180] =	vst v0;
	s29 =	sor.u32 $0x1C30, s13  }
0xfd: {  	v0 =	vld [tilespmem:s29+$0x180]  }
0xfe: {  	v59 =	vld [tilespmem:s29+$0x8180];
	_ =	sdelay $0x4  }
0xff: {  	v0 =	vmul.f32 v0, v3;
	v1 =	vmul.f32 v59, v4;
	_ =	sdelay $0x1  }
0x100: {  	v0 =	vadd.f32 v1, v0;
	_ =	sdelay $0x1  }
0x101: {  	[tilespmem:s29+$0x180] =	vst v0;
	s29 =	sor.u32 $0x1C40, s13  }
0x102: {  	v0 =	vld [tilespmem:s29+$0x180]  }
0x103: {  	v60 =	vld [tilespmem:s29+$0x8180];
	_ =	sdelay $0x4  }
0x104: {  	v0 =	vmul.f32 v0, v3;
	v1 =	vmul.f32 v60, v4;
	_ =	sdelay $0x1  }
0x105: {  	v0 =	vadd.f32 v1, v0;
	_ =	sdelay $0x1  }
0x106: {  	[tilespmem:s29+$0x180] =	vst v0;
	s29 =	sor.u32 $0x1C50, s13  }
0x107: {  	v0 =	vld [tilespmem:s29+$0x180]  }
0x108: {  	v61 =	vld [tilespmem:s29+$0x8180];
	_ =	sdelay $0x4  }
0x109: {  	v0 =	vmul.f32 v0, v3;
	v1 =	vmul.f32 v61, v4;
	_ =	sdelay $0x1  }
0x10a: {  	v0 =	vadd.f32 v1, v0;
	_ =	sdelay $0x1  }
0x10b: {  	[tilespmem:s29+$0x180] =	vst v0;
	s29 =	sor.u32 $0x1C60, s13  }
0x10c: {  	v0 =	vld [tilespmem:s29+$0x180]  }
0x10d: {  	v62 =	vld [tilespmem:s29+$0x8180];
	_ =	sdelay $0x4  }
0x10e: {  	v0 =	vmul.f32 v0, v3;
	v1 =	vmul.f32 v62, v4;
	_ =	sdelay $0x1  }
0x10f: {  	v0 =	vadd.f32 v1, v0;
	_ =	sdelay $0x1  }
0x110: {  	s13 =	sor.u32 $0x1C70, s13;
	[tilespmem:s29+$0x180] =	vst v0  }
0x111: {  	v0 =	vld [tilespmem:s13+$0x180]  }
0x112: {  	v63 =	vld [tilespmem:s13+$0x8180];
	_ =	sdelay $0x3  }
0x113: {  	p0 =	sne.s32 s12, $0xF  }
.Ltmp0:
0x114: {  	v0 =	vmul.f32 v0, v3;
	v1 =	vmul.f32 v63, v4;
	(pc) =	sbr.rel @p0 .LBB2_2-.Ltmp0, $4  }
0x115: {  	_ = 	snop  }
0x116: {  	v0 =	vadd.f32 v1, v0  }
0x117: {  	s26 =	sadd.s32 $0x80, s26  }
0x118: {  	s25 =	sadd.s32 $0x1, s25;
	s12 =	sadd.s32 $0x1, s12;
	s11 =	sadd.s32 $0x400, s11;
	[tilespmem:s13+$0x180] =	vst v0  }
0x119: {  	s25 =	simm.s32 $0x0  }
0x11a: {  	[hbm4b:s9+s25] =	stream.linear.scatter [tilespmem:s18], [sflag:$0x5], $0x4000, $0x38;
	[tilespmem:$0x10180] =	vst v63  }
0x11b: {  	_ =	swait.ge [sflag:s16], $0x4000  }
0x11c: {  	[sflag:s16] =	ssyncset.done $0x0  }
0x11d: {  	[sflag:s16] =	ssyncadd.s32 $0xFFFFC000  }
0x11e: {  	_ =	swait.ge [sflag:s22], $0x4000  }
0x11f: {  	[sflag:s22] =	ssyncset.done $0x0  }
0x120: {  	[sflag:s22] =	ssyncadd.s32 $0xFFFFC000  }
0x121: {  	_ =	swait.ge [sflag:s23], $0x4000  }
0x122: {  	[sflag:s23] =	ssyncset.done $0x0  }
0x123: {  	[sflag:s23] =	ssyncadd.s32 $0xFFFFC000  }
0x124: {  	v0 =	vld [tilespmem:$0x20];
	_ =	sdelay $0x2  }
0x125: {  	v3 =	vld [tilespmem:$0x1FFD0];
	_ =	sdelay $0x1  }
0x126: {  	v4 =	vld [tilespmem:$0x1FFE0];
	v1 =	vshll.u32 v0, $0x3  }
0x127: {  	v0 =	vand.u32 $0x7, v0;
	v1 =	vand.u32 $0xFFFFFFC0, v1  }
0x128: {  	v0 =	vor.u32 v0, v1  }
0x129: {  	v1 =	vperm.xlane v0, v3;
	_ =	sdelay $0x1  }
0x12a: {  	v1 =	vadd.s32 v4, v1  }
0x12b: {  	v5 =	vld [tilespmem:$0x1FFF0];
	_ =	sdelay $0x3  }
0x12c: {  	v2 =	vld [tilespmem:$0xA0];
	[tilespmem:s18], [sflag:$0x1] =	stream.indirect_vreg.gather [hbm4b:s3+s25], $0x80, v1, vm0, $0xb8  }
0x12d: {  	s11 =	simm.s32 $0x980;
	v0 =	vperm.xlane v0, v5  }
0x12e: {  	[tilespmem:s11], [sflag:$0x1] =	stream.indirect_vreg.gather [hbm4b:s7+s25], $0x80, v1, vm0, $0xb8;
	[tilespmem:$0x10180] =	vst v63  }
0x12f: {  	s13 =	simm.s32 $0x1180;
	v0 =	vadd.s32 v4, v0  }
0x130: {  	[tilespmem:s13], [sflag:$0x1] =	stream.indirect_vreg.gather [hbm4b:s8+s25], $0x80, v1, vm0, $0xb8;
	[tilespmem:$0x10180] =	vst v63  }
0x131: {  	s26 =	simm.s32 $0x1980  }
0x132: {  	v62 =	vshll.u32 v2, $0x3;
	[tilespmem:s26], [sflag:$0x1] =	stream.indirect_vreg.gather [hbm4b:s10+s25], $0x80, v1, vm0, $0xb8;
	[tilespmem:$0x10180] =	vst v63  }
0x133: {  	s28 =	simm.s32 $0x2180;
	v2 =	vand.u32 $0x7, v2;
	v1 =	vand.u32 $0xFFFFFFC0, v62  }
0x134: {  	v1 =	vor.u32 v2, v1;
	[tilespmem:s28], [sflag:$0x1] =	stream.indirect_vreg.gather [hbm4b:s3+s25], $0x80, v0, vm0, $0xb8;
	[tilespmem:$0x10180] =	vst v63  }
0x135: {  	s29 =	simm.s32 $0x2980;
	v2 =	vperm.xlane v1, v3  }
0x136: {  	[tilespmem:s29], [sflag:$0x1] =	stream.indirect_vreg.gather [hbm4b:s7+s25], $0x80, v0, vm0, $0xb8;
	[tilespmem:$0x10180] =	vst v63  }
0x137: {  	s12 =	simm.s32 $0x3180;
	v2 =	vadd.s32 v4, v2  }
0x138: {  	[tilespmem:s12], [sflag:$0x1] =	stream.indirect_vreg.gather [hbm4b:s8+s25], $0x80, v0, vm0, $0xb8;
	[tilespmem:$0x10180] =	vst v63  }
0x139: {  	s13 =	simm.s32 $0x3980  }
0x13a: {  	[tilespmem:s13], [sflag:$0x1] =	stream.indirect_vreg.gather [hbm4b:s10+s25], $0x80, v0, vm0, $0xb8;
	[tilespmem:$0x10180] =	vst v63  }
0x13b: {  	s26 =	simm.s32 $0x8180  }
0x13c: {  	[tilespmem:s26], [sflag:$0x3] =	stream.indirect_vreg.gather [hbm4b:s3+s25], $0x80, v2, vm0, $0xb8;
	[tilespmem:$0x10180] =	vst v63  }
0x13d: {  	v63 =	vperm.xlane v1, v5;
	s28 =	simm.s32 $0x8980  }
0x13e: {  	[tilespmem:s28], [sflag:$0x3] =	stream.indirect_vreg.gather [hbm4b:s7+s25], $0x80, v2, vm0, $0xb8;
	[tilespmem:$0x10180] =	vst v63  }
0x13f: {  	s29 =	simm.s32 $0x9180;
	v0 =	vadd.s32 v4, v63  }
0x140: {  	[tilespmem:s29], [sflag:$0x3] =	stream.indirect_vreg.gather [hbm4b:s8+s25], $0x80, v2, vm0, $0xb8;
	[tilespmem:$0x10180] =	vst v63  }
0x141: {  	s12 =	simm.s32 $0x9980  }
0x142: {  	[tilespmem:s12], [sflag:$0x3] =	stream.indirect_vreg.gather [hbm4b:s10+s25], $0x80, v2, vm0, $0xb8;
	[tilespmem:$0x10180] =	vst v63  }
0x143: {  	s13 =	simm.s32 $0xA180  }
0x144: {  	[tilespmem:s13], [sflag:$0x3] =	stream.indirect_vreg.gather [hbm4b:s3+s25], $0x80, v0, vm0, $0xb8;
	[tilespmem:$0x10180] =	vst v63  }
0x145: {  	s26 =	simm.s32 $0xA980  }
0x146: {  	[tilespmem:s26], [sflag:$0x3] =	stream.indirect_vreg.gather [hbm4b:s7+s25], $0x80, v0, vm0, $0xb8;
	[tilespmem:$0x10180] =	vst v63  }
0x147: {  	s11 =	simm.s32 $0x10;
	s28 =	simm.s32 $0xB180  }
0x148: {  	[tilespmem:s28], [sflag:$0x3] =	stream.indirect_vreg.gather [hbm4b:s8+s25], $0x80, v0, vm0, $0xb8;
	[tilespmem:$0x10180] =	vst v63  }
0x149: {  	s29 =	simm.s32 $0xB980;
	s12 =	simm.s32 $0x0;
	s26 =	simm.s32 $0x0  }
0x14a: {  	[tilespmem:s29], [sflag:$0x3] =	stream.indirect_vreg.gather [hbm4b:s10+s25], $0x80, v0, vm0, $0xb8;
	[tilespmem:$0x10180] =	vst v63  }
.LBB2_4:
0x14b: {  	s13 =	sand.u32 $0x2000, s26;
	s28 =	sand.u32 $0x380, s12  }
0x14c: {  	s28 =	sor.u32 s28, s13  }
0x14d: {  	v1 =	vld [tilespmem:s28+$0xC180]  }
0x14e: {  	v2 =	vld [tilespmem:s28+$0x4190]  }
0x14f: {  	v6 =	vld [tilespmem:s28+$0xC190]  }
0x150: {  	v10 =	vld [tilespmem:s28+$0x41A0]  }
0x151: {  	v11 =	vld [tilespmem:s28+$0xC1A0]  }
0x152: {  	v16 =	vld [tilespmem:s28+$0x41B0]  }
0x153: {  	v17 =	vld [tilespmem:s28+$0xC1B0]  }
0x154: {  	v20 =	vld [tilespmem:s28+$0x41C0]  }
0x155: {  	v23 =	vld [tilespmem:s28+$0xC1C0]  }
0x156: {  	v26 =	vld [tilespmem:s28+$0x41D0]  }
0x157: {  	v27 =	vld [tilespmem:s28+$0xC1D0]  }
0x158: {  	v28 =	vld [tilespmem:s28+$0x41E0]  }
0x159: {  	v29 =	vld [tilespmem:s28+$0xC1E0]  }
0x15a: {  	v30 =	vld [tilespmem:s28+$0x41F0]  }
0x15b: {  	v31 =	vld [tilespmem:s28+$0xC1F0]  }
0x15c: {  	v32 =	vld [tilespmem:s28+$0x4580]  }
0x15d: {  	v33 =	vld [tilespmem:s28+$0xC580]  }
0x15e: {  	v34 =	vld [tilespmem:s28+$0x4590]  }
0x15f: {  	v35 =	vld [tilespmem:s28+$0xC590]  }
0x160: {  	v36 =	vld [tilespmem:s28+$0x45A0]  }
0x161: {  	v37 =	vld [tilespmem:s28+$0xC5A0]  }
0x162: {  	v38 =	vld [tilespmem:s28+$0x45B0]  }
0x163: {  	v39 =	vld [tilespmem:s28+$0xC5B0]  }
0x164: {  	v40 =	vld [tilespmem:s28+$0x45C0]  }
0x165: {  	v41 =	vld [tilespmem:s28+$0xC5C0]  }
0x166: {  	v42 =	vld [tilespmem:s28+$0x45D0]  }
0x167: {  	v43 =	vld [tilespmem:s28+$0xC5D0]  }
0x168: {  	v44 =	vld [tilespmem:s28+$0x45E0]  }
0x169: {  	v45 =	vld [tilespmem:s28+$0xC5E0]  }
0x16a: {  	v46 =	vld [tilespmem:s28+$0x45F0]  }
0x16b: {  	v47 =	vld [tilespmem:s28+$0xC5F0]  }
0x16c: {  	v48 =	vld [tilespmem:s28+$0x4980]  }
0x16d: {  	v49 =	vld [tilespmem:s28+$0xC980]  }
0x16e: {  	v50 =	vld [tilespmem:s28+$0x4990]  }
0x16f: {  	v51 =	vld [tilespmem:s28+$0xC990]  }
0x170: {  	v52 =	vld [tilespmem:s28+$0x49A0]  }
0x171: {  	v53 =	vld [tilespmem:s28+$0xC9A0]  }
0x172: {  	v54 =	vld [tilespmem:s28+$0x49B0]  }
0x173: {  	v55 =	vld [tilespmem:s28+$0xC9B0]  }
0x174: {  	v56 =	vld [tilespmem:s28+$0x49C0]  }
0x175: {  	v57 =	vld [tilespmem:s28+$0xC9C0]  }
0x176: {  	v58 =	vld [tilespmem:s28+$0x49D0]  }
0x177: {  	v59 =	vld [tilespmem:s28+$0xC9D0]  }
0x178: {  	v60 =	vld [tilespmem:s28+$0x49E0]  }
0x179: {  	v61 =	vld [tilespmem:s28+$0xC9E0]  }
0x17a: {  	v62 =	vld [tilespmem:s28+$0x49F0]  }
0x17b: {  	v63 =	vld [tilespmem:s28+$0xC9F0]  }
0x17c: {  	v24 =	vld [tilespmem:s28+$0x4D80]  }
0x17d: {  	v25 =	vld [tilespmem:s28+$0xCD80]  }
0x17e: {  	v0 =	vmov s11;
	v21 =	vld [tilespmem:s28+$0x4D90]  }
0x17f: {  	v22 =	vld [tilespmem:s28+$0xCD90]  }
0x180: {  	v18 =	vld [tilespmem:s28+$0x4DA0]  }
0x181: {  	v19 =	vld [tilespmem:s28+$0xCDA0]  }
0x182: {  	v5 =	vld [tilespmem:s28+$0x4DE0]  }
0x183: {  	v3 =	vld.idx.msk [tilespmem:v0+s15+$0x0], $0xffff  }
0x184: {  	v0 =	vld [tilespmem:s28+$0x4180]  }
0x185: {  	v14 =	vld [tilespmem:s28+$0x4DB0]  }
0x186: {  	v15 =	vld [tilespmem:s28+$0xCDB0]  }
0x187: {  	v12 =	vld [tilespmem:s28+$0x4DC0]  }
0x188: {  	v13 =	vld [tilespmem:s28+$0xCDC0];
	v4 =	vsub.f32 $1.000000000e+00, v3  }
0x189: {  	v7 =	vld [tilespmem:s28+$0x4DD0];
	[tilespmem:$0x1FFA0] =	vst v5;
	v0 =	vmul.f32 v0, v3;
	v5 =	vmul.f32 v2, v3  }
0x18a: {  	v9 =	vld [tilespmem:s28+$0xCDD0];
	v26 =	vmul.f32 v26, v3;
	v1 =	vmul.f32 v1, v4  }
0x18b: {  	v8 =	vld [tilespmem:s28+$0xCDE0];
	v30 =	vmul.f32 v30, v3;
	v2 =	vmul.f32 v6, v4  }
0x18c: {  	v6 =	vld [tilespmem:s28+$0x4DF0];
	v11 =	vmul.f32 v11, v4;
	v0 =	vadd.f32 v1, v0;
	v1 =	vmul.f32 v10, v3  }
0x18d: {  	v17 =	vmul.f32 v17, v4;
	v10 =	vld [tilespmem:s28+$0xCDF0];
	v5 =	vadd.f32 v2, v5;
	v2 =	vmul.f32 v16, v3  }
0x18e: {  	v16 =	vld [tilespmem:s28+$0xD180];
	[tilespmem:s28+$0x4180] =	vst v0;
	v0 =	vadd.f32 v11, v1;
	v1 =	vmul.f32 v20, v3;
	v11 =	vmul.f32 v23, v4  }
0x18f: {  	v42 =	vmul.f32 v42, v3;
	v27 =	vmul.f32 v27, v4;
	[tilespmem:s28+$0x4190] =	vst v5;
	v2 =	vadd.f32 v17, v2;
	v17 =	vld [tilespmem:s28+$0x5190]  }
0x190: {  	v20 =	vld [tilespmem:s28+$0xD190];
	[tilespmem:s28+$0x41A0] =	vst v0;
	v0 =	vadd.f32 v11, v1;
	v1 =	vmul.f32 v28, v3;
	v11 =	vmul.f32 v29, v4  }
0x191: {  	v31 =	vmul.f32 v31, v4;
	v33 =	vmul.f32 v33, v4;
	v23 =	vld [tilespmem:s28+$0x51A0];
	[tilespmem:$0x1FFB0] =	vst v6  }
0x192: {  	v5 =	vmul.f32 v34, v3;
	v6 =	vld [tilespmem:s28+$0x5180];
	[tilespmem:s28+$0x41C0] =	vst v0;
	v0 =	vadd.f32 v11, v1;
	v1 =	vmul.f32 v32, v3  }
0x193: {  	v34 =	vmul.f32 v37, v4;
	v37 =	vmul.f32 v39, v4;
	[tilespmem:s28+$0x41B0] =	vst v2;
	v2 =	vadd.f32 v27, v26;
	v26 =	vld [tilespmem:s28+$0xD1A0]  }
0x194: {  	v28 =	vld [tilespmem:s28+$0x51B0];
	[tilespmem:s28+$0x41E0] =	vst v0;
	v0 =	vadd.f32 v33, v1;
	v33 =	vmul.f32 v36, v3;
	v36 =	vmul.f32 v38, v3  }
0x195: {  	v39 =	vmul.f32 v40, v3;
	v40 =	vmul.f32 v41, v4;
	v29 =	vld [tilespmem:s28+$0xD1B0];
	[tilespmem:s28+$0x41D0] =	vst v2;
	v2 =	vadd.f32 v31, v30  }
0x196: {  	v32 =	vmul.f32 v35, v4;
	v30 =	vld [tilespmem:s28+$0x51C0];
	v38 =	vadd.f32 v34, v33;
	v41 =	vadd.f32 v37, v36  }
0x197: {  	v31 =	vld [tilespmem:s28+$0xD1C0];
	v36 =	vmul.f32 v43, v4;
	v37 =	vadd.f32 v40, v39;
	v39 =	vmul.f32 v45, v4  }
0x198: {  	v11 =	vld [tilespmem:s28+$0xD5D0];
	v35 =	vadd.f32 v32, v5;
	v45 =	vmul.f32 v49, v4;
	[tilespmem:s28+$0x45A0] =	vst v38;
	v38 =	vmul.f32 v44, v3  }
0x199: {  	v32 =	vld [tilespmem:s28+$0x51D0];
	[tilespmem:s28+$0x45B0] =	vst v41;
	v40 =	vadd.f32 v36, v42;
	v41 =	vmul.f32 v46, v3;
	v42 =	vmul.f32 v47, v4  }
0x19a: {  	[tilespmem:s28+$0x41F0] =	vst v2;
	v33 =	vld [tilespmem:s28+$0xD1D0];
	v44 =	vmul.f32 v48, v3;
	v47 =	vmul.f32 v50, v3  }
0x19b: {  	[tilespmem:s28+$0x4580] =	vst v0;
	v34 =	vld [tilespmem:s28+$0x51E0];
	v48 =	vmul.f32 v51, v4;
	v50 =	vmul.f32 v52, v3  }
0x19c: {  	[tilespmem:s28+$0x4590] =	vst v35;
	v35 =	vld [tilespmem:s28+$0xD1E0];
	v51 =	vmul.f32 v53, v4;
	v53 =	vmul.f32 v54, v3  }
0x19d: {  	[tilespmem:s28+$0x45C0] =	vst v37;
	v36 =	vld [tilespmem:s28+$0x51F0];
	v54 =	vmul.f32 v55, v4;
	v43 =	vadd.f32 v39, v38;
	v46 =	vadd.f32 v42, v41  }
0x19e: {  	v37 =	vld [tilespmem:s28+$0xD1F0];
	[tilespmem:s28+$0x45D0] =	vst v40;
	v49 =	vadd.f32 v45, v44;
	v44 =	vmul.f32 v56, v3;
	v45 =	vmul.f32 v57, v4  }
0x19f: {  	v52 =	vadd.f32 v48, v47;
	v38 =	vld [tilespmem:s28+$0x5580];
	v47 =	vmul.f32 v58, v3;
	v48 =	vmul.f32 v59, v4;
	[tilespmem:s28+$0x45E0] =	vst v43  }
0x1a0: {  	v55 =	vadd.f32 v51, v50;
	v39 =	vld [tilespmem:s28+$0xD580];
	v50 =	vmul.f32 v60, v3;
	v51 =	vmul.f32 v61, v4;
	[tilespmem:s28+$0x45F0] =	vst v46  }
0x1a1: {  	v40 =	vld [tilespmem:s28+$0x5590];
	v56 =	vmul.f32 v24, v3;
	v57 =	vmul.f32 v25, v4;
	[tilespmem:s28+$0x4980] =	vst v49  }
0x1a2: {  	v41 =	vld [tilespmem:s28+$0xD590];
	v59 =	vmul.f32 v21, v3;
	v60 =	vmul.f32 v22, v4;
	[tilespmem:s28+$0x4990] =	vst v52;
	v46 =	vadd.f32 v54, v53  }
0x1a3: {  	v42 =	vld [tilespmem:s28+$0x55A0];
	v21 =	vmul.f32 v14, v3;
	v25 =	vmul.f32 v15, v4;
	[tilespmem:s28+$0x49A0] =	vst v55;
	v49 =	vadd.f32 v45, v44  }
0x1a4: {  	v24 =	vld [tilespmem:s28+$0xD5A0];
	v52 =	vadd.f32 v48, v47;
	v53 =	vmul.f32 v62, v3;
	v54 =	vmul.f32 v63, v4;
	[tilespmem:s28+$0x49B0] =	vst v46  }
0x1a5: {  	v22 =	vld [tilespmem:s28+$0x55B0];
	v55 =	vadd.f32 v51, v50;
	v62 =	vmul.f32 v18, v3;
	v63 =	vmul.f32 v19, v4;
	[tilespmem:s28+$0x49C0] =	vst v49  }
0x1a6: {  	v15 =	vld [tilespmem:s28+$0x55C0];
	v61 =	vadd.f32 v57, v56;
	v43 =	vmul.f32 v12, v3;
	v44 =	vmul.f32 v13, v4;
	[tilespmem:s28+$0x49D0] =	vst v52  }
0x1a7: {  	v14 =	vld [tilespmem:s28+$0xD5F0];
	v19 =	vadd.f32 v60, v59;
	v47 =	vmul.f32 v9, v4;
	v57 =	vmul.f32 v17, v3;
	[tilespmem:s28+$0x49E0] =	vst v55  }
0x1a8: {  	v18 =	vld [tilespmem:s28+$0xD5B0];
	v45 =	vadd.f32 v25, v21;
	v60 =	vmul.f32 v23, v3;
	v23 =	vmul.f32 v30, v3;
	[tilespmem:s28+$0x4D80] =	vst v61  }
0x1a9: {  	v12 =	vld [tilespmem:s28+$0xD5C0];
	v25 =	vmul.f32 v31, v4;
	v30 =	vmul.f32 v34, v3;
	v58 =	vadd.f32 v54, v53;
	[tilespmem:s28+$0x4D90] =	vst v19  }
0x1aa: {  	v9 =	vld [tilespmem:s28+$0x55D0];
	v31 =	vmul.f32 v35, v4;
	v34 =	vmul.f32 v37, v4;
	v27 =	vadd.f32 v63, v62;
	[tilespmem:s28+$0x4DB0] =	vst v45  }
0x1ab: {  	v51 =	vld [tilespmem:$0x1FFB0];
	v46 =	vmul.f32 v7, v3;
	v48 =	vadd.f32 v44, v43;
	v52 =	vmul.f32 v10, v4;
	[tilespmem:s28+$0x49F0] =	vst v58  }
0x1ac: {  	v13 =	vld [tilespmem:s28+$0x55F0];
	v54 =	vmul.f32 v6, v3;
	v55 =	vmul.f32 v16, v4;
	v35 =	vadd.f32 v31, v30;
	[tilespmem:s28+$0x4DA0] =	vst v27  }
0x1ad: {  	v17 =	vld [tilespmem:s28+$0xD980];
	v61 =	vmul.f32 v26, v4;
	v63 =	vmul.f32 v28, v3;
	v50 =	vadd.f32 v47, v46;
	[tilespmem:s28+$0x4DC0] =	vst v48  }
0x1ae: {  	v49 =	vld [tilespmem:$0x1FFA0];
	v28 =	vmul.f32 v33, v4;
	v33 =	vmul.f32 v36, v3;
	v59 =	vadd.f32 v55, v54;
	[tilespmem:s28+$0x51E0] =	vst v35  }
0x1af: {  	v10 =	vld [tilespmem:s28+$0x55E0];
	v36 =	vmul.f32 v38, v3;
	v37 =	vmul.f32 v39, v4;
	v21 =	vadd.f32 v61, v60;
	[tilespmem:s28+$0x4DD0] =	vst v50  }
0x1b0: {  	v16 =	vld [tilespmem:s28+$0x5980];
	v58 =	vmul.f32 v20, v4;
	v20 =	vmul.f32 v29, v4;
	v29 =	vadd.f32 v25, v23;
	[tilespmem:s28+$0x5180] =	vst v59  }
0x1b1: {  	v19 =	vld [tilespmem:s28+$0x5990];
	v39 =	vadd.f32 v34, v33;
	[tilespmem:s28+$0x51A0] =	vst v21  }
0x1b2: {  	v44 =	vld [tilespmem:s28+$0x59B0];
	v45 =	vadd.f32 v37, v36;
	[tilespmem:s28+$0x51C0] =	vst v29  }
0x1b3: {  	v31 =	vld [tilespmem:s28+$0x59F0];
	v27 =	vmul.f32 v32, v3;
	v62 =	vadd.f32 v58, v57;
	[tilespmem:s28+$0x51F0] =	vst v39  }
0x1b4: {  	v8 =	vmul.f32 v8, v4;
	v38 =	vld [tilespmem:s28+$0xD9A0];
	v5 =	vmul.f32 v51, v3;
	v26 =	vadd.f32 v20, v63;
	[tilespmem:s28+$0x5580] =	vst v45  }
0x1b5: {  	v40 =	vmul.f32 v40, v3;
	v43 =	vmul.f32 v41, v4;
	v48 =	vld [tilespmem:s28+$0xD9B0];
	v32 =	vadd.f32 v28, v27;
	[tilespmem:s28+$0x5190] =	vst v62  }
0x1b6: {  	v46 =	vmul.f32 v42, v3;
	v47 =	vmul.f32 v24, v4;
	v55 =	vld [tilespmem:s28+$0x59D0];
	v56 =	vadd.f32 v52, v5;
	[tilespmem:s28+$0x51B0] =	vst v26  }
0x1b7: {  	v35 =	vld [tilespmem:s28+$0xD9F0];
	v51 =	vmul.f32 v18, v4;
	v1 =	vmul.f32 v49, v3;
	v49 =	vadd.f32 v43, v40;
	[tilespmem:s28+$0x51D0] =	vst v32  }
0x1b8: {  	v18 =	vld [tilespmem:s28+$0x59C0];
	v30 =	vmul.f32 v17, v4;
	v50 =	vmul.f32 v22, v3;
	v52 =	vadd.f32 v47, v46;
	[tilespmem:s28+$0x4DF0] =	vst v56  }
0x1b9: {  	v20 =	vld [tilespmem:s28+$0xD990];
	v57 =	vmul.f32 v9, v3;
	v29 =	vmul.f32 v16, v3;
	v53 =	vadd.f32 v8, v1;
	[tilespmem:s28+$0x5590] =	vst v49  }
0x1ba: {  	v21 =	vld [tilespmem:s28+$0x59A0];
	v22 =	vmul.f32 v13, v3;
	v26 =	vmul.f32 v14, v4;
	v56 =	vadd.f32 v51, v50;
	[tilespmem:s28+$0x55A0] =	vst v52  }
0x1bb: {  	v58 =	vmul.f32 v11, v4;
	v59 =	vld [tilespmem:s28+$0xD9D0];
	v41 =	vmul.f32 v44, v3;
	v36 =	vadd.f32 v30, v29;
	[tilespmem:s28+$0x4DE0] =	vst v53  }
0x1bc: {  	v63 =	vld [tilespmem:s28+$0x59E0];
	v42 =	vmul.f32 v48, v4;
	v50 =	vmul.f32 v31, v3;
	v32 =	vadd.f32 v26, v22;
	[tilespmem:s28+$0x55B0] =	vst v56  }
0x1bd: {  	v27 =	vld [tilespmem:s28+$0xD9E0];
	v51 =	vmul.f32 v35, v4;
	v53 =	vmul.f32 v15, v3;
	v15 =	vadd.f32 v58, v57;
	[tilespmem:s28+$0x5980] =	vst v36  }
0x1be: {  	v54 =	vmul.f32 v12, v4;
	v33 =	vmul.f32 v19, v3;
	v8 =	vld [tilespmem:s28+$0xD5E0];
	v46 =	vadd.f32 v42, v41;
	[tilespmem:s28+$0x55F0] =	vst v32  }
0x1bf: {  	v39 =	vld [tilespmem:s28+$0xD9C0];
	v44 =	vmul.f32 v55, v3;
	v34 =	vmul.f32 v20, v4;
	v55 =	vadd.f32 v51, v50;
	[tilespmem:s28+$0x55D0] =	vst v15  }
0x1c0: {  	v38 =	vmul.f32 v38, v4;
	v37 =	vmul.f32 v21, v3;
	v60 =	vadd.f32 v54, v53;
	[tilespmem:s28+$0x59B0] =	vst v46  }
0x1c1: {  	v45 =	vmul.f32 v59, v4;
	v40 =	vadd.f32 v34, v33;
	[tilespmem:s28+$0x59F0] =	vst v55  }
0x1c2: {  	v47 =	vmul.f32 v63, v3;
	v48 =	vmul.f32 v27, v4;
	v43 =	vadd.f32 v38, v37;
	[tilespmem:s28+$0x55C0] =	vst v60  }
0x1c3: {  	v61 =	vmul.f32 v10, v3;
	v49 =	vadd.f32 v45, v44;
	v62 =	vmul.f32 v8, v4;
	[tilespmem:s28+$0x5990] =	vst v40  }
0x1c4: {  	s29 =	sand.u32 $0x7, s25;
	v52 =	vadd.f32 v48, v47;
	v53 =	vmul.f32 v18, v3;
	v54 =	vmul.f32 v39, v4;
	[tilespmem:s28+$0x59A0] =	vst v43  }
0x1c5: {  	s13 =	sshll.u32 s29, $0x7;
	[tilespmem:s28+$0x59D0] =	vst v49;
	v28 =	vadd.f32 v62, v61  }
0x1c6: {  	s13 =	sadd.s32 s13, s26;
	v56 =	vadd.f32 v54, v53;
	[tilespmem:s28+$0x59E0] =	vst v52  }
0x1c7: {  	s29 =	sor.u32 $0x1C00, s13;
	[tilespmem:s28+$0x55E0] =	vst v28  }
0x1c8: {  	[tilespmem:s28+$0x59C0] =	vst v56;
	v0 =	vld [tilespmem:s29+$0x4180]  }
0x1c9: {  	v1 =	vld [tilespmem:s29+$0xC180];
	_ =	sdelay $0x4  }
0x1ca: {  	v0 =	vmul.f32 v0, v3;
	v1 =	vmul.f32 v1, v4;
	_ =	sdelay $0x1  }
0x1cb: {  	v0 =	vadd.f32 v1, v0;
	_ =	sdelay $0x1  }
0x1cc: {  	[tilespmem:s29+$0x4180] =	vst v0;
	s29 =	sor.u32 $0x1C10, s13  }
0x1cd: {  	v0 =	vld [tilespmem:s29+$0x4180]  }
0x1ce: {  	v57 =	vld [tilespmem:s29+$0xC180];
	_ =	sdelay $0x4  }
0x1cf: {  	v0 =	vmul.f32 v0, v3;
	v1 =	vmul.f32 v57, v4;
	_ =	sdelay $0x1  }
0x1d0: {  	v0 =	vadd.f32 v1, v0;
	_ =	sdelay $0x1  }
0x1d1: {  	[tilespmem:s29+$0x4180] =	vst v0;
	s29 =	sor.u32 $0x1C20, s13  }
0x1d2: {  	v0 =	vld [tilespmem:s29+$0x4180]  }
0x1d3: {  	v58 =	vld [tilespmem:s29+$0xC180];
	_ =	sdelay $0x4  }
0x1d4: {  	v0 =	vmul.f32 v0, v3;
	v1 =	vmul.f32 v58, v4;
	_ =	sdelay $0x1  }
0x1d5: {  	v0 =	vadd.f32 v1, v0;
	_ =	sdelay $0x1  }
0x1d6: {  	[tilespmem:s29+$0x4180] =	vst v0;
	s29 =	sor.u32 $0x1C30, s13  }
0x1d7: {  	v0 =	vld [tilespmem:s29+$0x4180]  }
0x1d8: {  	v59 =	vld [tilespmem:s29+$0xC180];
	_ =	sdelay $0x4  }
0x1d9: {  	v0 =	vmul.f32 v0, v3;
	v1 =	vmul.f32 v59, v4;
	_ =	sdelay $0x1  }
0x1da: {  	v0 =	vadd.f32 v1, v0;
	_ =	sdelay $0x1  }
0x1db: {  	[tilespmem:s29+$0x4180] =	vst v0;
	s29 =	sor.u32 $0x1C40, s13  }
0x1dc: {  	v0 =	vld [tilespmem:s29+$0x4180]  }
0x1dd: {  	v60 =	vld [tilespmem:s29+$0xC180];
	_ =	sdelay $0x4  }
0x1de: {  	v0 =	vmul.f32 v0, v3;
	v1 =	vmul.f32 v60, v4;
	_ =	sdelay $0x1  }
0x1df: {  	v0 =	vadd.f32 v1, v0;
	_ =	sdelay $0x1  }
0x1e0: {  	[tilespmem:s29+$0x4180] =	vst v0;
	s29 =	sor.u32 $0x1C50, s13  }
0x1e1: {  	v0 =	vld [tilespmem:s29+$0x4180]  }
0x1e2: {  	v61 =	vld [tilespmem:s29+$0xC180];
	_ =	sdelay $0x4  }
0x1e3: {  	v0 =	vmul.f32 v0, v3;
	v1 =	vmul.f32 v61, v4;
	_ =	sdelay $0x1  }
0x1e4: {  	v0 =	vadd.f32 v1, v0;
	_ =	sdelay $0x1  }
0x1e5: {  	[tilespmem:s29+$0x4180] =	vst v0;
	s29 =	sor.u32 $0x1C60, s13  }
0x1e6: {  	v0 =	vld [tilespmem:s29+$0x4180]  }
0x1e7: {  	v62 =	vld [tilespmem:s29+$0xC180];
	_ =	sdelay $0x4  }
0x1e8: {  	v0 =	vmul.f32 v0, v3;
	v1 =	vmul.f32 v62, v4;
	_ =	sdelay $0x1  }
0x1e9: {  	v0 =	vadd.f32 v1, v0;
	_ =	sdelay $0x1  }
0x1ea: {  	s13 =	sor.u32 $0x1C70, s13;
	[tilespmem:s29+$0x4180] =	vst v0  }
0x1eb: {  	v0 =	vld [tilespmem:s13+$0x4180]  }
0x1ec: {  	v63 =	vld [tilespmem:s13+$0xC180];
	_ =	sdelay $0x3  }
0x1ed: {  	p0 =	sne.s32 s11, $0x1F  }
.Ltmp1:
0x1ee: {  	v0 =	vmul.f32 v0, v3;
	v1 =	vmul.f32 v63, v4;
	(pc) =	sbr.rel @p0 .LBB2_4-.Ltmp1, $4  }
0x1ef: {  	_ = 	snop  }
0x1f0: {  	v0 =	vadd.f32 v1, v0  }
0x1f1: {  	s12 =	sadd.s32 $0x80, s12  }
0x1f2: {  	s25 =	sadd.s32 $0x1, s25;
	s11 =	sadd.s32 $0x1, s11;
	s26 =	sadd.s32 $0x400, s26;
	[tilespmem:s13+$0x4180] =	vst v0  }
0x1f3: {  	s25 =	simm.s32 $0x0;
	s11 =	rddreg [dreg:$0x6]  }
0x1f4: {  	[hbm4b:s11+s25] =	stream.linear.scatter [tilespmem:s21], [sflag:$0x5], $0x4000, $0x38;
	[tilespmem:$0x10180] =	vst v63  }
0x1f5: {  	_ =	swait.ge [sflag:s16], $0x4000  }
0x1f6: {  	[sflag:s16] =	ssyncset.done $0x0  }
0x1f7: {  	[sflag:s16] =	ssyncadd.s32 $0xFFFFC000  }
0x1f8: {  	_ =	swait.ge [sflag:s19], $0x4000  }
0x1f9: {  	[sflag:s19] =	ssyncset.done $0x0  }
0x1fa: {  	[sflag:s19] =	ssyncadd.s32 $0xFFFFC000  }
0x1fb: {  	_ =	swait.ge [sflag:s20], $0x4000  }
0x1fc: {  	[sflag:s20] =	ssyncset.done $0x0  }
0x1fd: {  	[sflag:s20] =	ssyncadd.s32 $0xFFFFC000  }
0x1fe: {  	v0 =	vld [tilespmem:$0x30];
	_ =	sdelay $0x2  }
0x1ff: {  	v3 =	vld [tilespmem:$0x1FFD0];
	_ =	sdelay $0x1  }
0x200: {  	v4 =	vld [tilespmem:$0x1FFE0];
	v1 =	vshll.u32 v0, $0x3  }
0x201: {  	v0 =	vand.u32 $0x7, v0;
	v1 =	vand.u32 $0xFFFFFFC0, v1  }
0x202: {  	v0 =	vor.u32 v0, v1  }
0x203: {  	v1 =	vperm.xlane v0, v3;
	_ =	sdelay $0x1  }
0x204: {  	v1 =	vadd.s32 v4, v1  }
0x205: {  	v5 =	vld [tilespmem:$0x1FFF0];
	_ =	sdelay $0x3  }
0x206: {  	v2 =	vld [tilespmem:$0xB0];
	[tilespmem:s21], [sflag:$0x2] =	stream.indirect_vreg.gather [hbm4b:s3+s25], $0x80, v1, vm0, $0xb8  }
0x207: {  	s28 =	simm.s32 $0x4980;
	v0 =	vperm.xlane v0, v5  }
0x208: {  	[tilespmem:s28], [sflag:$0x2] =	stream.indirect_vreg.gather [hbm4b:s7+s25], $0x80, v1, vm0, $0xb8;
	[tilespmem:$0x10180] =	vst v63  }
0x209: {  	s29 =	simm.s32 $0x5180;
	v0 =	vadd.s32 v4, v0  }
0x20a: {  	[tilespmem:s29], [sflag:$0x2] =	stream.indirect_vreg.gather [hbm4b:s8+s25], $0x80, v1, vm0, $0xb8;
	[tilespmem:$0x10180] =	vst v63  }
0x20b: {  	s12 =	simm.s32 $0x5980  }
0x20c: {  	v62 =	vshll.u32 v2, $0x3;
	[tilespmem:s12], [sflag:$0x2] =	stream.indirect_vreg.gather [hbm4b:s10+s25], $0x80, v1, vm0, $0xb8;
	[tilespmem:$0x10180] =	vst v63  }
0x20d: {  	s13 =	simm.s32 $0x6180;
	v2 =	vand.u32 $0x7, v2;
	v1 =	vand.u32 $0xFFFFFFC0, v62  }
0x20e: {  	v1 =	vor.u32 v2, v1;
	[tilespmem:s13], [sflag:$0x2] =	stream.indirect_vreg.gather [hbm4b:s3+s25], $0x80, v0, vm0, $0xb8;
	[tilespmem:$0x10180] =	vst v63  }
0x20f: {  	s26 =	simm.s32 $0x6980;
	v2 =	vperm.xlane v1, v3  }
0x210: {  	[tilespmem:s26], [sflag:$0x2] =	stream.indirect_vreg.gather [hbm4b:s7+s25], $0x80, v0, vm0, $0xb8;
	[tilespmem:$0x10180] =	vst v63  }
0x211: {  	s28 =	simm.s32 $0x7180;
	v2 =	vadd.s32 v4, v2  }
0x212: {  	[tilespmem:s28], [sflag:$0x2] =	stream.indirect_vreg.gather [hbm4b:s8+s25], $0x80, v0, vm0, $0xb8;
	[tilespmem:$0x10180] =	vst v63  }
0x213: {  	s29 =	simm.s32 $0x7980  }
0x214: {  	[tilespmem:s29], [sflag:$0x2] =	stream.indirect_vreg.gather [hbm4b:s10+s25], $0x80, v0, vm0, $0xb8;
	[tilespmem:$0x10180] =	vst v63  }
0x215: {  	_ = 	snop  }
0x216: {  	[tilespmem:s30], [sflag:$0x4] =	stream.indirect_vreg.gather [hbm4b:s3+s25], $0x80, v2, vm0, $0xb8;
	[tilespmem:$0x10180] =	vst v63  }
0x217: {  	v63 =	vperm.xlane v1, v5  }
0x218: {  	[tilespmem:s31], [sflag:$0x4] =	stream.indirect_vreg.gather [hbm4b:s7+s25], $0x80, v2, vm0, $0xb8;
	[tilespmem:$0x10180] =	vst v63  }
0x219: {  	v0 =	vadd.s32 v4, v63  }
0x21a: {  	[tilespmem:s1], [sflag:$0x4] =	stream.indirect_vreg.gather [hbm4b:s8+s25], $0x80, v2, vm0, $0xb8;
	[tilespmem:$0x10180] =	vst v63  }
0x21b: {  	_ = 	snop  }
0x21c: {  	[tilespmem:s0], [sflag:$0x4] =	stream.indirect_vreg.gather [hbm4b:s10+s25], $0x80, v2, vm0, $0xb8;
	[tilespmem:$0x10180] =	vst v63  }
0x21d: {  	_ = 	snop  }
0x21e: {  	[tilespmem:s4], [sflag:$0x4] =	stream.indirect_vreg.gather [hbm4b:s3+s25], $0x80, v0, vm0, $0xb8;
	[tilespmem:$0x10180] =	vst v63  }
0x21f: {  	_ = 	snop  }
0x220: {  	[tilespmem:s17], [sflag:$0x4] =	stream.indirect_vreg.gather [hbm4b:s7+s25], $0x80, v0, vm0, $0xb8;
	[tilespmem:$0x10180] =	vst v63  }
0x221: {  	_ = 	snop  }
0x222: {  	[tilespmem:s5], [sflag:$0x4] =	stream.indirect_vreg.gather [hbm4b:s8+s25], $0x80, v0, vm0, $0xb8;
	[tilespmem:$0x10180] =	vst v63  }
0x223: {  	s11 =	simm.s32 $0x20;
	s12 =	simm.s32 $0x0;
	s26 =	simm.s32 $0x0  }
0x224: {  	[tilespmem:s6], [sflag:$0x4] =	stream.indirect_vreg.gather [hbm4b:s10+s25], $0x80, v0, vm0, $0xb8;
	[tilespmem:$0x10180] =	vst v63  }
.LBB2_6:
0x225: {  	s13 =	sand.u32 $0x2000, s26;
	s28 =	sand.u32 $0x380, s12  }
0x226: {  	s28 =	sor.u32 s28, s13  }
0x227: {  	v1 =	vld [tilespmem:s28+$0x8180]  }
0x228: {  	v2 =	vld [tilespmem:s28+$0x190]  }
0x229: {  	v6 =	vld [tilespmem:s28+$0x8190]  }
0x22a: {  	v10 =	vld [tilespmem:s28+$0x1A0]  }
0x22b: {  	v11 =	vld [tilespmem:s28+$0x81A0]  }
0x22c: {  	v16 =	vld [tilespmem:s28+$0x1B0]  }
0x22d: {  	v17 =	vld [tilespmem:s28+$0x81B0]  }
0x22e: {  	v20 =	vld [tilespmem:s28+$0x1C0]  }
0x22f: {  	v23 =	vld [tilespmem:s28+$0x81C0]  }
0x230: {  	v26 =	vld [tilespmem:s28+$0x1D0]  }
0x231: {  	v27 =	vld [tilespmem:s28+$0x81D0]  }
0x232: {  	v28 =	vld [tilespmem:s28+$0x1E0]  }
0x233: {  	v29 =	vld [tilespmem:s28+$0x81E0]  }
0x234: {  	v30 =	vld [tilespmem:s28+$0x1F0]  }
0x235: {  	v31 =	vld [tilespmem:s28+$0x81F0]  }
0x236: {  	v32 =	vld [tilespmem:s28+$0x580]  }
0x237: {  	v33 =	vld [tilespmem:s28+$0x8580]  }
0x238: {  	v34 =	vld [tilespmem:s28+$0x590]  }
0x239: {  	v35 =	vld [tilespmem:s28+$0x8590]  }
0x23a: {  	v36 =	vld [tilespmem:s28+$0x5A0]  }
0x23b: {  	v37 =	vld [tilespmem:s28+$0x85A0]  }
0x23c: {  	v38 =	vld [tilespmem:s28+$0x5B0]  }
0x23d: {  	v39 =	vld [tilespmem:s28+$0x85B0]  }
0x23e: {  	v40 =	vld [tilespmem:s28+$0x5C0]  }
0x23f: {  	v41 =	vld [tilespmem:s28+$0x85C0]  }
0x240: {  	v42 =	vld [tilespmem:s28+$0x5D0]  }
0x241: {  	v43 =	vld [tilespmem:s28+$0x85D0]  }
0x242: {  	v44 =	vld [tilespmem:s28+$0x5E0]  }
0x243: {  	v45 =	vld [tilespmem:s28+$0x85E0]  }
0x244: {  	v46 =	vld [tilespmem:s28+$0x5F0]  }
0x245: {  	v47 =	vld [tilespmem:s28+$0x85F0]  }
0x246: {  	v48 =	vld [tilespmem:s28+$0x980]  }
0x247: {  	v49 =	vld [tilespmem:s28+$0x8980]  }
0x248: {  	v50 =	vld [tilespmem:s28+$0x990]  }
0x249: {  	v51 =	vld [tilespmem:s28+$0x8990]  }
0x24a: {  	v52 =	vld [tilespmem:s28+$0x9A0]  }
0x24b: {  	v53 =	vld [tilespmem:s28+$0x89A0]  }
0x24c: {  	v54 =	vld [tilespmem:s28+$0x9B0]  }
0x24d: {  	v55 =	vld [tilespmem:s28+$0x89B0]  }
0x24e: {  	v56 =	vld [tilespmem:s28+$0x9C0]  }
0x24f: {  	v57 =	vld [tilespmem:s28+$0x89C0]  }
0x250: {  	v58 =	vld [tilespmem:s28+$0x9D0]  }
0x251: {  	v59 =	vld [tilespmem:s28+$0x89D0]  }
0x252: {  	v60 =	vld [tilespmem:s28+$0x9E0]  }
0x253: {  	v61 =	vld [tilespmem:s28+$0x89E0]  }
0x254: {  	v62 =	vld [tilespmem:s28+$0x9F0]  }
0x255: {  	v63 =	vld [tilespmem:s28+$0x89F0]  }
0x256: {  	v24 =	vld [tilespmem:s28+$0xD80]  }
0x257: {  	v25 =	vld [tilespmem:s28+$0x8D80]  }
0x258: {  	v0 =	vmov s11;
	v21 =	vld [tilespmem:s28+$0xD90]  }
0x259: {  	v22 =	vld [tilespmem:s28+$0x8D90]  }
0x25a: {  	v18 =	vld [tilespmem:s28+$0xDA0]  }
0x25b: {  	v19 =	vld [tilespmem:s28+$0x8DA0]  }
0x25c: {  	v5 =	vld [tilespmem:s28+$0xDE0]  }
0x25d: {  	v3 =	vld.idx.msk [tilespmem:v0+s15+$0x0], $0xffff  }
0x25e: {  	v0 =	vld [tilespmem:s28+$0x180]  }
0x25f: {  	v14 =	vld [tilespmem:s28+$0xDB0]  }
0x260: {  	v15 =	vld [tilespmem:s28+$0x8DB0]  }
0x261: {  	v12 =	vld [tilespmem:s28+$0xDC0]  }
0x262: {  	v13 =	vld [tilespmem:s28+$0x8DC0];
	v4 =	vsub.f32 $1.000000000e+00, v3  }
0x263: {  	v7 =	vld [tilespmem:s28+$0xDD0];
	[tilespmem:$0x1FF80] =	vst v5;
	v0 =	vmul.f32 v0, v3;
	v5 =	vmul.f32 v2, v3  }
0x264: {  	v9 =	vld [tilespmem:s28+$0x8DD0];
	v26 =	vmul.f32 v26, v3;
	v1 =	vmul.f32 v1, v4  }
0x265: {  	v8 =	vld [tilespmem:s28+$0x8DE0];
	v30 =	vmul.f32 v30, v3;
	v2 =	vmul.f32 v6, v4  }
0x266: {  	v6 =	vld [tilespmem:s28+$0xDF0];
	v11 =	vmul.f32 v11, v4;
	v0 =	vadd.f32 v1, v0;
	v1 =	vmul.f32 v10, v3  }
0x267: {  	v17 =	vmul.f32 v17, v4;
	v10 =	vld [tilespmem:s28+$0x8DF0];
	v5 =	vadd.f32 v2, v5;
	v2 =	vmul.f32 v16, v3  }
0x268: {  	v16 =	vld [tilespmem:s28+$0x9180];
	[tilespmem:s28+$0x180] =	vst v0;
	v0 =	vadd.f32 v11, v1;
	v1 =	vmul.f32 v20, v3;
	v11 =	vmul.f32 v23, v4  }
0x269: {  	v42 =	vmul.f32 v42, v3;
	v27 =	vmul.f32 v27, v4;
	[tilespmem:s28+$0x190] =	vst v5;
	v2 =	vadd.f32 v17, v2;
	v17 =	vld [tilespmem:s28+$0x1190]  }
0x26a: {  	v20 =	vld [tilespmem:s28+$0x9190];
	[tilespmem:s28+$0x1A0] =	vst v0;
	v0 =	vadd.f32 v11, v1;
	v1 =	vmul.f32 v28, v3;
	v11 =	vmul.f32 v29, v4  }
0x26b: {  	v31 =	vmul.f32 v31, v4;
	v33 =	vmul.f32 v33, v4;
	v23 =	vld [tilespmem:s28+$0x11A0];
	[tilespmem:$0x1FF90] =	vst v6  }
0x26c: {  	v5 =	vmul.f32 v34, v3;
	v6 =	vld [tilespmem:s28+$0x1180];
	[tilespmem:s28+$0x1C0] =	vst v0;
	v0 =	vadd.f32 v11, v1;
	v1 =	vmul.f32 v32, v3  }
0x26d: {  	v34 =	vmul.f32 v37, v4;
	v37 =	vmul.f32 v39, v4;
	[tilespmem:s28+$0x1B0] =	vst v2;
	v2 =	vadd.f32 v27, v26;
	v26 =	vld [tilespmem:s28+$0x91A0]  }
0x26e: {  	v28 =	vld [tilespmem:s28+$0x11B0];
	[tilespmem:s28+$0x1E0] =	vst v0;
	v0 =	vadd.f32 v33, v1;
	v33 =	vmul.f32 v36, v3;
	v36 =	vmul.f32 v38, v3  }
0x26f: {  	v39 =	vmul.f32 v40, v3;
	v40 =	vmul.f32 v41, v4;
	v29 =	vld [tilespmem:s28+$0x91B0];
	[tilespmem:s28+$0x1D0] =	vst v2;
	v2 =	vadd.f32 v31, v30  }
0x270: {  	v32 =	vmul.f32 v35, v4;
	v30 =	vld [tilespmem:s28+$0x11C0];
	v38 =	vadd.f32 v34, v33;
	v41 =	vadd.f32 v37, v36  }
0x271: {  	v31 =	vld [tilespmem:s28+$0x91C0];
	v36 =	vmul.f32 v43, v4;
	v37 =	vadd.f32 v40, v39;
	v39 =	vmul.f32 v45, v4  }
0x272: {  	v11 =	vld [tilespmem:s28+$0x95D0];
	v35 =	vadd.f32 v32, v5;
	v45 =	vmul.f32 v49, v4;
	[tilespmem:s28+$0x5A0] =	vst v38;
	v38 =	vmul.f32 v44, v3  }
0x273: {  	v32 =	vld [tilespmem:s28+$0x11D0];
	[tilespmem:s28+$0x5B0] =	vst v41;
	v40 =	vadd.f32 v36, v42;
	v41 =	vmul.f32 v46, v3;
	v42 =	vmul.f32 v47, v4  }
0x274: {  	[tilespmem:s28+$0x1F0] =	vst v2;
	v33 =	vld [tilespmem:s28+$0x91D0];
	v44 =	vmul.f32 v48, v3;
	v47 =	vmul.f32 v50, v3  }
0x275: {  	[tilespmem:s28+$0x580] =	vst v0;
	v34 =	vld [tilespmem:s28+$0x11E0];
	v48 =	vmul.f32 v51, v4;
	v50 =	vmul.f32 v52, v3  }
0x276: {  	[tilespmem:s28+$0x590] =	vst v35;
	v35 =	vld [tilespmem:s28+$0x91E0];
	v51 =	vmul.f32 v53, v4;
	v53 =	vmul.f32 v54, v3  }
0x277: {  	[tilespmem:s28+$0x5C0] =	vst v37;
	v36 =	vld [tilespmem:s28+$0x11F0];
	v54 =	vmul.f32 v55, v4;
	v43 =	vadd.f32 v39, v38;
	v46 =	vadd.f32 v42, v41  }
0x278: {  	v37 =	vld [tilespmem:s28+$0x91F0];
	[tilespmem:s28+$0x5D0] =	vst v40;
	v49 =	vadd.f32 v45, v44;
	v44 =	vmul.f32 v56, v3;
	v45 =	vmul.f32 v57, v4  }
0x279: {  	v52 =	vadd.f32 v48, v47;
	v38 =	vld [tilespmem:s28+$0x1580];
	v47 =	vmul.f32 v58, v3;
	v48 =	vmul.f32 v59, v4;
	[tilespmem:s28+$0x5E0] =	vst v43  }
0x27a: {  	v55 =	vadd.f32 v51, v50;
	v39 =	vld [tilespmem:s28+$0x9580];
	v50 =	vmul.f32 v60, v3;
	v51 =	vmul.f32 v61, v4;
	[tilespmem:s28+$0x5F0] =	vst v46  }
0x27b: {  	v40 =	vld [tilespmem:s28+$0x1590];
	v56 =	vmul.f32 v24, v3;
	v57 =	vmul.f32 v25, v4;
	[tilespmem:s28+$0x980] =	vst v49  }
0x27c: {  	v41 =	vld [tilespmem:s28+$0x9590];
	v59 =	vmul.f32 v21, v3;
	v60 =	vmul.f32 v22, v4;
	[tilespmem:s28+$0x990] =	vst v52;
	v46 =	vadd.f32 v54, v53  }
0x27d: {  	v42 =	vld [tilespmem:s28+$0x15A0];
	v21 =	vmul.f32 v14, v3;
	v25 =	vmul.f32 v15, v4;
	[tilespmem:s28+$0x9A0] =	vst v55;
	v49 =	vadd.f32 v45, v44  }
0x27e: {  	v24 =	vld [tilespmem:s28+$0x95A0];
	v52 =	vadd.f32 v48, v47;
	v53 =	vmul.f32 v62, v3;
	v54 =	vmul.f32 v63, v4;
	[tilespmem:s28+$0x9B0] =	vst v46  }
0x27f: {  	v22 =	vld [tilespmem:s28+$0x15B0];
	v55 =	vadd.f32 v51, v50;
	v62 =	vmul.f32 v18, v3;
	v63 =	vmul.f32 v19, v4;
	[tilespmem:s28+$0x9C0] =	vst v49  }
0x280: {  	v15 =	vld [tilespmem:s28+$0x15C0];
	v61 =	vadd.f32 v57, v56;
	v43 =	vmul.f32 v12, v3;
	v44 =	vmul.f32 v13, v4;
	[tilespmem:s28+$0x9D0] =	vst v52  }
0x281: {  	v14 =	vld [tilespmem:s28+$0x95F0];
	v19 =	vadd.f32 v60, v59;
	v47 =	vmul.f32 v9, v4;
	v57 =	vmul.f32 v17, v3;
	[tilespmem:s28+$0x9E0] =	vst v55  }
0x282: {  	v18 =	vld [tilespmem:s28+$0x95B0];
	v45 =	vadd.f32 v25, v21;
	v60 =	vmul.f32 v23, v3;
	v23 =	vmul.f32 v30, v3;
	[tilespmem:s28+$0xD80] =	vst v61  }
0x283: {  	v12 =	vld [tilespmem:s28+$0x95C0];
	v25 =	vmul.f32 v31, v4;
	v30 =	vmul.f32 v34, v3;
	v58 =	vadd.f32 v54, v53;
	[tilespmem:s28+$0xD90] =	vst v19  }
0x284: {  	v9 =	vld [tilespmem:s28+$0x15D0];
	v31 =	vmul.f32 v35, v4;
	v34 =	vmul.f32 v37, v4;
	v27 =	vadd.f32 v63, v62;
	[tilespmem:s28+$0xDB0] =	vst v45  }
0x285: {  	v51 =	vld [tilespmem:$0x1FF90];
	v46 =	vmul.f32 v7, v3;
	v48 =	vadd.f32 v44, v43;
	v52 =	vmul.f32 v10, v4;
	[tilespmem:s28+$0x9F0] =	vst v58  }
0x286: {  	v13 =	vld [tilespmem:s28+$0x15F0];
	v54 =	vmul.f32 v6, v3;
	v55 =	vmul.f32 v16, v4;
	v35 =	vadd.f32 v31, v30;
	[tilespmem:s28+$0xDA0] =	vst v27  }
0x287: {  	v17 =	vld [tilespmem:s28+$0x9980];
	v61 =	vmul.f32 v26, v4;
	v63 =	vmul.f32 v28, v3;
	v50 =	vadd.f32 v47, v46;
	[tilespmem:s28+$0xDC0] =	vst v48  }
0x288: {  	v49 =	vld [tilespmem:$0x1FF80];
	v28 =	vmul.f32 v33, v4;
	v33 =	vmul.f32 v36, v3;
	v59 =	vadd.f32 v55, v54;
	[tilespmem:s28+$0x11E0] =	vst v35  }
0x289: {  	v10 =	vld [tilespmem:s28+$0x15E0];
	v36 =	vmul.f32 v38, v3;
	v37 =	vmul.f32 v39, v4;
	v21 =	vadd.f32 v61, v60;
	[tilespmem:s28+$0xDD0] =	vst v50  }
0x28a: {  	v16 =	vld [tilespmem:s28+$0x1980];
	v58 =	vmul.f32 v20, v4;
	v20 =	vmul.f32 v29, v4;
	v29 =	vadd.f32 v25, v23;
	[tilespmem:s28+$0x1180] =	vst v59  }
0x28b: {  	v19 =	vld [tilespmem:s28+$0x1990];
	v39 =	vadd.f32 v34, v33;
	[tilespmem:s28+$0x11A0] =	vst v21  }
0x28c: {  	v44 =	vld [tilespmem:s28+$0x19B0];
	v45 =	vadd.f32 v37, v36;
	[tilespmem:s28+$0x11C0] =	vst v29  }
0x28d: {  	v31 =	vld [tilespmem:s28+$0x19F0];
	v27 =	vmul.f32 v32, v3;
	v62 =	vadd.f32 v58, v57;
	[tilespmem:s28+$0x11F0] =	vst v39  }
0x28e: {  	v8 =	vmul.f32 v8, v4;
	v38 =	vld [tilespmem:s28+$0x99A0];
	v5 =	vmul.f32 v51, v3;
	v26 =	vadd.f32 v20, v63;
	[tilespmem:s28+$0x1580] =	vst v45  }
0x28f: {  	v40 =	vmul.f32 v40, v3;
	v43 =	vmul.f32 v41, v4;
	v48 =	vld [tilespmem:s28+$0x99B0];
	v32 =	vadd.f32 v28, v27;
	[tilespmem:s28+$0x1190] =	vst v62  }
0x290: {  	v46 =	vmul.f32 v42, v3;
	v47 =	vmul.f32 v24, v4;
	v55 =	vld [tilespmem:s28+$0x19D0];
	v56 =	vadd.f32 v52, v5;
	[tilespmem:s28+$0x11B0] =	vst v26  }
0x291: {  	v35 =	vld [tilespmem:s28+$0x99F0];
	v51 =	vmul.f32 v18, v4;
	v1 =	vmul.f32 v49, v3;
	v49 =	vadd.f32 v43, v40;
	[tilespmem:s28+$0x11D0] =	vst v32  }
0x292: {  	v18 =	vld [tilespmem:s28+$0x19C0];
	v30 =	vmul.f32 v17, v4;
	v50 =	vmul.f32 v22, v3;
	v52 =	vadd.f32 v47, v46;
	[tilespmem:s28+$0xDF0] =	vst v56  }
0x293: {  	v20 =	vld [tilespmem:s28+$0x9990];
	v57 =	vmul.f32 v9, v3;
	v29 =	vmul.f32 v16, v3;
	v53 =	vadd.f32 v8, v1;
	[tilespmem:s28+$0x1590] =	vst v49  }
0x294: {  	v21 =	vld [tilespmem:s28+$0x19A0];
	v22 =	vmul.f32 v13, v3;
	v26 =	vmul.f32 v14, v4;
	v56 =	vadd.f32 v51, v50;
	[tilespmem:s28+$0x15A0] =	vst v52  }
0x295: {  	v58 =	vmul.f32 v11, v4;
	v59 =	vld [tilespmem:s28+$0x99D0];
	v41 =	vmul.f32 v44, v3;
	v36 =	vadd.f32 v30, v29;
	[tilespmem:s28+$0xDE0] =	vst v53  }
0x296: {  	v63 =	vld [tilespmem:s28+$0x19E0];
	v42 =	vmul.f32 v48, v4;
	v50 =	vmul.f32 v31, v3;
	v32 =	vadd.f32 v26, v22;
	[tilespmem:s28+$0x15B0] =	vst v56  }
0x297: {  	v27 =	vld [tilespmem:s28+$0x99E0];
	v51 =	vmul.f32 v35, v4;
	v53 =	vmul.f32 v15, v3;
	v15 =	vadd.f32 v58, v57;
	[tilespmem:s28+$0x1980] =	vst v36  }
0x298: {  	v54 =	vmul.f32 v12, v4;
	v33 =	vmul.f32 v19, v3;
	v8 =	vld [tilespmem:s28+$0x95E0];
	v46 =	vadd.f32 v42, v41;
	[tilespmem:s28+$0x15F0] =	vst v32  }
0x299: {  	v39 =	vld [tilespmem:s28+$0x99C0];
	v44 =	vmul.f32 v55, v3;
	v34 =	vmul.f32 v20, v4;
	v55 =	vadd.f32 v51, v50;
	[tilespmem:s28+$0x15D0] =	vst v15  }
0x29a: {  	v38 =	vmul.f32 v38, v4;
	v37 =	vmul.f32 v21, v3;
	v60 =	vadd.f32 v54, v53;
	[tilespmem:s28+$0x19B0] =	vst v46  }
0x29b: {  	v45 =	vmul.f32 v59, v4;
	v40 =	vadd.f32 v34, v33;
	[tilespmem:s28+$0x19F0] =	vst v55  }
0x29c: {  	v47 =	vmul.f32 v63, v3;
	v48 =	vmul.f32 v27, v4;
	v43 =	vadd.f32 v38, v37;
	[tilespmem:s28+$0x15C0] =	vst v60  }
0x29d: {  	v61 =	vmul.f32 v10, v3;
	v49 =	vadd.f32 v45, v44;
	v62 =	vmul.f32 v8, v4;
	[tilespmem:s28+$0x1990] =	vst v40  }
0x29e: {  	s29 =	sand.u32 $0x7, s25;
	v52 =	vadd.f32 v48, v47;
	v53 =	vmul.f32 v18, v3;
	v54 =	vmul.f32 v39, v4;
	[tilespmem:s28+$0x19A0] =	vst v43  }
0x29f: {  	s13 =	sshll.u32 s29, $0x7;
	[tilespmem:s28+$0x19D0] =	vst v49;
	v28 =	vadd.f32 v62, v61  }
0x2a0: {  	s13 =	sadd.s32 s13, s26;
	v56 =	vadd.f32 v54, v53;
	[tilespmem:s28+$0x19E0] =	vst v52  }
0x2a1: {  	s29 =	sor.u32 $0x1C00, s13;
	[tilespmem:s28+$0x15E0] =	vst v28  }
0x2a2: {  	[tilespmem:s28+$0x19C0] =	vst v56;
	v0 =	vld [tilespmem:s29+$0x180]  }
0x2a3: {  	v1 =	vld [tilespmem:s29+$0x8180];
	_ =	sdelay $0x4  }
0x2a4: {  	v0 =	vmul.f32 v0, v3;
	v1 =	vmul.f32 v1, v4;
	_ =	sdelay $0x1  }
0x2a5: {  	v0 =	vadd.f32 v1, v0;
	_ =	sdelay $0x1  }
0x2a6: {  	[tilespmem:s29+$0x180] =	vst v0;
	s29 =	sor.u32 $0x1C10, s13  }
0x2a7: {  	v0 =	vld [tilespmem:s29+$0x180]  }
0x2a8: {  	v57 =	vld [tilespmem:s29+$0x8180];
	_ =	sdelay $0x4  }
0x2a9: {  	v0 =	vmul.f32 v0, v3;
	v1 =	vmul.f32 v57, v4;
	_ =	sdelay $0x1  }
0x2aa: {  	v0 =	vadd.f32 v1, v0;
	_ =	sdelay $0x1  }
0x2ab: {  	[tilespmem:s29+$0x180] =	vst v0;
	s29 =	sor.u32 $0x1C20, s13  }
0x2ac: {  	v0 =	vld [tilespmem:s29+$0x180]  }
0x2ad: {  	v58 =	vld [tilespmem:s29+$0x8180];
	_ =	sdelay $0x4  }
0x2ae: {  	v0 =	vmul.f32 v0, v3;
	v1 =	vmul.f32 v58, v4;
	_ =	sdelay $0x1  }
0x2af: {  	v0 =	vadd.f32 v1, v0;
	_ =	sdelay $0x1  }
0x2b0: {  	[tilespmem:s29+$0x180] =	vst v0;
	s29 =	sor.u32 $0x1C30, s13  }
0x2b1: {  	v0 =	vld [tilespmem:s29+$0x180]  }
0x2b2: {  	v59 =	vld [tilespmem:s29+$0x8180];
	_ =	sdelay $0x4  }
0x2b3: {  	v0 =	vmul.f32 v0, v3;
	v1 =	vmul.f32 v59, v4;
	_ =	sdelay $0x1  }
0x2b4: {  	v0 =	vadd.f32 v1, v0;
	_ =	sdelay $0x1  }
0x2b5: {  	[tilespmem:s29+$0x180] =	vst v0;
	s29 =	sor.u32 $0x1C40, s13  }
0x2b6: {  	v0 =	vld [tilespmem:s29+$0x180]  }
0x2b7: {  	v60 =	vld [tilespmem:s29+$0x8180];
	_ =	sdelay $0x4  }
0x2b8: {  	v0 =	vmul.f32 v0, v3;
	v1 =	vmul.f32 v60, v4;
	_ =	sdelay $0x1  }
0x2b9: {  	v0 =	vadd.f32 v1, v0;
	_ =	sdelay $0x1  }
0x2ba: {  	[tilespmem:s29+$0x180] =	vst v0;
	s29 =	sor.u32 $0x1C50, s13  }
0x2bb: {  	v0 =	vld [tilespmem:s29+$0x180]  }
0x2bc: {  	v61 =	vld [tilespmem:s29+$0x8180];
	_ =	sdelay $0x4  }
0x2bd: {  	v0 =	vmul.f32 v0, v3;
	v1 =	vmul.f32 v61, v4;
	_ =	sdelay $0x1  }
0x2be: {  	v0 =	vadd.f32 v1, v0;
	_ =	sdelay $0x1  }
0x2bf: {  	[tilespmem:s29+$0x180] =	vst v0;
	s29 =	sor.u32 $0x1C60, s13  }
0x2c0: {  	v0 =	vld [tilespmem:s29+$0x180]  }
0x2c1: {  	v62 =	vld [tilespmem:s29+$0x8180];
	_ =	sdelay $0x4  }
0x2c2: {  	v0 =	vmul.f32 v0, v3;
	v1 =	vmul.f32 v62, v4;
	_ =	sdelay $0x1  }
0x2c3: {  	v0 =	vadd.f32 v1, v0;
	_ =	sdelay $0x1  }
0x2c4: {  	s13 =	sor.u32 $0x1C70, s13;
	[tilespmem:s29+$0x180] =	vst v0  }
0x2c5: {  	v0 =	vld [tilespmem:s13+$0x180]  }
0x2c6: {  	v63 =	vld [tilespmem:s13+$0x8180];
	_ =	sdelay $0x3  }
0x2c7: {  	p0 =	sne.s32 s11, $0x2F  }
.Ltmp2:
0x2c8: {  	v0 =	vmul.f32 v0, v3;
	v1 =	vmul.f32 v63, v4;
	(pc) =	sbr.rel @p0 .LBB2_6-.Ltmp2, $4  }
0x2c9: {  	_ = 	snop  }
0x2ca: {  	v0 =	vadd.f32 v1, v0  }
0x2cb: {  	s12 =	sadd.s32 $0x80, s12  }
0x2cc: {  	s25 =	sadd.s32 $0x1, s25;
	s11 =	sadd.s32 $0x1, s11;
	s26 =	sadd.s32 $0x400, s26;
	[tilespmem:s13+$0x180] =	vst v0  }
0x2cd: {  	s25 =	simm.s32 $0x0;
	s11 =	rddreg [dreg:$0x7]  }
0x2ce: {  	[hbm4b:s11+s25] =	stream.linear.scatter [tilespmem:s18], [sflag:$0x5], $0x4000, $0x38;
	[tilespmem:$0x10180] =	vst v63  }
0x2cf: {  	_ =	swait.ge [sflag:s16], $0x4000  }
0x2d0: {  	[sflag:s16] =	ssyncset.done $0x0  }
0x2d1: {  	[sflag:s16] =	ssyncadd.s32 $0xFFFFC000  }
0x2d2: {  	_ =	swait.ge [sflag:s22], $0x4000  }
0x2d3: {  	[sflag:s22] =	ssyncset.done $0x0  }
0x2d4: {  	[sflag:s22] =	ssyncadd.s32 $0xFFFFC000  }
0x2d5: {  	_ =	swait.ge [sflag:s23], $0x4000  }
0x2d6: {  	s26 =	simm.s32 $0x0;
	[sflag:s23] =	ssyncset.done $0x0  }
0x2d7: {  	s12 =	simm.s32 $0x0;
	s11 =	simm.s32 $0x30;
	[sflag:s23] =	ssyncadd.s32 $0xFFFFC000  }
.LBB2_8:
0x2d8: {  	s13 =	sand.u32 $0x2000, s26;
	s28 =	sand.u32 $0x380, s12  }
0x2d9: {  	s28 =	sor.u32 s28, s13  }
0x2da: {  	v1 =	vld [tilespmem:s28+$0xC180]  }
0x2db: {  	v2 =	vld [tilespmem:s28+$0x4190]  }
0x2dc: {  	v6 =	vld [tilespmem:s28+$0xC190]  }
0x2dd: {  	v10 =	vld [tilespmem:s28+$0x41A0]  }
0x2de: {  	v11 =	vld [tilespmem:s28+$0xC1A0]  }
0x2df: {  	v16 =	vld [tilespmem:s28+$0x41B0]  }
0x2e0: {  	v17 =	vld [tilespmem:s28+$0xC1B0]  }
0x2e1: {  	v20 =	vld [tilespmem:s28+$0x41C0]  }
0x2e2: {  	v23 =	vld [tilespmem:s28+$0xC1C0]  }
0x2e3: {  	v26 =	vld [tilespmem:s28+$0x41D0]  }
0x2e4: {  	v27 =	vld [tilespmem:s28+$0xC1D0]  }
0x2e5: {  	v28 =	vld [tilespmem:s28+$0x41E0]  }
0x2e6: {  	v29 =	vld [tilespmem:s28+$0xC1E0]  }
0x2e7: {  	v30 =	vld [tilespmem:s28+$0x41F0]  }
0x2e8: {  	v31 =	vld [tilespmem:s28+$0xC1F0]  }
0x2e9: {  	v32 =	vld [tilespmem:s28+$0x4580]  }
0x2ea: {  	v33 =	vld [tilespmem:s28+$0xC580]  }
0x2eb: {  	v34 =	vld [tilespmem:s28+$0x4590]  }
0x2ec: {  	v35 =	vld [tilespmem:s28+$0xC590]  }
0x2ed: {  	v36 =	vld [tilespmem:s28+$0x45A0]  }
0x2ee: {  	v37 =	vld [tilespmem:s28+$0xC5A0]  }
0x2ef: {  	v38 =	vld [tilespmem:s28+$0x45B0]  }
0x2f0: {  	v39 =	vld [tilespmem:s28+$0xC5B0]  }
0x2f1: {  	v40 =	vld [tilespmem:s28+$0x45C0]  }
0x2f2: {  	v41 =	vld [tilespmem:s28+$0xC5C0]  }
0x2f3: {  	v42 =	vld [tilespmem:s28+$0x45D0]  }
0x2f4: {  	v43 =	vld [tilespmem:s28+$0xC5D0]  }
0x2f5: {  	v44 =	vld [tilespmem:s28+$0x45E0]  }
0x2f6: {  	v45 =	vld [tilespmem:s28+$0xC5E0]  }
0x2f7: {  	v46 =	vld [tilespmem:s28+$0x45F0]  }
0x2f8: {  	v47 =	vld [tilespmem:s28+$0xC5F0]  }
0x2f9: {  	v48 =	vld [tilespmem:s28+$0x4980]  }
0x2fa: {  	v49 =	vld [tilespmem:s28+$0xC980]  }
0x2fb: {  	v50 =	vld [tilespmem:s28+$0x4990]  }
0x2fc: {  	v51 =	vld [tilespmem:s28+$0xC990]  }
0x2fd: {  	v52 =	vld [tilespmem:s28+$0x49A0]  }
0x2fe: {  	v53 =	vld [tilespmem:s28+$0xC9A0]  }
0x2ff: {  	v54 =	vld [tilespmem:s28+$0x49B0]  }
0x300: {  	v55 =	vld [tilespmem:s28+$0xC9B0]  }
0x301: {  	v56 =	vld [tilespmem:s28+$0x49C0]  }
0x302: {  	v57 =	vld [tilespmem:s28+$0xC9C0]  }
0x303: {  	v58 =	vld [tilespmem:s28+$0x49D0]  }
0x304: {  	v59 =	vld [tilespmem:s28+$0xC9D0]  }
0x305: {  	v60 =	vld [tilespmem:s28+$0x49E0]  }
0x306: {  	v61 =	vld [tilespmem:s28+$0xC9E0]  }
0x307: {  	v62 =	vld [tilespmem:s28+$0x49F0]  }
0x308: {  	v63 =	vld [tilespmem:s28+$0xC9F0]  }
0x309: {  	v24 =	vld [tilespmem:s28+$0x4D80]  }
0x30a: {  	v25 =	vld [tilespmem:s28+$0xCD80]  }
0x30b: {  	v0 =	vmov s11;
	v21 =	vld [tilespmem:s28+$0x4D90]  }
0x30c: {  	v22 =	vld [tilespmem:s28+$0xCD90]  }
0x30d: {  	v18 =	vld [tilespmem:s28+$0x4DA0]  }
0x30e: {  	v19 =	vld [tilespmem:s28+$0xCDA0]  }
0x30f: {  	v5 =	vld [tilespmem:s28+$0x4DE0]  }
0x310: {  	v3 =	vld.idx.msk [tilespmem:v0+s15+$0x0], $0xffff  }
0x311: {  	v0 =	vld [tilespmem:s28+$0x4180]  }
0x312: {  	v14 =	vld [tilespmem:s28+$0x4DB0]  }
0x313: {  	v15 =	vld [tilespmem:s28+$0xCDB0]  }
0x314: {  	v12 =	vld [tilespmem:s28+$0x4DC0]  }
0x315: {  	v13 =	vld [tilespmem:s28+$0xCDC0];
	v4 =	vsub.f32 $1.000000000e+00, v3  }
0x316: {  	v7 =	vld [tilespmem:s28+$0x4DD0];
	[tilespmem:$0x1FF60] =	vst v5;
	v0 =	vmul.f32 v0, v3;
	v5 =	vmul.f32 v2, v3  }
0x317: {  	v9 =	vld [tilespmem:s28+$0xCDD0];
	v26 =	vmul.f32 v26, v3;
	v1 =	vmul.f32 v1, v4  }
0x318: {  	v8 =	vld [tilespmem:s28+$0xCDE0];
	v30 =	vmul.f32 v30, v3;
	v2 =	vmul.f32 v6, v4  }
0x319: {  	v6 =	vld [tilespmem:s28+$0x4DF0];
	v11 =	vmul.f32 v11, v4;
	v0 =	vadd.f32 v1, v0;
	v1 =	vmul.f32 v10, v3  }
0x31a: {  	v17 =	vmul.f32 v17, v4;
	v10 =	vld [tilespmem:s28+$0xCDF0];
	v5 =	vadd.f32 v2, v5;
	v2 =	vmul.f32 v16, v3  }
0x31b: {  	v16 =	vld [tilespmem:s28+$0xD180];
	[tilespmem:s28+$0x4180] =	vst v0;
	v0 =	vadd.f32 v11, v1;
	v1 =	vmul.f32 v20, v3;
	v11 =	vmul.f32 v23, v4  }
0x31c: {  	v42 =	vmul.f32 v42, v3;
	v27 =	vmul.f32 v27, v4;
	[tilespmem:s28+$0x4190] =	vst v5;
	v2 =	vadd.f32 v17, v2;
	v17 =	vld [tilespmem:s28+$0x5190]  }
0x31d: {  	v20 =	vld [tilespmem:s28+$0xD190];
	[tilespmem:s28+$0x41A0] =	vst v0;
	v0 =	vadd.f32 v11, v1;
	v1 =	vmul.f32 v28, v3;
	v11 =	vmul.f32 v29, v4  }
0x31e: {  	v31 =	vmul.f32 v31, v4;
	v33 =	vmul.f32 v33, v4;
	v23 =	vld [tilespmem:s28+$0x51A0];
	[tilespmem:$0x1FF70] =	vst v6  }
0x31f: {  	v5 =	vmul.f32 v34, v3;
	v6 =	vld [tilespmem:s28+$0x5180];
	[tilespmem:s28+$0x41C0] =	vst v0;
	v0 =	vadd.f32 v11, v1;
	v1 =	vmul.f32 v32, v3  }
0x320: {  	v34 =	vmul.f32 v37, v4;
	v37 =	vmul.f32 v39, v4;
	[tilespmem:s28+$0x41B0] =	vst v2;
	v2 =	vadd.f32 v27, v26;
	v26 =	vld [tilespmem:s28+$0xD1A0]  }
0x321: {  	v28 =	vld [tilespmem:s28+$0x51B0];
	[tilespmem:s28+$0x41E0] =	vst v0;
	v0 =	vadd.f32 v33, v1;
	v33 =	vmul.f32 v36, v3;
	v36 =	vmul.f32 v38, v3  }
0x322: {  	v39 =	vmul.f32 v40, v3;
	v40 =	vmul.f32 v41, v4;
	v29 =	vld [tilespmem:s28+$0xD1B0];
	[tilespmem:s28+$0x41D0] =	vst v2;
	v2 =	vadd.f32 v31, v30  }
0x323: {  	v32 =	vmul.f32 v35, v4;
	v30 =	vld [tilespmem:s28+$0x51C0];
	v38 =	vadd.f32 v34, v33;
	v41 =	vadd.f32 v37, v36  }
0x324: {  	v31 =	vld [tilespmem:s28+$0xD1C0];
	v36 =	vmul.f32 v43, v4;
	v37 =	vadd.f32 v40, v39;
	v39 =	vmul.f32 v45, v4  }
0x325: {  	v11 =	vld [tilespmem:s28+$0xD5D0];
	v35 =	vadd.f32 v32, v5;
	v45 =	vmul.f32 v49, v4;
	[tilespmem:s28+$0x45A0] =	vst v38;
	v38 =	vmul.f32 v44, v3  }
0x326: {  	v32 =	vld [tilespmem:s28+$0x51D0];
	[tilespmem:s28+$0x45B0] =	vst v41;
	v40 =	vadd.f32 v36, v42;
	v41 =	vmul.f32 v46, v3;
	v42 =	vmul.f32 v47, v4  }
0x327: {  	[tilespmem:s28+$0x41F0] =	vst v2;
	v33 =	vld [tilespmem:s28+$0xD1D0];
	v44 =	vmul.f32 v48, v3;
	v47 =	vmul.f32 v50, v3  }
0x328: {  	[tilespmem:s28+$0x4580] =	vst v0;
	v34 =	vld [tilespmem:s28+$0x51E0];
	v48 =	vmul.f32 v51, v4;
	v50 =	vmul.f32 v52, v3  }
0x329: {  	[tilespmem:s28+$0x4590] =	vst v35;
	v35 =	vld [tilespmem:s28+$0xD1E0];
	v51 =	vmul.f32 v53, v4;
	v53 =	vmul.f32 v54, v3  }
0x32a: {  	[tilespmem:s28+$0x45C0] =	vst v37;
	v36 =	vld [tilespmem:s28+$0x51F0];
	v54 =	vmul.f32 v55, v4;
	v43 =	vadd.f32 v39, v38;
	v46 =	vadd.f32 v42, v41  }
0x32b: {  	v37 =	vld [tilespmem:s28+$0xD1F0];
	[tilespmem:s28+$0x45D0] =	vst v40;
	v49 =	vadd.f32 v45, v44;
	v44 =	vmul.f32 v56, v3;
	v45 =	vmul.f32 v57, v4  }
0x32c: {  	v52 =	vadd.f32 v48, v47;
	v38 =	vld [tilespmem:s28+$0x5580];
	v47 =	vmul.f32 v58, v3;
	v48 =	vmul.f32 v59, v4;
	[tilespmem:s28+$0x45E0] =	vst v43  }
0x32d: {  	v55 =	vadd.f32 v51, v50;
	v39 =	vld [tilespmem:s28+$0xD580];
	v50 =	vmul.f32 v60, v3;
	v51 =	vmul.f32 v61, v4;
	[tilespmem:s28+$0x45F0] =	vst v46  }
0x32e: {  	v40 =	vld [tilespmem:s28+$0x5590];
	v56 =	vmul.f32 v24, v3;
	v57 =	vmul.f32 v25, v4;
	[tilespmem:s28+$0x4980] =	vst v49  }
0x32f: {  	v41 =	vld [tilespmem:s28+$0xD590];
	v59 =	vmul.f32 v21, v3;
	v60 =	vmul.f32 v22, v4;
	[tilespmem:s28+$0x4990] =	vst v52;
	v46 =	vadd.f32 v54, v53  }
0x330: {  	v42 =	vld [tilespmem:s28+$0x55A0];
	v21 =	vmul.f32 v14, v3;
	v25 =	vmul.f32 v15, v4;
	[tilespmem:s28+$0x49A0] =	vst v55;
	v49 =	vadd.f32 v45, v44  }
0x331: {  	v24 =	vld [tilespmem:s28+$0xD5A0];
	v52 =	vadd.f32 v48, v47;
	v53 =	vmul.f32 v62, v3;
	v54 =	vmul.f32 v63, v4;
	[tilespmem:s28+$0x49B0] =	vst v46  }
0x332: {  	v22 =	vld [tilespmem:s28+$0x55B0];
	v55 =	vadd.f32 v51, v50;
	v62 =	vmul.f32 v18, v3;
	v63 =	vmul.f32 v19, v4;
	[tilespmem:s28+$0x49C0] =	vst v49  }
0x333: {  	v15 =	vld [tilespmem:s28+$0x55C0];
	v61 =	vadd.f32 v57, v56;
	v43 =	vmul.f32 v12, v3;
	v44 =	vmul.f32 v13, v4;
	[tilespmem:s28+$0x49D0] =	vst v52  }
0x334: {  	v14 =	vld [tilespmem:s28+$0xD5F0];
	v19 =	vadd.f32 v60, v59;
	v47 =	vmul.f32 v9, v4;
	v57 =	vmul.f32 v17, v3;
	[tilespmem:s28+$0x49E0] =	vst v55  }
0x335: {  	v18 =	vld [tilespmem:s28+$0xD5B0];
	v45 =	vadd.f32 v25, v21;
	v60 =	vmul.f32 v23, v3;
	v23 =	vmul.f32 v30, v3;
	[tilespmem:s28+$0x4D80] =	vst v61  }
0x336: {  	v12 =	vld [tilespmem:s28+$0xD5C0];
	v25 =	vmul.f32 v31, v4;
	v30 =	vmul.f32 v34, v3;
	v58 =	vadd.f32 v54, v53;
	[tilespmem:s28+$0x4D90] =	vst v19  }
0x337: {  	v9 =	vld [tilespmem:s28+$0x55D0];
	v31 =	vmul.f32 v35, v4;
	v34 =	vmul.f32 v37, v4;
	v27 =	vadd.f32 v63, v62;
	[tilespmem:s28+$0x4DB0] =	vst v45  }
0x338: {  	v51 =	vld [tilespmem:$0x1FF70];
	v46 =	vmul.f32 v7, v3;
	v48 =	vadd.f32 v44, v43;
	v52 =	vmul.f32 v10, v4;
	[tilespmem:s28+$0x49F0] =	vst v58  }
0x339: {  	v13 =	vld [tilespmem:s28+$0x55F0];
	v54 =	vmul.f32 v6, v3;
	v55 =	vmul.f32 v16, v4;
	v35 =	vadd.f32 v31, v30;
	[tilespmem:s28+$0x4DA0] =	vst v27  }
0x33a: {  	v17 =	vld [tilespmem:s28+$0xD980];
	v61 =	vmul.f32 v26, v4;
	v63 =	vmul.f32 v28, v3;
	v50 =	vadd.f32 v47, v46;
	[tilespmem:s28+$0x4DC0] =	vst v48  }
0x33b: {  	v49 =	vld [tilespmem:$0x1FF60];
	v28 =	vmul.f32 v33, v4;
	v33 =	vmul.f32 v36, v3;
	v59 =	vadd.f32 v55, v54;
	[tilespmem:s28+$0x51E0] =	vst v35  }
0x33c: {  	v10 =	vld [tilespmem:s28+$0x55E0];
	v36 =	vmul.f32 v38, v3;
	v37 =	vmul.f32 v39, v4;
	v21 =	vadd.f32 v61, v60;
	[tilespmem:s28+$0x4DD0] =	vst v50  }
0x33d: {  	v16 =	vld [tilespmem:s28+$0x5980];
	v58 =	vmul.f32 v20, v4;
	v20 =	vmul.f32 v29, v4;
	v29 =	vadd.f32 v25, v23;
	[tilespmem:s28+$0x5180] =	vst v59  }
0x33e: {  	v19 =	vld [tilespmem:s28+$0x5990];
	v39 =	vadd.f32 v34, v33;
	[tilespmem:s28+$0x51A0] =	vst v21  }
0x33f: {  	v44 =	vld [tilespmem:s28+$0x59B0];
	v45 =	vadd.f32 v37, v36;
	[tilespmem:s28+$0x51C0] =	vst v29  }
0x340: {  	v31 =	vld [tilespmem:s28+$0x59F0];
	v27 =	vmul.f32 v32, v3;
	v62 =	vadd.f32 v58, v57;
	[tilespmem:s28+$0x51F0] =	vst v39  }
0x341: {  	v8 =	vmul.f32 v8, v4;
	v38 =	vld [tilespmem:s28+$0xD9A0];
	v5 =	vmul.f32 v51, v3;
	v26 =	vadd.f32 v20, v63;
	[tilespmem:s28+$0x5580] =	vst v45  }
0x342: {  	v40 =	vmul.f32 v40, v3;
	v43 =	vmul.f32 v41, v4;
	v48 =	vld [tilespmem:s28+$0xD9B0];
	v32 =	vadd.f32 v28, v27;
	[tilespmem:s28+$0x5190] =	vst v62  }
0x343: {  	v46 =	vmul.f32 v42, v3;
	v47 =	vmul.f32 v24, v4;
	v55 =	vld [tilespmem:s28+$0x59D0];
	v56 =	vadd.f32 v52, v5;
	[tilespmem:s28+$0x51B0] =	vst v26  }
0x344: {  	v35 =	vld [tilespmem:s28+$0xD9F0];
	v51 =	vmul.f32 v18, v4;
	v1 =	vmul.f32 v49, v3;
	v49 =	vadd.f32 v43, v40;
	[tilespmem:s28+$0x51D0] =	vst v32  }
0x345: {  	v18 =	vld [tilespmem:s28+$0x59C0];
	v30 =	vmul.f32 v17, v4;
	v50 =	vmul.f32 v22, v3;
	v52 =	vadd.f32 v47, v46;
	[tilespmem:s28+$0x4DF0] =	vst v56  }
0x346: {  	v20 =	vld [tilespmem:s28+$0xD990];
	v57 =	vmul.f32 v9, v3;
	v29 =	vmul.f32 v16, v3;
	v53 =	vadd.f32 v8, v1;
	[tilespmem:s28+$0x5590] =	vst v49  }
0x347: {  	v21 =	vld [tilespmem:s28+$0x59A0];
	v22 =	vmul.f32 v13, v3;
	v26 =	vmul.f32 v14, v4;
	v56 =	vadd.f32 v51, v50;
	[tilespmem:s28+$0x55A0] =	vst v52  }
0x348: {  	v58 =	vmul.f32 v11, v4;
	v59 =	vld [tilespmem:s28+$0xD9D0];
	v41 =	vmul.f32 v44, v3;
	v36 =	vadd.f32 v30, v29;
	[tilespmem:s28+$0x4DE0] =	vst v53  }
0x349: {  	v63 =	vld [tilespmem:s28+$0x59E0];
	v42 =	vmul.f32 v48, v4;
	v50 =	vmul.f32 v31, v3;
	v32 =	vadd.f32 v26, v22;
	[tilespmem:s28+$0x55B0] =	vst v56  }
0x34a: {  	v27 =	vld [tilespmem:s28+$0xD9E0];
	v51 =	vmul.f32 v35, v4;
	v53 =	vmul.f32 v15, v3;
	v15 =	vadd.f32 v58, v57;
	[tilespmem:s28+$0x5980] =	vst v36  }
0x34b: {  	v54 =	vmul.f32 v12, v4;
	v33 =	vmul.f32 v19, v3;
	v8 =	vld [tilespmem:s28+$0xD5E0];
	v46 =	vadd.f32 v42, v41;
	[tilespmem:s28+$0x55F0] =	vst v32  }
0x34c: {  	v39 =	vld [tilespmem:s28+$0xD9C0];
	v44 =	vmul.f32 v55, v3;
	v34 =	vmul.f32 v20, v4;
	v55 =	vadd.f32 v51, v50;
	[tilespmem:s28+$0x55D0] =	vst v15  }
0x34d: {  	v38 =	vmul.f32 v38, v4;
	v37 =	vmul.f32 v21, v3;
	v60 =	vadd.f32 v54, v53;
	[tilespmem:s28+$0x59B0] =	vst v46  }
0x34e: {  	v45 =	vmul.f32 v59, v4;
	v40 =	vadd.f32 v34, v33;
	[tilespmem:s28+$0x59F0] =	vst v55  }
0x34f: {  	v47 =	vmul.f32 v63, v3;
	v48 =	vmul.f32 v27, v4;
	v43 =	vadd.f32 v38, v37;
	[tilespmem:s28+$0x55C0] =	vst v60  }
0x350: {  	v61 =	vmul.f32 v10, v3;
	v49 =	vadd.f32 v45, v44;
	v62 =	vmul.f32 v8, v4;
	[tilespmem:s28+$0x5990] =	vst v40  }
0x351: {  	s29 =	sand.u32 $0x7, s25;
	v52 =	vadd.f32 v48, v47;
	v53 =	vmul.f32 v18, v3;
	v54 =	vmul.f32 v39, v4;
	[tilespmem:s28+$0x59A0] =	vst v43  }
0x352: {  	s13 =	sshll.u32 s29, $0x7;
	[tilespmem:s28+$0x59D0] =	vst v49;
	v28 =	vadd.f32 v62, v61  }
0x353: {  	s13 =	sadd.s32 s13, s26;
	v56 =	vadd.f32 v54, v53;
	[tilespmem:s28+$0x59E0] =	vst v52  }
0x354: {  	s29 =	sor.u32 $0x1C00, s13;
	[tilespmem:s28+$0x55E0] =	vst v28  }
0x355: {  	[tilespmem:s28+$0x59C0] =	vst v56;
	v0 =	vld [tilespmem:s29+$0x4180]  }
0x356: {  	v1 =	vld [tilespmem:s29+$0xC180];
	_ =	sdelay $0x4  }
0x357: {  	v0 =	vmul.f32 v0, v3;
	v1 =	vmul.f32 v1, v4;
	_ =	sdelay $0x1  }
0x358: {  	v0 =	vadd.f32 v1, v0;
	_ =	sdelay $0x1  }
0x359: {  	[tilespmem:s29+$0x4180] =	vst v0;
	s29 =	sor.u32 $0x1C10, s13  }
0x35a: {  	v0 =	vld [tilespmem:s29+$0x4180]  }
0x35b: {  	v57 =	vld [tilespmem:s29+$0xC180];
	_ =	sdelay $0x4  }
0x35c: {  	v0 =	vmul.f32 v0, v3;
	v1 =	vmul.f32 v57, v4;
	_ =	sdelay $0x1  }
0x35d: {  	v0 =	vadd.f32 v1, v0;
	_ =	sdelay $0x1  }
0x35e: {  	[tilespmem:s29+$0x4180] =	vst v0;
	s29 =	sor.u32 $0x1C20, s13  }
0x35f: {  	v0 =	vld [tilespmem:s29+$0x4180]  }
0x360: {  	v58 =	vld [tilespmem:s29+$0xC180];
	_ =	sdelay $0x4  }
0x361: {  	v0 =	vmul.f32 v0, v3;
	v1 =	vmul.f32 v58, v4;
	_ =	sdelay $0x1  }
0x362: {  	v0 =	vadd.f32 v1, v0;
	_ =	sdelay $0x1  }
0x363: {  	[tilespmem:s29+$0x4180] =	vst v0;
	s29 =	sor.u32 $0x1C30, s13  }
0x364: {  	v0 =	vld [tilespmem:s29+$0x4180]  }
0x365: {  	v59 =	vld [tilespmem:s29+$0xC180];
	_ =	sdelay $0x4  }
0x366: {  	v0 =	vmul.f32 v0, v3;
	v1 =	vmul.f32 v59, v4;
	_ =	sdelay $0x1  }
0x367: {  	v0 =	vadd.f32 v1, v0;
	_ =	sdelay $0x1  }
0x368: {  	[tilespmem:s29+$0x4180] =	vst v0;
	s29 =	sor.u32 $0x1C40, s13  }
0x369: {  	v0 =	vld [tilespmem:s29+$0x4180]  }
0x36a: {  	v60 =	vld [tilespmem:s29+$0xC180];
	_ =	sdelay $0x4  }
0x36b: {  	v0 =	vmul.f32 v0, v3;
	v1 =	vmul.f32 v60, v4;
	_ =	sdelay $0x1  }
0x36c: {  	v0 =	vadd.f32 v1, v0;
	_ =	sdelay $0x1  }
0x36d: {  	[tilespmem:s29+$0x4180] =	vst v0;
	s29 =	sor.u32 $0x1C50, s13  }
0x36e: {  	v0 =	vld [tilespmem:s29+$0x4180]  }
0x36f: {  	v61 =	vld [tilespmem:s29+$0xC180];
	_ =	sdelay $0x4  }
0x370: {  	v0 =	vmul.f32 v0, v3;
	v1 =	vmul.f32 v61, v4;
	_ =	sdelay $0x1  }
0x371: {  	v0 =	vadd.f32 v1, v0;
	_ =	sdelay $0x1  }
0x372: {  	[tilespmem:s29+$0x4180] =	vst v0;
	s29 =	sor.u32 $0x1C60, s13  }
0x373: {  	v0 =	vld [tilespmem:s29+$0x4180]  }
0x374: {  	v62 =	vld [tilespmem:s29+$0xC180];
	_ =	sdelay $0x4  }
0x375: {  	v0 =	vmul.f32 v0, v3;
	v1 =	vmul.f32 v62, v4;
	_ =	sdelay $0x1  }
0x376: {  	v0 =	vadd.f32 v1, v0;
	_ =	sdelay $0x1  }
0x377: {  	s13 =	sor.u32 $0x1C70, s13;
	[tilespmem:s29+$0x4180] =	vst v0  }
0x378: {  	v0 =	vld [tilespmem:s13+$0x4180]  }
0x379: {  	v63 =	vld [tilespmem:s13+$0xC180];
	_ =	sdelay $0x3  }
0x37a: {  	p0 =	sne.s32 s11, $0x3F  }
.Ltmp3:
0x37b: {  	v0 =	vmul.f32 v0, v3;
	v1 =	vmul.f32 v63, v4;
	(pc) =	sbr.rel @p0 .LBB2_8-.Ltmp3, $4  }
0x37c: {  	_ = 	snop  }
0x37d: {  	v0 =	vadd.f32 v1, v0  }
0x37e: {  	s12 =	sadd.s32 $0x80, s12  }
0x37f: {  	s25 =	sadd.s32 $0x1, s25;
	s11 =	sadd.s32 $0x1, s11;
	s26 =	sadd.s32 $0x400, s26;
	[tilespmem:s13+$0x4180] =	vst v0  }
0x380: {  	s24 =	sadd.s32 $0x1, s24  }
0x381: {  	p0 =	sne.s32 s24, s14  }
.Ltmp4:
0x382: {  	s11 =	rddreg [dreg:$0x8];
	(pc) =	sbr.rel @p0 .LBB2_1-.Ltmp4, $4  }
0x383: {  	[hbm4b:s11+s2] =	stream.linear.scatter [tilespmem:s21], [sflag:$0x5], $0x4000, $0x38;
	[tilespmem:$0x10180] =	vst v63  }
0x384: {  	_ =	swait.ge [sflag:s16], $0x4000  }
0x385: {  	[sflag:s16] =	ssyncset.done $0x0  }
0x386: {  	[sflag:s16] =	ssyncadd.s32 $0xFFFFC000  }
0x387: {  	_ =	sfence.sel $0x180000  }
0x388: {  	[bflag:$0x0] =	sbarrier.arrive $0xFFFF  }
0x389: {  	_ =	strace $0x9000004A  }
0x38a: {  	s0 =	stileid.u32;
	[bflag:$0x2] =	sbarrier.arrive $0xFFFF  }
0x38b: {  	p0 =	sne.s32 s0, $0x0;
	s0 =	rddreg [dreg:$0x2]  }
0x38c: {  	s0 =	sadd.s32 @!p0 $0x100000, s0  }
0x38d: {  	[sflag:s0] =	ssyncadd.tile.s32 @!p0 $0x1;
	_ =	shalt  }
.Lfunc_end2:
_tile_overlayer_lowered:
.L_overlay_start_2:
0x38e: {  	(tag) =	ssettag $0x2  }
0x38f: {  	s0 =	rddreg [dreg:$0x0];
	s2 =	stileid.u32  }
0x390: {  	s1 =	rddreg [dreg:$0x1];
	p0 =	sne.s32 s2, $0x0  }
0x391: {  	s3 =	rddreg [dreg:$0x2];
	[bflag:$0x3] =	sbarrier.arrive $0xFFFF;
	s2 =	simm.s32 @!p0 $0x1C05  }
0x392: {  	[timem:s3], [sflag:s2] =	dma.local @!p0 [hbm:s0], s1  }
0x393: {  	s0 =	simm.s32 @!p0 $0x5  }
0x394: {  	_ =	swait.ge @!p0 [sflag:s0], s1  }
0x395: {  	s1 =	ssub.s32 @!p0 $0x0, s1;
	[sflag:s0] =	ssyncset.done @!p0 $0x0  }
0x396: {  	[sflag:s0] =	ssyncadd.s32 @!p0 s1  }
0x397: {  	[bflag:$0x3] =	sbarrier.arrive $0xFFFF  }
0x398: {  	_ =	shalt  }

</sc_bundles>
